<compile_context>
chip_gen: v7x
topology: tpu7x:2x2x1
jax: 0.10.2.dev20260603
libtpu: 0.0.44.dev20260713+nightly
codegen_flags: <defaults>
</compile_context>

<pallas_src>
import jax
import jax.numpy as jnp
from jax import lax
from jax.experimental import pallas as pl
from jax.experimental.pallas import tpu as pltpu
from jax.experimental.pallas import tpu_sc as plsc

N = 10000
D = 128
O = 128
E = 160000
C = 128
NC, NS = 2, 16
NW = NC * NS
NCHUNK = 1280
CPW = NCHUNK // NW
NPAD = 10240
RPT = NPAD // NS
FCH = 128


def _sc_spmm(xws, src, dst, ev):
    mesh = plsc.VectorSubcoreMesh(core_axis_name="c", subcore_axis_name="s",
                                  num_cores=NC, num_subcores=NS)

    def body(xw0, xw1, xw2, xw3, xw4, src_h, dst_h, ev_h, p0, p1,
             src_a, src_b, dst_a, dst_b, ev_a, ev_b,
             rows_a, rows_b, out_v,
             semg_a, semg_b, semi_a, semi_b, acc):
        c = lax.axis_index("c")
        s = lax.axis_index("s")
        wid = s * NC + c
        lo = wid * CPW
        xw_tabs = [xw0, xw1, xw2, xw3, xw4]

        zero16 = jnp.zeros((16,), jnp.float32)

        def zero_out():
            def zr(r, carry):
                for j in range(O // 16):
                    out_v[r, pl.ds(16 * j, 16)] = zero16
                return carry
            lax.fori_loop(0, C, zr, 0)

        def zero_acc():
            def zc(i, carry):
                pltpu.sync_copy(out_v, acc.at[pl.ds(s * RPT + i * FCH, FCH)])
                return carry
            lax.fori_loop(0, RPT // FCH, zc, 0)

        def unpack_scale(rows_x, ev_x):
            himask = jnp.full((16,), -65536, jnp.int32)

            def edge(e, carry):
                evs = plsc.load_gather(
                    ev_x, [jnp.full((16,), e, jnp.int32)])
                for g in range(O // 32):
                    v = rows_x[e, pl.ds(16 * g, 16)]
                    lo_f = plsc.bitcast(lax.shift_left(v, 16), jnp.float32)
                    hi_f = plsc.bitcast(lax.bitwise_and(v, himask),
                                        jnp.float32)
                    out_v[e, pl.ds(16 * g, 16)] = lo_f * evs
                    out_v[e, pl.ds(O // 2 + 16 * g, 16)] = hi_f * evs
                return carry
            lax.fori_loop(0, C, edge, 0)

        def idx_refs(parity):
            if parity == 0:
                return src_a, dst_a, ev_a, semi_a
            return src_b, dst_b, ev_b, semi_b

        def idx_load_sync(k, jx, parity):
            s_v, d_v, e_v, _ = idx_refs(parity)
            ch = lo + jx
            pltpu.sync_copy(src_h.at[k, ch], s_v)
            pltpu.sync_copy(dst_h.at[k, ch], d_v)
            pltpu.sync_copy(ev_h.at[k, ch], e_v)

        def idx_load_async(k, jx, parity):
            s_v, d_v, e_v, sem = idx_refs(parity)
            ch = lo + jx
            pltpu.async_copy(src_h.at[k, ch], s_v, sem)
            pltpu.async_copy(dst_h.at[k, ch], d_v, sem)
            pltpu.async_copy(ev_h.at[k, ch], e_v, sem)

        def idx_wait(k, jx, parity):
            s_v, d_v, e_v, sem = idx_refs(parity)
            ch = lo + jx
            pltpu.make_async_copy(src_h.at[k, ch], s_v, sem).wait()
            pltpu.make_async_copy(dst_h.at[k, ch], d_v, sem).wait()
            pltpu.make_async_copy(ev_h.at[k, ch], e_v, sem).wait()

        def do_set(k):
            tab = xw_tabs[k]
            idx_load_sync(k, 0, 0)
            pltpu.async_copy(tab.at[src_a], rows_a, semg_a)
            idx_load_async(k, 1, 1)

            def stage(jx, parity):
                rows_x = rows_a if parity == 0 else rows_b
                rows_y = rows_b if parity == 0 else rows_a
                semg_x = semg_a if parity == 0 else semg_b
                semg_y = semg_b if parity == 0 else semg_a
                s_x, d_x, e_x, _ = idx_refs(parity)
                s_y, _, _, _ = idx_refs(1 - parity)

                pltpu.make_async_copy(tab.at[s_x], rows_x, semg_x).wait()

                @pl.when(jx + 1 < CPW)
                def _():
                    idx_wait(k, jx + 1, 1 - parity)
                    pltpu.async_copy(tab.at[s_y], rows_y, semg_y)
                unpack_scale(rows_x, e_x)
                pltpu.sync_copy(out_v, acc.at[d_x], add=True)

                @pl.when(jx + 2 < CPW)
                def _():
                    idx_load_async(k, jx + 2, parity)

            def pair(p, carry):
                stage(p * 2, 0)
                stage(p * 2 + 1, 1)
                return carry
            lax.fori_loop(0, CPW // 2, pair, 0)

        def flush(out):
            def fc(i, carry):
                start = s * RPT + i * FCH
                pltpu.sync_copy(acc.at[pl.ds(start, FCH)],
                                out.at[c, pl.ds(start, FCH)])
                return carry
            lax.fori_loop(0, RPT // FCH, fc, 0)

        zero_out()
        zero_acc()
        plsc.subcore_barrier()
        do_set(0)
        do_set(1)
        plsc.subcore_barrier()
        flush(p0)
        zero_out()
        zero_acc()
        plsc.subcore_barrier()
        do_set(2)
        do_set(3)
        do_set(4)
        plsc.subcore_barrier()
        flush(p1)

    f = pl.kernel(
        body,
        out_type=(jax.ShapeDtypeStruct((NC, NPAD, O), jnp.float32),
                  jax.ShapeDtypeStruct((NC, NPAD, O), jnp.float32)),
        mesh=mesh,
        compiler_params=pltpu.CompilerParams(needs_layout_passes=False,
                                             use_tc_tiling_on_sc=False),
        scratch_types=[
            pltpu.VMEM((C,), jnp.int32),
            pltpu.VMEM((C,), jnp.int32),
            pltpu.VMEM((C,), jnp.int32),
            pltpu.VMEM((C,), jnp.int32),
            pltpu.VMEM((C,), jnp.float32),
            pltpu.VMEM((C,), jnp.float32),
            pltpu.VMEM((C, O // 2), jnp.int32),
            pltpu.VMEM((C, O // 2), jnp.int32),
            pltpu.VMEM((C, O), jnp.float32),
            pltpu.SemaphoreType.DMA,
            pltpu.SemaphoreType.DMA,
            pltpu.SemaphoreType.DMA,
            pltpu.SemaphoreType.DMA,
            pltpu.VMEM_SHARED((NPAD, O), jnp.float32),
        ],
    )
    return f(*xws, src, dst, ev)


def _tc_matmul(x, Ws):
    BR = 1000

    def mm(x_ref, w0, w1, w2, w3, w4, o0, o1, o2, o3, o4):
        xb = x_ref[...]
        for w, o in ((w0, o0), (w1, o1), (w2, o2), (w3, o3), (w4, o4)):
            y = jnp.dot(xb, w[...],
                        preferred_element_type=jnp.float32)
            yb = y.astype(jnp.bfloat16)
            lo16 = lax.bitcast_convert_type(yb[:, :O // 2], jnp.uint16)
            hi16 = lax.bitcast_convert_type(yb[:, O // 2:], jnp.uint16)
            packed = (lo16.astype(jnp.uint32)
                      | (hi16.astype(jnp.uint32) << 16))
            o[...] = lax.bitcast_convert_type(packed, jnp.int32)

    return pl.pallas_call(
        mm,
        grid=(N // BR,),
        in_specs=[pl.BlockSpec((BR, D), lambda i: (i, 0))] +
                 [pl.BlockSpec((D, O), lambda i: (0, 0))] * 5,
        out_specs=[pl.BlockSpec((BR, O // 2), lambda i: (i, 0))] * 5,
        out_shape=[jax.ShapeDtypeStruct((N, O // 2), jnp.int32)] * 5,
    )(x, *Ws)


def _tc_combine(p0, p1):
    BR = 1000

    def cb(p0_ref, p1_ref, o0_ref, o1_ref):
        for p, o in ((p0_ref, o0_ref), (p1_ref, o1_ref)):
            v = p[0] + p[1]
            o[...] = jnp.where(v > 0, v, jnp.exp(v) - 1.0)

    return pl.pallas_call(
        cb,
        grid=(N // BR,),
        in_specs=[pl.BlockSpec((NC, BR, O), lambda i: (0, i, 0))] * 2,
        out_specs=[pl.BlockSpec((BR, O), lambda i: (i, 0))] * 2,
        out_shape=[jax.ShapeDtypeStruct((N, O), jnp.float32)] * 2,
    )(p0, p1)


def kernel(x, ei_0_0, ev_0_0, W_0_0, ei_0_1, ev_0_1, W_0_1,
           ei_1_0, ev_1_0, W_1_0, ei_1_1, ev_1_1, W_1_1,
           ei_1_2, ev_1_2, W_1_2):
    eis = [ei_0_0, ei_0_1, ei_1_0, ei_1_1, ei_1_2]
    evs = [ev_0_0, ev_0_1, ev_1_0, ev_1_1, ev_1_2]
    Ws = [W_0_0, W_0_1, W_1_0, W_1_1, W_1_2]

    xws = _tc_matmul(x, Ws)
    npad_e = NCHUNK * C - E
    src = jnp.stack([
        jnp.concatenate([ei[1], jnp.zeros((npad_e,), jnp.int32)])
        .reshape(NCHUNK, C) for ei in eis])
    dst = jnp.stack([
        jnp.concatenate([ei[0], jnp.zeros((npad_e,), jnp.int32)])
        .reshape(NCHUNK, C) for ei in eis])
    evc = jnp.stack([
        jnp.concatenate([e, jnp.zeros((npad_e,), jnp.float32)])
        .reshape(NCHUNK, C) for e in evs])
    p0, p1 = _sc_spmm(xws, src, dst, evc)
    out0, out1 = _tc_combine(p0, p1)
    return out0, out1

# --- scband reference (transcript-rebuilt; emitter-appended) ---
"""Pipeline reference for scband-motif-convolution-10161892622472 (READ-ONLY COPY).

The authoritative reference and input builder live on the scoring server;
editing this copy changes nothing except your own understanding.
"""

import jax, jax.numpy as jnp
import numpy as np

N = 10000
D = 128
O = 128
E = 160000
MOTIF_POSITIONS = [2, 3]


def _glorot(key, shape):
    lim = np.sqrt(6.0 / (shape[0] + shape[1]))
    return jax.random.uniform(key, shape, jnp.float32, -lim, lim)


def setup_inputs(seed: int = 0):
    key = jax.random.key(seed)
    keys = jax.random.split(key, 64)
    inp = {}
    inp['x'] = jax.random.normal(keys[0], (N, D), jnp.float32)
    i = 1
    for m, P in enumerate(MOTIF_POSITIONS):
        for k in range(P):
            inp['ei_%d_%d' % (m, k)] = jax.random.randint(keys[i], (2, E), 0, N, dtype=jnp.int32)
            i += 1
            inp['ev_%d_%d' % (m, k)] = jax.random.uniform(keys[i], (E,), jnp.float32)
            i += 1
            inp['W_%d_%d' % (m, k)] = _glorot(keys[i], (D, O))
            i += 1
    return inp


def _spmm(ei, ev, dense):
    # sparse [N, N] (row=dst, col=src) @ dense [N, O] via gather + scatter-add
    gathered = jnp.take(dense, ei[1], axis=0) * ev[:, None]
    return jnp.zeros((N, dense.shape[1]), dense.dtype).at[ei[0]].add(gathered)


def reference(x, ei_0_0, ev_0_0, W_0_0, ei_0_1, ev_0_1, W_0_1, ei_1_0, ev_1_0, W_1_0, ei_1_1, ev_1_1, W_1_1, ei_1_2, ev_1_2, W_1_2):
    eis = [[ei_0_0, ei_0_1], [ei_1_0, ei_1_1, ei_1_2]]
    evs = [[ev_0_0, ev_0_1], [ev_1_0, ev_1_1, ev_1_2]]
    Ws = [[W_0_0, W_0_1], [W_1_0, W_1_1, W_1_2]]
    new_activations = []
    for m, P in enumerate(MOTIF_POSITIONS):
        out = None
        for k in range(P):
            XW = x @ Ws[m][k]
            support = _spmm(eis[m][k], evs[m][k], XW)
            out = support if out is None else out + support
        new_activations.append(jax.nn.elu(out))
    return tuple(new_activations)

if __name__ == "__main__":
    import jax
    _d = setup_inputs()
    print(jax.jit(kernel)(*tuple(_d.values())))

</pallas_src>

<mosaic_0001>
#map = affine_map<(d0, d1) -> (0, 0)>
#map1 = affine_map<(d0, d1) -> (0, 0, 0)>
module attributes {stable_mosaic.version = 14 : i64} {
  func.func @body(%arg0: i32, %arg1: i32, %arg2: memref<10000x64xi32, #tpu.memory_space<hbm>>, %arg3: memref<10000x64xi32, #tpu.memory_space<hbm>>, %arg4: memref<10000x64xi32, #tpu.memory_space<hbm>>, %arg5: memref<10000x64xi32, #tpu.memory_space<hbm>>, %arg6: memref<10000x64xi32, #tpu.memory_space<hbm>>, %arg7: memref<5x1280x128xi32, #tpu.memory_space<hbm>>, %arg8: memref<5x1280x128xi32, #tpu.memory_space<hbm>>, %arg9: memref<5x1280x128xf32, #tpu.memory_space<hbm>>, %arg10: memref<2x10240x128xf32, #tpu.memory_space<hbm>>, %arg11: memref<2x10240x128xf32, #tpu.memory_space<hbm>>, %arg12: memref<128xi32, #tpu.memory_space<vmem>>, %arg13: memref<128xi32, #tpu.memory_space<vmem>>, %arg14: memref<128xi32, #tpu.memory_space<vmem>>, %arg15: memref<128xi32, #tpu.memory_space<vmem>>, %arg16: memref<128xf32, #tpu.memory_space<vmem>>, %arg17: memref<128xf32, #tpu.memory_space<vmem>>, %arg18: memref<128x64xi32, #tpu.memory_space<vmem>>, %arg19: memref<128x64xi32, #tpu.memory_space<vmem>>, %arg20: memref<128x128xf32, #tpu.memory_space<vmem>>, %arg21: memref<!tpu.dma_semaphore, #tpu.memory_space<semaphore_mem>>, %arg22: memref<!tpu.dma_semaphore, #tpu.memory_space<semaphore_mem>>, %arg23: memref<!tpu.dma_semaphore, #tpu.memory_space<semaphore_mem>>, %arg24: memref<!tpu.dma_semaphore, #tpu.memory_space<semaphore_mem>>, %arg25: memref<10240x128xf32, #tpu.memory_space<vmem_shared>>) attributes {dimension_semantics = [#tpu.dimension_semantics<core_parallel>, #tpu.dimension_semantics<subcore_parallel>], iteration_bounds = array<i64: 2, 16>, scalar_prefetch = 0 : i64, scratch_operands = 14 : i64, tpu.core_type = #tpu.core_type<sc_vector_subcore>, window_params = [{transform_indices = #map}, {transform_indices = #map}, {transform_indices = #map}, {transform_indices = #map}, {transform_indices = #map}, {transform_indices = #map1}, {transform_indices = #map1}, {transform_indices = #map1}, {transform_indices = #map1}, {transform_indices = #map1}]} {
    %mul3A = arith.constant 2 : i32
    %mul3A_0 = arith.muli %arg1, %mul3A : i32
    %add3A = arith.addi %mul3A_0, %arg0 : i32
    %mul3A_1 = arith.constant 40 : i32
    %mul3A_2 = arith.muli %add3A, %mul3A_1 : i32
    %broadcast_in_dim3A = arith.constant 0.000000e+00 : f32
    %broadcast_in_dim3A_3 = vector.broadcast %broadcast_in_dim3A : f32 to vector<16xf32>
    %scan3A = arith.constant 0 : i32
    %scan3A_4 = arith.constant 0 : i32
    %scan3A_5 = arith.constant 128 : i32
    %scan3A_6 = arith.addi %scan3A_4, %scan3A_5 : i32
    %scan3A_7 = arith.constant 1 : i32
    scf.for %scan3A_225 = %scan3A_4 to %scan3A_6 step %scan3A_7  : i32 {
      %swap3A = arith.index_cast %scan3A_225 : i32 to index
      %swap3A_226 = arith.constant 0 : index
      %swap3A_227 = tpu.vector_load %arg20[%swap3A, %swap3A_226] {strides = array<i32>} : memref<128x128xf32, #tpu.memory_space<vmem>>, vector<16xf32>,
      tpu.vector_store %arg20[%swap3A, %swap3A_226], %broadcast_in_dim3A_3 {strides = array<i32>} : memref<128x128xf32, #tpu.memory_space<vmem>>, vector<16xf32>,
      %swap3A_228 = arith.index_cast %scan3A_225 : i32 to index
      %swap3A_229 = arith.constant 16 : index
      %swap3A_230 = tpu.vector_load %arg20[%swap3A_228, %swap3A_229] {strides = array<i32>} : memref<128x128xf32, #tpu.memory_space<vmem>>, vector<16xf32>,
      tpu.vector_store %arg20[%swap3A_228, %swap3A_229], %broadcast_in_dim3A_3 {strides = array<i32>} : memref<128x128xf32, #tpu.memory_space<vmem>>, vector<16xf32>,
      %swap3A_231 = arith.index_cast %scan3A_225 : i32 to index
      %swap3A_232 = arith.constant 32 : index
      %swap3A_233 = tpu.vector_load %arg20[%swap3A_231, %swap3A_232] {strides = array<i32>} : memref<128x128xf32, #tpu.memory_space<vmem>>, vector<16xf32>,
      tpu.vector_store %arg20[%swap3A_231, %swap3A_232], %broadcast_in_dim3A_3 {strides = array<i32>} : memref<128x128xf32, #tpu.memory_space<vmem>>, vector<16xf32>,
      %swap3A_234 = arith.index_cast %scan3A_225 : i32 to index
      %swap3A_235 = arith.constant 48 : index
      %swap3A_236 = tpu.vector_load %arg20[%swap3A_234, %swap3A_235] {strides = array<i32>} : memref<128x128xf32, #tpu.memory_space<vmem>>, vector<16xf32>,
      tpu.vector_store %arg20[%swap3A_234, %swap3A_235], %broadcast_in_dim3A_3 {strides = array<i32>} : memref<128x128xf32, #tpu.memory_space<vmem>>, vector<16xf32>,
      %swap3A_237 = arith.index_cast %scan3A_225 : i32 to index
      %swap3A_238 = arith.constant 64 : index
      %swap3A_239 = tpu.vector_load %arg20[%swap3A_237, %swap3A_238] {strides = array<i32>} : memref<128x128xf32, #tpu.memory_space<vmem>>, vector<16xf32>,
      tpu.vector_store %arg20[%swap3A_237, %swap3A_238], %broadcast_in_dim3A_3 {strides = array<i32>} : memref<128x128xf32, #tpu.memory_space<vmem>>, vector<16xf32>,
      %swap3A_240 = arith.index_cast %scan3A_225 : i32 to index
      %swap3A_241 = arith.constant 80 : index
      %swap3A_242 = tpu.vector_load %arg20[%swap3A_240, %swap3A_241] {strides = array<i32>} : memref<128x128xf32, #tpu.memory_space<vmem>>, vector<16xf32>,
      tpu.vector_store %arg20[%swap3A_240, %swap3A_241], %broadcast_in_dim3A_3 {strides = array<i32>} : memref<128x128xf32, #tpu.memory_space<vmem>>, vector<16xf32>,
      %swap3A_243 = arith.index_cast %scan3A_225 : i32 to index
      %swap3A_244 = arith.constant 96 : index
      %swap3A_245 = tpu.vector_load %arg20[%swap3A_243, %swap3A_244] {strides = array<i32>} : memref<128x128xf32, #tpu.memory_space<vmem>>, vector<16xf32>,
      tpu.vector_store %arg20[%swap3A_243, %swap3A_244], %broadcast_in_dim3A_3 {strides = array<i32>} : memref<128x128xf32, #tpu.memory_space<vmem>>, vector<16xf32>,
      %swap3A_246 = arith.index_cast %scan3A_225 : i32 to index
      %swap3A_247 = arith.constant 112 : index
      %swap3A_248 = tpu.vector_load %arg20[%swap3A_246, %swap3A_247] {strides = array<i32>} : memref<128x128xf32, #tpu.memory_space<vmem>>, vector<16xf32>,
      tpu.vector_store %arg20[%swap3A_246, %swap3A_247], %broadcast_in_dim3A_3 {strides = array<i32>} : memref<128x128xf32, #tpu.memory_space<vmem>>, vector<16xf32>,
    }
    %scan3A_8 = arith.constant 128 : i32
    %scan3A_9 = arith.constant 0 : i32
    %scan3A_10 = arith.constant 0 : i32
    %scan3A_11 = arith.constant 5 : i32
    %scan3A_12 = arith.addi %scan3A_10, %scan3A_11 : i32
    %scan3A_13 = arith.constant 1 : i32
    scf.for %scan3A_225 = %scan3A_10 to %scan3A_12 step %scan3A_13  : i32 {
      %mul3A_226 = arith.constant 640 : i32
      %mul3A_227 = arith.muli %arg1, %mul3A_226 : i32
      %mul3A_228 = arith.constant 128 : i32
      %mul3A_229 = arith.muli %scan3A_225, %mul3A_228 : i32
      %add3A_230 = arith.addi %mul3A_227, %mul3A_229 : i32
      "tpu.region"() ({
        %run_scoped3A_231 = tpu.sem_alloc : memref<!tpu.dma_semaphore, #tpu.memory_space<semaphore_mem>>
        %dma_start3A_232 = arith.constant 0 : i32
        %dma_start3A_233 = tpu.memref_slice %arg25[%add3A_230, %dma_start3A_232] : memref<10240x128xf32, #tpu.memory_space<vmem_shared>> -> memref<128x128xf32, #tpu.memory_space<vmem_shared>>
        %dma_start3A_234 = arith.constant 0 : i32
        %dma_start3A_235 = tpu.memref_slice %arg25[%add3A_230, %dma_start3A_234] : memref<10240x128xf32, #tpu.memory_space<vmem_shared>> -> memref<128x128xf32, #tpu.memory_space<vmem_shared>>
        tpu.enqueue_dma source(%arg20 : memref<128x128xf32, #tpu.memory_space<vmem>>) target(%dma_start3A_235 : memref<128x128xf32, #tpu.memory_space<vmem_shared>>) target_semaphore(%run_scoped3A_231 : memref<!tpu.dma_semaphore, #tpu.memory_space<semaphore_mem>>)
        %dma_wait3A = arith.constant 0 : i32
        %dma_wait3A_236 = tpu.memref_slice %arg25[%add3A_230, %dma_wait3A] : memref<10240x128xf32, #tpu.memory_space<vmem_shared>> -> memref<128x128xf32, #tpu.memory_space<vmem_shared>>
        %dma_wait3A_237 = arith.constant 0 : i32
        %dma_wait3A_238 = tpu.memref_slice %arg25[%add3A_230, %dma_wait3A_237] : memref<10240x128xf32, #tpu.memory_space<vmem_shared>> -> memref<128x128xf32, #tpu.memory_space<vmem_shared>>
        tpu.wait_dma2 semaphore(%run_scoped3A_231 : memref<!tpu.dma_semaphore, #tpu.memory_space<semaphore_mem>>) src(%arg20 : memref<128x128xf32, #tpu.memory_space<vmem>>) dst(%dma_wait3A_238 : memref<128x128xf32, #tpu.memory_space<vmem_shared>>)
        tpu.yield
      }) : () -> ()
    }
    %scan3A_14 = arith.constant 5 : i32
    %barrier3A = arith.constant 0 : index
    tpu.barrier barrier_id(%barrier3A)
    %add3A_15 = arith.constant 0 : i32
    %add3A_16 = arith.addi %mul3A_2, %add3A_15 : i32
    %run_scoped3A = arith.constant 0 : i32
    "tpu.region"() ({
      %run_scoped3A_225 = tpu.sem_alloc : memref<!tpu.dma_semaphore, #tpu.memory_space<semaphore_mem>>
      %dma_start3A_226 = arith.constant 0 : i32
      %dma_start3A_227 = tpu.memref_slice %arg7[%run_scoped3A, %add3A_16, %dma_start3A_226] : memref<5x1280x128xi32, #tpu.memory_space<hbm>> -> memref<1x1x128xi32, #tpu.memory_space<hbm>>
      %dma_start3A_228 = tpu.memref_squeeze %dma_start3A_227 : memref<1x1x128xi32, #tpu.memory_space<hbm>> -> memref<128xi32, #tpu.memory_space<hbm>>
      %dma_start3A_229 = arith.constant 0 : i32
      %dma_start3A_230 = tpu.memref_slice %arg7[%run_scoped3A, %add3A_16, %dma_start3A_229] : memref<5x1280x128xi32, #tpu.memory_space<hbm>> -> memref<1x1x128xi32, #tpu.memory_space<hbm>>
      %dma_start3A_231 = tpu.memref_squeeze %dma_start3A_230 : memref<1x1x128xi32, #tpu.memory_space<hbm>> -> memref<128xi32, #tpu.memory_space<hbm>>
      tpu.enqueue_dma source(%dma_start3A_231 : memref<128xi32, #tpu.memory_space<hbm>>) target(%arg12 : memref<128xi32, #tpu.memory_space<vmem>>) target_semaphore(%run_scoped3A_225 : memref<!tpu.dma_semaphore, #tpu.memory_space<semaphore_mem>>)
      %dma_wait3A = arith.constant 0 : i32
      %dma_wait3A_232 = tpu.memref_slice %arg7[%run_scoped3A, %add3A_16, %dma_wait3A] : memref<5x1280x128xi32, #tpu.memory_space<hbm>> -> memref<1x1x128xi32, #tpu.memory_space<hbm>>
      %dma_wait3A_233 = tpu.memref_squeeze %dma_wait3A_232 : memref<1x1x128xi32, #tpu.memory_space<hbm>> -> memref<128xi32, #tpu.memory_space<hbm>>
      %dma_wait3A_234 = arith.constant 0 : i32
      %dma_wait3A_235 = tpu.memref_slice %arg7[%run_scoped3A, %add3A_16, %dma_wait3A_234] : memref<5x1280x128xi32, #tpu.memory_space<hbm>> -> memref<1x1x128xi32, #tpu.memory_space<hbm>>
      %dma_wait3A_236 = tpu.memref_squeeze %dma_wait3A_235 : memref<1x1x128xi32, #tpu.memory_space<hbm>> -> memref<128xi32, #tpu.memory_space<hbm>>
      tpu.wait_dma2 semaphore(%run_scoped3A_225 : memref<!tpu.dma_semaphore, #tpu.memory_space<semaphore_mem>>) src(%dma_wait3A_236 : memref<128xi32, #tpu.memory_space<hbm>>) dst(%arg12 : memref<128xi32, #tpu.memory_space<vmem>>)
      tpu.yield
    }) : () -> ()
    %run_scoped3A_17 = arith.constant 0 : i32
    "tpu.region"() ({
      %run_scoped3A_225 = tpu.sem_alloc : memref<!tpu.dma_semaphore, #tpu.memory_space<semaphore_mem>>
      %dma_start3A_226 = arith.constant 0 : i32
      %dma_start3A_227 = tpu.memref_slice %arg8[%run_scoped3A_17, %add3A_16, %dma_start3A_226] : memref<5x1280x128xi32, #tpu.memory_space<hbm>> -> memref<1x1x128xi32, #tpu.memory_space<hbm>>
      %dma_start3A_228 = tpu.memref_squeeze %dma_start3A_227 : memref<1x1x128xi32, #tpu.memory_space<hbm>> -> memref<128xi32, #tpu.memory_space<hbm>>
      %dma_start3A_229 = arith.constant 0 : i32
      %dma_start3A_230 = tpu.memref_slice %arg8[%run_scoped3A_17, %add3A_16, %dma_start3A_229] : memref<5x1280x128xi32, #tpu.memory_space<hbm>> -> memref<1x1x128xi32, #tpu.memory_space<hbm>>
      %dma_start3A_231 = tpu.memref_squeeze %dma_start3A_230 : memref<1x1x128xi32, #tpu.memory_space<hbm>> -> memref<128xi32, #tpu.memory_space<hbm>>
      tpu.enqueue_dma source(%dma_start3A_231 : memref<128xi32, #tpu.memory_space<hbm>>) target(%arg14 : memref<128xi32, #tpu.memory_space<vmem>>) target_semaphore(%run_scoped3A_225 : memref<!tpu.dma_semaphore, #tpu.memory_space<semaphore_mem>>)
      %dma_wait3A = arith.constant 0 : i32
      %dma_wait3A_232 = tpu.memref_slice %arg8[%run_scoped3A_17, %add3A_16, %dma_wait3A] : memref<5x1280x128xi32, #tpu.memory_space<hbm>> -> memref<1x1x128xi32, #tpu.memory_space<hbm>>
      %dma_wait3A_233 = tpu.memref_squeeze %dma_wait3A_232 : memref<1x1x128xi32, #tpu.memory_space<hbm>> -> memref<128xi32, #tpu.memory_space<hbm>>
      %dma_wait3A_234 = arith.constant 0 : i32
      %dma_wait3A_235 = tpu.memref_slice %arg8[%run_scoped3A_17, %add3A_16, %dma_wait3A_234] : memref<5x1280x128xi32, #tpu.memory_space<hbm>> -> memref<1x1x128xi32, #tpu.memory_space<hbm>>
      %dma_wait3A_236 = tpu.memref_squeeze %dma_wait3A_235 : memref<1x1x128xi32, #tpu.memory_space<hbm>> -> memref<128xi32, #tpu.memory_space<hbm>>
      tpu.wait_dma2 semaphore(%run_scoped3A_225 : memref<!tpu.dma_semaphore, #tpu.memory_space<semaphore_mem>>) src(%dma_wait3A_236 : memref<128xi32, #tpu.memory_space<hbm>>) dst(%arg14 : memref<128xi32, #tpu.memory_space<vmem>>)
      tpu.yield
    }) : () -> ()
    %run_scoped3A_18 = arith.constant 0 : i32
    "tpu.region"() ({
      %run_scoped3A_225 = tpu.sem_alloc : memref<!tpu.dma_semaphore, #tpu.memory_space<semaphore_mem>>
      %dma_start3A_226 = arith.constant 0 : i32
      %dma_start3A_227 = tpu.memref_slice %arg9[%run_scoped3A_18, %add3A_16, %dma_start3A_226] : memref<5x1280x128xf32, #tpu.memory_space<hbm>> -> memref<1x1x128xf32, #tpu.memory_space<hbm>>
      %dma_start3A_228 = tpu.memref_squeeze %dma_start3A_227 : memref<1x1x128xf32, #tpu.memory_space<hbm>> -> memref<128xf32, #tpu.memory_space<hbm>>
      %dma_start3A_229 = arith.constant 0 : i32
      %dma_start3A_230 = tpu.memref_slice %arg9[%run_scoped3A_18, %add3A_16, %dma_start3A_229] : memref<5x1280x128xf32, #tpu.memory_space<hbm>> -> memref<1x1x128xf32, #tpu.memory_space<hbm>>
      %dma_start3A_231 = tpu.memref_squeeze %dma_start3A_230 : memref<1x1x128xf32, #tpu.memory_space<hbm>> -> memref<128xf32, #tpu.memory_space<hbm>>
      tpu.enqueue_dma source(%dma_start3A_231 : memref<128xf32, #tpu.memory_space<hbm>>) target(%arg16 : memref<128xf32, #tpu.memory_space<vmem>>) target_semaphore(%run_scoped3A_225 : memref<!tpu.dma_semaphore, #tpu.memory_space<semaphore_mem>>)
      %dma_wait3A = arith.constant 0 : i32
      %dma_wait3A_232 = tpu.memref_slice %arg9[%run_scoped3A_18, %add3A_16, %dma_wait3A] : memref<5x1280x128xf32, #tpu.memory_space<hbm>> -> memref<1x1x128xf32, #tpu.memory_space<hbm>>
      %dma_wait3A_233 = tpu.memref_squeeze %dma_wait3A_232 : memref<1x1x128xf32, #tpu.memory_space<hbm>> -> memref<128xf32, #tpu.memory_space<hbm>>
      %dma_wait3A_234 = arith.constant 0 : i32
      %dma_wait3A_235 = tpu.memref_slice %arg9[%run_scoped3A_18, %add3A_16, %dma_wait3A_234] : memref<5x1280x128xf32, #tpu.memory_space<hbm>> -> memref<1x1x128xf32, #tpu.memory_space<hbm>>
      %dma_wait3A_236 = tpu.memref_squeeze %dma_wait3A_235 : memref<1x1x128xf32, #tpu.memory_space<hbm>> -> memref<128xf32, #tpu.memory_space<hbm>>
      tpu.wait_dma2 semaphore(%run_scoped3A_225 : memref<!tpu.dma_semaphore, #tpu.memory_space<semaphore_mem>>) src(%dma_wait3A_236 : memref<128xf32, #tpu.memory_space<hbm>>) dst(%arg16 : memref<128xf32, #tpu.memory_space<vmem>>)
      tpu.yield
    }) : () -> ()
    %dma_start3A = arith.constant 0 : i32
    %dma_start3A_19 = arith.constant 0 : i32
    %dma_start3A_20 = tpu.memref_slice %arg2[%dma_start3A, %dma_start3A_19] : memref<10000x64xi32, #tpu.memory_space<hbm>> -> memref<10000x64xi32, #tpu.memory_space<hbm>>
    tpu.enqueue_indirect_dma source(%dma_start3A_20 : memref<10000x64xi32, #tpu.memory_space<hbm>>) target(%arg18 : memref<128x64xi32, #tpu.memory_space<vmem>>) offsets(%arg12 : memref<128xi32, #tpu.memory_space<vmem>>) semaphore(%arg21 : memref<!tpu.dma_semaphore, #tpu.memory_space<semaphore_mem>>)
    %add3A_21 = arith.constant 1 : i32
    %add3A_22 = arith.addi %mul3A_2, %add3A_21 : i32
    %dma_start3A_23 = arith.constant 0 : i32
    %dma_start3A_24 = arith.constant 0 : i32
    %dma_start3A_25 = tpu.memref_slice %arg7[%dma_start3A_23, %add3A_22, %dma_start3A_24] : memref<5x1280x128xi32, #tpu.memory_space<hbm>> -> memref<1x1x128xi32, #tpu.memory_space<hbm>>
    %dma_start3A_26 = tpu.memref_squeeze %dma_start3A_25 : memref<1x1x128xi32, #tpu.memory_space<hbm>> -> memref<128xi32, #tpu.memory_space<hbm>>
    %dma_start3A_27 = arith.constant 0 : i32
    %dma_start3A_28 = tpu.memref_slice %arg7[%dma_start3A_23, %add3A_22, %dma_start3A_27] : memref<5x1280x128xi32, #tpu.memory_space<hbm>> -> memref<1x1x128xi32, #tpu.memory_space<hbm>>
    %dma_start3A_29 = tpu.memref_squeeze %dma_start3A_28 : memref<1x1x128xi32, #tpu.memory_space<hbm>> -> memref<128xi32, #tpu.memory_space<hbm>>
    tpu.enqueue_dma source(%dma_start3A_29 : memref<128xi32, #tpu.memory_space<hbm>>) target(%arg13 : memref<128xi32, #tpu.memory_space<vmem>>) target_semaphore(%arg24 : memref<!tpu.dma_semaphore, #tpu.memory_space<semaphore_mem>>)
    %dma_start3A_30 = arith.constant 0 : i32
    %dma_start3A_31 = arith.constant 0 : i32
    %dma_start3A_32 = tpu.memref_slice %arg8[%dma_start3A_30, %add3A_22, %dma_start3A_31] : memref<5x1280x128xi32, #tpu.memory_space<hbm>> -> memref<1x1x128xi32, #tpu.memory_space<hbm>>
    %dma_start3A_33 = tpu.memref_squeeze %dma_start3A_32 : memref<1x1x128xi32, #tpu.memory_space<hbm>> -> memref<128xi32, #tpu.memory_space<hbm>>
    %dma_start3A_34 = arith.constant 0 : i32
    %dma_start3A_35 = tpu.memref_slice %arg8[%dma_start3A_30, %add3A_22, %dma_start3A_34] : memref<5x1280x128xi32, #tpu.memory_space<hbm>> -> memref<1x1x128xi32, #tpu.memory_space<hbm>>
    %dma_start3A_36 = tpu.memref_squeeze %dma_start3A_35 : memref<1x1x128xi32, #tpu.memory_space<hbm>> -> memref<128xi32, #tpu.memory_space<hbm>>
    tpu.enqueue_dma source(%dma_start3A_36 : memref<128xi32, #tpu.memory_space<hbm>>) target(%arg15 : memref<128xi32, #tpu.memory_space<vmem>>) target_semaphore(%arg24 : memref<!tpu.dma_semaphore, #tpu.memory_space<semaphore_mem>>)
    %dma_start3A_37 = arith.constant 0 : i32
    %dma_start3A_38 = arith.constant 0 : i32
    %dma_start3A_39 = tpu.memref_slice %arg9[%dma_start3A_37, %add3A_22, %dma_start3A_38] : memref<5x1280x128xf32, #tpu.memory_space<hbm>> -> memref<1x1x128xf32, #tpu.memory_space<hbm>>
    %dma_start3A_40 = tpu.memref_squeeze %dma_start3A_39 : memref<1x1x128xf32, #tpu.memory_space<hbm>> -> memref<128xf32, #tpu.memory_space<hbm>>
    %dma_start3A_41 = arith.constant 0 : i32
    %dma_start3A_42 = tpu.memref_slice %arg9[%dma_start3A_37, %add3A_22, %dma_start3A_41] : memref<5x1280x128xf32, #tpu.memory_space<hbm>> -> memref<1x1x128xf32, #tpu.memory_space<hbm>>
    %dma_start3A_43 = tpu.memref_squeeze %dma_start3A_42 : memref<1x1x128xf32, #tpu.memory_space<hbm>> -> memref<128xf32, #tpu.memory_space<hbm>>
    tpu.enqueue_dma source(%dma_start3A_43 : memref<128xf32, #tpu.memory_space<hbm>>) target(%arg17 : memref<128xf32, #tpu.memory_space<vmem>>) target_semaphore(%arg24 : memref<!tpu.dma_semaphore, #tpu.memory_space<semaphore_mem>>)
    %scan3A_44 = arith.constant 0 : i32
    %scan3A_45 = arith.constant 0 : i32
    %scan3A_46 = arith.constant 20 : i32
    %scan3A_47 = arith.addi %scan3A_45, %scan3A_46 : i32
    %scan3A_48 = arith.constant 1 : i32
    scf.for %scan3A_225 = %scan3A_45 to %scan3A_47 step %scan3A_48  : i32 {
      %mul3A_226 = arith.constant 2 : i32
      %mul3A_227 = arith.muli %scan3A_225, %mul3A_226 : i32
      %dma_wait3A = arith.constant 0 : i32
      %dma_wait3A_228 = arith.constant 0 : i32
      %dma_wait3A_229 = tpu.memref_slice %arg2[%dma_wait3A, %dma_wait3A_228] : memref<10000x64xi32, #tpu.memory_space<hbm>> -> memref<10000x64xi32, #tpu.memory_space<hbm>>
      tpu.wait_indirect_dma semaphore(%arg21 : memref<!tpu.dma_semaphore, #tpu.memory_space<semaphore_mem>>) src(%dma_wait3A_229 : memref<10000x64xi32, #tpu.memory_space<hbm>>) dst(%arg18 : memref<128x64xi32, #tpu.memory_space<vmem>>)
      %add3A_230 = arith.constant 1 : i32
      %add3A_231 = arith.addi %mul3A_227, %add3A_230 : i32
      %lt3A = arith.constant 40 : i32
      %lt3A_232 = arith.cmpi slt, %add3A_231, %lt3A : i32
      %convert_element_type3A = arith.extui %lt3A_232 : i1 to i32
      %cond3A = arith.constant 0 : i32
      %cond3A_233 = arith.cmpi ne, %convert_element_type3A, %cond3A : i32
      scf.if %cond3A_233 {
        %add3A_278 = arith.constant 1 : i32
        %add3A_279 = arith.addi %mul3A_227, %add3A_278 : i32
        %add3A_280 = arith.addi %mul3A_2, %add3A_279 : i32
        %dma_wait3A_281 = arith.constant 0 : i32
        %dma_wait3A_282 = arith.constant 0 : i32
        %dma_wait3A_283 = tpu.memref_slice %arg7[%dma_wait3A_281, %add3A_280, %dma_wait3A_282] : memref<5x1280x128xi32, #tpu.memory_space<hbm>> -> memref<1x1x128xi32, #tpu.memory_space<hbm>>
        %dma_wait3A_284 = tpu.memref_squeeze %dma_wait3A_283 : memref<1x1x128xi32, #tpu.memory_space<hbm>> -> memref<128xi32, #tpu.memory_space<hbm>>
        %dma_wait3A_285 = arith.constant 0 : i32
        %dma_wait3A_286 = tpu.memref_slice %arg7[%dma_wait3A_281, %add3A_280, %dma_wait3A_285] : memref<5x1280x128xi32, #tpu.memory_space<hbm>> -> memref<1x1x128xi32, #tpu.memory_space<hbm>>
        %dma_wait3A_287 = tpu.memref_squeeze %dma_wait3A_286 : memref<1x1x128xi32, #tpu.memory_space<hbm>> -> memref<128xi32, #tpu.memory_space<hbm>>
        tpu.wait_dma2 semaphore(%arg24 : memref<!tpu.dma_semaphore, #tpu.memory_space<semaphore_mem>>) src(%dma_wait3A_287 : memref<128xi32, #tpu.memory_space<hbm>>) dst(%arg13 : memref<128xi32, #tpu.memory_space<vmem>>)
        %dma_wait3A_288 = arith.constant 0 : i32
        %dma_wait3A_289 = arith.constant 0 : i32
        %dma_wait3A_290 = tpu.memref_slice %arg8[%dma_wait3A_288, %add3A_280, %dma_wait3A_289] : memref<5x1280x128xi32, #tpu.memory_space<hbm>> -> memref<1x1x128xi32, #tpu.memory_space<hbm>>
        %dma_wait3A_291 = tpu.memref_squeeze %dma_wait3A_290 : memref<1x1x128xi32, #tpu.memory_space<hbm>> -> memref<128xi32, #tpu.memory_space<hbm>>
        %dma_wait3A_292 = arith.constant 0 : i32
        %dma_wait3A_293 = tpu.memref_slice %arg8[%dma_wait3A_288, %add3A_280, %dma_wait3A_292] : memref<5x1280x128xi32, #tpu.memory_space<hbm>> -> memref<1x1x128xi32, #tpu.memory_space<hbm>>
        %dma_wait3A_294 = tpu.memref_squeeze %dma_wait3A_293 : memref<1x1x128xi32, #tpu.memory_space<hbm>> -> memref<128xi32, #tpu.memory_space<hbm>>
        tpu.wait_dma2 semaphore(%arg24 : memref<!tpu.dma_semaphore, #tpu.memory_space<semaphore_mem>>) src(%dma_wait3A_294 : memref<128xi32, #tpu.memory_space<hbm>>) dst(%arg15 : memref<128xi32, #tpu.memory_space<vmem>>)
        %dma_wait3A_295 = arith.constant 0 : i32
        %dma_wait3A_296 = arith.constant 0 : i32
        %dma_wait3A_297 = tpu.memref_slice %arg9[%dma_wait3A_295, %add3A_280, %dma_wait3A_296] : memref<5x1280x128xf32, #tpu.memory_space<hbm>> -> memref<1x1x128xf32, #tpu.memory_space<hbm>>
        %dma_wait3A_298 = tpu.memref_squeeze %dma_wait3A_297 : memref<1x1x128xf32, #tpu.memory_space<hbm>> -> memref<128xf32, #tpu.memory_space<hbm>>
        %dma_wait3A_299 = arith.constant 0 : i32
        %dma_wait3A_300 = tpu.memref_slice %arg9[%dma_wait3A_295, %add3A_280, %dma_wait3A_299] : memref<5x1280x128xf32, #tpu.memory_space<hbm>> -> memref<1x1x128xf32, #tpu.memory_space<hbm>>
        %dma_wait3A_301 = tpu.memref_squeeze %dma_wait3A_300 : memref<1x1x128xf32, #tpu.memory_space<hbm>> -> memref<128xf32, #tpu.memory_space<hbm>>
        tpu.wait_dma2 semaphore(%arg24 : memref<!tpu.dma_semaphore, #tpu.memory_space<semaphore_mem>>) src(%dma_wait3A_301 : memref<128xf32, #tpu.memory_space<hbm>>) dst(%arg17 : memref<128xf32, #tpu.memory_space<vmem>>)
        %dma_start3A_302 = arith.constant 0 : i32
        %dma_start3A_303 = arith.constant 0 : i32
        %dma_start3A_304 = tpu.memref_slice %arg2[%dma_start3A_302, %dma_start3A_303] : memref<10000x64xi32, #tpu.memory_space<hbm>> -> memref<10000x64xi32, #tpu.memory_space<hbm>>
        tpu.enqueue_indirect_dma source(%dma_start3A_304 : memref<10000x64xi32, #tpu.memory_space<hbm>>) target(%arg19 : memref<128x64xi32, #tpu.memory_space<vmem>>) offsets(%arg13 : memref<128xi32, #tpu.memory_space<vmem>>) semaphore(%arg22 : memref<!tpu.dma_semaphore, #tpu.memory_space<semaphore_mem>>)
      } else {
      }
      %broadcast_in_dim3A_234 = arith.constant -65536 : i32
      %broadcast_in_dim3A_235 = vector.broadcast %broadcast_in_dim3A_234 : i32 to vector<16xi32>
      %scan3A_236 = arith.constant 0 : i32
      %scan3A_237 = arith.constant 0 : i32
      %scan3A_238 = arith.constant 128 : i32
      %scan3A_239 = arith.addi %scan3A_237, %scan3A_238 : i32
      %scan3A_240 = arith.constant 1 : i32
      scf.for %scan3A_278 = %scan3A_237 to %scan3A_239 step %scan3A_240  : i32 {
        %broadcast_in_dim3A_279 = vector.broadcast %scan3A_278 : i32 to vector<16xi32>
        %gather3A = tpu.vector_load_idx %arg16[%broadcast_in_dim3A_279] : memref<128xf32, #tpu.memory_space<vmem>>[vector<16xi32>], vector<16xf32>,
        %get3A = arith.index_cast %scan3A_278 : i32 to index
        %get3A_280 = arith.constant 0 : index
        %get3A_281 = tpu.vector_load %arg18[%get3A, %get3A_280] {strides = array<i32>} : memref<128x64xi32, #tpu.memory_space<vmem>>, vector<16xi32>,
        %shift_left3A = arith.constant 16 : i32
        %shift_left3A_282 = vector.broadcast %shift_left3A : i32 to vector<16xi32>
        %shift_left3A_283 = arith.shli %get3A_281, %shift_left3A_282 : vector<16xi32>
        %bitcast3A = vector.bitcast %shift_left3A_283 : vector<16xi32> to vector<16xf32>
        %and3A = arith.andi %get3A_281, %broadcast_in_dim3A_235 : vector<16xi32>
        %bitcast3A_284 = vector.bitcast %and3A : vector<16xi32> to vector<16xf32>
        %mul3A_285 = arith.mulf %bitcast3A, %gather3A : vector<16xf32>
        %swap3A = arith.index_cast %scan3A_278 : i32 to index
        %swap3A_286 = arith.constant 0 : index
        %swap3A_287 = tpu.vector_load %arg20[%swap3A, %swap3A_286] {strides = array<i32>} : memref<128x128xf32, #tpu.memory_space<vmem>>, vector<16xf32>,
        tpu.vector_store %arg20[%swap3A, %swap3A_286], %mul3A_285 {strides = array<i32>} : memref<128x128xf32, #tpu.memory_space<vmem>>, vector<16xf32>,
        %mul3A_288 = arith.mulf %bitcast3A_284, %gather3A : vector<16xf32>
        %swap3A_289 = arith.index_cast %scan3A_278 : i32 to index
        %swap3A_290 = arith.constant 64 : index
        %swap3A_291 = tpu.vector_load %arg20[%swap3A_289, %swap3A_290] {strides = array<i32>} : memref<128x128xf32, #tpu.memory_space<vmem>>, vector<16xf32>,
        tpu.vector_store %arg20[%swap3A_289, %swap3A_290], %mul3A_288 {strides = array<i32>} : memref<128x128xf32, #tpu.memory_space<vmem>>, vector<16xf32>,
        %get3A_292 = arith.index_cast %scan3A_278 : i32 to index
        %get3A_293 = arith.constant 16 : index
        %get3A_294 = tpu.vector_load %arg18[%get3A_292, %get3A_293] {strides = array<i32>} : memref<128x64xi32, #tpu.memory_space<vmem>>, vector<16xi32>,
        %shift_left3A_295 = arith.constant 16 : i32
        %shift_left3A_296 = vector.broadcast %shift_left3A_295 : i32 to vector<16xi32>
        %shift_left3A_297 = arith.shli %get3A_294, %shift_left3A_296 : vector<16xi32>
        %bitcast3A_298 = vector.bitcast %shift_left3A_297 : vector<16xi32> to vector<16xf32>
        %and3A_299 = arith.andi %get3A_294, %broadcast_in_dim3A_235 : vector<16xi32>
        %bitcast3A_300 = vector.bitcast %and3A_299 : vector<16xi32> to vector<16xf32>
        %mul3A_301 = arith.mulf %bitcast3A_298, %gather3A : vector<16xf32>
        %swap3A_302 = arith.index_cast %scan3A_278 : i32 to index
        %swap3A_303 = arith.constant 16 : index
        %swap3A_304 = tpu.vector_load %arg20[%swap3A_302, %swap3A_303] {strides = array<i32>} : memref<128x128xf32, #tpu.memory_space<vmem>>, vector<16xf32>,
        tpu.vector_store %arg20[%swap3A_302, %swap3A_303], %mul3A_301 {strides = array<i32>} : memref<128x128xf32, #tpu.memory_space<vmem>>, vector<16xf32>,
        %mul3A_305 = arith.mulf %bitcast3A_300, %gather3A : vector<16xf32>
        %swap3A_306 = arith.index_cast %scan3A_278 : i32 to index
        %swap3A_307 = arith.constant 80 : index
        %swap3A_308 = tpu.vector_load %arg20[%swap3A_306, %swap3A_307] {strides = array<i32>} : memref<128x128xf32, #tpu.memory_space<vmem>>, vector<16xf32>,
        tpu.vector_store %arg20[%swap3A_306, %swap3A_307], %mul3A_305 {strides = array<i32>} : memref<128x128xf32, #tpu.memory_space<vmem>>, vector<16xf32>,
        %get3A_309 = arith.index_cast %scan3A_278 : i32 to index
        %get3A_310 = arith.constant 32 : index
        %get3A_311 = tpu.vector_load %arg18[%get3A_309, %get3A_310] {strides = array<i32>} : memref<128x64xi32, #tpu.memory_space<vmem>>, vector<16xi32>,
        %shift_left3A_312 = arith.constant 16 : i32
        %shift_left3A_313 = vector.broadcast %shift_left3A_312 : i32 to vector<16xi32>
        %shift_left3A_314 = arith.shli %get3A_311, %shift_left3A_313 : vector<16xi32>
        %bitcast3A_315 = vector.bitcast %shift_left3A_314 : vector<16xi32> to vector<16xf32>
        %and3A_316 = arith.andi %get3A_311, %broadcast_in_dim3A_235 : vector<16xi32>
        %bitcast3A_317 = vector.bitcast %and3A_316 : vector<16xi32> to vector<16xf32>
        %mul3A_318 = arith.mulf %bitcast3A_315, %gather3A : vector<16xf32>
        %swap3A_319 = arith.index_cast %scan3A_278 : i32 to index
        %swap3A_320 = arith.constant 32 : index
        %swap3A_321 = tpu.vector_load %arg20[%swap3A_319, %swap3A_320] {strides = array<i32>} : memref<128x128xf32, #tpu.memory_space<vmem>>, vector<16xf32>,
        tpu.vector_store %arg20[%swap3A_319, %swap3A_320], %mul3A_318 {strides = array<i32>} : memref<128x128xf32, #tpu.memory_space<vmem>>, vector<16xf32>,
        %mul3A_322 = arith.mulf %bitcast3A_317, %gather3A : vector<16xf32>
        %swap3A_323 = arith.index_cast %scan3A_278 : i32 to index
        %swap3A_324 = arith.constant 96 : index
        %swap3A_325 = tpu.vector_load %arg20[%swap3A_323, %swap3A_324] {strides = array<i32>} : memref<128x128xf32, #tpu.memory_space<vmem>>, vector<16xf32>,
        tpu.vector_store %arg20[%swap3A_323, %swap3A_324], %mul3A_322 {strides = array<i32>} : memref<128x128xf32, #tpu.memory_space<vmem>>, vector<16xf32>,
        %get3A_326 = arith.index_cast %scan3A_278 : i32 to index
        %get3A_327 = arith.constant 48 : index
        %get3A_328 = tpu.vector_load %arg18[%get3A_326, %get3A_327] {strides = array<i32>} : memref<128x64xi32, #tpu.memory_space<vmem>>, vector<16xi32>,
        %shift_left3A_329 = arith.constant 16 : i32
        %shift_left3A_330 = vector.broadcast %shift_left3A_329 : i32 to vector<16xi32>
        %shift_left3A_331 = arith.shli %get3A_328, %shift_left3A_330 : vector<16xi32>
        %bitcast3A_332 = vector.bitcast %shift_left3A_331 : vector<16xi32> to vector<16xf32>
        %and3A_333 = arith.andi %get3A_328, %broadcast_in_dim3A_235 : vector<16xi32>
        %bitcast3A_334 = vector.bitcast %and3A_333 : vector<16xi32> to vector<16xf32>
        %mul3A_335 = arith.mulf %bitcast3A_332, %gather3A : vector<16xf32>
        %swap3A_336 = arith.index_cast %scan3A_278 : i32 to index
        %swap3A_337 = arith.constant 48 : index
        %swap3A_338 = tpu.vector_load %arg20[%swap3A_336, %swap3A_337] {strides = array<i32>} : memref<128x128xf32, #tpu.memory_space<vmem>>, vector<16xf32>,
        tpu.vector_store %arg20[%swap3A_336, %swap3A_337], %mul3A_335 {strides = array<i32>} : memref<128x128xf32, #tpu.memory_space<vmem>>, vector<16xf32>,
        %mul3A_339 = arith.mulf %bitcast3A_334, %gather3A : vector<16xf32>
        %swap3A_340 = arith.index_cast %scan3A_278 : i32 to index
        %swap3A_341 = arith.constant 112 : index
        %swap3A_342 = tpu.vector_load %arg20[%swap3A_340, %swap3A_341] {strides = array<i32>} : memref<128x128xf32, #tpu.memory_space<vmem>>, vector<16xf32>,
        tpu.vector_store %arg20[%swap3A_340, %swap3A_341], %mul3A_339 {strides = array<i32>} : memref<128x128xf32, #tpu.memory_space<vmem>>, vector<16xf32>,
      }
      %scan3A_241 = arith.constant 128 : i32
      "tpu.region"() ({
        %run_scoped3A_278 = tpu.sem_alloc : memref<!tpu.dma_semaphore, #tpu.memory_space<semaphore_mem>>
        %dma_start3A_279 = arith.constant 0 : i32
        %dma_start3A_280 = arith.constant 0 : i32
        %dma_start3A_281 = tpu.memref_slice %arg25[%dma_start3A_279, %dma_start3A_280] : memref<10240x128xf32, #tpu.memory_space<vmem_shared>> -> memref<10240x128xf32, #tpu.memory_space<vmem_shared>>
        tpu.enqueue_indirect_dma source(%arg20 : memref<128x128xf32, #tpu.memory_space<vmem>>) target(%dma_start3A_281 : memref<10240x128xf32, #tpu.memory_space<vmem_shared>>) offsets(%arg14 : memref<128xi32, #tpu.memory_space<vmem>>) semaphore(%run_scoped3A_278 : memref<!tpu.dma_semaphore, #tpu.memory_space<semaphore_mem>>) {add = true}
        %dma_wait3A_282 = arith.constant 0 : i32
        %dma_wait3A_283 = arith.constant 0 : i32
        %dma_wait3A_284 = tpu.memref_slice %arg25[%dma_wait3A_282, %dma_wait3A_283] : memref<10240x128xf32, #tpu.memory_space<vmem_shared>> -> memref<10240x128xf32, #tpu.memory_space<vmem_shared>>
        tpu.wait_indirect_dma semaphore(%run_scoped3A_278 : memref<!tpu.dma_semaphore, #tpu.memory_space<semaphore_mem>>) src(%arg20 : memref<128x128xf32, #tpu.memory_space<vmem>>) dst(%dma_wait3A_284 : memref<10240x128xf32, #tpu.memory_space<vmem_shared>>)
        tpu.yield
      }) : () -> ()
      %add3A_242 = arith.constant 2 : i32
      %add3A_243 = arith.addi %mul3A_227, %add3A_242 : i32
      %lt3A_244 = arith.constant 40 : i32
      %lt3A_245 = arith.cmpi slt, %add3A_243, %lt3A_244 : i32
      %convert_element_type3A_246 = arith.extui %lt3A_245 : i1 to i32
      %cond3A_247 = arith.constant 0 : i32
      %cond3A_248 = arith.cmpi ne, %convert_element_type3A_246, %cond3A_247 : i32
      scf.if %cond3A_248 {
        %add3A_278 = arith.constant 2 : i32
        %add3A_279 = arith.addi %mul3A_227, %add3A_278 : i32
        %add3A_280 = arith.addi %mul3A_2, %add3A_279 : i32
        %dma_start3A_281 = arith.constant 0 : i32
        %dma_start3A_282 = arith.constant 0 : i32
        %dma_start3A_283 = tpu.memref_slice %arg7[%dma_start3A_281, %add3A_280, %dma_start3A_282] : memref<5x1280x128xi32, #tpu.memory_space<hbm>> -> memref<1x1x128xi32, #tpu.memory_space<hbm>>
        %dma_start3A_284 = tpu.memref_squeeze %dma_start3A_283 : memref<1x1x128xi32, #tpu.memory_space<hbm>> -> memref<128xi32, #tpu.memory_space<hbm>>
        %dma_start3A_285 = arith.constant 0 : i32
        %dma_start3A_286 = tpu.memref_slice %arg7[%dma_start3A_281, %add3A_280, %dma_start3A_285] : memref<5x1280x128xi32, #tpu.memory_space<hbm>> -> memref<1x1x128xi32, #tpu.memory_space<hbm>>
        %dma_start3A_287 = tpu.memref_squeeze %dma_start3A_286 : memref<1x1x128xi32, #tpu.memory_space<hbm>> -> memref<128xi32, #tpu.memory_space<hbm>>
        tpu.enqueue_dma source(%dma_start3A_287 : memref<128xi32, #tpu.memory_space<hbm>>) target(%arg12 : memref<128xi32, #tpu.memory_space<vmem>>) target_semaphore(%arg23 : memref<!tpu.dma_semaphore, #tpu.memory_space<semaphore_mem>>)
        %dma_start3A_288 = arith.constant 0 : i32
        %dma_start3A_289 = arith.constant 0 : i32
        %dma_start3A_290 = tpu.memref_slice %arg8[%dma_start3A_288, %add3A_280, %dma_start3A_289] : memref<5x1280x128xi32, #tpu.memory_space<hbm>> -> memref<1x1x128xi32, #tpu.memory_space<hbm>>
        %dma_start3A_291 = tpu.memref_squeeze %dma_start3A_290 : memref<1x1x128xi32, #tpu.memory_space<hbm>> -> memref<128xi32, #tpu.memory_space<hbm>>
        %dma_start3A_292 = arith.constant 0 : i32
        %dma_start3A_293 = tpu.memref_slice %arg8[%dma_start3A_288, %add3A_280, %dma_start3A_292] : memref<5x1280x128xi32, #tpu.memory_space<hbm>> -> memref<1x1x128xi32, #tpu.memory_space<hbm>>
        %dma_start3A_294 = tpu.memref_squeeze %dma_start3A_293 : memref<1x1x128xi32, #tpu.memory_space<hbm>> -> memref<128xi32, #tpu.memory_space<hbm>>
        tpu.enqueue_dma source(%dma_start3A_294 : memref<128xi32, #tpu.memory_space<hbm>>) target(%arg14 : memref<128xi32, #tpu.memory_space<vmem>>) target_semaphore(%arg23 : memref<!tpu.dma_semaphore, #tpu.memory_space<semaphore_mem>>)
        %dma_start3A_295 = arith.constant 0 : i32
        %dma_start3A_296 = arith.constant 0 : i32
        %dma_start3A_297 = tpu.memref_slice %arg9[%dma_start3A_295, %add3A_280, %dma_start3A_296] : memref<5x1280x128xf32, #tpu.memory_space<hbm>> -> memref<1x1x128xf32, #tpu.memory_space<hbm>>
        %dma_start3A_298 = tpu.memref_squeeze %dma_start3A_297 : memref<1x1x128xf32, #tpu.memory_space<hbm>> -> memref<128xf32, #tpu.memory_space<hbm>>
        %dma_start3A_299 = arith.constant 0 : i32
        %dma_start3A_300 = tpu.memref_slice %arg9[%dma_start3A_295, %add3A_280, %dma_start3A_299] : memref<5x1280x128xf32, #tpu.memory_space<hbm>> -> memref<1x1x128xf32, #tpu.memory_space<hbm>>
        %dma_start3A_301 = tpu.memref_squeeze %dma_start3A_300 : memref<1x1x128xf32, #tpu.memory_space<hbm>> -> memref<128xf32, #tpu.memory_space<hbm>>
        tpu.enqueue_dma source(%dma_start3A_301 : memref<128xf32, #tpu.memory_space<hbm>>) target(%arg16 : memref<128xf32, #tpu.memory_space<vmem>>) target_semaphore(%arg23 : memref<!tpu.dma_semaphore, #tpu.memory_space<semaphore_mem>>)
      } else {
      }
      %mul3A_249 = arith.constant 2 : i32
      %mul3A_250 = arith.muli %scan3A_225, %mul3A_249 : i32
      %add3A_251 = arith.constant 1 : i32
      %add3A_252 = arith.addi %mul3A_250, %add3A_251 : i32
      %dma_wait3A_253 = arith.constant 0 : i32
      %dma_wait3A_254 = arith.constant 0 : i32
      %dma_wait3A_255 = tpu.memref_slice %arg2[%dma_wait3A_253, %dma_wait3A_254] : memref<10000x64xi32, #tpu.memory_space<hbm>> -> memref<10000x64xi32, #tpu.memory_space<hbm>>
      tpu.wait_indirect_dma semaphore(%arg22 : memref<!tpu.dma_semaphore, #tpu.memory_space<semaphore_mem>>) src(%dma_wait3A_255 : memref<10000x64xi32, #tpu.memory_space<hbm>>) dst(%arg19 : memref<128x64xi32, #tpu.memory_space<vmem>>)
      %add3A_256 = arith.constant 1 : i32
      %add3A_257 = arith.addi %add3A_252, %add3A_256 : i32
      %lt3A_258 = arith.constant 40 : i32
      %lt3A_259 = arith.cmpi slt, %add3A_257, %lt3A_258 : i32
      %convert_element_type3A_260 = arith.extui %lt3A_259 : i1 to i32
      %cond3A_261 = arith.constant 0 : i32
      %cond3A_262 = arith.cmpi ne, %convert_element_type3A_260, %cond3A_261 : i32
      scf.if %cond3A_262 {
        %add3A_278 = arith.constant 1 : i32
        %add3A_279 = arith.addi %add3A_252, %add3A_278 : i32
        %add3A_280 = arith.addi %mul3A_2, %add3A_279 : i32
        %dma_wait3A_281 = arith.constant 0 : i32
        %dma_wait3A_282 = arith.constant 0 : i32
        %dma_wait3A_283 = tpu.memref_slice %arg7[%dma_wait3A_281, %add3A_280, %dma_wait3A_282] : memref<5x1280x128xi32, #tpu.memory_space<hbm>> -> memref<1x1x128xi32, #tpu.memory_space<hbm>>
        %dma_wait3A_284 = tpu.memref_squeeze %dma_wait3A_283 : memref<1x1x128xi32, #tpu.memory_space<hbm>> -> memref<128xi32, #tpu.memory_space<hbm>>
        %dma_wait3A_285 = arith.constant 0 : i32
        %dma_wait3A_286 = tpu.memref_slice %arg7[%dma_wait3A_281, %add3A_280, %dma_wait3A_285] : memref<5x1280x128xi32, #tpu.memory_space<hbm>> -> memref<1x1x128xi32, #tpu.memory_space<hbm>>
        %dma_wait3A_287 = tpu.memref_squeeze %dma_wait3A_286 : memref<1x1x128xi32, #tpu.memory_space<hbm>> -> memref<128xi32, #tpu.memory_space<hbm>>
        tpu.wait_dma2 semaphore(%arg23 : memref<!tpu.dma_semaphore, #tpu.memory_space<semaphore_mem>>) src(%dma_wait3A_287 : memref<128xi32, #tpu.memory_space<hbm>>) dst(%arg12 : memref<128xi32, #tpu.memory_space<vmem>>)
        %dma_wait3A_288 = arith.constant 0 : i32
        %dma_wait3A_289 = arith.constant 0 : i32
        %dma_wait3A_290 = tpu.memref_slice %arg8[%dma_wait3A_288, %add3A_280, %dma_wait3A_289] : memref<5x1280x128xi32, #tpu.memory_space<hbm>> -> memref<1x1x128xi32, #tpu.memory_space<hbm>>
        %dma_wait3A_291 = tpu.memref_squeeze %dma_wait3A_290 : memref<1x1x128xi32, #tpu.memory_space<hbm>> -> memref<128xi32, #tpu.memory_space<hbm>>
        %dma_wait3A_292 = arith.constant 0 : i32
        %dma_wait3A_293 = tpu.memref_slice %arg8[%dma_wait3A_288, %add3A_280, %dma_wait3A_292] : memref<5x1280x128xi32, #tpu.memory_space<hbm>> -> memref<1x1x128xi32, #tpu.memory_space<hbm>>
        %dma_wait3A_294 = tpu.memref_squeeze %dma_wait3A_293 : memref<1x1x128xi32, #tpu.memory_space<hbm>> -> memref<128xi32, #tpu.memory_space<hbm>>
        tpu.wait_dma2 semaphore(%arg23 : memref<!tpu.dma_semaphore, #tpu.memory_space<semaphore_mem>>) src(%dma_wait3A_294 : memref<128xi32, #tpu.memory_space<hbm>>) dst(%arg14 : memref<128xi32, #tpu.memory_space<vmem>>)
        %dma_wait3A_295 = arith.constant 0 : i32
        %dma_wait3A_296 = arith.constant 0 : i32
        %dma_wait3A_297 = tpu.memref_slice %arg9[%dma_wait3A_295, %add3A_280, %dma_wait3A_296] : memref<5x1280x128xf32, #tpu.memory_space<hbm>> -> memref<1x1x128xf32, #tpu.memory_space<hbm>>
        %dma_wait3A_298 = tpu.memref_squeeze %dma_wait3A_297 : memref<1x1x128xf32, #tpu.memory_space<hbm>> -> memref<128xf32, #tpu.memory_space<hbm>>
        %dma_wait3A_299 = arith.constant 0 : i32
        %dma_wait3A_300 = tpu.memref_slice %arg9[%dma_wait3A_295, %add3A_280, %dma_wait3A_299] : memref<5x1280x128xf32, #tpu.memory_space<hbm>> -> memref<1x1x128xf32, #tpu.memory_space<hbm>>
        %dma_wait3A_301 = tpu.memref_squeeze %dma_wait3A_300 : memref<1x1x128xf32, #tpu.memory_space<hbm>> -> memref<128xf32, #tpu.memory_space<hbm>>
        tpu.wait_dma2 semaphore(%arg23 : memref<!tpu.dma_semaphore, #tpu.memory_space<semaphore_mem>>) src(%dma_wait3A_301 : memref<128xf32, #tpu.memory_space<hbm>>) dst(%arg16 : memref<128xf32, #tpu.memory_space<vmem>>)
        %dma_start3A_302 = arith.constant 0 : i32
        %dma_start3A_303 = arith.constant 0 : i32
        %dma_start3A_304 = tpu.memref_slice %arg2[%dma_start3A_302, %dma_start3A_303] : memref<10000x64xi32, #tpu.memory_space<hbm>> -> memref<10000x64xi32, #tpu.memory_space<hbm>>
        tpu.enqueue_indirect_dma source(%dma_start3A_304 : memref<10000x64xi32, #tpu.memory_space<hbm>>) target(%arg18 : memref<128x64xi32, #tpu.memory_space<vmem>>) offsets(%arg12 : memref<128xi32, #tpu.memory_space<vmem>>) semaphore(%arg21 : memref<!tpu.dma_semaphore, #tpu.memory_space<semaphore_mem>>)
      } else {
      }
      %broadcast_in_dim3A_263 = arith.constant -65536 : i32
      %broadcast_in_dim3A_264 = vector.broadcast %broadcast_in_dim3A_263 : i32 to vector<16xi32>
      %scan3A_265 = arith.constant 0 : i32
      %scan3A_266 = arith.constant 0 : i32
      %scan3A_267 = arith.constant 128 : i32
      %scan3A_268 = arith.addi %scan3A_266, %scan3A_267 : i32
      %scan3A_269 = arith.constant 1 : i32
      scf.for %scan3A_278 = %scan3A_266 to %scan3A_268 step %scan3A_269  : i32 {
        %broadcast_in_dim3A_279 = vector.broadcast %scan3A_278 : i32 to vector<16xi32>
        %gather3A = tpu.vector_load_idx %arg17[%broadcast_in_dim3A_279] : memref<128xf32, #tpu.memory_space<vmem>>[vector<16xi32>], vector<16xf32>,
        %get3A = arith.index_cast %scan3A_278 : i32 to index
        %get3A_280 = arith.constant 0 : index
        %get3A_281 = tpu.vector_load %arg19[%get3A, %get3A_280] {strides = array<i32>} : memref<128x64xi32, #tpu.memory_space<vmem>>, vector<16xi32>,
        %shift_left3A = arith.constant 16 : i32
        %shift_left3A_282 = vector.broadcast %shift_left3A : i32 to vector<16xi32>
        %shift_left3A_283 = arith.shli %get3A_281, %shift_left3A_282 : vector<16xi32>
        %bitcast3A = vector.bitcast %shift_left3A_283 : vector<16xi32> to vector<16xf32>
        %and3A = arith.andi %get3A_281, %broadcast_in_dim3A_264 : vector<16xi32>
        %bitcast3A_284 = vector.bitcast %and3A : vector<16xi32> to vector<16xf32>
        %mul3A_285 = arith.mulf %bitcast3A, %gather3A : vector<16xf32>
        %swap3A = arith.index_cast %scan3A_278 : i32 to index
        %swap3A_286 = arith.constant 0 : index
        %swap3A_287 = tpu.vector_load %arg20[%swap3A, %swap3A_286] {strides = array<i32>} : memref<128x128xf32, #tpu.memory_space<vmem>>, vector<16xf32>,
        tpu.vector_store %arg20[%swap3A, %swap3A_286], %mul3A_285 {strides = array<i32>} : memref<128x128xf32, #tpu.memory_space<vmem>>, vector<16xf32>,
        %mul3A_288 = arith.mulf %bitcast3A_284, %gather3A : vector<16xf32>
        %swap3A_289 = arith.index_cast %scan3A_278 : i32 to index
        %swap3A_290 = arith.constant 64 : index
        %swap3A_291 = tpu.vector_load %arg20[%swap3A_289, %swap3A_290] {strides = array<i32>} : memref<128x128xf32, #tpu.memory_space<vmem>>, vector<16xf32>,
        tpu.vector_store %arg20[%swap3A_289, %swap3A_290], %mul3A_288 {strides = array<i32>} : memref<128x128xf32, #tpu.memory_space<vmem>>, vector<16xf32>,
        %get3A_292 = arith.index_cast %scan3A_278 : i32 to index
        %get3A_293 = arith.constant 16 : index
        %get3A_294 = tpu.vector_load %arg19[%get3A_292, %get3A_293] {strides = array<i32>} : memref<128x64xi32, #tpu.memory_space<vmem>>, vector<16xi32>,
        %shift_left3A_295 = arith.constant 16 : i32
        %shift_left3A_296 = vector.broadcast %shift_left3A_295 : i32 to vector<16xi32>
        %shift_left3A_297 = arith.shli %get3A_294, %shift_left3A_296 : vector<16xi32>
        %bitcast3A_298 = vector.bitcast %shift_left3A_297 : vector<16xi32> to vector<16xf32>
        %and3A_299 = arith.andi %get3A_294, %broadcast_in_dim3A_264 : vector<16xi32>
        %bitcast3A_300 = vector.bitcast %and3A_299 : vector<16xi32> to vector<16xf32>
        %mul3A_301 = arith.mulf %bitcast3A_298, %gather3A : vector<16xf32>
        %swap3A_302 = arith.index_cast %scan3A_278 : i32 to index
        %swap3A_303 = arith.constant 16 : index
        %swap3A_304 = tpu.vector_load %arg20[%swap3A_302, %swap3A_303] {strides = array<i32>} : memref<128x128xf32, #tpu.memory_space<vmem>>, vector<16xf32>,
        tpu.vector_store %arg20[%swap3A_302, %swap3A_303], %mul3A_301 {strides = array<i32>} : memref<128x128xf32, #tpu.memory_space<vmem>>, vector<16xf32>,
        %mul3A_305 = arith.mulf %bitcast3A_300, %gather3A : vector<16xf32>
        %swap3A_306 = arith.index_cast %scan3A_278 : i32 to index
        %swap3A_307 = arith.constant 80 : index
        %swap3A_308 = tpu.vector_load %arg20[%swap3A_306, %swap3A_307] {strides = array<i32>} : memref<128x128xf32, #tpu.memory_space<vmem>>, vector<16xf32>,
        tpu.vector_store %arg20[%swap3A_306, %swap3A_307], %mul3A_305 {strides = array<i32>} : memref<128x128xf32, #tpu.memory_space<vmem>>, vector<16xf32>,
        %get3A_309 = arith.index_cast %scan3A_278 : i32 to index
        %get3A_310 = arith.constant 32 : index
        %get3A_311 = tpu.vector_load %arg19[%get3A_309, %get3A_310] {strides = array<i32>} : memref<128x64xi32, #tpu.memory_space<vmem>>, vector<16xi32>,
        %shift_left3A_312 = arith.constant 16 : i32
        %shift_left3A_313 = vector.broadcast %shift_left3A_312 : i32 to vector<16xi32>
        %shift_left3A_314 = arith.shli %get3A_311, %shift_left3A_313 : vector<16xi32>
        %bitcast3A_315 = vector.bitcast %shift_left3A_314 : vector<16xi32> to vector<16xf32>
        %and3A_316 = arith.andi %get3A_311, %broadcast_in_dim3A_264 : vector<16xi32>
        %bitcast3A_317 = vector.bitcast %and3A_316 : vector<16xi32> to vector<16xf32>
        %mul3A_318 = arith.mulf %bitcast3A_315, %gather3A : vector<16xf32>
        %swap3A_319 = arith.index_cast %scan3A_278 : i32 to index
        %swap3A_320 = arith.constant 32 : index
        %swap3A_321 = tpu.vector_load %arg20[%swap3A_319, %swap3A_320] {strides = array<i32>} : memref<128x128xf32, #tpu.memory_space<vmem>>, vector<16xf32>,
        tpu.vector_store %arg20[%swap3A_319, %swap3A_320], %mul3A_318 {strides = array<i32>} : memref<128x128xf32, #tpu.memory_space<vmem>>, vector<16xf32>,
        %mul3A_322 = arith.mulf %bitcast3A_317, %gather3A : vector<16xf32>
        %swap3A_323 = arith.index_cast %scan3A_278 : i32 to index
        %swap3A_324 = arith.constant 96 : index
        %swap3A_325 = tpu.vector_load %arg20[%swap3A_323, %swap3A_324] {strides = array<i32>} : memref<128x128xf32, #tpu.memory_space<vmem>>, vector<16xf32>,
        tpu.vector_store %arg20[%swap3A_323, %swap3A_324], %mul3A_322 {strides = array<i32>} : memref<128x128xf32, #tpu.memory_space<vmem>>, vector<16xf32>,
        %get3A_326 = arith.index_cast %scan3A_278 : i32 to index
        %get3A_327 = arith.constant 48 : index
        %get3A_328 = tpu.vector_load %arg19[%get3A_326, %get3A_327] {strides = array<i32>} : memref<128x64xi32, #tpu.memory_space<vmem>>, vector<16xi32>,
        %shift_left3A_329 = arith.constant 16 : i32
        %shift_left3A_330 = vector.broadcast %shift_left3A_329 : i32 to vector<16xi32>
        %shift_left3A_331 = arith.shli %get3A_328, %shift_left3A_330 : vector<16xi32>
        %bitcast3A_332 = vector.bitcast %shift_left3A_331 : vector<16xi32> to vector<16xf32>
        %and3A_333 = arith.andi %get3A_328, %broadcast_in_dim3A_264 : vector<16xi32>
        %bitcast3A_334 = vector.bitcast %and3A_333 : vector<16xi32> to vector<16xf32>
        %mul3A_335 = arith.mulf %bitcast3A_332, %gather3A : vector<16xf32>
        %swap3A_336 = arith.index_cast %scan3A_278 : i32 to index
        %swap3A_337 = arith.constant 48 : index
        %swap3A_338 = tpu.vector_load %arg20[%swap3A_336, %swap3A_337] {strides = array<i32>} : memref<128x128xf32, #tpu.memory_space<vmem>>, vector<16xf32>,
        tpu.vector_store %arg20[%swap3A_336, %swap3A_337], %mul3A_335 {strides = array<i32>} : memref<128x128xf32, #tpu.memory_space<vmem>>, vector<16xf32>,
        %mul3A_339 = arith.mulf %bitcast3A_334, %gather3A : vector<16xf32>
        %swap3A_340 = arith.index_cast %scan3A_278 : i32 to index
        %swap3A_341 = arith.constant 112 : index
        %swap3A_342 = tpu.vector_load %arg20[%swap3A_340, %swap3A_341] {strides = array<i32>} : memref<128x128xf32, #tpu.memory_space<vmem>>, vector<16xf32>,
        tpu.vector_store %arg20[%swap3A_340, %swap3A_341], %mul3A_339 {strides = array<i32>} : memref<128x128xf32, #tpu.memory_space<vmem>>, vector<16xf32>,
      }
      %scan3A_270 = arith.constant 128 : i32
      "tpu.region"() ({
        %run_scoped3A_278 = tpu.sem_alloc : memref<!tpu.dma_semaphore, #tpu.memory_space<semaphore_mem>>
        %dma_start3A_279 = arith.constant 0 : i32
        %dma_start3A_280 = arith.constant 0 : i32
        %dma_start3A_281 = tpu.memref_slice %arg25[%dma_start3A_279, %dma_start3A_280] : memref<10240x128xf32, #tpu.memory_space<vmem_shared>> -> memref<10240x128xf32, #tpu.memory_space<vmem_shared>>
        tpu.enqueue_indirect_dma source(%arg20 : memref<128x128xf32, #tpu.memory_space<vmem>>) target(%dma_start3A_281 : memref<10240x128xf32, #tpu.memory_space<vmem_shared>>) offsets(%arg15 : memref<128xi32, #tpu.memory_space<vmem>>) semaphore(%run_scoped3A_278 : memref<!tpu.dma_semaphore, #tpu.memory_space<semaphore_mem>>) {add = true}
        %dma_wait3A_282 = arith.constant 0 : i32
        %dma_wait3A_283 = arith.constant 0 : i32
        %dma_wait3A_284 = tpu.memref_slice %arg25[%dma_wait3A_282, %dma_wait3A_283] : memref<10240x128xf32, #tpu.memory_space<vmem_shared>> -> memref<10240x128xf32, #tpu.memory_space<vmem_shared>>
        tpu.wait_indirect_dma semaphore(%run_scoped3A_278 : memref<!tpu.dma_semaphore, #tpu.memory_space<semaphore_mem>>) src(%arg20 : memref<128x128xf32, #tpu.memory_space<vmem>>) dst(%dma_wait3A_284 : memref<10240x128xf32, #tpu.memory_space<vmem_shared>>)
        tpu.yield
      }) : () -> ()
      %add3A_271 = arith.constant 2 : i32
      %add3A_272 = arith.addi %add3A_252, %add3A_271 : i32
      %lt3A_273 = arith.constant 40 : i32
      %lt3A_274 = arith.cmpi slt, %add3A_272, %lt3A_273 : i32
      %convert_element_type3A_275 = arith.extui %lt3A_274 : i1 to i32
      %cond3A_276 = arith.constant 0 : i32
      %cond3A_277 = arith.cmpi ne, %convert_element_type3A_275, %cond3A_276 : i32
      scf.if %cond3A_277 {
        %add3A_278 = arith.constant 2 : i32
        %add3A_279 = arith.addi %add3A_252, %add3A_278 : i32
        %add3A_280 = arith.addi %mul3A_2, %add3A_279 : i32
        %dma_start3A_281 = arith.constant 0 : i32
        %dma_start3A_282 = arith.constant 0 : i32
        %dma_start3A_283 = tpu.memref_slice %arg7[%dma_start3A_281, %add3A_280, %dma_start3A_282] : memref<5x1280x128xi32, #tpu.memory_space<hbm>> -> memref<1x1x128xi32, #tpu.memory_space<hbm>>
        %dma_start3A_284 = tpu.memref_squeeze %dma_start3A_283 : memref<1x1x128xi32, #tpu.memory_space<hbm>> -> memref<128xi32, #tpu.memory_space<hbm>>
        %dma_start3A_285 = arith.constant 0 : i32
        %dma_start3A_286 = tpu.memref_slice %arg7[%dma_start3A_281, %add3A_280, %dma_start3A_285] : memref<5x1280x128xi32, #tpu.memory_space<hbm>> -> memref<1x1x128xi32, #tpu.memory_space<hbm>>
        %dma_start3A_287 = tpu.memref_squeeze %dma_start3A_286 : memref<1x1x128xi32, #tpu.memory_space<hbm>> -> memref<128xi32, #tpu.memory_space<hbm>>
        tpu.enqueue_dma source(%dma_start3A_287 : memref<128xi32, #tpu.memory_space<hbm>>) target(%arg13 : memref<128xi32, #tpu.memory_space<vmem>>) target_semaphore(%arg24 : memref<!tpu.dma_semaphore, #tpu.memory_space<semaphore_mem>>)
        %dma_start3A_288 = arith.constant 0 : i32
        %dma_start3A_289 = arith.constant 0 : i32
        %dma_start3A_290 = tpu.memref_slice %arg8[%dma_start3A_288, %add3A_280, %dma_start3A_289] : memref<5x1280x128xi32, #tpu.memory_space<hbm>> -> memref<1x1x128xi32, #tpu.memory_space<hbm>>
        %dma_start3A_291 = tpu.memref_squeeze %dma_start3A_290 : memref<1x1x128xi32, #tpu.memory_space<hbm>> -> memref<128xi32, #tpu.memory_space<hbm>>
        %dma_start3A_292 = arith.constant 0 : i32
        %dma_start3A_293 = tpu.memref_slice %arg8[%dma_start3A_288, %add3A_280, %dma_start3A_292] : memref<5x1280x128xi32, #tpu.memory_space<hbm>> -> memref<1x1x128xi32, #tpu.memory_space<hbm>>
        %dma_start3A_294 = tpu.memref_squeeze %dma_start3A_293 : memref<1x1x128xi32, #tpu.memory_space<hbm>> -> memref<128xi32, #tpu.memory_space<hbm>>
        tpu.enqueue_dma source(%dma_start3A_294 : memref<128xi32, #tpu.memory_space<hbm>>) target(%arg15 : memref<128xi32, #tpu.memory_space<vmem>>) target_semaphore(%arg24 : memref<!tpu.dma_semaphore, #tpu.memory_space<semaphore_mem>>)
        %dma_start3A_295 = arith.constant 0 : i32
        %dma_start3A_296 = arith.constant 0 : i32
        %dma_start3A_297 = tpu.memref_slice %arg9[%dma_start3A_295, %add3A_280, %dma_start3A_296] : memref<5x1280x128xf32, #tpu.memory_space<hbm>> -> memref<1x1x128xf32, #tpu.memory_space<hbm>>
        %dma_start3A_298 = tpu.memref_squeeze %dma_start3A_297 : memref<1x1x128xf32, #tpu.memory_space<hbm>> -> memref<128xf32, #tpu.memory_space<hbm>>
        %dma_start3A_299 = arith.constant 0 : i32
        %dma_start3A_300 = tpu.memref_slice %arg9[%dma_start3A_295, %add3A_280, %dma_start3A_299] : memref<5x1280x128xf32, #tpu.memory_space<hbm>> -> memref<1x1x128xf32, #tpu.memory_space<hbm>>
        %dma_start3A_301 = tpu.memref_squeeze %dma_start3A_300 : memref<1x1x128xf32, #tpu.memory_space<hbm>> -> memref<128xf32, #tpu.memory_space<hbm>>
        tpu.enqueue_dma source(%dma_start3A_301 : memref<128xf32, #tpu.memory_space<hbm>>) target(%arg17 : memref<128xf32, #tpu.memory_space<vmem>>) target_semaphore(%arg24 : memref<!tpu.dma_semaphore, #tpu.memory_space<semaphore_mem>>)
      } else {
      }
    }
    %scan3A_49 = arith.constant 20 : i32
    %add3A_50 = arith.constant 0 : i32
    %add3A_51 = arith.addi %mul3A_2, %add3A_50 : i32
    %run_scoped3A_52 = arith.constant 1 : i32
    "tpu.region"() ({
      %run_scoped3A_225 = tpu.sem_alloc : memref<!tpu.dma_semaphore, #tpu.memory_space<semaphore_mem>>
      %dma_start3A_226 = arith.constant 0 : i32
      %dma_start3A_227 = tpu.memref_slice %arg7[%run_scoped3A_52, %add3A_51, %dma_start3A_226] : memref<5x1280x128xi32, #tpu.memory_space<hbm>> -> memref<1x1x128xi32, #tpu.memory_space<hbm>>
      %dma_start3A_228 = tpu.memref_squeeze %dma_start3A_227 : memref<1x1x128xi32, #tpu.memory_space<hbm>> -> memref<128xi32, #tpu.memory_space<hbm>>
      %dma_start3A_229 = arith.constant 0 : i32
      %dma_start3A_230 = tpu.memref_slice %arg7[%run_scoped3A_52, %add3A_51, %dma_start3A_229] : memref<5x1280x128xi32, #tpu.memory_space<hbm>> -> memref<1x1x128xi32, #tpu.memory_space<hbm>>
      %dma_start3A_231 = tpu.memref_squeeze %dma_start3A_230 : memref<1x1x128xi32, #tpu.memory_space<hbm>> -> memref<128xi32, #tpu.memory_space<hbm>>
      tpu.enqueue_dma source(%dma_start3A_231 : memref<128xi32, #tpu.memory_space<hbm>>) target(%arg12 : memref<128xi32, #tpu.memory_space<vmem>>) target_semaphore(%run_scoped3A_225 : memref<!tpu.dma_semaphore, #tpu.memory_space<semaphore_mem>>)
      %dma_wait3A = arith.constant 0 : i32
      %dma_wait3A_232 = tpu.memref_slice %arg7[%run_scoped3A_52, %add3A_51, %dma_wait3A] : memref<5x1280x128xi32, #tpu.memory_space<hbm>> -> memref<1x1x128xi32, #tpu.memory_space<hbm>>
      %dma_wait3A_233 = tpu.memref_squeeze %dma_wait3A_232 : memref<1x1x128xi32, #tpu.memory_space<hbm>> -> memref<128xi32, #tpu.memory_space<hbm>>
      %dma_wait3A_234 = arith.constant 0 : i32
      %dma_wait3A_235 = tpu.memref_slice %arg7[%run_scoped3A_52, %add3A_51, %dma_wait3A_234] : memref<5x1280x128xi32, #tpu.memory_space<hbm>> -> memref<1x1x128xi32, #tpu.memory_space<hbm>>
      %dma_wait3A_236 = tpu.memref_squeeze %dma_wait3A_235 : memref<1x1x128xi32, #tpu.memory_space<hbm>> -> memref<128xi32, #tpu.memory_space<hbm>>
      tpu.wait_dma2 semaphore(%run_scoped3A_225 : memref<!tpu.dma_semaphore, #tpu.memory_space<semaphore_mem>>) src(%dma_wait3A_236 : memref<128xi32, #tpu.memory_space<hbm>>) dst(%arg12 : memref<128xi32, #tpu.memory_space<vmem>>)
      tpu.yield
    }) : () -> ()
    %run_scoped3A_53 = arith.constant 1 : i32
    "tpu.region"() ({
      %run_scoped3A_225 = tpu.sem_alloc : memref<!tpu.dma_semaphore, #tpu.memory_space<semaphore_mem>>
      %dma_start3A_226 = arith.constant 0 : i32
      %dma_start3A_227 = tpu.memref_slice %arg8[%run_scoped3A_53, %add3A_51, %dma_start3A_226] : memref<5x1280x128xi32, #tpu.memory_space<hbm>> -> memref<1x1x128xi32, #tpu.memory_space<hbm>>
      %dma_start3A_228 = tpu.memref_squeeze %dma_start3A_227 : memref<1x1x128xi32, #tpu.memory_space<hbm>> -> memref<128xi32, #tpu.memory_space<hbm>>
      %dma_start3A_229 = arith.constant 0 : i32
      %dma_start3A_230 = tpu.memref_slice %arg8[%run_scoped3A_53, %add3A_51, %dma_start3A_229] : memref<5x1280x128xi32, #tpu.memory_space<hbm>> -> memref<1x1x128xi32, #tpu.memory_space<hbm>>
      %dma_start3A_231 = tpu.memref_squeeze %dma_start3A_230 : memref<1x1x128xi32, #tpu.memory_space<hbm>> -> memref<128xi32, #tpu.memory_space<hbm>>
      tpu.enqueue_dma source(%dma_start3A_231 : memref<128xi32, #tpu.memory_space<hbm>>) target(%arg14 : memref<128xi32, #tpu.memory_space<vmem>>) target_semaphore(%run_scoped3A_225 : memref<!tpu.dma_semaphore, #tpu.memory_space<semaphore_mem>>)
      %dma_wait3A = arith.constant 0 : i32
      %dma_wait3A_232 = tpu.memref_slice %arg8[%run_scoped3A_53, %add3A_51, %dma_wait3A] : memref<5x1280x128xi32, #tpu.memory_space<hbm>> -> memref<1x1x128xi32, #tpu.memory_space<hbm>>
      %dma_wait3A_233 = tpu.memref_squeeze %dma_wait3A_232 : memref<1x1x128xi32, #tpu.memory_space<hbm>> -> memref<128xi32, #tpu.memory_space<hbm>>
      %dma_wait3A_234 = arith.constant 0 : i32
      %dma_wait3A_235 = tpu.memref_slice %arg8[%run_scoped3A_53, %add3A_51, %dma_wait3A_234] : memref<5x1280x128xi32, #tpu.memory_space<hbm>> -> memref<1x1x128xi32, #tpu.memory_space<hbm>>
      %dma_wait3A_236 = tpu.memref_squeeze %dma_wait3A_235 : memref<1x1x128xi32, #tpu.memory_space<hbm>> -> memref<128xi32, #tpu.memory_space<hbm>>
      tpu.wait_dma2 semaphore(%run_scoped3A_225 : memref<!tpu.dma_semaphore, #tpu.memory_space<semaphore_mem>>) src(%dma_wait3A_236 : memref<128xi32, #tpu.memory_space<hbm>>) dst(%arg14 : memref<128xi32, #tpu.memory_space<vmem>>)
      tpu.yield
    }) : () -> ()
    %run_scoped3A_54 = arith.constant 1 : i32
    "tpu.region"() ({
      %run_scoped3A_225 = tpu.sem_alloc : memref<!tpu.dma_semaphore, #tpu.memory_space<semaphore_mem>>
      %dma_start3A_226 = arith.constant 0 : i32
      %dma_start3A_227 = tpu.memref_slice %arg9[%run_scoped3A_54, %add3A_51, %dma_start3A_226] : memref<5x1280x128xf32, #tpu.memory_space<hbm>> -> memref<1x1x128xf32, #tpu.memory_space<hbm>>
      %dma_start3A_228 = tpu.memref_squeeze %dma_start3A_227 : memref<1x1x128xf32, #tpu.memory_space<hbm>> -> memref<128xf32, #tpu.memory_space<hbm>>
      %dma_start3A_229 = arith.constant 0 : i32
      %dma_start3A_230 = tpu.memref_slice %arg9[%run_scoped3A_54, %add3A_51, %dma_start3A_229] : memref<5x1280x128xf32, #tpu.memory_space<hbm>> -> memref<1x1x128xf32, #tpu.memory_space<hbm>>
      %dma_start3A_231 = tpu.memref_squeeze %dma_start3A_230 : memref<1x1x128xf32, #tpu.memory_space<hbm>> -> memref<128xf32, #tpu.memory_space<hbm>>
      tpu.enqueue_dma source(%dma_start3A_231 : memref<128xf32, #tpu.memory_space<hbm>>) target(%arg16 : memref<128xf32, #tpu.memory_space<vmem>>) target_semaphore(%run_scoped3A_225 : memref<!tpu.dma_semaphore, #tpu.memory_space<semaphore_mem>>)
      %dma_wait3A = arith.constant 0 : i32
      %dma_wait3A_232 = tpu.memref_slice %arg9[%run_scoped3A_54, %add3A_51, %dma_wait3A] : memref<5x1280x128xf32, #tpu.memory_space<hbm>> -> memref<1x1x128xf32, #tpu.memory_space<hbm>>
      %dma_wait3A_233 = tpu.memref_squeeze %dma_wait3A_232 : memref<1x1x128xf32, #tpu.memory_space<hbm>> -> memref<128xf32, #tpu.memory_space<hbm>>
      %dma_wait3A_234 = arith.constant 0 : i32
      %dma_wait3A_235 = tpu.memref_slice %arg9[%run_scoped3A_54, %add3A_51, %dma_wait3A_234] : memref<5x1280x128xf32, #tpu.memory_space<hbm>> -> memref<1x1x128xf32, #tpu.memory_space<hbm>>
      %dma_wait3A_236 = tpu.memref_squeeze %dma_wait3A_235 : memref<1x1x128xf32, #tpu.memory_space<hbm>> -> memref<128xf32, #tpu.memory_space<hbm>>
      tpu.wait_dma2 semaphore(%run_scoped3A_225 : memref<!tpu.dma_semaphore, #tpu.memory_space<semaphore_mem>>) src(%dma_wait3A_236 : memref<128xf32, #tpu.memory_space<hbm>>) dst(%arg16 : memref<128xf32, #tpu.memory_space<vmem>>)
      tpu.yield
    }) : () -> ()
    %dma_start3A_55 = arith.constant 0 : i32
    %dma_start3A_56 = arith.constant 0 : i32
    %dma_start3A_57 = tpu.memref_slice %arg3[%dma_start3A_55, %dma_start3A_56] : memref<10000x64xi32, #tpu.memory_space<hbm>> -> memref<10000x64xi32, #tpu.memory_space<hbm>>
    tpu.enqueue_indirect_dma source(%dma_start3A_57 : memref<10000x64xi32, #tpu.memory_space<hbm>>) target(%arg18 : memref<128x64xi32, #tpu.memory_space<vmem>>) offsets(%arg12 : memref<128xi32, #tpu.memory_space<vmem>>) semaphore(%arg21 : memref<!tpu.dma_semaphore, #tpu.memory_space<semaphore_mem>>)
    %add3A_58 = arith.constant 1 : i32
    %add3A_59 = arith.addi %mul3A_2, %add3A_58 : i32
    %dma_start3A_60 = arith.constant 1 : i32
    %dma_start3A_61 = arith.constant 0 : i32
    %dma_start3A_62 = tpu.memref_slice %arg7[%dma_start3A_60, %add3A_59, %dma_start3A_61] : memref<5x1280x128xi32, #tpu.memory_space<hbm>> -> memref<1x1x128xi32, #tpu.memory_space<hbm>>
    %dma_start3A_63 = tpu.memref_squeeze %dma_start3A_62 : memref<1x1x128xi32, #tpu.memory_space<hbm>> -> memref<128xi32, #tpu.memory_space<hbm>>
    %dma_start3A_64 = arith.constant 0 : i32
    %dma_start3A_65 = tpu.memref_slice %arg7[%dma_start3A_60, %add3A_59, %dma_start3A_64] : memref<5x1280x128xi32, #tpu.memory_space<hbm>> -> memref<1x1x128xi32, #tpu.memory_space<hbm>>
    %dma_start3A_66 = tpu.memref_squeeze %dma_start3A_65 : memref<1x1x128xi32, #tpu.memory_space<hbm>> -> memref<128xi32, #tpu.memory_space<hbm>>
    tpu.enqueue_dma source(%dma_start3A_66 : memref<128xi32, #tpu.memory_space<hbm>>) target(%arg13 : memref<128xi32, #tpu.memory_space<vmem>>) target_semaphore(%arg24 : memref<!tpu.dma_semaphore, #tpu.memory_space<semaphore_mem>>)
    %dma_start3A_67 = arith.constant 1 : i32
    %dma_start3A_68 = arith.constant 0 : i32
    %dma_start3A_69 = tpu.memref_slice %arg8[%dma_start3A_67, %add3A_59, %dma_start3A_68] : memref<5x1280x128xi32, #tpu.memory_space<hbm>> -> memref<1x1x128xi32, #tpu.memory_space<hbm>>
    %dma_start3A_70 = tpu.memref_squeeze %dma_start3A_69 : memref<1x1x128xi32, #tpu.memory_space<hbm>> -> memref<128xi32, #tpu.memory_space<hbm>>
    %dma_start3A_71 = arith.constant 0 : i32
    %dma_start3A_72 = tpu.memref_slice %arg8[%dma_start3A_67, %add3A_59, %dma_start3A_71] : memref<5x1280x128xi32, #tpu.memory_space<hbm>> -> memref<1x1x128xi32, #tpu.memory_space<hbm>>
    %dma_start3A_73 = tpu.memref_squeeze %dma_start3A_72 : memref<1x1x128xi32, #tpu.memory_space<hbm>> -> memref<128xi32, #tpu.memory_space<hbm>>
    tpu.enqueue_dma source(%dma_start3A_73 : memref<128xi32, #tpu.memory_space<hbm>>) target(%arg15 : memref<128xi32, #tpu.memory_space<vmem>>) target_semaphore(%arg24 : memref<!tpu.dma_semaphore, #tpu.memory_space<semaphore_mem>>)
    %dma_start3A_74 = arith.constant 1 : i32
    %dma_start3A_75 = arith.constant 0 : i32
    %dma_start3A_76 = tpu.memref_slice %arg9[%dma_start3A_74, %add3A_59, %dma_start3A_75] : memref<5x1280x128xf32, #tpu.memory_space<hbm>> -> memref<1x1x128xf32, #tpu.memory_space<hbm>>
    %dma_start3A_77 = tpu.memref_squeeze %dma_start3A_76 : memref<1x1x128xf32, #tpu.memory_space<hbm>> -> memref<128xf32, #tpu.memory_space<hbm>>
    %dma_start3A_78 = arith.constant 0 : i32
    %dma_start3A_79 = tpu.memref_slice %arg9[%dma_start3A_74, %add3A_59, %dma_start3A_78] : memref<5x1280x128xf32, #tpu.memory_space<hbm>> -> memref<1x1x128xf32, #tpu.memory_space<hbm>>
    %dma_start3A_80 = tpu.memref_squeeze %dma_start3A_79 : memref<1x1x128xf32, #tpu.memory_space<hbm>> -> memref<128xf32, #tpu.memory_space<hbm>>
    tpu.enqueue_dma source(%dma_start3A_80 : memref<128xf32, #tpu.memory_space<hbm>>) target(%arg17 : memref<128xf32, #tpu.memory_space<vmem>>) target_semaphore(%arg24 : memref<!tpu.dma_semaphore, #tpu.memory_space<semaphore_mem>>)
    %scan3A_81 = arith.constant 0 : i32
    %scan3A_82 = arith.constant 0 : i32
    %scan3A_83 = arith.constant 20 : i32
    %scan3A_84 = arith.addi %scan3A_82, %scan3A_83 : i32
    %scan3A_85 = arith.constant 1 : i32
    scf.for %scan3A_225 = %scan3A_82 to %scan3A_84 step %scan3A_85  : i32 {
      %mul3A_226 = arith.constant 2 : i32
      %mul3A_227 = arith.muli %scan3A_225, %mul3A_226 : i32
      %dma_wait3A = arith.constant 0 : i32
      %dma_wait3A_228 = arith.constant 0 : i32
      %dma_wait3A_229 = tpu.memref_slice %arg3[%dma_wait3A, %dma_wait3A_228] : memref<10000x64xi32, #tpu.memory_space<hbm>> -> memref<10000x64xi32, #tpu.memory_space<hbm>>
      tpu.wait_indirect_dma semaphore(%arg21 : memref<!tpu.dma_semaphore, #tpu.memory_space<semaphore_mem>>) src(%dma_wait3A_229 : memref<10000x64xi32, #tpu.memory_space<hbm>>) dst(%arg18 : memref<128x64xi32, #tpu.memory_space<vmem>>)
      %add3A_230 = arith.constant 1 : i32
      %add3A_231 = arith.addi %mul3A_227, %add3A_230 : i32
      %lt3A = arith.constant 40 : i32
      %lt3A_232 = arith.cmpi slt, %add3A_231, %lt3A : i32
      %convert_element_type3A = arith.extui %lt3A_232 : i1 to i32
      %cond3A = arith.constant 0 : i32
      %cond3A_233 = arith.cmpi ne, %convert_element_type3A, %cond3A : i32
      scf.if %cond3A_233 {
        %add3A_278 = arith.constant 1 : i32
        %add3A_279 = arith.addi %mul3A_227, %add3A_278 : i32
        %add3A_280 = arith.addi %mul3A_2, %add3A_279 : i32
        %dma_wait3A_281 = arith.constant 1 : i32
        %dma_wait3A_282 = arith.constant 0 : i32
        %dma_wait3A_283 = tpu.memref_slice %arg7[%dma_wait3A_281, %add3A_280, %dma_wait3A_282] : memref<5x1280x128xi32, #tpu.memory_space<hbm>> -> memref<1x1x128xi32, #tpu.memory_space<hbm>>
        %dma_wait3A_284 = tpu.memref_squeeze %dma_wait3A_283 : memref<1x1x128xi32, #tpu.memory_space<hbm>> -> memref<128xi32, #tpu.memory_space<hbm>>
        %dma_wait3A_285 = arith.constant 0 : i32
        %dma_wait3A_286 = tpu.memref_slice %arg7[%dma_wait3A_281, %add3A_280, %dma_wait3A_285] : memref<5x1280x128xi32, #tpu.memory_space<hbm>> -> memref<1x1x128xi32, #tpu.memory_space<hbm>>
        %dma_wait3A_287 = tpu.memref_squeeze %dma_wait3A_286 : memref<1x1x128xi32, #tpu.memory_space<hbm>> -> memref<128xi32, #tpu.memory_space<hbm>>
        tpu.wait_dma2 semaphore(%arg24 : memref<!tpu.dma_semaphore, #tpu.memory_space<semaphore_mem>>) src(%dma_wait3A_287 : memref<128xi32, #tpu.memory_space<hbm>>) dst(%arg13 : memref<128xi32, #tpu.memory_space<vmem>>)
        %dma_wait3A_288 = arith.constant 1 : i32
        %dma_wait3A_289 = arith.constant 0 : i32
        %dma_wait3A_290 = tpu.memref_slice %arg8[%dma_wait3A_288, %add3A_280, %dma_wait3A_289] : memref<5x1280x128xi32, #tpu.memory_space<hbm>> -> memref<1x1x128xi32, #tpu.memory_space<hbm>>
        %dma_wait3A_291 = tpu.memref_squeeze %dma_wait3A_290 : memref<1x1x128xi32, #tpu.memory_space<hbm>> -> memref<128xi32, #tpu.memory_space<hbm>>
        %dma_wait3A_292 = arith.constant 0 : i32
        %dma_wait3A_293 = tpu.memref_slice %arg8[%dma_wait3A_288, %add3A_280, %dma_wait3A_292] : memref<5x1280x128xi32, #tpu.memory_space<hbm>> -> memref<1x1x128xi32, #tpu.memory_space<hbm>>
        %dma_wait3A_294 = tpu.memref_squeeze %dma_wait3A_293 : memref<1x1x128xi32, #tpu.memory_space<hbm>> -> memref<128xi32, #tpu.memory_space<hbm>>
        tpu.wait_dma2 semaphore(%arg24 : memref<!tpu.dma_semaphore, #tpu.memory_space<semaphore_mem>>) src(%dma_wait3A_294 : memref<128xi32, #tpu.memory_space<hbm>>) dst(%arg15 : memref<128xi32, #tpu.memory_space<vmem>>)
        %dma_wait3A_295 = arith.constant 1 : i32
        %dma_wait3A_296 = arith.constant 0 : i32
        %dma_wait3A_297 = tpu.memref_slice %arg9[%dma_wait3A_295, %add3A_280, %dma_wait3A_296] : memref<5x1280x128xf32, #tpu.memory_space<hbm>> -> memref<1x1x128xf32, #tpu.memory_space<hbm>>
        %dma_wait3A_298 = tpu.memref_squeeze %dma_wait3A_297 : memref<1x1x128xf32, #tpu.memory_space<hbm>> -> memref<128xf32, #tpu.memory_space<hbm>>
        %dma_wait3A_299 = arith.constant 0 : i32
        %dma_wait3A_300 = tpu.memref_slice %arg9[%dma_wait3A_295, %add3A_280, %dma_wait3A_299] : memref<5x1280x128xf32, #tpu.memory_space<hbm>> -> memref<1x1x128xf32, #tpu.memory_space<hbm>>
        %dma_wait3A_301 = tpu.memref_squeeze %dma_wait3A_300 : memref<1x1x128xf32, #tpu.memory_space<hbm>> -> memref<128xf32, #tpu.memory_space<hbm>>
        tpu.wait_dma2 semaphore(%arg24 : memref<!tpu.dma_semaphore, #tpu.memory_space<semaphore_mem>>) src(%dma_wait3A_301 : memref<128xf32, #tpu.memory_space<hbm>>) dst(%arg17 : memref<128xf32, #tpu.memory_space<vmem>>)
        %dma_start3A_302 = arith.constant 0 : i32
        %dma_start3A_303 = arith.constant 0 : i32
        %dma_start3A_304 = tpu.memref_slice %arg3[%dma_start3A_302, %dma_start3A_303] : memref<10000x64xi32, #tpu.memory_space<hbm>> -> memref<10000x64xi32, #tpu.memory_space<hbm>>
        tpu.enqueue_indirect_dma source(%dma_start3A_304 : memref<10000x64xi32, #tpu.memory_space<hbm>>) target(%arg19 : memref<128x64xi32, #tpu.memory_space<vmem>>) offsets(%arg13 : memref<128xi32, #tpu.memory_space<vmem>>) semaphore(%arg22 : memref<!tpu.dma_semaphore, #tpu.memory_space<semaphore_mem>>)
      } else {
      }
      %broadcast_in_dim3A_234 = arith.constant -65536 : i32
      %broadcast_in_dim3A_235 = vector.broadcast %broadcast_in_dim3A_234 : i32 to vector<16xi32>
      %scan3A_236 = arith.constant 0 : i32
      %scan3A_237 = arith.constant 0 : i32
      %scan3A_238 = arith.constant 128 : i32
      %scan3A_239 = arith.addi %scan3A_237, %scan3A_238 : i32
      %scan3A_240 = arith.constant 1 : i32
      scf.for %scan3A_278 = %scan3A_237 to %scan3A_239 step %scan3A_240  : i32 {
        %broadcast_in_dim3A_279 = vector.broadcast %scan3A_278 : i32 to vector<16xi32>
        %gather3A = tpu.vector_load_idx %arg16[%broadcast_in_dim3A_279] : memref<128xf32, #tpu.memory_space<vmem>>[vector<16xi32>], vector<16xf32>,
        %get3A = arith.index_cast %scan3A_278 : i32 to index
        %get3A_280 = arith.constant 0 : index
        %get3A_281 = tpu.vector_load %arg18[%get3A, %get3A_280] {strides = array<i32>} : memref<128x64xi32, #tpu.memory_space<vmem>>, vector<16xi32>,
        %shift_left3A = arith.constant 16 : i32
        %shift_left3A_282 = vector.broadcast %shift_left3A : i32 to vector<16xi32>
        %shift_left3A_283 = arith.shli %get3A_281, %shift_left3A_282 : vector<16xi32>
        %bitcast3A = vector.bitcast %shift_left3A_283 : vector<16xi32> to vector<16xf32>
        %and3A = arith.andi %get3A_281, %broadcast_in_dim3A_235 : vector<16xi32>
        %bitcast3A_284 = vector.bitcast %and3A : vector<16xi32> to vector<16xf32>
        %mul3A_285 = arith.mulf %bitcast3A, %gather3A : vector<16xf32>
        %swap3A = arith.index_cast %scan3A_278 : i32 to index
        %swap3A_286 = arith.constant 0 : index
        %swap3A_287 = tpu.vector_load %arg20[%swap3A, %swap3A_286] {strides = array<i32>} : memref<128x128xf32, #tpu.memory_space<vmem>>, vector<16xf32>,
        tpu.vector_store %arg20[%swap3A, %swap3A_286], %mul3A_285 {strides = array<i32>} : memref<128x128xf32, #tpu.memory_space<vmem>>, vector<16xf32>,
        %mul3A_288 = arith.mulf %bitcast3A_284, %gather3A : vector<16xf32>
        %swap3A_289 = arith.index_cast %scan3A_278 : i32 to index
        %swap3A_290 = arith.constant 64 : index
        %swap3A_291 = tpu.vector_load %arg20[%swap3A_289, %swap3A_290] {strides = array<i32>} : memref<128x128xf32, #tpu.memory_space<vmem>>, vector<16xf32>,
        tpu.vector_store %arg20[%swap3A_289, %swap3A_290], %mul3A_288 {strides = array<i32>} : memref<128x128xf32, #tpu.memory_space<vmem>>, vector<16xf32>,
        %get3A_292 = arith.index_cast %scan3A_278 : i32 to index
        %get3A_293 = arith.constant 16 : index
        %get3A_294 = tpu.vector_load %arg18[%get3A_292, %get3A_293] {strides = array<i32>} : memref<128x64xi32, #tpu.memory_space<vmem>>, vector<16xi32>,
        %shift_left3A_295 = arith.constant 16 : i32
        %shift_left3A_296 = vector.broadcast %shift_left3A_295 : i32 to vector<16xi32>
        %shift_left3A_297 = arith.shli %get3A_294, %shift_left3A_296 : vector<16xi32>
        %bitcast3A_298 = vector.bitcast %shift_left3A_297 : vector<16xi32> to vector<16xf32>
        %and3A_299 = arith.andi %get3A_294, %broadcast_in_dim3A_235 : vector<16xi32>
        %bitcast3A_300 = vector.bitcast %and3A_299 : vector<16xi32> to vector<16xf32>
        %mul3A_301 = arith.mulf %bitcast3A_298, %gather3A : vector<16xf32>
        %swap3A_302 = arith.index_cast %scan3A_278 : i32 to index
        %swap3A_303 = arith.constant 16 : index
        %swap3A_304 = tpu.vector_load %arg20[%swap3A_302, %swap3A_303] {strides = array<i32>} : memref<128x128xf32, #tpu.memory_space<vmem>>, vector<16xf32>,
        tpu.vector_store %arg20[%swap3A_302, %swap3A_303], %mul3A_301 {strides = array<i32>} : memref<128x128xf32, #tpu.memory_space<vmem>>, vector<16xf32>,
        %mul3A_305 = arith.mulf %bitcast3A_300, %gather3A : vector<16xf32>
        %swap3A_306 = arith.index_cast %scan3A_278 : i32 to index
        %swap3A_307 = arith.constant 80 : index
        %swap3A_308 = tpu.vector_load %arg20[%swap3A_306, %swap3A_307] {strides = array<i32>} : memref<128x128xf32, #tpu.memory_space<vmem>>, vector<16xf32>,
        tpu.vector_store %arg20[%swap3A_306, %swap3A_307], %mul3A_305 {strides = array<i32>} : memref<128x128xf32, #tpu.memory_space<vmem>>, vector<16xf32>,
        %get3A_309 = arith.index_cast %scan3A_278 : i32 to index
        %get3A_310 = arith.constant 32 : index
        %get3A_311 = tpu.vector_load %arg18[%get3A_309, %get3A_310] {strides = array<i32>} : memref<128x64xi32, #tpu.memory_space<vmem>>, vector<16xi32>,
        %shift_left3A_312 = arith.constant 16 : i32
        %shift_left3A_313 = vector.broadcast %shift_left3A_312 : i32 to vector<16xi32>
        %shift_left3A_314 = arith.shli %get3A_311, %shift_left3A_313 : vector<16xi32>
        %bitcast3A_315 = vector.bitcast %shift_left3A_314 : vector<16xi32> to vector<16xf32>
        %and3A_316 = arith.andi %get3A_311, %broadcast_in_dim3A_235 : vector<16xi32>
        %bitcast3A_317 = vector.bitcast %and3A_316 : vector<16xi32> to vector<16xf32>
        %mul3A_318 = arith.mulf %bitcast3A_315, %gather3A : vector<16xf32>
        %swap3A_319 = arith.index_cast %scan3A_278 : i32 to index
        %swap3A_320 = arith.constant 32 : index
        %swap3A_321 = tpu.vector_load %arg20[%swap3A_319, %swap3A_320] {strides = array<i32>} : memref<128x128xf32, #tpu.memory_space<vmem>>, vector<16xf32>,
        tpu.vector_store %arg20[%swap3A_319, %swap3A_320], %mul3A_318 {strides = array<i32>} : memref<128x128xf32, #tpu.memory_space<vmem>>, vector<16xf32>,
        %mul3A_322 = arith.mulf %bitcast3A_317, %gather3A : vector<16xf32>
        %swap3A_323 = arith.index_cast %scan3A_278 : i32 to index
        %swap3A_324 = arith.constant 96 : index
        %swap3A_325 = tpu.vector_load %arg20[%swap3A_323, %swap3A_324] {strides = array<i32>} : memref<128x128xf32, #tpu.memory_space<vmem>>, vector<16xf32>,
        tpu.vector_store %arg20[%swap3A_323, %swap3A_324], %mul3A_322 {strides = array<i32>} : memref<128x128xf32, #tpu.memory_space<vmem>>, vector<16xf32>,
        %get3A_326 = arith.index_cast %scan3A_278 : i32 to index
        %get3A_327 = arith.constant 48 : index
        %get3A_328 = tpu.vector_load %arg18[%get3A_326, %get3A_327] {strides = array<i32>} : memref<128x64xi32, #tpu.memory_space<vmem>>, vector<16xi32>,
        %shift_left3A_329 = arith.constant 16 : i32
        %shift_left3A_330 = vector.broadcast %shift_left3A_329 : i32 to vector<16xi32>
        %shift_left3A_331 = arith.shli %get3A_328, %shift_left3A_330 : vector<16xi32>
        %bitcast3A_332 = vector.bitcast %shift_left3A_331 : vector<16xi32> to vector<16xf32>
        %and3A_333 = arith.andi %get3A_328, %broadcast_in_dim3A_235 : vector<16xi32>
        %bitcast3A_334 = vector.bitcast %and3A_333 : vector<16xi32> to vector<16xf32>
        %mul3A_335 = arith.mulf %bitcast3A_332, %gather3A : vector<16xf32>
        %swap3A_336 = arith.index_cast %scan3A_278 : i32 to index
        %swap3A_337 = arith.constant 48 : index
        %swap3A_338 = tpu.vector_load %arg20[%swap3A_336, %swap3A_337] {strides = array<i32>} : memref<128x128xf32, #tpu.memory_space<vmem>>, vector<16xf32>,
        tpu.vector_store %arg20[%swap3A_336, %swap3A_337], %mul3A_335 {strides = array<i32>} : memref<128x128xf32, #tpu.memory_space<vmem>>, vector<16xf32>,
        %mul3A_339 = arith.mulf %bitcast3A_334, %gather3A : vector<16xf32>
        %swap3A_340 = arith.index_cast %scan3A_278 : i32 to index
        %swap3A_341 = arith.constant 112 : index
        %swap3A_342 = tpu.vector_load %arg20[%swap3A_340, %swap3A_341] {strides = array<i32>} : memref<128x128xf32, #tpu.memory_space<vmem>>, vector<16xf32>,
        tpu.vector_store %arg20[%swap3A_340, %swap3A_341], %mul3A_339 {strides = array<i32>} : memref<128x128xf32, #tpu.memory_space<vmem>>, vector<16xf32>,
      }
      %scan3A_241 = arith.constant 128 : i32
      "tpu.region"() ({
        %run_scoped3A_278 = tpu.sem_alloc : memref<!tpu.dma_semaphore, #tpu.memory_space<semaphore_mem>>
        %dma_start3A_279 = arith.constant 0 : i32
        %dma_start3A_280 = arith.constant 0 : i32
        %dma_start3A_281 = tpu.memref_slice %arg25[%dma_start3A_279, %dma_start3A_280] : memref<10240x128xf32, #tpu.memory_space<vmem_shared>> -> memref<10240x128xf32, #tpu.memory_space<vmem_shared>>
        tpu.enqueue_indirect_dma source(%arg20 : memref<128x128xf32, #tpu.memory_space<vmem>>) target(%dma_start3A_281 : memref<10240x128xf32, #tpu.memory_space<vmem_shared>>) offsets(%arg14 : memref<128xi32, #tpu.memory_space<vmem>>) semaphore(%run_scoped3A_278 : memref<!tpu.dma_semaphore, #tpu.memory_space<semaphore_mem>>) {add = true}
        %dma_wait3A_282 = arith.constant 0 : i32
        %dma_wait3A_283 = arith.constant 0 : i32
        %dma_wait3A_284 = tpu.memref_slice %arg25[%dma_wait3A_282, %dma_wait3A_283] : memref<10240x128xf32, #tpu.memory_space<vmem_shared>> -> memref<10240x128xf32, #tpu.memory_space<vmem_shared>>
        tpu.wait_indirect_dma semaphore(%run_scoped3A_278 : memref<!tpu.dma_semaphore, #tpu.memory_space<semaphore_mem>>) src(%arg20 : memref<128x128xf32, #tpu.memory_space<vmem>>) dst(%dma_wait3A_284 : memref<10240x128xf32, #tpu.memory_space<vmem_shared>>)
        tpu.yield
      }) : () -> ()
      %add3A_242 = arith.constant 2 : i32
      %add3A_243 = arith.addi %mul3A_227, %add3A_242 : i32
      %lt3A_244 = arith.constant 40 : i32
      %lt3A_245 = arith.cmpi slt, %add3A_243, %lt3A_244 : i32
      %convert_element_type3A_246 = arith.extui %lt3A_245 : i1 to i32
      %cond3A_247 = arith.constant 0 : i32
      %cond3A_248 = arith.cmpi ne, %convert_element_type3A_246, %cond3A_247 : i32
      scf.if %cond3A_248 {
        %add3A_278 = arith.constant 2 : i32
        %add3A_279 = arith.addi %mul3A_227, %add3A_278 : i32
        %add3A_280 = arith.addi %mul3A_2, %add3A_279 : i32
        %dma_start3A_281 = arith.constant 1 : i32
        %dma_start3A_282 = arith.constant 0 : i32
        %dma_start3A_283 = tpu.memref_slice %arg7[%dma_start3A_281, %add3A_280, %dma_start3A_282] : memref<5x1280x128xi32, #tpu.memory_space<hbm>> -> memref<1x1x128xi32, #tpu.memory_space<hbm>>
        %dma_start3A_284 = tpu.memref_squeeze %dma_start3A_283 : memref<1x1x128xi32, #tpu.memory_space<hbm>> -> memref<128xi32, #tpu.memory_space<hbm>>
        %dma_start3A_285 = arith.constant 0 : i32
        %dma_start3A_286 = tpu.memref_slice %arg7[%dma_start3A_281, %add3A_280, %dma_start3A_285] : memref<5x1280x128xi32, #tpu.memory_space<hbm>> -> memref<1x1x128xi32, #tpu.memory_space<hbm>>
        %dma_start3A_287 = tpu.memref_squeeze %dma_start3A_286 : memref<1x1x128xi32, #tpu.memory_space<hbm>> -> memref<128xi32, #tpu.memory_space<hbm>>
        tpu.enqueue_dma source(%dma_start3A_287 : memref<128xi32, #tpu.memory_space<hbm>>) target(%arg12 : memref<128xi32, #tpu.memory_space<vmem>>) target_semaphore(%arg23 : memref<!tpu.dma_semaphore, #tpu.memory_space<semaphore_mem>>)
        %dma_start3A_288 = arith.constant 1 : i32
        %dma_start3A_289 = arith.constant 0 : i32
        %dma_start3A_290 = tpu.memref_slice %arg8[%dma_start3A_288, %add3A_280, %dma_start3A_289] : memref<5x1280x128xi32, #tpu.memory_space<hbm>> -> memref<1x1x128xi32, #tpu.memory_space<hbm>>
        %dma_start3A_291 = tpu.memref_squeeze %dma_start3A_290 : memref<1x1x128xi32, #tpu.memory_space<hbm>> -> memref<128xi32, #tpu.memory_space<hbm>>
        %dma_start3A_292 = arith.constant 0 : i32
        %dma_start3A_293 = tpu.memref_slice %arg8[%dma_start3A_288, %add3A_280, %dma_start3A_292] : memref<5x1280x128xi32, #tpu.memory_space<hbm>> -> memref<1x1x128xi32, #tpu.memory_space<hbm>>
        %dma_start3A_294 = tpu.memref_squeeze %dma_start3A_293 : memref<1x1x128xi32, #tpu.memory_space<hbm>> -> memref<128xi32, #tpu.memory_space<hbm>>
        tpu.enqueue_dma source(%dma_start3A_294 : memref<128xi32, #tpu.memory_space<hbm>>) target(%arg14 : memref<128xi32, #tpu.memory_space<vmem>>) target_semaphore(%arg23 : memref<!tpu.dma_semaphore, #tpu.memory_space<semaphore_mem>>)
        %dma_start3A_295 = arith.constant 1 : i32
        %dma_start3A_296 = arith.constant 0 : i32
        %dma_start3A_297 = tpu.memref_slice %arg9[%dma_start3A_295, %add3A_280, %dma_start3A_296] : memref<5x1280x128xf32, #tpu.memory_space<hbm>> -> memref<1x1x128xf32, #tpu.memory_space<hbm>>
        %dma_start3A_298 = tpu.memref_squeeze %dma_start3A_297 : memref<1x1x128xf32, #tpu.memory_space<hbm>> -> memref<128xf32, #tpu.memory_space<hbm>>
        %dma_start3A_299 = arith.constant 0 : i32
        %dma_start3A_300 = tpu.memref_slice %arg9[%dma_start3A_295, %add3A_280, %dma_start3A_299] : memref<5x1280x128xf32, #tpu.memory_space<hbm>> -> memref<1x1x128xf32, #tpu.memory_space<hbm>>
        %dma_start3A_301 = tpu.memref_squeeze %dma_start3A_300 : memref<1x1x128xf32, #tpu.memory_space<hbm>> -> memref<128xf32, #tpu.memory_space<hbm>>
        tpu.enqueue_dma source(%dma_start3A_301 : memref<128xf32, #tpu.memory_space<hbm>>) target(%arg16 : memref<128xf32, #tpu.memory_space<vmem>>) target_semaphore(%arg23 : memref<!tpu.dma_semaphore, #tpu.memory_space<semaphore_mem>>)
      } else {
      }
      %mul3A_249 = arith.constant 2 : i32
      %mul3A_250 = arith.muli %scan3A_225, %mul3A_249 : i32
      %add3A_251 = arith.constant 1 : i32
      %add3A_252 = arith.addi %mul3A_250, %add3A_251 : i32
      %dma_wait3A_253 = arith.constant 0 : i32
      %dma_wait3A_254 = arith.constant 0 : i32
      %dma_wait3A_255 = tpu.memref_slice %arg3[%dma_wait3A_253, %dma_wait3A_254] : memref<10000x64xi32, #tpu.memory_space<hbm>> -> memref<10000x64xi32, #tpu.memory_space<hbm>>
      tpu.wait_indirect_dma semaphore(%arg22 : memref<!tpu.dma_semaphore, #tpu.memory_space<semaphore_mem>>) src(%dma_wait3A_255 : memref<10000x64xi32, #tpu.memory_space<hbm>>) dst(%arg19 : memref<128x64xi32, #tpu.memory_space<vmem>>)
      %add3A_256 = arith.constant 1 : i32
      %add3A_257 = arith.addi %add3A_252, %add3A_256 : i32
      %lt3A_258 = arith.constant 40 : i32
      %lt3A_259 = arith.cmpi slt, %add3A_257, %lt3A_258 : i32
      %convert_element_type3A_260 = arith.extui %lt3A_259 : i1 to i32
      %cond3A_261 = arith.constant 0 : i32
      %cond3A_262 = arith.cmpi ne, %convert_element_type3A_260, %cond3A_261 : i32
      scf.if %cond3A_262 {
        %add3A_278 = arith.constant 1 : i32
        %add3A_279 = arith.addi %add3A_252, %add3A_278 : i32
        %add3A_280 = arith.addi %mul3A_2, %add3A_279 : i32
        %dma_wait3A_281 = arith.constant 1 : i32
        %dma_wait3A_282 = arith.constant 0 : i32
        %dma_wait3A_283 = tpu.memref_slice %arg7[%dma_wait3A_281, %add3A_280, %dma_wait3A_282] : memref<5x1280x128xi32, #tpu.memory_space<hbm>> -> memref<1x1x128xi32, #tpu.memory_space<hbm>>
        %dma_wait3A_284 = tpu.memref_squeeze %dma_wait3A_283 : memref<1x1x128xi32, #tpu.memory_space<hbm>> -> memref<128xi32, #tpu.memory_space<hbm>>
        %dma_wait3A_285 = arith.constant 0 : i32
        %dma_wait3A_286 = tpu.memref_slice %arg7[%dma_wait3A_281, %add3A_280, %dma_wait3A_285] : memref<5x1280x128xi32, #tpu.memory_space<hbm>> -> memref<1x1x128xi32, #tpu.memory_space<hbm>>
        %dma_wait3A_287 = tpu.memref_squeeze %dma_wait3A_286 : memref<1x1x128xi32, #tpu.memory_space<hbm>> -> memref<128xi32, #tpu.memory_space<hbm>>
        tpu.wait_dma2 semaphore(%arg23 : memref<!tpu.dma_semaphore, #tpu.memory_space<semaphore_mem>>) src(%dma_wait3A_287 : memref<128xi32, #tpu.memory_space<hbm>>) dst(%arg12 : memref<128xi32, #tpu.memory_space<vmem>>)
        %dma_wait3A_288 = arith.constant 1 : i32
        %dma_wait3A_289 = arith.constant 0 : i32
        %dma_wait3A_290 = tpu.memref_slice %arg8[%dma_wait3A_288, %add3A_280, %dma_wait3A_289] : memref<5x1280x128xi32, #tpu.memory_space<hbm>> -> memref<1x1x128xi32, #tpu.memory_space<hbm>>
        %dma_wait3A_291 = tpu.memref_squeeze %dma_wait3A_290 : memref<1x1x128xi32, #tpu.memory_space<hbm>> -> memref<128xi32, #tpu.memory_space<hbm>>
        %dma_wait3A_292 = arith.constant 0 : i32
        %dma_wait3A_293 = tpu.memref_slice %arg8[%dma_wait3A_288, %add3A_280, %dma_wait3A_292] : memref<5x1280x128xi32, #tpu.memory_space<hbm>> -> memref<1x1x128xi32, #tpu.memory_space<hbm>>
        %dma_wait3A_294 = tpu.memref_squeeze %dma_wait3A_293 : memref<1x1x128xi32, #tpu.memory_space<hbm>> -> memref<128xi32, #tpu.memory_space<hbm>>
        tpu.wait_dma2 semaphore(%arg23 : memref<!tpu.dma_semaphore, #tpu.memory_space<semaphore_mem>>) src(%dma_wait3A_294 : memref<128xi32, #tpu.memory_space<hbm>>) dst(%arg14 : memref<128xi32, #tpu.memory_space<vmem>>)
        %dma_wait3A_295 = arith.constant 1 : i32
        %dma_wait3A_296 = arith.constant 0 : i32
        %dma_wait3A_297 = tpu.memref_slice %arg9[%dma_wait3A_295, %add3A_280, %dma_wait3A_296] : memref<5x1280x128xf32, #tpu.memory_space<hbm>> -> memref<1x1x128xf32, #tpu.memory_space<hbm>>
        %dma_wait3A_298 = tpu.memref_squeeze %dma_wait3A_297 : memref<1x1x128xf32, #tpu.memory_space<hbm>> -> memref<128xf32, #tpu.memory_space<hbm>>
        %dma_wait3A_299 = arith.constant 0 : i32
        %dma_wait3A_300 = tpu.memref_slice %arg9[%dma_wait3A_295, %add3A_280, %dma_wait3A_299] : memref<5x1280x128xf32, #tpu.memory_space<hbm>> -> memref<1x1x128xf32, #tpu.memory_space<hbm>>
        %dma_wait3A_301 = tpu.memref_squeeze %dma_wait3A_300 : memref<1x1x128xf32, #tpu.memory_space<hbm>> -> memref<128xf32, #tpu.memory_space<hbm>>
        tpu.wait_dma2 semaphore(%arg23 : memref<!tpu.dma_semaphore, #tpu.memory_space<semaphore_mem>>) src(%dma_wait3A_301 : memref<128xf32, #tpu.memory_space<hbm>>) dst(%arg16 : memref<128xf32, #tpu.memory_space<vmem>>)
        %dma_start3A_302 = arith.constant 0 : i32
        %dma_start3A_303 = arith.constant 0 : i32
        %dma_start3A_304 = tpu.memref_slice %arg3[%dma_start3A_302, %dma_start3A_303] : memref<10000x64xi32, #tpu.memory_space<hbm>> -> memref<10000x64xi32, #tpu.memory_space<hbm>>
        tpu.enqueue_indirect_dma source(%dma_start3A_304 : memref<10000x64xi32, #tpu.memory_space<hbm>>) target(%arg18 : memref<128x64xi32, #tpu.memory_space<vmem>>) offsets(%arg12 : memref<128xi32, #tpu.memory_space<vmem>>) semaphore(%arg21 : memref<!tpu.dma_semaphore, #tpu.memory_space<semaphore_mem>>)
      } else {
      }
      %broadcast_in_dim3A_263 = arith.constant -65536 : i32
      %broadcast_in_dim3A_264 = vector.broadcast %broadcast_in_dim3A_263 : i32 to vector<16xi32>
      %scan3A_265 = arith.constant 0 : i32
      %scan3A_266 = arith.constant 0 : i32
      %scan3A_267 = arith.constant 128 : i32
      %scan3A_268 = arith.addi %scan3A_266, %scan3A_267 : i32
      %scan3A_269 = arith.constant 1 : i32
      scf.for %scan3A_278 = %scan3A_266 to %scan3A_268 step %scan3A_269  : i32 {
        %broadcast_in_dim3A_279 = vector.broadcast %scan3A_278 : i32 to vector<16xi32>
        %gather3A = tpu.vector_load_idx %arg17[%broadcast_in_dim3A_279] : memref<128xf32, #tpu.memory_space<vmem>>[vector<16xi32>], vector<16xf32>,
        %get3A = arith.index_cast %scan3A_278 : i32 to index
        %get3A_280 = arith.constant 0 : index
        %get3A_281 = tpu.vector_load %arg19[%get3A, %get3A_280] {strides = array<i32>} : memref<128x64xi32, #tpu.memory_space<vmem>>, vector<16xi32>,
        %shift_left3A = arith.constant 16 : i32
        %shift_left3A_282 = vector.broadcast %shift_left3A : i32 to vector<16xi32>
        %shift_left3A_283 = arith.shli %get3A_281, %shift_left3A_282 : vector<16xi32>
        %bitcast3A = vector.bitcast %shift_left3A_283 : vector<16xi32> to vector<16xf32>
        %and3A = arith.andi %get3A_281, %broadcast_in_dim3A_264 : vector<16xi32>
        %bitcast3A_284 = vector.bitcast %and3A : vector<16xi32> to vector<16xf32>
        %mul3A_285 = arith.mulf %bitcast3A, %gather3A : vector<16xf32>
        %swap3A = arith.index_cast %scan3A_278 : i32 to index
        %swap3A_286 = arith.constant 0 : index
        %swap3A_287 = tpu.vector_load %arg20[%swap3A, %swap3A_286] {strides = array<i32>} : memref<128x128xf32, #tpu.memory_space<vmem>>, vector<16xf32>,
        tpu.vector_store %arg20[%swap3A, %swap3A_286], %mul3A_285 {strides = array<i32>} : memref<128x128xf32, #tpu.memory_space<vmem>>, vector<16xf32>,
        %mul3A_288 = arith.mulf %bitcast3A_284, %gather3A : vector<16xf32>
        %swap3A_289 = arith.index_cast %scan3A_278 : i32 to index
        %swap3A_290 = arith.constant 64 : index
        %swap3A_291 = tpu.vector_load %arg20[%swap3A_289, %swap3A_290] {strides = array<i32>} : memref<128x128xf32, #tpu.memory_space<vmem>>, vector<16xf32>,
        tpu.vector_store %arg20[%swap3A_289, %swap3A_290], %mul3A_288 {strides = array<i32>} : memref<128x128xf32, #tpu.memory_space<vmem>>, vector<16xf32>,
        %get3A_292 = arith.index_cast %scan3A_278 : i32 to index
        %get3A_293 = arith.constant 16 : index
        %get3A_294 = tpu.vector_load %arg19[%get3A_292, %get3A_293] {strides = array<i32>} : memref<128x64xi32, #tpu.memory_space<vmem>>, vector<16xi32>,
        %shift_left3A_295 = arith.constant 16 : i32
        %shift_left3A_296 = vector.broadcast %shift_left3A_295 : i32 to vector<16xi32>
        %shift_left3A_297 = arith.shli %get3A_294, %shift_left3A_296 : vector<16xi32>
        %bitcast3A_298 = vector.bitcast %shift_left3A_297 : vector<16xi32> to vector<16xf32>
        %and3A_299 = arith.andi %get3A_294, %broadcast_in_dim3A_264 : vector<16xi32>
        %bitcast3A_300 = vector.bitcast %and3A_299 : vector<16xi32> to vector<16xf32>
        %mul3A_301 = arith.mulf %bitcast3A_298, %gather3A : vector<16xf32>
        %swap3A_302 = arith.index_cast %scan3A_278 : i32 to index
        %swap3A_303 = arith.constant 16 : index
        %swap3A_304 = tpu.vector_load %arg20[%swap3A_302, %swap3A_303] {strides = array<i32>} : memref<128x128xf32, #tpu.memory_space<vmem>>, vector<16xf32>,
        tpu.vector_store %arg20[%swap3A_302, %swap3A_303], %mul3A_301 {strides = array<i32>} : memref<128x128xf32, #tpu.memory_space<vmem>>, vector<16xf32>,
        %mul3A_305 = arith.mulf %bitcast3A_300, %gather3A : vector<16xf32>
        %swap3A_306 = arith.index_cast %scan3A_278 : i32 to index
        %swap3A_307 = arith.constant 80 : index
        %swap3A_308 = tpu.vector_load %arg20[%swap3A_306, %swap3A_307] {strides = array<i32>} : memref<128x128xf32, #tpu.memory_space<vmem>>, vector<16xf32>,
        tpu.vector_store %arg20[%swap3A_306, %swap3A_307], %mul3A_305 {strides = array<i32>} : memref<128x128xf32, #tpu.memory_space<vmem>>, vector<16xf32>,
        %get3A_309 = arith.index_cast %scan3A_278 : i32 to index
        %get3A_310 = arith.constant 32 : index
        %get3A_311 = tpu.vector_load %arg19[%get3A_309, %get3A_310] {strides = array<i32>} : memref<128x64xi32, #tpu.memory_space<vmem>>, vector<16xi32>,
        %shift_left3A_312 = arith.constant 16 : i32
        %shift_left3A_313 = vector.broadcast %shift_left3A_312 : i32 to vector<16xi32>
        %shift_left3A_314 = arith.shli %get3A_311, %shift_left3A_313 : vector<16xi32>
        %bitcast3A_315 = vector.bitcast %shift_left3A_314 : vector<16xi32> to vector<16xf32>
        %and3A_316 = arith.andi %get3A_311, %broadcast_in_dim3A_264 : vector<16xi32>
        %bitcast3A_317 = vector.bitcast %and3A_316 : vector<16xi32> to vector<16xf32>
        %mul3A_318 = arith.mulf %bitcast3A_315, %gather3A : vector<16xf32>
        %swap3A_319 = arith.index_cast %scan3A_278 : i32 to index
        %swap3A_320 = arith.constant 32 : index
        %swap3A_321 = tpu.vector_load %arg20[%swap3A_319, %swap3A_320] {strides = array<i32>} : memref<128x128xf32, #tpu.memory_space<vmem>>, vector<16xf32>,
        tpu.vector_store %arg20[%swap3A_319, %swap3A_320], %mul3A_318 {strides = array<i32>} : memref<128x128xf32, #tpu.memory_space<vmem>>, vector<16xf32>,
        %mul3A_322 = arith.mulf %bitcast3A_317, %gather3A : vector<16xf32>
        %swap3A_323 = arith.index_cast %scan3A_278 : i32 to index
        %swap3A_324 = arith.constant 96 : index
        %swap3A_325 = tpu.vector_load %arg20[%swap3A_323, %swap3A_324] {strides = array<i32>} : memref<128x128xf32, #tpu.memory_space<vmem>>, vector<16xf32>,
        tpu.vector_store %arg20[%swap3A_323, %swap3A_324], %mul3A_322 {strides = array<i32>} : memref<128x128xf32, #tpu.memory_space<vmem>>, vector<16xf32>,
        %get3A_326 = arith.index_cast %scan3A_278 : i32 to index
        %get3A_327 = arith.constant 48 : index
        %get3A_328 = tpu.vector_load %arg19[%get3A_326, %get3A_327] {strides = array<i32>} : memref<128x64xi32, #tpu.memory_space<vmem>>, vector<16xi32>,
        %shift_left3A_329 = arith.constant 16 : i32
        %shift_left3A_330 = vector.broadcast %shift_left3A_329 : i32 to vector<16xi32>
        %shift_left3A_331 = arith.shli %get3A_328, %shift_left3A_330 : vector<16xi32>
        %bitcast3A_332 = vector.bitcast %shift_left3A_331 : vector<16xi32> to vector<16xf32>
        %and3A_333 = arith.andi %get3A_328, %broadcast_in_dim3A_264 : vector<16xi32>
        %bitcast3A_334 = vector.bitcast %and3A_333 : vector<16xi32> to vector<16xf32>
        %mul3A_335 = arith.mulf %bitcast3A_332, %gather3A : vector<16xf32>
        %swap3A_336 = arith.index_cast %scan3A_278 : i32 to index
        %swap3A_337 = arith.constant 48 : index
        %swap3A_338 = tpu.vector_load %arg20[%swap3A_336, %swap3A_337] {strides = array<i32>} : memref<128x128xf32, #tpu.memory_space<vmem>>, vector<16xf32>,
        tpu.vector_store %arg20[%swap3A_336, %swap3A_337], %mul3A_335 {strides = array<i32>} : memref<128x128xf32, #tpu.memory_space<vmem>>, vector<16xf32>,
        %mul3A_339 = arith.mulf %bitcast3A_334, %gather3A : vector<16xf32>
        %swap3A_340 = arith.index_cast %scan3A_278 : i32 to index
        %swap3A_341 = arith.constant 112 : index
        %swap3A_342 = tpu.vector_load %arg20[%swap3A_340, %swap3A_341] {strides = array<i32>} : memref<128x128xf32, #tpu.memory_space<vmem>>, vector<16xf32>,
        tpu.vector_store %arg20[%swap3A_340, %swap3A_341], %mul3A_339 {strides = array<i32>} : memref<128x128xf32, #tpu.memory_space<vmem>>, vector<16xf32>,
      }
      %scan3A_270 = arith.constant 128 : i32
      "tpu.region"() ({
        %run_scoped3A_278 = tpu.sem_alloc : memref<!tpu.dma_semaphore, #tpu.memory_space<semaphore_mem>>
        %dma_start3A_279 = arith.constant 0 : i32
        %dma_start3A_280 = arith.constant 0 : i32
        %dma_start3A_281 = tpu.memref_slice %arg25[%dma_start3A_279, %dma_start3A_280] : memref<10240x128xf32, #tpu.memory_space<vmem_shared>> -> memref<10240x128xf32, #tpu.memory_space<vmem_shared>>
        tpu.enqueue_indirect_dma source(%arg20 : memref<128x128xf32, #tpu.memory_space<vmem>>) target(%dma_start3A_281 : memref<10240x128xf32, #tpu.memory_space<vmem_shared>>) offsets(%arg15 : memref<128xi32, #tpu.memory_space<vmem>>) semaphore(%run_scoped3A_278 : memref<!tpu.dma_semaphore, #tpu.memory_space<semaphore_mem>>) {add = true}
        %dma_wait3A_282 = arith.constant 0 : i32
        %dma_wait3A_283 = arith.constant 0 : i32
        %dma_wait3A_284 = tpu.memref_slice %arg25[%dma_wait3A_282, %dma_wait3A_283] : memref<10240x128xf32, #tpu.memory_space<vmem_shared>> -> memref<10240x128xf32, #tpu.memory_space<vmem_shared>>
        tpu.wait_indirect_dma semaphore(%run_scoped3A_278 : memref<!tpu.dma_semaphore, #tpu.memory_space<semaphore_mem>>) src(%arg20 : memref<128x128xf32, #tpu.memory_space<vmem>>) dst(%dma_wait3A_284 : memref<10240x128xf32, #tpu.memory_space<vmem_shared>>)
        tpu.yield
      }) : () -> ()
      %add3A_271 = arith.constant 2 : i32
      %add3A_272 = arith.addi %add3A_252, %add3A_271 : i32
      %lt3A_273 = arith.constant 40 : i32
      %lt3A_274 = arith.cmpi slt, %add3A_272, %lt3A_273 : i32
      %convert_element_type3A_275 = arith.extui %lt3A_274 : i1 to i32
      %cond3A_276 = arith.constant 0 : i32
      %cond3A_277 = arith.cmpi ne, %convert_element_type3A_275, %cond3A_276 : i32
      scf.if %cond3A_277 {
        %add3A_278 = arith.constant 2 : i32
        %add3A_279 = arith.addi %add3A_252, %add3A_278 : i32
        %add3A_280 = arith.addi %mul3A_2, %add3A_279 : i32
        %dma_start3A_281 = arith.constant 1 : i32
        %dma_start3A_282 = arith.constant 0 : i32
        %dma_start3A_283 = tpu.memref_slice %arg7[%dma_start3A_281, %add3A_280, %dma_start3A_282] : memref<5x1280x128xi32, #tpu.memory_space<hbm>> -> memref<1x1x128xi32, #tpu.memory_space<hbm>>
        %dma_start3A_284 = tpu.memref_squeeze %dma_start3A_283 : memref<1x1x128xi32, #tpu.memory_space<hbm>> -> memref<128xi32, #tpu.memory_space<hbm>>
        %dma_start3A_285 = arith.constant 0 : i32
        %dma_start3A_286 = tpu.memref_slice %arg7[%dma_start3A_281, %add3A_280, %dma_start3A_285] : memref<5x1280x128xi32, #tpu.memory_space<hbm>> -> memref<1x1x128xi32, #tpu.memory_space<hbm>>
        %dma_start3A_287 = tpu.memref_squeeze %dma_start3A_286 : memref<1x1x128xi32, #tpu.memory_space<hbm>> -> memref<128xi32, #tpu.memory_space<hbm>>
        tpu.enqueue_dma source(%dma_start3A_287 : memref<128xi32, #tpu.memory_space<hbm>>) target(%arg13 : memref<128xi32, #tpu.memory_space<vmem>>) target_semaphore(%arg24 : memref<!tpu.dma_semaphore, #tpu.memory_space<semaphore_mem>>)
        %dma_start3A_288 = arith.constant 1 : i32
        %dma_start3A_289 = arith.constant 0 : i32
        %dma_start3A_290 = tpu.memref_slice %arg8[%dma_start3A_288, %add3A_280, %dma_start3A_289] : memref<5x1280x128xi32, #tpu.memory_space<hbm>> -> memref<1x1x128xi32, #tpu.memory_space<hbm>>
        %dma_start3A_291 = tpu.memref_squeeze %dma_start3A_290 : memref<1x1x128xi32, #tpu.memory_space<hbm>> -> memref<128xi32, #tpu.memory_space<hbm>>
        %dma_start3A_292 = arith.constant 0 : i32
        %dma_start3A_293 = tpu.memref_slice %arg8[%dma_start3A_288, %add3A_280, %dma_start3A_292] : memref<5x1280x128xi32, #tpu.memory_space<hbm>> -> memref<1x1x128xi32, #tpu.memory_space<hbm>>
        %dma_start3A_294 = tpu.memref_squeeze %dma_start3A_293 : memref<1x1x128xi32, #tpu.memory_space<hbm>> -> memref<128xi32, #tpu.memory_space<hbm>>
        tpu.enqueue_dma source(%dma_start3A_294 : memref<128xi32, #tpu.memory_space<hbm>>) target(%arg15 : memref<128xi32, #tpu.memory_space<vmem>>) target_semaphore(%arg24 : memref<!tpu.dma_semaphore, #tpu.memory_space<semaphore_mem>>)
        %dma_start3A_295 = arith.constant 1 : i32
        %dma_start3A_296 = arith.constant 0 : i32
        %dma_start3A_297 = tpu.memref_slice %arg9[%dma_start3A_295, %add3A_280, %dma_start3A_296] : memref<5x1280x128xf32, #tpu.memory_space<hbm>> -> memref<1x1x128xf32, #tpu.memory_space<hbm>>
        %dma_start3A_298 = tpu.memref_squeeze %dma_start3A_297 : memref<1x1x128xf32, #tpu.memory_space<hbm>> -> memref<128xf32, #tpu.memory_space<hbm>>
        %dma_start3A_299 = arith.constant 0 : i32
        %dma_start3A_300 = tpu.memref_slice %arg9[%dma_start3A_295, %add3A_280, %dma_start3A_299] : memref<5x1280x128xf32, #tpu.memory_space<hbm>> -> memref<1x1x128xf32, #tpu.memory_space<hbm>>
        %dma_start3A_301 = tpu.memref_squeeze %dma_start3A_300 : memref<1x1x128xf32, #tpu.memory_space<hbm>> -> memref<128xf32, #tpu.memory_space<hbm>>
        tpu.enqueue_dma source(%dma_start3A_301 : memref<128xf32, #tpu.memory_space<hbm>>) target(%arg17 : memref<128xf32, #tpu.memory_space<vmem>>) target_semaphore(%arg24 : memref<!tpu.dma_semaphore, #tpu.memory_space<semaphore_mem>>)
      } else {
      }
    }
    %scan3A_86 = arith.constant 20 : i32
    %barrier3A_87 = arith.constant 0 : index
    tpu.barrier barrier_id(%barrier3A_87)
    %scan3A_88 = arith.constant 0 : i32
    %scan3A_89 = arith.constant 0 : i32
    %scan3A_90 = arith.constant 5 : i32
    %scan3A_91 = arith.addi %scan3A_89, %scan3A_90 : i32
    %scan3A_92 = arith.constant 1 : i32
    scf.for %scan3A_225 = %scan3A_89 to %scan3A_91 step %scan3A_92  : i32 {
      %mul3A_226 = arith.constant 640 : i32
      %mul3A_227 = arith.muli %arg1, %mul3A_226 : i32
      %mul3A_228 = arith.constant 128 : i32
      %mul3A_229 = arith.muli %scan3A_225, %mul3A_228 : i32
      %add3A_230 = arith.addi %mul3A_227, %mul3A_229 : i32
      "tpu.region"() ({
        %run_scoped3A_231 = tpu.sem_alloc : memref<!tpu.dma_semaphore, #tpu.memory_space<semaphore_mem>>
        %dma_start3A_232 = arith.constant 0 : i32
        %dma_start3A_233 = tpu.memref_slice %arg10[%arg0, %add3A_230, %dma_start3A_232] : memref<2x10240x128xf32, #tpu.memory_space<hbm>> -> memref<1x128x128xf32, #tpu.memory_space<hbm>>
        %dma_start3A_234 = tpu.memref_squeeze %dma_start3A_233 : memref<1x128x128xf32, #tpu.memory_space<hbm>> -> memref<128x128xf32, #tpu.memory_space<hbm>>
        %dma_start3A_235 = arith.constant 0 : i32
        %dma_start3A_236 = tpu.memref_slice %arg25[%add3A_230, %dma_start3A_235] : memref<10240x128xf32, #tpu.memory_space<vmem_shared>> -> memref<128x128xf32, #tpu.memory_space<vmem_shared>>
        tpu.enqueue_dma source(%dma_start3A_236 : memref<128x128xf32, #tpu.memory_space<vmem_shared>>) target(%dma_start3A_234 : memref<128x128xf32, #tpu.memory_space<hbm>>) target_semaphore(%run_scoped3A_231 : memref<!tpu.dma_semaphore, #tpu.memory_space<semaphore_mem>>)
        %dma_wait3A = arith.constant 0 : i32
        %dma_wait3A_237 = tpu.memref_slice %arg10[%arg0, %add3A_230, %dma_wait3A] : memref<2x10240x128xf32, #tpu.memory_space<hbm>> -> memref<1x128x128xf32, #tpu.memory_space<hbm>>
        %dma_wait3A_238 = tpu.memref_squeeze %dma_wait3A_237 : memref<1x128x128xf32, #tpu.memory_space<hbm>> -> memref<128x128xf32, #tpu.memory_space<hbm>>
        %dma_wait3A_239 = arith.constant 0 : i32
        %dma_wait3A_240 = tpu.memref_slice %arg25[%add3A_230, %dma_wait3A_239] : memref<10240x128xf32, #tpu.memory_space<vmem_shared>> -> memref<128x128xf32, #tpu.memory_space<vmem_shared>>
        tpu.wait_dma2 semaphore(%run_scoped3A_231 : memref<!tpu.dma_semaphore, #tpu.memory_space<semaphore_mem>>) src(%dma_wait3A_240 : memref<128x128xf32, #tpu.memory_space<vmem_shared>>) dst(%dma_wait3A_238 : memref<128x128xf32, #tpu.memory_space<hbm>>)
        tpu.yield
      }) : () -> ()
    }
    %scan3A_93 = arith.constant 5 : i32
    %scan3A_94 = arith.constant 0 : i32
    %scan3A_95 = arith.constant 0 : i32
    %scan3A_96 = arith.constant 128 : i32
    %scan3A_97 = arith.addi %scan3A_95, %scan3A_96 : i32
    %scan3A_98 = arith.constant 1 : i32
    scf.for %scan3A_225 = %scan3A_95 to %scan3A_97 step %scan3A_98  : i32 {
      %swap3A = arith.index_cast %scan3A_225 : i32 to index
      %swap3A_226 = arith.constant 0 : index
      %swap3A_227 = tpu.vector_load %arg20[%swap3A, %swap3A_226] {strides = array<i32>} : memref<128x128xf32, #tpu.memory_space<vmem>>, vector<16xf32>,
      tpu.vector_store %arg20[%swap3A, %swap3A_226], %broadcast_in_dim3A_3 {strides = array<i32>} : memref<128x128xf32, #tpu.memory_space<vmem>>, vector<16xf32>,
      %swap3A_228 = arith.index_cast %scan3A_225 : i32 to index
      %swap3A_229 = arith.constant 16 : index
      %swap3A_230 = tpu.vector_load %arg20[%swap3A_228, %swap3A_229] {strides = array<i32>} : memref<128x128xf32, #tpu.memory_space<vmem>>, vector<16xf32>,
      tpu.vector_store %arg20[%swap3A_228, %swap3A_229], %broadcast_in_dim3A_3 {strides = array<i32>} : memref<128x128xf32, #tpu.memory_space<vmem>>, vector<16xf32>,
      %swap3A_231 = arith.index_cast %scan3A_225 : i32 to index
      %swap3A_232 = arith.constant 32 : index
      %swap3A_233 = tpu.vector_load %arg20[%swap3A_231, %swap3A_232] {strides = array<i32>} : memref<128x128xf32, #tpu.memory_space<vmem>>, vector<16xf32>,
      tpu.vector_store %arg20[%swap3A_231, %swap3A_232], %broadcast_in_dim3A_3 {strides = array<i32>} : memref<128x128xf32, #tpu.memory_space<vmem>>, vector<16xf32>,
      %swap3A_234 = arith.index_cast %scan3A_225 : i32 to index
      %swap3A_235 = arith.constant 48 : index
      %swap3A_236 = tpu.vector_load %arg20[%swap3A_234, %swap3A_235] {strides = array<i32>} : memref<128x128xf32, #tpu.memory_space<vmem>>, vector<16xf32>,
      tpu.vector_store %arg20[%swap3A_234, %swap3A_235], %broadcast_in_dim3A_3 {strides = array<i32>} : memref<128x128xf32, #tpu.memory_space<vmem>>, vector<16xf32>,
      %swap3A_237 = arith.index_cast %scan3A_225 : i32 to index
      %swap3A_238 = arith.constant 64 : index
      %swap3A_239 = tpu.vector_load %arg20[%swap3A_237, %swap3A_238] {strides = array<i32>} : memref<128x128xf32, #tpu.memory_space<vmem>>, vector<16xf32>,
      tpu.vector_store %arg20[%swap3A_237, %swap3A_238], %broadcast_in_dim3A_3 {strides = array<i32>} : memref<128x128xf32, #tpu.memory_space<vmem>>, vector<16xf32>,
      %swap3A_240 = arith.index_cast %scan3A_225 : i32 to index
      %swap3A_241 = arith.constant 80 : index
      %swap3A_242 = tpu.vector_load %arg20[%swap3A_240, %swap3A_241] {strides = array<i32>} : memref<128x128xf32, #tpu.memory_space<vmem>>, vector<16xf32>,
      tpu.vector_store %arg20[%swap3A_240, %swap3A_241], %broadcast_in_dim3A_3 {strides = array<i32>} : memref<128x128xf32, #tpu.memory_space<vmem>>, vector<16xf32>,
      %swap3A_243 = arith.index_cast %scan3A_225 : i32 to index
      %swap3A_244 = arith.constant 96 : index
      %swap3A_245 = tpu.vector_load %arg20[%swap3A_243, %swap3A_244] {strides = array<i32>} : memref<128x128xf32, #tpu.memory_space<vmem>>, vector<16xf32>,
      tpu.vector_store %arg20[%swap3A_243, %swap3A_244], %broadcast_in_dim3A_3 {strides = array<i32>} : memref<128x128xf32, #tpu.memory_space<vmem>>, vector<16xf32>,
      %swap3A_246 = arith.index_cast %scan3A_225 : i32 to index
      %swap3A_247 = arith.constant 112 : index
      %swap3A_248 = tpu.vector_load %arg20[%swap3A_246, %swap3A_247] {strides = array<i32>} : memref<128x128xf32, #tpu.memory_space<vmem>>, vector<16xf32>,
      tpu.vector_store %arg20[%swap3A_246, %swap3A_247], %broadcast_in_dim3A_3 {strides = array<i32>} : memref<128x128xf32, #tpu.memory_space<vmem>>, vector<16xf32>,
    }
    %scan3A_99 = arith.constant 128 : i32
    %scan3A_100 = arith.constant 0 : i32
    %scan3A_101 = arith.constant 0 : i32
    %scan3A_102 = arith.constant 5 : i32
    %scan3A_103 = arith.addi %scan3A_101, %scan3A_102 : i32
    %scan3A_104 = arith.constant 1 : i32
    scf.for %scan3A_225 = %scan3A_101 to %scan3A_103 step %scan3A_104  : i32 {
      %mul3A_226 = arith.constant 640 : i32
      %mul3A_227 = arith.muli %arg1, %mul3A_226 : i32
      %mul3A_228 = arith.constant 128 : i32
      %mul3A_229 = arith.muli %scan3A_225, %mul3A_228 : i32
      %add3A_230 = arith.addi %mul3A_227, %mul3A_229 : i32
      "tpu.region"() ({
        %run_scoped3A_231 = tpu.sem_alloc : memref<!tpu.dma_semaphore, #tpu.memory_space<semaphore_mem>>
        %dma_start3A_232 = arith.constant 0 : i32
        %dma_start3A_233 = tpu.memref_slice %arg25[%add3A_230, %dma_start3A_232] : memref<10240x128xf32, #tpu.memory_space<vmem_shared>> -> memref<128x128xf32, #tpu.memory_space<vmem_shared>>
        %dma_start3A_234 = arith.constant 0 : i32
        %dma_start3A_235 = tpu.memref_slice %arg25[%add3A_230, %dma_start3A_234] : memref<10240x128xf32, #tpu.memory_space<vmem_shared>> -> memref<128x128xf32, #tpu.memory_space<vmem_shared>>
        tpu.enqueue_dma source(%arg20 : memref<128x128xf32, #tpu.memory_space<vmem>>) target(%dma_start3A_235 : memref<128x128xf32, #tpu.memory_space<vmem_shared>>) target_semaphore(%run_scoped3A_231 : memref<!tpu.dma_semaphore, #tpu.memory_space<semaphore_mem>>)
        %dma_wait3A = arith.constant 0 : i32
        %dma_wait3A_236 = tpu.memref_slice %arg25[%add3A_230, %dma_wait3A] : memref<10240x128xf32, #tpu.memory_space<vmem_shared>> -> memref<128x128xf32, #tpu.memory_space<vmem_shared>>
        %dma_wait3A_237 = arith.constant 0 : i32
        %dma_wait3A_238 = tpu.memref_slice %arg25[%add3A_230, %dma_wait3A_237] : memref<10240x128xf32, #tpu.memory_space<vmem_shared>> -> memref<128x128xf32, #tpu.memory_space<vmem_shared>>
        tpu.wait_dma2 semaphore(%run_scoped3A_231 : memref<!tpu.dma_semaphore, #tpu.memory_space<semaphore_mem>>) src(%arg20 : memref<128x128xf32, #tpu.memory_space<vmem>>) dst(%dma_wait3A_238 : memref<128x128xf32, #tpu.memory_space<vmem_shared>>)
        tpu.yield
      }) : () -> ()
    }
    %scan3A_105 = arith.constant 5 : i32
    %barrier3A_106 = arith.constant 0 : index
    tpu.barrier barrier_id(%barrier3A_106)
    %add3A_107 = arith.constant 0 : i32
    %add3A_108 = arith.addi %mul3A_2, %add3A_107 : i32
    %run_scoped3A_109 = arith.constant 2 : i32
    "tpu.region"() ({
      %run_scoped3A_225 = tpu.sem_alloc : memref<!tpu.dma_semaphore, #tpu.memory_space<semaphore_mem>>
      %dma_start3A_226 = arith.constant 0 : i32
      %dma_start3A_227 = tpu.memref_slice %arg7[%run_scoped3A_109, %add3A_108, %dma_start3A_226] : memref<5x1280x128xi32, #tpu.memory_space<hbm>> -> memref<1x1x128xi32, #tpu.memory_space<hbm>>
      %dma_start3A_228 = tpu.memref_squeeze %dma_start3A_227 : memref<1x1x128xi32, #tpu.memory_space<hbm>> -> memref<128xi32, #tpu.memory_space<hbm>>
      %dma_start3A_229 = arith.constant 0 : i32
      %dma_start3A_230 = tpu.memref_slice %arg7[%run_scoped3A_109, %add3A_108, %dma_start3A_229] : memref<5x1280x128xi32, #tpu.memory_space<hbm>> -> memref<1x1x128xi32, #tpu.memory_space<hbm>>
      %dma_start3A_231 = tpu.memref_squeeze %dma_start3A_230 : memref<1x1x128xi32, #tpu.memory_space<hbm>> -> memref<128xi32, #tpu.memory_space<hbm>>
      tpu.enqueue_dma source(%dma_start3A_231 : memref<128xi32, #tpu.memory_space<hbm>>) target(%arg12 : memref<128xi32, #tpu.memory_space<vmem>>) target_semaphore(%run_scoped3A_225 : memref<!tpu.dma_semaphore, #tpu.memory_space<semaphore_mem>>)
      %dma_wait3A = arith.constant 0 : i32
      %dma_wait3A_232 = tpu.memref_slice %arg7[%run_scoped3A_109, %add3A_108, %dma_wait3A] : memref<5x1280x128xi32, #tpu.memory_space<hbm>> -> memref<1x1x128xi32, #tpu.memory_space<hbm>>
      %dma_wait3A_233 = tpu.memref_squeeze %dma_wait3A_232 : memref<1x1x128xi32, #tpu.memory_space<hbm>> -> memref<128xi32, #tpu.memory_space<hbm>>
      %dma_wait3A_234 = arith.constant 0 : i32
      %dma_wait3A_235 = tpu.memref_slice %arg7[%run_scoped3A_109, %add3A_108, %dma_wait3A_234] : memref<5x1280x128xi32, #tpu.memory_space<hbm>> -> memref<1x1x128xi32, #tpu.memory_space<hbm>>
      %dma_wait3A_236 = tpu.memref_squeeze %dma_wait3A_235 : memref<1x1x128xi32, #tpu.memory_space<hbm>> -> memref<128xi32, #tpu.memory_space<hbm>>
      tpu.wait_dma2 semaphore(%run_scoped3A_225 : memref<!tpu.dma_semaphore, #tpu.memory_space<semaphore_mem>>) src(%dma_wait3A_236 : memref<128xi32, #tpu.memory_space<hbm>>) dst(%arg12 : memref<128xi32, #tpu.memory_space<vmem>>)
      tpu.yield
    }) : () -> ()
    %run_scoped3A_110 = arith.constant 2 : i32
    "tpu.region"() ({
      %run_scoped3A_225 = tpu.sem_alloc : memref<!tpu.dma_semaphore, #tpu.memory_space<semaphore_mem>>
      %dma_start3A_226 = arith.constant 0 : i32
      %dma_start3A_227 = tpu.memref_slice %arg8[%run_scoped3A_110, %add3A_108, %dma_start3A_226] : memref<5x1280x128xi32, #tpu.memory_space<hbm>> -> memref<1x1x128xi32, #tpu.memory_space<hbm>>
      %dma_start3A_228 = tpu.memref_squeeze %dma_start3A_227 : memref<1x1x128xi32, #tpu.memory_space<hbm>> -> memref<128xi32, #tpu.memory_space<hbm>>
      %dma_start3A_229 = arith.constant 0 : i32
      %dma_start3A_230 = tpu.memref_slice %arg8[%run_scoped3A_110, %add3A_108, %dma_start3A_229] : memref<5x1280x128xi32, #tpu.memory_space<hbm>> -> memref<1x1x128xi32, #tpu.memory_space<hbm>>
      %dma_start3A_231 = tpu.memref_squeeze %dma_start3A_230 : memref<1x1x128xi32, #tpu.memory_space<hbm>> -> memref<128xi32, #tpu.memory_space<hbm>>
      tpu.enqueue_dma source(%dma_start3A_231 : memref<128xi32, #tpu.memory_space<hbm>>) target(%arg14 : memref<128xi32, #tpu.memory_space<vmem>>) target_semaphore(%run_scoped3A_225 : memref<!tpu.dma_semaphore, #tpu.memory_space<semaphore_mem>>)
      %dma_wait3A = arith.constant 0 : i32
      %dma_wait3A_232 = tpu.memref_slice %arg8[%run_scoped3A_110, %add3A_108, %dma_wait3A] : memref<5x1280x128xi32, #tpu.memory_space<hbm>> -> memref<1x1x128xi32, #tpu.memory_space<hbm>>
      %dma_wait3A_233 = tpu.memref_squeeze %dma_wait3A_232 : memref<1x1x128xi32, #tpu.memory_space<hbm>> -> memref<128xi32, #tpu.memory_space<hbm>>
      %dma_wait3A_234 = arith.constant 0 : i32
      %dma_wait3A_235 = tpu.memref_slice %arg8[%run_scoped3A_110, %add3A_108, %dma_wait3A_234] : memref<5x1280x128xi32, #tpu.memory_space<hbm>> -> memref<1x1x128xi32, #tpu.memory_space<hbm>>
      %dma_wait3A_236 = tpu.memref_squeeze %dma_wait3A_235 : memref<1x1x128xi32, #tpu.memory_space<hbm>> -> memref<128xi32, #tpu.memory_space<hbm>>
      tpu.wait_dma2 semaphore(%run_scoped3A_225 : memref<!tpu.dma_semaphore, #tpu.memory_space<semaphore_mem>>) src(%dma_wait3A_236 : memref<128xi32, #tpu.memory_space<hbm>>) dst(%arg14 : memref<128xi32, #tpu.memory_space<vmem>>)
      tpu.yield
    }) : () -> ()
    %run_scoped3A_111 = arith.constant 2 : i32
    "tpu.region"() ({
      %run_scoped3A_225 = tpu.sem_alloc : memref<!tpu.dma_semaphore, #tpu.memory_space<semaphore_mem>>
      %dma_start3A_226 = arith.constant 0 : i32
      %dma_start3A_227 = tpu.memref_slice %arg9[%run_scoped3A_111, %add3A_108, %dma_start3A_226] : memref<5x1280x128xf32, #tpu.memory_space<hbm>> -> memref<1x1x128xf32, #tpu.memory_space<hbm>>
      %dma_start3A_228 = tpu.memref_squeeze %dma_start3A_227 : memref<1x1x128xf32, #tpu.memory_space<hbm>> -> memref<128xf32, #tpu.memory_space<hbm>>
      %dma_start3A_229 = arith.constant 0 : i32
      %dma_start3A_230 = tpu.memref_slice %arg9[%run_scoped3A_111, %add3A_108, %dma_start3A_229] : memref<5x1280x128xf32, #tpu.memory_space<hbm>> -> memref<1x1x128xf32, #tpu.memory_space<hbm>>
      %dma_start3A_231 = tpu.memref_squeeze %dma_start3A_230 : memref<1x1x128xf32, #tpu.memory_space<hbm>> -> memref<128xf32, #tpu.memory_space<hbm>>
      tpu.enqueue_dma source(%dma_start3A_231 : memref<128xf32, #tpu.memory_space<hbm>>) target(%arg16 : memref<128xf32, #tpu.memory_space<vmem>>) target_semaphore(%run_scoped3A_225 : memref<!tpu.dma_semaphore, #tpu.memory_space<semaphore_mem>>)
      %dma_wait3A = arith.constant 0 : i32
      %dma_wait3A_232 = tpu.memref_slice %arg9[%run_scoped3A_111, %add3A_108, %dma_wait3A] : memref<5x1280x128xf32, #tpu.memory_space<hbm>> -> memref<1x1x128xf32, #tpu.memory_space<hbm>>
      %dma_wait3A_233 = tpu.memref_squeeze %dma_wait3A_232 : memref<1x1x128xf32, #tpu.memory_space<hbm>> -> memref<128xf32, #tpu.memory_space<hbm>>
      %dma_wait3A_234 = arith.constant 0 : i32
      %dma_wait3A_235 = tpu.memref_slice %arg9[%run_scoped3A_111, %add3A_108, %dma_wait3A_234] : memref<5x1280x128xf32, #tpu.memory_space<hbm>> -> memref<1x1x128xf32, #tpu.memory_space<hbm>>
      %dma_wait3A_236 = tpu.memref_squeeze %dma_wait3A_235 : memref<1x1x128xf32, #tpu.memory_space<hbm>> -> memref<128xf32, #tpu.memory_space<hbm>>
      tpu.wait_dma2 semaphore(%run_scoped3A_225 : memref<!tpu.dma_semaphore, #tpu.memory_space<semaphore_mem>>) src(%dma_wait3A_236 : memref<128xf32, #tpu.memory_space<hbm>>) dst(%arg16 : memref<128xf32, #tpu.memory_space<vmem>>)
      tpu.yield
    }) : () -> ()
    %dma_start3A_112 = arith.constant 0 : i32
    %dma_start3A_113 = arith.constant 0 : i32
    %dma_start3A_114 = tpu.memref_slice %arg4[%dma_start3A_112, %dma_start3A_113] : memref<10000x64xi32, #tpu.memory_space<hbm>> -> memref<10000x64xi32, #tpu.memory_space<hbm>>
    tpu.enqueue_indirect_dma source(%dma_start3A_114 : memref<10000x64xi32, #tpu.memory_space<hbm>>) target(%arg18 : memref<128x64xi32, #tpu.memory_space<vmem>>) offsets(%arg12 : memref<128xi32, #tpu.memory_space<vmem>>) semaphore(%arg21 : memref<!tpu.dma_semaphore, #tpu.memory_space<semaphore_mem>>)
    %add3A_115 = arith.constant 1 : i32
    %add3A_116 = arith.addi %mul3A_2, %add3A_115 : i32
    %dma_start3A_117 = arith.constant 2 : i32
    %dma_start3A_118 = arith.constant 0 : i32
    %dma_start3A_119 = tpu.memref_slice %arg7[%dma_start3A_117, %add3A_116, %dma_start3A_118] : memref<5x1280x128xi32, #tpu.memory_space<hbm>> -> memref<1x1x128xi32, #tpu.memory_space<hbm>>
    %dma_start3A_120 = tpu.memref_squeeze %dma_start3A_119 : memref<1x1x128xi32, #tpu.memory_space<hbm>> -> memref<128xi32, #tpu.memory_space<hbm>>
    %dma_start3A_121 = arith.constant 0 : i32
    %dma_start3A_122 = tpu.memref_slice %arg7[%dma_start3A_117, %add3A_116, %dma_start3A_121] : memref<5x1280x128xi32, #tpu.memory_space<hbm>> -> memref<1x1x128xi32, #tpu.memory_space<hbm>>
    %dma_start3A_123 = tpu.memref_squeeze %dma_start3A_122 : memref<1x1x128xi32, #tpu.memory_space<hbm>> -> memref<128xi32, #tpu.memory_space<hbm>>
    tpu.enqueue_dma source(%dma_start3A_123 : memref<128xi32, #tpu.memory_space<hbm>>) target(%arg13 : memref<128xi32, #tpu.memory_space<vmem>>) target_semaphore(%arg24 : memref<!tpu.dma_semaphore, #tpu.memory_space<semaphore_mem>>)
    %dma_start3A_124 = arith.constant 2 : i32
    %dma_start3A_125 = arith.constant 0 : i32
    %dma_start3A_126 = tpu.memref_slice %arg8[%dma_start3A_124, %add3A_116, %dma_start3A_125] : memref<5x1280x128xi32, #tpu.memory_space<hbm>> -> memref<1x1x128xi32, #tpu.memory_space<hbm>>
    %dma_start3A_127 = tpu.memref_squeeze %dma_start3A_126 : memref<1x1x128xi32, #tpu.memory_space<hbm>> -> memref<128xi32, #tpu.memory_space<hbm>>
    %dma_start3A_128 = arith.constant 0 : i32
    %dma_start3A_129 = tpu.memref_slice %arg8[%dma_start3A_124, %add3A_116, %dma_start3A_128] : memref<5x1280x128xi32, #tpu.memory_space<hbm>> -> memref<1x1x128xi32, #tpu.memory_space<hbm>>
    %dma_start3A_130 = tpu.memref_squeeze %dma_start3A_129 : memref<1x1x128xi32, #tpu.memory_space<hbm>> -> memref<128xi32, #tpu.memory_space<hbm>>
    tpu.enqueue_dma source(%dma_start3A_130 : memref<128xi32, #tpu.memory_space<hbm>>) target(%arg15 : memref<128xi32, #tpu.memory_space<vmem>>) target_semaphore(%arg24 : memref<!tpu.dma_semaphore, #tpu.memory_space<semaphore_mem>>)
    %dma_start3A_131 = arith.constant 2 : i32
    %dma_start3A_132 = arith.constant 0 : i32
    %dma_start3A_133 = tpu.memref_slice %arg9[%dma_start3A_131, %add3A_116, %dma_start3A_132] : memref<5x1280x128xf32, #tpu.memory_space<hbm>> -> memref<1x1x128xf32, #tpu.memory_space<hbm>>
    %dma_start3A_134 = tpu.memref_squeeze %dma_start3A_133 : memref<1x1x128xf32, #tpu.memory_space<hbm>> -> memref<128xf32, #tpu.memory_space<hbm>>
    %dma_start3A_135 = arith.constant 0 : i32
    %dma_start3A_136 = tpu.memref_slice %arg9[%dma_start3A_131, %add3A_116, %dma_start3A_135] : memref<5x1280x128xf32, #tpu.memory_space<hbm>> -> memref<1x1x128xf32, #tpu.memory_space<hbm>>
    %dma_start3A_137 = tpu.memref_squeeze %dma_start3A_136 : memref<1x1x128xf32, #tpu.memory_space<hbm>> -> memref<128xf32, #tpu.memory_space<hbm>>
    tpu.enqueue_dma source(%dma_start3A_137 : memref<128xf32, #tpu.memory_space<hbm>>) target(%arg17 : memref<128xf32, #tpu.memory_space<vmem>>) target_semaphore(%arg24 : memref<!tpu.dma_semaphore, #tpu.memory_space<semaphore_mem>>)
    %scan3A_138 = arith.constant 0 : i32
    %scan3A_139 = arith.constant 0 : i32
    %scan3A_140 = arith.constant 20 : i32
    %scan3A_141 = arith.addi %scan3A_139, %scan3A_140 : i32
    %scan3A_142 = arith.constant 1 : i32
    scf.for %scan3A_225 = %scan3A_139 to %scan3A_141 step %scan3A_142  : i32 {
      %mul3A_226 = arith.constant 2 : i32
      %mul3A_227 = arith.muli %scan3A_225, %mul3A_226 : i32
      %dma_wait3A = arith.constant 0 : i32
      %dma_wait3A_228 = arith.constant 0 : i32
      %dma_wait3A_229 = tpu.memref_slice %arg4[%dma_wait3A, %dma_wait3A_228] : memref<10000x64xi32, #tpu.memory_space<hbm>> -> memref<10000x64xi32, #tpu.memory_space<hbm>>
      tpu.wait_indirect_dma semaphore(%arg21 : memref<!tpu.dma_semaphore, #tpu.memory_space<semaphore_mem>>) src(%dma_wait3A_229 : memref<10000x64xi32, #tpu.memory_space<hbm>>) dst(%arg18 : memref<128x64xi32, #tpu.memory_space<vmem>>)
      %add3A_230 = arith.constant 1 : i32
      %add3A_231 = arith.addi %mul3A_227, %add3A_230 : i32
      %lt3A = arith.constant 40 : i32
      %lt3A_232 = arith.cmpi slt, %add3A_231, %lt3A : i32
      %convert_element_type3A = arith.extui %lt3A_232 : i1 to i32
      %cond3A = arith.constant 0 : i32
      %cond3A_233 = arith.cmpi ne, %convert_element_type3A, %cond3A : i32
      scf.if %cond3A_233 {
        %add3A_278 = arith.constant 1 : i32
        %add3A_279 = arith.addi %mul3A_227, %add3A_278 : i32
        %add3A_280 = arith.addi %mul3A_2, %add3A_279 : i32
        %dma_wait3A_281 = arith.constant 2 : i32
        %dma_wait3A_282 = arith.constant 0 : i32
        %dma_wait3A_283 = tpu.memref_slice %arg7[%dma_wait3A_281, %add3A_280, %dma_wait3A_282] : memref<5x1280x128xi32, #tpu.memory_space<hbm>> -> memref<1x1x128xi32, #tpu.memory_space<hbm>>
        %dma_wait3A_284 = tpu.memref_squeeze %dma_wait3A_283 : memref<1x1x128xi32, #tpu.memory_space<hbm>> -> memref<128xi32, #tpu.memory_space<hbm>>
        %dma_wait3A_285 = arith.constant 0 : i32
        %dma_wait3A_286 = tpu.memref_slice %arg7[%dma_wait3A_281, %add3A_280, %dma_wait3A_285] : memref<5x1280x128xi32, #tpu.memory_space<hbm>> -> memref<1x1x128xi32, #tpu.memory_space<hbm>>
        %dma_wait3A_287 = tpu.memref_squeeze %dma_wait3A_286 : memref<1x1x128xi32, #tpu.memory_space<hbm>> -> memref<128xi32, #tpu.memory_space<hbm>>
        tpu.wait_dma2 semaphore(%arg24 : memref<!tpu.dma_semaphore, #tpu.memory_space<semaphore_mem>>) src(%dma_wait3A_287 : memref<128xi32, #tpu.memory_space<hbm>>) dst(%arg13 : memref<128xi32, #tpu.memory_space<vmem>>)
        %dma_wait3A_288 = arith.constant 2 : i32
        %dma_wait3A_289 = arith.constant 0 : i32
        %dma_wait3A_290 = tpu.memref_slice %arg8[%dma_wait3A_288, %add3A_280, %dma_wait3A_289] : memref<5x1280x128xi32, #tpu.memory_space<hbm>> -> memref<1x1x128xi32, #tpu.memory_space<hbm>>
        %dma_wait3A_291 = tpu.memref_squeeze %dma_wait3A_290 : memref<1x1x128xi32, #tpu.memory_space<hbm>> -> memref<128xi32, #tpu.memory_space<hbm>>
        %dma_wait3A_292 = arith.constant 0 : i32
        %dma_wait3A_293 = tpu.memref_slice %arg8[%dma_wait3A_288, %add3A_280, %dma_wait3A_292] : memref<5x1280x128xi32, #tpu.memory_space<hbm>> -> memref<1x1x128xi32, #tpu.memory_space<hbm>>
        %dma_wait3A_294 = tpu.memref_squeeze %dma_wait3A_293 : memref<1x1x128xi32, #tpu.memory_space<hbm>> -> memref<128xi32, #tpu.memory_space<hbm>>
        tpu.wait_dma2 semaphore(%arg24 : memref<!tpu.dma_semaphore, #tpu.memory_space<semaphore_mem>>) src(%dma_wait3A_294 : memref<128xi32, #tpu.memory_space<hbm>>) dst(%arg15 : memref<128xi32, #tpu.memory_space<vmem>>)
        %dma_wait3A_295 = arith.constant 2 : i32
        %dma_wait3A_296 = arith.constant 0 : i32
        %dma_wait3A_297 = tpu.memref_slice %arg9[%dma_wait3A_295, %add3A_280, %dma_wait3A_296] : memref<5x1280x128xf32, #tpu.memory_space<hbm>> -> memref<1x1x128xf32, #tpu.memory_space<hbm>>
        %dma_wait3A_298 = tpu.memref_squeeze %dma_wait3A_297 : memref<1x1x128xf32, #tpu.memory_space<hbm>> -> memref<128xf32, #tpu.memory_space<hbm>>
        %dma_wait3A_299 = arith.constant 0 : i32
        %dma_wait3A_300 = tpu.memref_slice %arg9[%dma_wait3A_295, %add3A_280, %dma_wait3A_299] : memref<5x1280x128xf32, #tpu.memory_space<hbm>> -> memref<1x1x128xf32, #tpu.memory_space<hbm>>
        %dma_wait3A_301 = tpu.memref_squeeze %dma_wait3A_300 : memref<1x1x128xf32, #tpu.memory_space<hbm>> -> memref<128xf32, #tpu.memory_space<hbm>>
        tpu.wait_dma2 semaphore(%arg24 : memref<!tpu.dma_semaphore, #tpu.memory_space<semaphore_mem>>) src(%dma_wait3A_301 : memref<128xf32, #tpu.memory_space<hbm>>) dst(%arg17 : memref<128xf32, #tpu.memory_space<vmem>>)
        %dma_start3A_302 = arith.constant 0 : i32
        %dma_start3A_303 = arith.constant 0 : i32
        %dma_start3A_304 = tpu.memref_slice %arg4[%dma_start3A_302, %dma_start3A_303] : memref<10000x64xi32, #tpu.memory_space<hbm>> -> memref<10000x64xi32, #tpu.memory_space<hbm>>
        tpu.enqueue_indirect_dma source(%dma_start3A_304 : memref<10000x64xi32, #tpu.memory_space<hbm>>) target(%arg19 : memref<128x64xi32, #tpu.memory_space<vmem>>) offsets(%arg13 : memref<128xi32, #tpu.memory_space<vmem>>) semaphore(%arg22 : memref<!tpu.dma_semaphore, #tpu.memory_space<semaphore_mem>>)
      } else {
      }
      %broadcast_in_dim3A_234 = arith.constant -65536 : i32
      %broadcast_in_dim3A_235 = vector.broadcast %broadcast_in_dim3A_234 : i32 to vector<16xi32>
      %scan3A_236 = arith.constant 0 : i32
      %scan3A_237 = arith.constant 0 : i32
      %scan3A_238 = arith.constant 128 : i32
      %scan3A_239 = arith.addi %scan3A_237, %scan3A_238 : i32
      %scan3A_240 = arith.constant 1 : i32
      scf.for %scan3A_278 = %scan3A_237 to %scan3A_239 step %scan3A_240  : i32 {
        %broadcast_in_dim3A_279 = vector.broadcast %scan3A_278 : i32 to vector<16xi32>
        %gather3A = tpu.vector_load_idx %arg16[%broadcast_in_dim3A_279] : memref<128xf32, #tpu.memory_space<vmem>>[vector<16xi32>], vector<16xf32>,
        %get3A = arith.index_cast %scan3A_278 : i32 to index
        %get3A_280 = arith.constant 0 : index
        %get3A_281 = tpu.vector_load %arg18[%get3A, %get3A_280] {strides = array<i32>} : memref<128x64xi32, #tpu.memory_space<vmem>>, vector<16xi32>,
        %shift_left3A = arith.constant 16 : i32
        %shift_left3A_282 = vector.broadcast %shift_left3A : i32 to vector<16xi32>
        %shift_left3A_283 = arith.shli %get3A_281, %shift_left3A_282 : vector<16xi32>
        %bitcast3A = vector.bitcast %shift_left3A_283 : vector<16xi32> to vector<16xf32>
        %and3A = arith.andi %get3A_281, %broadcast_in_dim3A_235 : vector<16xi32>
        %bitcast3A_284 = vector.bitcast %and3A : vector<16xi32> to vector<16xf32>
        %mul3A_285 = arith.mulf %bitcast3A, %gather3A : vector<16xf32>
        %swap3A = arith.index_cast %scan3A_278 : i32 to index
        %swap3A_286 = arith.constant 0 : index
        %swap3A_287 = tpu.vector_load %arg20[%swap3A, %swap3A_286] {strides = array<i32>} : memref<128x128xf32, #tpu.memory_space<vmem>>, vector<16xf32>,
        tpu.vector_store %arg20[%swap3A, %swap3A_286], %mul3A_285 {strides = array<i32>} : memref<128x128xf32, #tpu.memory_space<vmem>>, vector<16xf32>,
        %mul3A_288 = arith.mulf %bitcast3A_284, %gather3A : vector<16xf32>
        %swap3A_289 = arith.index_cast %scan3A_278 : i32 to index
        %swap3A_290 = arith.constant 64 : index
        %swap3A_291 = tpu.vector_load %arg20[%swap3A_289, %swap3A_290] {strides = array<i32>} : memref<128x128xf32, #tpu.memory_space<vmem>>, vector<16xf32>,
        tpu.vector_store %arg20[%swap3A_289, %swap3A_290], %mul3A_288 {strides = array<i32>} : memref<128x128xf32, #tpu.memory_space<vmem>>, vector<16xf32>,
        %get3A_292 = arith.index_cast %scan3A_278 : i32 to index
        %get3A_293 = arith.constant 16 : index
        %get3A_294 = tpu.vector_load %arg18[%get3A_292, %get3A_293] {strides = array<i32>} : memref<128x64xi32, #tpu.memory_space<vmem>>, vector<16xi32>,
        %shift_left3A_295 = arith.constant 16 : i32
        %shift_left3A_296 = vector.broadcast %shift_left3A_295 : i32 to vector<16xi32>
        %shift_left3A_297 = arith.shli %get3A_294, %shift_left3A_296 : vector<16xi32>
        %bitcast3A_298 = vector.bitcast %shift_left3A_297 : vector<16xi32> to vector<16xf32>
        %and3A_299 = arith.andi %get3A_294, %broadcast_in_dim3A_235 : vector<16xi32>
        %bitcast3A_300 = vector.bitcast %and3A_299 : vector<16xi32> to vector<16xf32>
        %mul3A_301 = arith.mulf %bitcast3A_298, %gather3A : vector<16xf32>
        %swap3A_302 = arith.index_cast %scan3A_278 : i32 to index
        %swap3A_303 = arith.constant 16 : index
        %swap3A_304 = tpu.vector_load %arg20[%swap3A_302, %swap3A_303] {strides = array<i32>} : memref<128x128xf32, #tpu.memory_space<vmem>>, vector<16xf32>,
        tpu.vector_store %arg20[%swap3A_302, %swap3A_303], %mul3A_301 {strides = array<i32>} : memref<128x128xf32, #tpu.memory_space<vmem>>, vector<16xf32>,
        %mul3A_305 = arith.mulf %bitcast3A_300, %gather3A : vector<16xf32>
        %swap3A_306 = arith.index_cast %scan3A_278 : i32 to index
        %swap3A_307 = arith.constant 80 : index
        %swap3A_308 = tpu.vector_load %arg20[%swap3A_306, %swap3A_307] {strides = array<i32>} : memref<128x128xf32, #tpu.memory_space<vmem>>, vector<16xf32>,
        tpu.vector_store %arg20[%swap3A_306, %swap3A_307], %mul3A_305 {strides = array<i32>} : memref<128x128xf32, #tpu.memory_space<vmem>>, vector<16xf32>,
        %get3A_309 = arith.index_cast %scan3A_278 : i32 to index
        %get3A_310 = arith.constant 32 : index
        %get3A_311 = tpu.vector_load %arg18[%get3A_309, %get3A_310] {strides = array<i32>} : memref<128x64xi32, #tpu.memory_space<vmem>>, vector<16xi32>,
        %shift_left3A_312 = arith.constant 16 : i32
        %shift_left3A_313 = vector.broadcast %shift_left3A_312 : i32 to vector<16xi32>
        %shift_left3A_314 = arith.shli %get3A_311, %shift_left3A_313 : vector<16xi32>
        %bitcast3A_315 = vector.bitcast %shift_left3A_314 : vector<16xi32> to vector<16xf32>
        %and3A_316 = arith.andi %get3A_311, %broadcast_in_dim3A_235 : vector<16xi32>
        %bitcast3A_317 = vector.bitcast %and3A_316 : vector<16xi32> to vector<16xf32>
        %mul3A_318 = arith.mulf %bitcast3A_315, %gather3A : vector<16xf32>
        %swap3A_319 = arith.index_cast %scan3A_278 : i32 to index
        %swap3A_320 = arith.constant 32 : index
        %swap3A_321 = tpu.vector_load %arg20[%swap3A_319, %swap3A_320] {strides = array<i32>} : memref<128x128xf32, #tpu.memory_space<vmem>>, vector<16xf32>,
        tpu.vector_store %arg20[%swap3A_319, %swap3A_320], %mul3A_318 {strides = array<i32>} : memref<128x128xf32, #tpu.memory_space<vmem>>, vector<16xf32>,
        %mul3A_322 = arith.mulf %bitcast3A_317, %gather3A : vector<16xf32>
        %swap3A_323 = arith.index_cast %scan3A_278 : i32 to index
        %swap3A_324 = arith.constant 96 : index
        %swap3A_325 = tpu.vector_load %arg20[%swap3A_323, %swap3A_324] {strides = array<i32>} : memref<128x128xf32, #tpu.memory_space<vmem>>, vector<16xf32>,
        tpu.vector_store %arg20[%swap3A_323, %swap3A_324], %mul3A_322 {strides = array<i32>} : memref<128x128xf32, #tpu.memory_space<vmem>>, vector<16xf32>,
        %get3A_326 = arith.index_cast %scan3A_278 : i32 to index
        %get3A_327 = arith.constant 48 : index
        %get3A_328 = tpu.vector_load %arg18[%get3A_326, %get3A_327] {strides = array<i32>} : memref<128x64xi32, #tpu.memory_space<vmem>>, vector<16xi32>,
        %shift_left3A_329 = arith.constant 16 : i32
        %shift_left3A_330 = vector.broadcast %shift_left3A_329 : i32 to vector<16xi32>
        %shift_left3A_331 = arith.shli %get3A_328, %shift_left3A_330 : vector<16xi32>
        %bitcast3A_332 = vector.bitcast %shift_left3A_331 : vector<16xi32> to vector<16xf32>
        %and3A_333 = arith.andi %get3A_328, %broadcast_in_dim3A_235 : vector<16xi32>
        %bitcast3A_334 = vector.bitcast %and3A_333 : vector<16xi32> to vector<16xf32>
        %mul3A_335 = arith.mulf %bitcast3A_332, %gather3A : vector<16xf32>
        %swap3A_336 = arith.index_cast %scan3A_278 : i32 to index
        %swap3A_337 = arith.constant 48 : index
        %swap3A_338 = tpu.vector_load %arg20[%swap3A_336, %swap3A_337] {strides = array<i32>} : memref<128x128xf32, #tpu.memory_space<vmem>>, vector<16xf32>,
        tpu.vector_store %arg20[%swap3A_336, %swap3A_337], %mul3A_335 {strides = array<i32>} : memref<128x128xf32, #tpu.memory_space<vmem>>, vector<16xf32>,
        %mul3A_339 = arith.mulf %bitcast3A_334, %gather3A : vector<16xf32>
        %swap3A_340 = arith.index_cast %scan3A_278 : i32 to index
        %swap3A_341 = arith.constant 112 : index
        %swap3A_342 = tpu.vector_load %arg20[%swap3A_340, %swap3A_341] {strides = array<i32>} : memref<128x128xf32, #tpu.memory_space<vmem>>, vector<16xf32>,
        tpu.vector_store %arg20[%swap3A_340, %swap3A_341], %mul3A_339 {strides = array<i32>} : memref<128x128xf32, #tpu.memory_space<vmem>>, vector<16xf32>,
      }
      %scan3A_241 = arith.constant 128 : i32
      "tpu.region"() ({
        %run_scoped3A_278 = tpu.sem_alloc : memref<!tpu.dma_semaphore, #tpu.memory_space<semaphore_mem>>
        %dma_start3A_279 = arith.constant 0 : i32
        %dma_start3A_280 = arith.constant 0 : i32
        %dma_start3A_281 = tpu.memref_slice %arg25[%dma_start3A_279, %dma_start3A_280] : memref<10240x128xf32, #tpu.memory_space<vmem_shared>> -> memref<10240x128xf32, #tpu.memory_space<vmem_shared>>
        tpu.enqueue_indirect_dma source(%arg20 : memref<128x128xf32, #tpu.memory_space<vmem>>) target(%dma_start3A_281 : memref<10240x128xf32, #tpu.memory_space<vmem_shared>>) offsets(%arg14 : memref<128xi32, #tpu.memory_space<vmem>>) semaphore(%run_scoped3A_278 : memref<!tpu.dma_semaphore, #tpu.memory_space<semaphore_mem>>) {add = true}
        %dma_wait3A_282 = arith.constant 0 : i32
        %dma_wait3A_283 = arith.constant 0 : i32
        %dma_wait3A_284 = tpu.memref_slice %arg25[%dma_wait3A_282, %dma_wait3A_283] : memref<10240x128xf32, #tpu.memory_space<vmem_shared>> -> memref<10240x128xf32, #tpu.memory_space<vmem_shared>>
        tpu.wait_indirect_dma semaphore(%run_scoped3A_278 : memref<!tpu.dma_semaphore, #tpu.memory_space<semaphore_mem>>) src(%arg20 : memref<128x128xf32, #tpu.memory_space<vmem>>) dst(%dma_wait3A_284 : memref<10240x128xf32, #tpu.memory_space<vmem_shared>>)
        tpu.yield
      }) : () -> ()
      %add3A_242 = arith.constant 2 : i32
      %add3A_243 = arith.addi %mul3A_227, %add3A_242 : i32
      %lt3A_244 = arith.constant 40 : i32
      %lt3A_245 = arith.cmpi slt, %add3A_243, %lt3A_244 : i32
      %convert_element_type3A_246 = arith.extui %lt3A_245 : i1 to i32
      %cond3A_247 = arith.constant 0 : i32
      %cond3A_248 = arith.cmpi ne, %convert_element_type3A_246, %cond3A_247 : i32
      scf.if %cond3A_248 {
        %add3A_278 = arith.constant 2 : i32
        %add3A_279 = arith.addi %mul3A_227, %add3A_278 : i32
        %add3A_280 = arith.addi %mul3A_2, %add3A_279 : i32
        %dma_start3A_281 = arith.constant 2 : i32
        %dma_start3A_282 = arith.constant 0 : i32
        %dma_start3A_283 = tpu.memref_slice %arg7[%dma_start3A_281, %add3A_280, %dma_start3A_282] : memref<5x1280x128xi32, #tpu.memory_space<hbm>> -> memref<1x1x128xi32, #tpu.memory_space<hbm>>
        %dma_start3A_284 = tpu.memref_squeeze %dma_start3A_283 : memref<1x1x128xi32, #tpu.memory_space<hbm>> -> memref<128xi32, #tpu.memory_space<hbm>>
        %dma_start3A_285 = arith.constant 0 : i32
        %dma_start3A_286 = tpu.memref_slice %arg7[%dma_start3A_281, %add3A_280, %dma_start3A_285] : memref<5x1280x128xi32, #tpu.memory_space<hbm>> -> memref<1x1x128xi32, #tpu.memory_space<hbm>>
        %dma_start3A_287 = tpu.memref_squeeze %dma_start3A_286 : memref<1x1x128xi32, #tpu.memory_space<hbm>> -> memref<128xi32, #tpu.memory_space<hbm>>
        tpu.enqueue_dma source(%dma_start3A_287 : memref<128xi32, #tpu.memory_space<hbm>>) target(%arg12 : memref<128xi32, #tpu.memory_space<vmem>>) target_semaphore(%arg23 : memref<!tpu.dma_semaphore, #tpu.memory_space<semaphore_mem>>)
        %dma_start3A_288 = arith.constant 2 : i32
        %dma_start3A_289 = arith.constant 0 : i32
        %dma_start3A_290 = tpu.memref_slice %arg8[%dma_start3A_288, %add3A_280, %dma_start3A_289] : memref<5x1280x128xi32, #tpu.memory_space<hbm>> -> memref<1x1x128xi32, #tpu.memory_space<hbm>>
        %dma_start3A_291 = tpu.memref_squeeze %dma_start3A_290 : memref<1x1x128xi32, #tpu.memory_space<hbm>> -> memref<128xi32, #tpu.memory_space<hbm>>
        %dma_start3A_292 = arith.constant 0 : i32
        %dma_start3A_293 = tpu.memref_slice %arg8[%dma_start3A_288, %add3A_280, %dma_start3A_292] : memref<5x1280x128xi32, #tpu.memory_space<hbm>> -> memref<1x1x128xi32, #tpu.memory_space<hbm>>
        %dma_start3A_294 = tpu.memref_squeeze %dma_start3A_293 : memref<1x1x128xi32, #tpu.memory_space<hbm>> -> memref<128xi32, #tpu.memory_space<hbm>>
        tpu.enqueue_dma source(%dma_start3A_294 : memref<128xi32, #tpu.memory_space<hbm>>) target(%arg14 : memref<128xi32, #tpu.memory_space<vmem>>) target_semaphore(%arg23 : memref<!tpu.dma_semaphore, #tpu.memory_space<semaphore_mem>>)
        %dma_start3A_295 = arith.constant 2 : i32
        %dma_start3A_296 = arith.constant 0 : i32
        %dma_start3A_297 = tpu.memref_slice %arg9[%dma_start3A_295, %add3A_280, %dma_start3A_296] : memref<5x1280x128xf32, #tpu.memory_space<hbm>> -> memref<1x1x128xf32, #tpu.memory_space<hbm>>
        %dma_start3A_298 = tpu.memref_squeeze %dma_start3A_297 : memref<1x1x128xf32, #tpu.memory_space<hbm>> -> memref<128xf32, #tpu.memory_space<hbm>>
        %dma_start3A_299 = arith.constant 0 : i32
        %dma_start3A_300 = tpu.memref_slice %arg9[%dma_start3A_295, %add3A_280, %dma_start3A_299] : memref<5x1280x128xf32, #tpu.memory_space<hbm>> -> memref<1x1x128xf32, #tpu.memory_space<hbm>>
        %dma_start3A_301 = tpu.memref_squeeze %dma_start3A_300 : memref<1x1x128xf32, #tpu.memory_space<hbm>> -> memref<128xf32, #tpu.memory_space<hbm>>
        tpu.enqueue_dma source(%dma_start3A_301 : memref<128xf32, #tpu.memory_space<hbm>>) target(%arg16 : memref<128xf32, #tpu.memory_space<vmem>>) target_semaphore(%arg23 : memref<!tpu.dma_semaphore, #tpu.memory_space<semaphore_mem>>)
      } else {
      }
      %mul3A_249 = arith.constant 2 : i32
      %mul3A_250 = arith.muli %scan3A_225, %mul3A_249 : i32
      %add3A_251 = arith.constant 1 : i32
      %add3A_252 = arith.addi %mul3A_250, %add3A_251 : i32
      %dma_wait3A_253 = arith.constant 0 : i32
      %dma_wait3A_254 = arith.constant 0 : i32
      %dma_wait3A_255 = tpu.memref_slice %arg4[%dma_wait3A_253, %dma_wait3A_254] : memref<10000x64xi32, #tpu.memory_space<hbm>> -> memref<10000x64xi32, #tpu.memory_space<hbm>>
      tpu.wait_indirect_dma semaphore(%arg22 : memref<!tpu.dma_semaphore, #tpu.memory_space<semaphore_mem>>) src(%dma_wait3A_255 : memref<10000x64xi32, #tpu.memory_space<hbm>>) dst(%arg19 : memref<128x64xi32, #tpu.memory_space<vmem>>)
      %add3A_256 = arith.constant 1 : i32
      %add3A_257 = arith.addi %add3A_252, %add3A_256 : i32
      %lt3A_258 = arith.constant 40 : i32
      %lt3A_259 = arith.cmpi slt, %add3A_257, %lt3A_258 : i32
      %convert_element_type3A_260 = arith.extui %lt3A_259 : i1 to i32
      %cond3A_261 = arith.constant 0 : i32
      %cond3A_262 = arith.cmpi ne, %convert_element_type3A_260, %cond3A_261 : i32
      scf.if %cond3A_262 {
        %add3A_278 = arith.constant 1 : i32
        %add3A_279 = arith.addi %add3A_252, %add3A_278 : i32
        %add3A_280 = arith.addi %mul3A_2, %add3A_279 : i32
        %dma_wait3A_281 = arith.constant 2 : i32
        %dma_wait3A_282 = arith.constant 0 : i32
        %dma_wait3A_283 = tpu.memref_slice %arg7[%dma_wait3A_281, %add3A_280, %dma_wait3A_282] : memref<5x1280x128xi32, #tpu.memory_space<hbm>> -> memref<1x1x128xi32, #tpu.memory_space<hbm>>
        %dma_wait3A_284 = tpu.memref_squeeze %dma_wait3A_283 : memref<1x1x128xi32, #tpu.memory_space<hbm>> -> memref<128xi32, #tpu.memory_space<hbm>>
        %dma_wait3A_285 = arith.constant 0 : i32
        %dma_wait3A_286 = tpu.memref_slice %arg7[%dma_wait3A_281, %add3A_280, %dma_wait3A_285] : memref<5x1280x128xi32, #tpu.memory_space<hbm>> -> memref<1x1x128xi32, #tpu.memory_space<hbm>>
        %dma_wait3A_287 = tpu.memref_squeeze %dma_wait3A_286 : memref<1x1x128xi32, #tpu.memory_space<hbm>> -> memref<128xi32, #tpu.memory_space<hbm>>
        tpu.wait_dma2 semaphore(%arg23 : memref<!tpu.dma_semaphore, #tpu.memory_space<semaphore_mem>>) src(%dma_wait3A_287 : memref<128xi32, #tpu.memory_space<hbm>>) dst(%arg12 : memref<128xi32, #tpu.memory_space<vmem>>)
        %dma_wait3A_288 = arith.constant 2 : i32
        %dma_wait3A_289 = arith.constant 0 : i32
        %dma_wait3A_290 = tpu.memref_slice %arg8[%dma_wait3A_288, %add3A_280, %dma_wait3A_289] : memref<5x1280x128xi32, #tpu.memory_space<hbm>> -> memref<1x1x128xi32, #tpu.memory_space<hbm>>
        %dma_wait3A_291 = tpu.memref_squeeze %dma_wait3A_290 : memref<1x1x128xi32, #tpu.memory_space<hbm>> -> memref<128xi32, #tpu.memory_space<hbm>>
        %dma_wait3A_292 = arith.constant 0 : i32
        %dma_wait3A_293 = tpu.memref_slice %arg8[%dma_wait3A_288, %add3A_280, %dma_wait3A_292] : memref<5x1280x128xi32, #tpu.memory_space<hbm>> -> memref<1x1x128xi32, #tpu.memory_space<hbm>>
        %dma_wait3A_294 = tpu.memref_squeeze %dma_wait3A_293 : memref<1x1x128xi32, #tpu.memory_space<hbm>> -> memref<128xi32, #tpu.memory_space<hbm>>
        tpu.wait_dma2 semaphore(%arg23 : memref<!tpu.dma_semaphore, #tpu.memory_space<semaphore_mem>>) src(%dma_wait3A_294 : memref<128xi32, #tpu.memory_space<hbm>>) dst(%arg14 : memref<128xi32, #tpu.memory_space<vmem>>)
        %dma_wait3A_295 = arith.constant 2 : i32
        %dma_wait3A_296 = arith.constant 0 : i32
        %dma_wait3A_297 = tpu.memref_slice %arg9[%dma_wait3A_295, %add3A_280, %dma_wait3A_296] : memref<5x1280x128xf32, #tpu.memory_space<hbm>> -> memref<1x1x128xf32, #tpu.memory_space<hbm>>
        %dma_wait3A_298 = tpu.memref_squeeze %dma_wait3A_297 : memref<1x1x128xf32, #tpu.memory_space<hbm>> -> memref<128xf32, #tpu.memory_space<hbm>>
        %dma_wait3A_299 = arith.constant 0 : i32
        %dma_wait3A_300 = tpu.memref_slice %arg9[%dma_wait3A_295, %add3A_280, %dma_wait3A_299] : memref<5x1280x128xf32, #tpu.memory_space<hbm>> -> memref<1x1x128xf32, #tpu.memory_space<hbm>>
        %dma_wait3A_301 = tpu.memref_squeeze %dma_wait3A_300 : memref<1x1x128xf32, #tpu.memory_space<hbm>> -> memref<128xf32, #tpu.memory_space<hbm>>
        tpu.wait_dma2 semaphore(%arg23 : memref<!tpu.dma_semaphore, #tpu.memory_space<semaphore_mem>>) src(%dma_wait3A_301 : memref<128xf32, #tpu.memory_space<hbm>>) dst(%arg16 : memref<128xf32, #tpu.memory_space<vmem>>)
        %dma_start3A_302 = arith.constant 0 : i32
        %dma_start3A_303 = arith.constant 0 : i32
        %dma_start3A_304 = tpu.memref_slice %arg4[%dma_start3A_302, %dma_start3A_303] : memref<10000x64xi32, #tpu.memory_space<hbm>> -> memref<10000x64xi32, #tpu.memory_space<hbm>>
        tpu.enqueue_indirect_dma source(%dma_start3A_304 : memref<10000x64xi32, #tpu.memory_space<hbm>>) target(%arg18 : memref<128x64xi32, #tpu.memory_space<vmem>>) offsets(%arg12 : memref<128xi32, #tpu.memory_space<vmem>>) semaphore(%arg21 : memref<!tpu.dma_semaphore, #tpu.memory_space<semaphore_mem>>)
      } else {
      }
      %broadcast_in_dim3A_263 = arith.constant -65536 : i32
      %broadcast_in_dim3A_264 = vector.broadcast %broadcast_in_dim3A_263 : i32 to vector<16xi32>
      %scan3A_265 = arith.constant 0 : i32
      %scan3A_266 = arith.constant 0 : i32
      %scan3A_267 = arith.constant 128 : i32
      %scan3A_268 = arith.addi %scan3A_266, %scan3A_267 : i32
      %scan3A_269 = arith.constant 1 : i32
      scf.for %scan3A_278 = %scan3A_266 to %scan3A_268 step %scan3A_269  : i32 {
        %broadcast_in_dim3A_279 = vector.broadcast %scan3A_278 : i32 to vector<16xi32>
        %gather3A = tpu.vector_load_idx %arg17[%broadcast_in_dim3A_279] : memref<128xf32, #tpu.memory_space<vmem>>[vector<16xi32>], vector<16xf32>,
        %get3A = arith.index_cast %scan3A_278 : i32 to index
        %get3A_280 = arith.constant 0 : index
        %get3A_281 = tpu.vector_load %arg19[%get3A, %get3A_280] {strides = array<i32>} : memref<128x64xi32, #tpu.memory_space<vmem>>, vector<16xi32>,
        %shift_left3A = arith.constant 16 : i32
        %shift_left3A_282 = vector.broadcast %shift_left3A : i32 to vector<16xi32>
        %shift_left3A_283 = arith.shli %get3A_281, %shift_left3A_282 : vector<16xi32>
        %bitcast3A = vector.bitcast %shift_left3A_283 : vector<16xi32> to vector<16xf32>
        %and3A = arith.andi %get3A_281, %broadcast_in_dim3A_264 : vector<16xi32>
        %bitcast3A_284 = vector.bitcast %and3A : vector<16xi32> to vector<16xf32>
        %mul3A_285 = arith.mulf %bitcast3A, %gather3A : vector<16xf32>
        %swap3A = arith.index_cast %scan3A_278 : i32 to index
        %swap3A_286 = arith.constant 0 : index
        %swap3A_287 = tpu.vector_load %arg20[%swap3A, %swap3A_286] {strides = array<i32>} : memref<128x128xf32, #tpu.memory_space<vmem>>, vector<16xf32>,
        tpu.vector_store %arg20[%swap3A, %swap3A_286], %mul3A_285 {strides = array<i32>} : memref<128x128xf32, #tpu.memory_space<vmem>>, vector<16xf32>,
        %mul3A_288 = arith.mulf %bitcast3A_284, %gather3A : vector<16xf32>
        %swap3A_289 = arith.index_cast %scan3A_278 : i32 to index
        %swap3A_290 = arith.constant 64 : index
        %swap3A_291 = tpu.vector_load %arg20[%swap3A_289, %swap3A_290] {strides = array<i32>} : memref<128x128xf32, #tpu.memory_space<vmem>>, vector<16xf32>,
        tpu.vector_store %arg20[%swap3A_289, %swap3A_290], %mul3A_288 {strides = array<i32>} : memref<128x128xf32, #tpu.memory_space<vmem>>, vector<16xf32>,
        %get3A_292 = arith.index_cast %scan3A_278 : i32 to index
        %get3A_293 = arith.constant 16 : index
        %get3A_294 = tpu.vector_load %arg19[%get3A_292, %get3A_293] {strides = array<i32>} : memref<128x64xi32, #tpu.memory_space<vmem>>, vector<16xi32>,
        %shift_left3A_295 = arith.constant 16 : i32
        %shift_left3A_296 = vector.broadcast %shift_left3A_295 : i32 to vector<16xi32>
        %shift_left3A_297 = arith.shli %get3A_294, %shift_left3A_296 : vector<16xi32>
        %bitcast3A_298 = vector.bitcast %shift_left3A_297 : vector<16xi32> to vector<16xf32>
        %and3A_299 = arith.andi %get3A_294, %broadcast_in_dim3A_264 : vector<16xi32>
        %bitcast3A_300 = vector.bitcast %and3A_299 : vector<16xi32> to vector<16xf32>
        %mul3A_301 = arith.mulf %bitcast3A_298, %gather3A : vector<16xf32>
        %swap3A_302 = arith.index_cast %scan3A_278 : i32 to index
        %swap3A_303 = arith.constant 16 : index
        %swap3A_304 = tpu.vector_load %arg20[%swap3A_302, %swap3A_303] {strides = array<i32>} : memref<128x128xf32, #tpu.memory_space<vmem>>, vector<16xf32>,
        tpu.vector_store %arg20[%swap3A_302, %swap3A_303], %mul3A_301 {strides = array<i32>} : memref<128x128xf32, #tpu.memory_space<vmem>>, vector<16xf32>,
        %mul3A_305 = arith.mulf %bitcast3A_300, %gather3A : vector<16xf32>
        %swap3A_306 = arith.index_cast %scan3A_278 : i32 to index
        %swap3A_307 = arith.constant 80 : index
        %swap3A_308 = tpu.vector_load %arg20[%swap3A_306, %swap3A_307] {strides = array<i32>} : memref<128x128xf32, #tpu.memory_space<vmem>>, vector<16xf32>,
        tpu.vector_store %arg20[%swap3A_306, %swap3A_307], %mul3A_305 {strides = array<i32>} : memref<128x128xf32, #tpu.memory_space<vmem>>, vector<16xf32>,
        %get3A_309 = arith.index_cast %scan3A_278 : i32 to index
        %get3A_310 = arith.constant 32 : index
        %get3A_311 = tpu.vector_load %arg19[%get3A_309, %get3A_310] {strides = array<i32>} : memref<128x64xi32, #tpu.memory_space<vmem>>, vector<16xi32>,
        %shift_left3A_312 = arith.constant 16 : i32
        %shift_left3A_313 = vector.broadcast %shift_left3A_312 : i32 to vector<16xi32>
        %shift_left3A_314 = arith.shli %get3A_311, %shift_left3A_313 : vector<16xi32>
        %bitcast3A_315 = vector.bitcast %shift_left3A_314 : vector<16xi32> to vector<16xf32>
        %and3A_316 = arith.andi %get3A_311, %broadcast_in_dim3A_264 : vector<16xi32>
        %bitcast3A_317 = vector.bitcast %and3A_316 : vector<16xi32> to vector<16xf32>
        %mul3A_318 = arith.mulf %bitcast3A_315, %gather3A : vector<16xf32>
        %swap3A_319 = arith.index_cast %scan3A_278 : i32 to index
        %swap3A_320 = arith.constant 32 : index
        %swap3A_321 = tpu.vector_load %arg20[%swap3A_319, %swap3A_320] {strides = array<i32>} : memref<128x128xf32, #tpu.memory_space<vmem>>, vector<16xf32>,
        tpu.vector_store %arg20[%swap3A_319, %swap3A_320], %mul3A_318 {strides = array<i32>} : memref<128x128xf32, #tpu.memory_space<vmem>>, vector<16xf32>,
        %mul3A_322 = arith.mulf %bitcast3A_317, %gather3A : vector<16xf32>
        %swap3A_323 = arith.index_cast %scan3A_278 : i32 to index
        %swap3A_324 = arith.constant 96 : index
        %swap3A_325 = tpu.vector_load %arg20[%swap3A_323, %swap3A_324] {strides = array<i32>} : memref<128x128xf32, #tpu.memory_space<vmem>>, vector<16xf32>,
        tpu.vector_store %arg20[%swap3A_323, %swap3A_324], %mul3A_322 {strides = array<i32>} : memref<128x128xf32, #tpu.memory_space<vmem>>, vector<16xf32>,
        %get3A_326 = arith.index_cast %scan3A_278 : i32 to index
        %get3A_327 = arith.constant 48 : index
        %get3A_328 = tpu.vector_load %arg19[%get3A_326, %get3A_327] {strides = array<i32>} : memref<128x64xi32, #tpu.memory_space<vmem>>, vector<16xi32>,
        %shift_left3A_329 = arith.constant 16 : i32
        %shift_left3A_330 = vector.broadcast %shift_left3A_329 : i32 to vector<16xi32>
        %shift_left3A_331 = arith.shli %get3A_328, %shift_left3A_330 : vector<16xi32>
        %bitcast3A_332 = vector.bitcast %shift_left3A_331 : vector<16xi32> to vector<16xf32>
        %and3A_333 = arith.andi %get3A_328, %broadcast_in_dim3A_264 : vector<16xi32>
        %bitcast3A_334 = vector.bitcast %and3A_333 : vector<16xi32> to vector<16xf32>
        %mul3A_335 = arith.mulf %bitcast3A_332, %gather3A : vector<16xf32>
        %swap3A_336 = arith.index_cast %scan3A_278 : i32 to index
        %swap3A_337 = arith.constant 48 : index
        %swap3A_338 = tpu.vector_load %arg20[%swap3A_336, %swap3A_337] {strides = array<i32>} : memref<128x128xf32, #tpu.memory_space<vmem>>, vector<16xf32>,
        tpu.vector_store %arg20[%swap3A_336, %swap3A_337], %mul3A_335 {strides = array<i32>} : memref<128x128xf32, #tpu.memory_space<vmem>>, vector<16xf32>,
        %mul3A_339 = arith.mulf %bitcast3A_334, %gather3A : vector<16xf32>
        %swap3A_340 = arith.index_cast %scan3A_278 : i32 to index
        %swap3A_341 = arith.constant 112 : index
        %swap3A_342 = tpu.vector_load %arg20[%swap3A_340, %swap3A_341] {strides = array<i32>} : memref<128x128xf32, #tpu.memory_space<vmem>>, vector<16xf32>,
        tpu.vector_store %arg20[%swap3A_340, %swap3A_341], %mul3A_339 {strides = array<i32>} : memref<128x128xf32, #tpu.memory_space<vmem>>, vector<16xf32>,
      }
      %scan3A_270 = arith.constant 128 : i32
      "tpu.region"() ({
        %run_scoped3A_278 = tpu.sem_alloc : memref<!tpu.dma_semaphore, #tpu.memory_space<semaphore_mem>>
        %dma_start3A_279 = arith.constant 0 : i32
        %dma_start3A_280 = arith.constant 0 : i32
        %dma_start3A_281 = tpu.memref_slice %arg25[%dma_start3A_279, %dma_start3A_280] : memref<10240x128xf32, #tpu.memory_space<vmem_shared>> -> memref<10240x128xf32, #tpu.memory_space<vmem_shared>>
        tpu.enqueue_indirect_dma source(%arg20 : memref<128x128xf32, #tpu.memory_space<vmem>>) target(%dma_start3A_281 : memref<10240x128xf32, #tpu.memory_space<vmem_shared>>) offsets(%arg15 : memref<128xi32, #tpu.memory_space<vmem>>) semaphore(%run_scoped3A_278 : memref<!tpu.dma_semaphore, #tpu.memory_space<semaphore_mem>>) {add = true}
        %dma_wait3A_282 = arith.constant 0 : i32
        %dma_wait3A_283 = arith.constant 0 : i32
        %dma_wait3A_284 = tpu.memref_slice %arg25[%dma_wait3A_282, %dma_wait3A_283] : memref<10240x128xf32, #tpu.memory_space<vmem_shared>> -> memref<10240x128xf32, #tpu.memory_space<vmem_shared>>
        tpu.wait_indirect_dma semaphore(%run_scoped3A_278 : memref<!tpu.dma_semaphore, #tpu.memory_space<semaphore_mem>>) src(%arg20 : memref<128x128xf32, #tpu.memory_space<vmem>>) dst(%dma_wait3A_284 : memref<10240x128xf32, #tpu.memory_space<vmem_shared>>)
        tpu.yield
      }) : () -> ()
      %add3A_271 = arith.constant 2 : i32
      %add3A_272 = arith.addi %add3A_252, %add3A_271 : i32
      %lt3A_273 = arith.constant 40 : i32
      %lt3A_274 = arith.cmpi slt, %add3A_272, %lt3A_273 : i32
      %convert_element_type3A_275 = arith.extui %lt3A_274 : i1 to i32
      %cond3A_276 = arith.constant 0 : i32
      %cond3A_277 = arith.cmpi ne, %convert_element_type3A_275, %cond3A_276 : i32
      scf.if %cond3A_277 {
        %add3A_278 = arith.constant 2 : i32
        %add3A_279 = arith.addi %add3A_252, %add3A_278 : i32
        %add3A_280 = arith.addi %mul3A_2, %add3A_279 : i32
        %dma_start3A_281 = arith.constant 2 : i32
        %dma_start3A_282 = arith.constant 0 : i32
        %dma_start3A_283 = tpu.memref_slice %arg7[%dma_start3A_281, %add3A_280, %dma_start3A_282] : memref<5x1280x128xi32, #tpu.memory_space<hbm>> -> memref<1x1x128xi32, #tpu.memory_space<hbm>>
        %dma_start3A_284 = tpu.memref_squeeze %dma_start3A_283 : memref<1x1x128xi32, #tpu.memory_space<hbm>> -> memref<128xi32, #tpu.memory_space<hbm>>
        %dma_start3A_285 = arith.constant 0 : i32
        %dma_start3A_286 = tpu.memref_slice %arg7[%dma_start3A_281, %add3A_280, %dma_start3A_285] : memref<5x1280x128xi32, #tpu.memory_space<hbm>> -> memref<1x1x128xi32, #tpu.memory_space<hbm>>
        %dma_start3A_287 = tpu.memref_squeeze %dma_start3A_286 : memref<1x1x128xi32, #tpu.memory_space<hbm>> -> memref<128xi32, #tpu.memory_space<hbm>>
        tpu.enqueue_dma source(%dma_start3A_287 : memref<128xi32, #tpu.memory_space<hbm>>) target(%arg13 : memref<128xi32, #tpu.memory_space<vmem>>) target_semaphore(%arg24 : memref<!tpu.dma_semaphore, #tpu.memory_space<semaphore_mem>>)
        %dma_start3A_288 = arith.constant 2 : i32
        %dma_start3A_289 = arith.constant 0 : i32
        %dma_start3A_290 = tpu.memref_slice %arg8[%dma_start3A_288, %add3A_280, %dma_start3A_289] : memref<5x1280x128xi32, #tpu.memory_space<hbm>> -> memref<1x1x128xi32, #tpu.memory_space<hbm>>
        %dma_start3A_291 = tpu.memref_squeeze %dma_start3A_290 : memref<1x1x128xi32, #tpu.memory_space<hbm>> -> memref<128xi32, #tpu.memory_space<hbm>>
        %dma_start3A_292 = arith.constant 0 : i32
        %dma_start3A_293 = tpu.memref_slice %arg8[%dma_start3A_288, %add3A_280, %dma_start3A_292] : memref<5x1280x128xi32, #tpu.memory_space<hbm>> -> memref<1x1x128xi32, #tpu.memory_space<hbm>>
        %dma_start3A_294 = tpu.memref_squeeze %dma_start3A_293 : memref<1x1x128xi32, #tpu.memory_space<hbm>> -> memref<128xi32, #tpu.memory_space<hbm>>
        tpu.enqueue_dma source(%dma_start3A_294 : memref<128xi32, #tpu.memory_space<hbm>>) target(%arg15 : memref<128xi32, #tpu.memory_space<vmem>>) target_semaphore(%arg24 : memref<!tpu.dma_semaphore, #tpu.memory_space<semaphore_mem>>)
        %dma_start3A_295 = arith.constant 2 : i32
        %dma_start3A_296 = arith.constant 0 : i32
        %dma_start3A_297 = tpu.memref_slice %arg9[%dma_start3A_295, %add3A_280, %dma_start3A_296] : memref<5x1280x128xf32, #tpu.memory_space<hbm>> -> memref<1x1x128xf32, #tpu.memory_space<hbm>>
        %dma_start3A_298 = tpu.memref_squeeze %dma_start3A_297 : memref<1x1x128xf32, #tpu.memory_space<hbm>> -> memref<128xf32, #tpu.memory_space<hbm>>
        %dma_start3A_299 = arith.constant 0 : i32
        %dma_start3A_300 = tpu.memref_slice %arg9[%dma_start3A_295, %add3A_280, %dma_start3A_299] : memref<5x1280x128xf32, #tpu.memory_space<hbm>> -> memref<1x1x128xf32, #tpu.memory_space<hbm>>
        %dma_start3A_301 = tpu.memref_squeeze %dma_start3A_300 : memref<1x1x128xf32, #tpu.memory_space<hbm>> -> memref<128xf32, #tpu.memory_space<hbm>>
        tpu.enqueue_dma source(%dma_start3A_301 : memref<128xf32, #tpu.memory_space<hbm>>) target(%arg17 : memref<128xf32, #tpu.memory_space<vmem>>) target_semaphore(%arg24 : memref<!tpu.dma_semaphore, #tpu.memory_space<semaphore_mem>>)
      } else {
      }
    }
    %scan3A_143 = arith.constant 20 : i32
    %add3A_144 = arith.constant 0 : i32
    %add3A_145 = arith.addi %mul3A_2, %add3A_144 : i32
    %run_scoped3A_146 = arith.constant 3 : i32
    "tpu.region"() ({
      %run_scoped3A_225 = tpu.sem_alloc : memref<!tpu.dma_semaphore, #tpu.memory_space<semaphore_mem>>
      %dma_start3A_226 = arith.constant 0 : i32
      %dma_start3A_227 = tpu.memref_slice %arg7[%run_scoped3A_146, %add3A_145, %dma_start3A_226] : memref<5x1280x128xi32, #tpu.memory_space<hbm>> -> memref<1x1x128xi32, #tpu.memory_space<hbm>>
      %dma_start3A_228 = tpu.memref_squeeze %dma_start3A_227 : memref<1x1x128xi32, #tpu.memory_space<hbm>> -> memref<128xi32, #tpu.memory_space<hbm>>
      %dma_start3A_229 = arith.constant 0 : i32
      %dma_start3A_230 = tpu.memref_slice %arg7[%run_scoped3A_146, %add3A_145, %dma_start3A_229] : memref<5x1280x128xi32, #tpu.memory_space<hbm>> -> memref<1x1x128xi32, #tpu.memory_space<hbm>>
      %dma_start3A_231 = tpu.memref_squeeze %dma_start3A_230 : memref<1x1x128xi32, #tpu.memory_space<hbm>> -> memref<128xi32, #tpu.memory_space<hbm>>
      tpu.enqueue_dma source(%dma_start3A_231 : memref<128xi32, #tpu.memory_space<hbm>>) target(%arg12 : memref<128xi32, #tpu.memory_space<vmem>>) target_semaphore(%run_scoped3A_225 : memref<!tpu.dma_semaphore, #tpu.memory_space<semaphore_mem>>)
      %dma_wait3A = arith.constant 0 : i32
      %dma_wait3A_232 = tpu.memref_slice %arg7[%run_scoped3A_146, %add3A_145, %dma_wait3A] : memref<5x1280x128xi32, #tpu.memory_space<hbm>> -> memref<1x1x128xi32, #tpu.memory_space<hbm>>
      %dma_wait3A_233 = tpu.memref_squeeze %dma_wait3A_232 : memref<1x1x128xi32, #tpu.memory_space<hbm>> -> memref<128xi32, #tpu.memory_space<hbm>>
      %dma_wait3A_234 = arith.constant 0 : i32
      %dma_wait3A_235 = tpu.memref_slice %arg7[%run_scoped3A_146, %add3A_145, %dma_wait3A_234] : memref<5x1280x128xi32, #tpu.memory_space<hbm>> -> memref<1x1x128xi32, #tpu.memory_space<hbm>>
      %dma_wait3A_236 = tpu.memref_squeeze %dma_wait3A_235 : memref<1x1x128xi32, #tpu.memory_space<hbm>> -> memref<128xi32, #tpu.memory_space<hbm>>
      tpu.wait_dma2 semaphore(%run_scoped3A_225 : memref<!tpu.dma_semaphore, #tpu.memory_space<semaphore_mem>>) src(%dma_wait3A_236 : memref<128xi32, #tpu.memory_space<hbm>>) dst(%arg12 : memref<128xi32, #tpu.memory_space<vmem>>)
      tpu.yield
    }) : () -> ()
    %run_scoped3A_147 = arith.constant 3 : i32
    "tpu.region"() ({
      %run_scoped3A_225 = tpu.sem_alloc : memref<!tpu.dma_semaphore, #tpu.memory_space<semaphore_mem>>
      %dma_start3A_226 = arith.constant 0 : i32
      %dma_start3A_227 = tpu.memref_slice %arg8[%run_scoped3A_147, %add3A_145, %dma_start3A_226] : memref<5x1280x128xi32, #tpu.memory_space<hbm>> -> memref<1x1x128xi32, #tpu.memory_space<hbm>>
      %dma_start3A_228 = tpu.memref_squeeze %dma_start3A_227 : memref<1x1x128xi32, #tpu.memory_space<hbm>> -> memref<128xi32, #tpu.memory_space<hbm>>
      %dma_start3A_229 = arith.constant 0 : i32
      %dma_start3A_230 = tpu.memref_slice %arg8[%run_scoped3A_147, %add3A_145, %dma_start3A_229] : memref<5x1280x128xi32, #tpu.memory_space<hbm>> -> memref<1x1x128xi32, #tpu.memory_space<hbm>>
      %dma_start3A_231 = tpu.memref_squeeze %dma_start3A_230 : memref<1x1x128xi32, #tpu.memory_space<hbm>> -> memref<128xi32, #tpu.memory_space<hbm>>
      tpu.enqueue_dma source(%dma_start3A_231 : memref<128xi32, #tpu.memory_space<hbm>>) target(%arg14 : memref<128xi32, #tpu.memory_space<vmem>>) target_semaphore(%run_scoped3A_225 : memref<!tpu.dma_semaphore, #tpu.memory_space<semaphore_mem>>)
      %dma_wait3A = arith.constant 0 : i32
      %dma_wait3A_232 = tpu.memref_slice %arg8[%run_scoped3A_147, %add3A_145, %dma_wait3A] : memref<5x1280x128xi32, #tpu.memory_space<hbm>> -> memref<1x1x128xi32, #tpu.memory_space<hbm>>
      %dma_wait3A_233 = tpu.memref_squeeze %dma_wait3A_232 : memref<1x1x128xi32, #tpu.memory_space<hbm>> -> memref<128xi32, #tpu.memory_space<hbm>>
      %dma_wait3A_234 = arith.constant 0 : i32
      %dma_wait3A_235 = tpu.memref_slice %arg8[%run_scoped3A_147, %add3A_145, %dma_wait3A_234] : memref<5x1280x128xi32, #tpu.memory_space<hbm>> -> memref<1x1x128xi32, #tpu.memory_space<hbm>>
      %dma_wait3A_236 = tpu.memref_squeeze %dma_wait3A_235 : memref<1x1x128xi32, #tpu.memory_space<hbm>> -> memref<128xi32, #tpu.memory_space<hbm>>
      tpu.wait_dma2 semaphore(%run_scoped3A_225 : memref<!tpu.dma_semaphore, #tpu.memory_space<semaphore_mem>>) src(%dma_wait3A_236 : memref<128xi32, #tpu.memory_space<hbm>>) dst(%arg14 : memref<128xi32, #tpu.memory_space<vmem>>)
      tpu.yield
    }) : () -> ()
    %run_scoped3A_148 = arith.constant 3 : i32
    "tpu.region"() ({
      %run_scoped3A_225 = tpu.sem_alloc : memref<!tpu.dma_semaphore, #tpu.memory_space<semaphore_mem>>
      %dma_start3A_226 = arith.constant 0 : i32
      %dma_start3A_227 = tpu.memref_slice %arg9[%run_scoped3A_148, %add3A_145, %dma_start3A_226] : memref<5x1280x128xf32, #tpu.memory_space<hbm>> -> memref<1x1x128xf32, #tpu.memory_space<hbm>>
      %dma_start3A_228 = tpu.memref_squeeze %dma_start3A_227 : memref<1x1x128xf32, #tpu.memory_space<hbm>> -> memref<128xf32, #tpu.memory_space<hbm>>
      %dma_start3A_229 = arith.constant 0 : i32
      %dma_start3A_230 = tpu.memref_slice %arg9[%run_scoped3A_148, %add3A_145, %dma_start3A_229] : memref<5x1280x128xf32, #tpu.memory_space<hbm>> -> memref<1x1x128xf32, #tpu.memory_space<hbm>>
      %dma_start3A_231 = tpu.memref_squeeze %dma_start3A_230 : memref<1x1x128xf32, #tpu.memory_space<hbm>> -> memref<128xf32, #tpu.memory_space<hbm>>
      tpu.enqueue_dma source(%dma_start3A_231 : memref<128xf32, #tpu.memory_space<hbm>>) target(%arg16 : memref<128xf32, #tpu.memory_space<vmem>>) target_semaphore(%run_scoped3A_225 : memref<!tpu.dma_semaphore, #tpu.memory_space<semaphore_mem>>)
      %dma_wait3A = arith.constant 0 : i32
      %dma_wait3A_232 = tpu.memref_slice %arg9[%run_scoped3A_148, %add3A_145, %dma_wait3A] : memref<5x1280x128xf32, #tpu.memory_space<hbm>> -> memref<1x1x128xf32, #tpu.memory_space<hbm>>
      %dma_wait3A_233 = tpu.memref_squeeze %dma_wait3A_232 : memref<1x1x128xf32, #tpu.memory_space<hbm>> -> memref<128xf32, #tpu.memory_space<hbm>>
      %dma_wait3A_234 = arith.constant 0 : i32
      %dma_wait3A_235 = tpu.memref_slice %arg9[%run_scoped3A_148, %add3A_145, %dma_wait3A_234] : memref<5x1280x128xf32, #tpu.memory_space<hbm>> -> memref<1x1x128xf32, #tpu.memory_space<hbm>>
      %dma_wait3A_236 = tpu.memref_squeeze %dma_wait3A_235 : memref<1x1x128xf32, #tpu.memory_space<hbm>> -> memref<128xf32, #tpu.memory_space<hbm>>
      tpu.wait_dma2 semaphore(%run_scoped3A_225 : memref<!tpu.dma_semaphore, #tpu.memory_space<semaphore_mem>>) src(%dma_wait3A_236 : memref<128xf32, #tpu.memory_space<hbm>>) dst(%arg16 : memref<128xf32, #tpu.memory_space<vmem>>)
      tpu.yield
    }) : () -> ()
    %dma_start3A_149 = arith.constant 0 : i32
    %dma_start3A_150 = arith.constant 0 : i32
    %dma_start3A_151 = tpu.memref_slice %arg5[%dma_start3A_149, %dma_start3A_150] : memref<10000x64xi32, #tpu.memory_space<hbm>> -> memref<10000x64xi32, #tpu.memory_space<hbm>>
    tpu.enqueue_indirect_dma source(%dma_start3A_151 : memref<10000x64xi32, #tpu.memory_space<hbm>>) target(%arg18 : memref<128x64xi32, #tpu.memory_space<vmem>>) offsets(%arg12 : memref<128xi32, #tpu.memory_space<vmem>>) semaphore(%arg21 : memref<!tpu.dma_semaphore, #tpu.memory_space<semaphore_mem>>)
    %add3A_152 = arith.constant 1 : i32
    %add3A_153 = arith.addi %mul3A_2, %add3A_152 : i32
    %dma_start3A_154 = arith.constant 3 : i32
    %dma_start3A_155 = arith.constant 0 : i32
    %dma_start3A_156 = tpu.memref_slice %arg7[%dma_start3A_154, %add3A_153, %dma_start3A_155] : memref<5x1280x128xi32, #tpu.memory_space<hbm>> -> memref<1x1x128xi32, #tpu.memory_space<hbm>>
    %dma_start3A_157 = tpu.memref_squeeze %dma_start3A_156 : memref<1x1x128xi32, #tpu.memory_space<hbm>> -> memref<128xi32, #tpu.memory_space<hbm>>
    %dma_start3A_158 = arith.constant 0 : i32
    %dma_start3A_159 = tpu.memref_slice %arg7[%dma_start3A_154, %add3A_153, %dma_start3A_158] : memref<5x1280x128xi32, #tpu.memory_space<hbm>> -> memref<1x1x128xi32, #tpu.memory_space<hbm>>
    %dma_start3A_160 = tpu.memref_squeeze %dma_start3A_159 : memref<1x1x128xi32, #tpu.memory_space<hbm>> -> memref<128xi32, #tpu.memory_space<hbm>>
    tpu.enqueue_dma source(%dma_start3A_160 : memref<128xi32, #tpu.memory_space<hbm>>) target(%arg13 : memref<128xi32, #tpu.memory_space<vmem>>) target_semaphore(%arg24 : memref<!tpu.dma_semaphore, #tpu.memory_space<semaphore_mem>>)
    %dma_start3A_161 = arith.constant 3 : i32
    %dma_start3A_162 = arith.constant 0 : i32
    %dma_start3A_163 = tpu.memref_slice %arg8[%dma_start3A_161, %add3A_153, %dma_start3A_162] : memref<5x1280x128xi32, #tpu.memory_space<hbm>> -> memref<1x1x128xi32, #tpu.memory_space<hbm>>
    %dma_start3A_164 = tpu.memref_squeeze %dma_start3A_163 : memref<1x1x128xi32, #tpu.memory_space<hbm>> -> memref<128xi32, #tpu.memory_space<hbm>>
    %dma_start3A_165 = arith.constant 0 : i32
    %dma_start3A_166 = tpu.memref_slice %arg8[%dma_start3A_161, %add3A_153, %dma_start3A_165] : memref<5x1280x128xi32, #tpu.memory_space<hbm>> -> memref<1x1x128xi32, #tpu.memory_space<hbm>>
    %dma_start3A_167 = tpu.memref_squeeze %dma_start3A_166 : memref<1x1x128xi32, #tpu.memory_space<hbm>> -> memref<128xi32, #tpu.memory_space<hbm>>
    tpu.enqueue_dma source(%dma_start3A_167 : memref<128xi32, #tpu.memory_space<hbm>>) target(%arg15 : memref<128xi32, #tpu.memory_space<vmem>>) target_semaphore(%arg24 : memref<!tpu.dma_semaphore, #tpu.memory_space<semaphore_mem>>)
    %dma_start3A_168 = arith.constant 3 : i32
    %dma_start3A_169 = arith.constant 0 : i32
    %dma_start3A_170 = tpu.memref_slice %arg9[%dma_start3A_168, %add3A_153, %dma_start3A_169] : memref<5x1280x128xf32, #tpu.memory_space<hbm>> -> memref<1x1x128xf32, #tpu.memory_space<hbm>>
    %dma_start3A_171 = tpu.memref_squeeze %dma_start3A_170 : memref<1x1x128xf32, #tpu.memory_space<hbm>> -> memref<128xf32, #tpu.memory_space<hbm>>
    %dma_start3A_172 = arith.constant 0 : i32
    %dma_start3A_173 = tpu.memref_slice %arg9[%dma_start3A_168, %add3A_153, %dma_start3A_172] : memref<5x1280x128xf32, #tpu.memory_space<hbm>> -> memref<1x1x128xf32, #tpu.memory_space<hbm>>
    %dma_start3A_174 = tpu.memref_squeeze %dma_start3A_173 : memref<1x1x128xf32, #tpu.memory_space<hbm>> -> memref<128xf32, #tpu.memory_space<hbm>>
    tpu.enqueue_dma source(%dma_start3A_174 : memref<128xf32, #tpu.memory_space<hbm>>) target(%arg17 : memref<128xf32, #tpu.memory_space<vmem>>) target_semaphore(%arg24 : memref<!tpu.dma_semaphore, #tpu.memory_space<semaphore_mem>>)
    %scan3A_175 = arith.constant 0 : i32
    %scan3A_176 = arith.constant 0 : i32
    %scan3A_177 = arith.constant 20 : i32
    %scan3A_178 = arith.addi %scan3A_176, %scan3A_177 : i32
    %scan3A_179 = arith.constant 1 : i32
    scf.for %scan3A_225 = %scan3A_176 to %scan3A_178 step %scan3A_179  : i32 {
      %mul3A_226 = arith.constant 2 : i32
      %mul3A_227 = arith.muli %scan3A_225, %mul3A_226 : i32
      %dma_wait3A = arith.constant 0 : i32
      %dma_wait3A_228 = arith.constant 0 : i32
      %dma_wait3A_229 = tpu.memref_slice %arg5[%dma_wait3A, %dma_wait3A_228] : memref<10000x64xi32, #tpu.memory_space<hbm>> -> memref<10000x64xi32, #tpu.memory_space<hbm>>
      tpu.wait_indirect_dma semaphore(%arg21 : memref<!tpu.dma_semaphore, #tpu.memory_space<semaphore_mem>>) src(%dma_wait3A_229 : memref<10000x64xi32, #tpu.memory_space<hbm>>) dst(%arg18 : memref<128x64xi32, #tpu.memory_space<vmem>>)
      %add3A_230 = arith.constant 1 : i32
      %add3A_231 = arith.addi %mul3A_227, %add3A_230 : i32
      %lt3A = arith.constant 40 : i32
      %lt3A_232 = arith.cmpi slt, %add3A_231, %lt3A : i32
      %convert_element_type3A = arith.extui %lt3A_232 : i1 to i32
      %cond3A = arith.constant 0 : i32
      %cond3A_233 = arith.cmpi ne, %convert_element_type3A, %cond3A : i32
      scf.if %cond3A_233 {
        %add3A_278 = arith.constant 1 : i32
        %add3A_279 = arith.addi %mul3A_227, %add3A_278 : i32
        %add3A_280 = arith.addi %mul3A_2, %add3A_279 : i32
        %dma_wait3A_281 = arith.constant 3 : i32
        %dma_wait3A_282 = arith.constant 0 : i32
        %dma_wait3A_283 = tpu.memref_slice %arg7[%dma_wait3A_281, %add3A_280, %dma_wait3A_282] : memref<5x1280x128xi32, #tpu.memory_space<hbm>> -> memref<1x1x128xi32, #tpu.memory_space<hbm>>
        %dma_wait3A_284 = tpu.memref_squeeze %dma_wait3A_283 : memref<1x1x128xi32, #tpu.memory_space<hbm>> -> memref<128xi32, #tpu.memory_space<hbm>>
        %dma_wait3A_285 = arith.constant 0 : i32
        %dma_wait3A_286 = tpu.memref_slice %arg7[%dma_wait3A_281, %add3A_280, %dma_wait3A_285] : memref<5x1280x128xi32, #tpu.memory_space<hbm>> -> memref<1x1x128xi32, #tpu.memory_space<hbm>>
        %dma_wait3A_287 = tpu.memref_squeeze %dma_wait3A_286 : memref<1x1x128xi32, #tpu.memory_space<hbm>> -> memref<128xi32, #tpu.memory_space<hbm>>
        tpu.wait_dma2 semaphore(%arg24 : memref<!tpu.dma_semaphore, #tpu.memory_space<semaphore_mem>>) src(%dma_wait3A_287 : memref<128xi32, #tpu.memory_space<hbm>>) dst(%arg13 : memref<128xi32, #tpu.memory_space<vmem>>)
        %dma_wait3A_288 = arith.constant 3 : i32
        %dma_wait3A_289 = arith.constant 0 : i32
        %dma_wait3A_290 = tpu.memref_slice %arg8[%dma_wait3A_288, %add3A_280, %dma_wait3A_289] : memref<5x1280x128xi32, #tpu.memory_space<hbm>> -> memref<1x1x128xi32, #tpu.memory_space<hbm>>
        %dma_wait3A_291 = tpu.memref_squeeze %dma_wait3A_290 : memref<1x1x128xi32, #tpu.memory_space<hbm>> -> memref<128xi32, #tpu.memory_space<hbm>>
        %dma_wait3A_292 = arith.constant 0 : i32
        %dma_wait3A_293 = tpu.memref_slice %arg8[%dma_wait3A_288, %add3A_280, %dma_wait3A_292] : memref<5x1280x128xi32, #tpu.memory_space<hbm>> -> memref<1x1x128xi32, #tpu.memory_space<hbm>>
        %dma_wait3A_294 = tpu.memref_squeeze %dma_wait3A_293 : memref<1x1x128xi32, #tpu.memory_space<hbm>> -> memref<128xi32, #tpu.memory_space<hbm>>
        tpu.wait_dma2 semaphore(%arg24 : memref<!tpu.dma_semaphore, #tpu.memory_space<semaphore_mem>>) src(%dma_wait3A_294 : memref<128xi32, #tpu.memory_space<hbm>>) dst(%arg15 : memref<128xi32, #tpu.memory_space<vmem>>)
        %dma_wait3A_295 = arith.constant 3 : i32
        %dma_wait3A_296 = arith.constant 0 : i32
        %dma_wait3A_297 = tpu.memref_slice %arg9[%dma_wait3A_295, %add3A_280, %dma_wait3A_296] : memref<5x1280x128xf32, #tpu.memory_space<hbm>> -> memref<1x1x128xf32, #tpu.memory_space<hbm>>
        %dma_wait3A_298 = tpu.memref_squeeze %dma_wait3A_297 : memref<1x1x128xf32, #tpu.memory_space<hbm>> -> memref<128xf32, #tpu.memory_space<hbm>>
        %dma_wait3A_299 = arith.constant 0 : i32
        %dma_wait3A_300 = tpu.memref_slice %arg9[%dma_wait3A_295, %add3A_280, %dma_wait3A_299] : memref<5x1280x128xf32, #tpu.memory_space<hbm>> -> memref<1x1x128xf32, #tpu.memory_space<hbm>>
        %dma_wait3A_301 = tpu.memref_squeeze %dma_wait3A_300 : memref<1x1x128xf32, #tpu.memory_space<hbm>> -> memref<128xf32, #tpu.memory_space<hbm>>
        tpu.wait_dma2 semaphore(%arg24 : memref<!tpu.dma_semaphore, #tpu.memory_space<semaphore_mem>>) src(%dma_wait3A_301 : memref<128xf32, #tpu.memory_space<hbm>>) dst(%arg17 : memref<128xf32, #tpu.memory_space<vmem>>)
        %dma_start3A_302 = arith.constant 0 : i32
        %dma_start3A_303 = arith.constant 0 : i32
        %dma_start3A_304 = tpu.memref_slice %arg5[%dma_start3A_302, %dma_start3A_303] : memref<10000x64xi32, #tpu.memory_space<hbm>> -> memref<10000x64xi32, #tpu.memory_space<hbm>>
        tpu.enqueue_indirect_dma source(%dma_start3A_304 : memref<10000x64xi32, #tpu.memory_space<hbm>>) target(%arg19 : memref<128x64xi32, #tpu.memory_space<vmem>>) offsets(%arg13 : memref<128xi32, #tpu.memory_space<vmem>>) semaphore(%arg22 : memref<!tpu.dma_semaphore, #tpu.memory_space<semaphore_mem>>)
      } else {
      }
      %broadcast_in_dim3A_234 = arith.constant -65536 : i32
      %broadcast_in_dim3A_235 = vector.broadcast %broadcast_in_dim3A_234 : i32 to vector<16xi32>
      %scan3A_236 = arith.constant 0 : i32
      %scan3A_237 = arith.constant 0 : i32
      %scan3A_238 = arith.constant 128 : i32
      %scan3A_239 = arith.addi %scan3A_237, %scan3A_238 : i32
      %scan3A_240 = arith.constant 1 : i32
      scf.for %scan3A_278 = %scan3A_237 to %scan3A_239 step %scan3A_240  : i32 {
        %broadcast_in_dim3A_279 = vector.broadcast %scan3A_278 : i32 to vector<16xi32>
        %gather3A = tpu.vector_load_idx %arg16[%broadcast_in_dim3A_279] : memref<128xf32, #tpu.memory_space<vmem>>[vector<16xi32>], vector<16xf32>,
        %get3A = arith.index_cast %scan3A_278 : i32 to index
        %get3A_280 = arith.constant 0 : index
        %get3A_281 = tpu.vector_load %arg18[%get3A, %get3A_280] {strides = array<i32>} : memref<128x64xi32, #tpu.memory_space<vmem>>, vector<16xi32>,
        %shift_left3A = arith.constant 16 : i32
        %shift_left3A_282 = vector.broadcast %shift_left3A : i32 to vector<16xi32>
        %shift_left3A_283 = arith.shli %get3A_281, %shift_left3A_282 : vector<16xi32>
        %bitcast3A = vector.bitcast %shift_left3A_283 : vector<16xi32> to vector<16xf32>
        %and3A = arith.andi %get3A_281, %broadcast_in_dim3A_235 : vector<16xi32>
        %bitcast3A_284 = vector.bitcast %and3A : vector<16xi32> to vector<16xf32>
        %mul3A_285 = arith.mulf %bitcast3A, %gather3A : vector<16xf32>
        %swap3A = arith.index_cast %scan3A_278 : i32 to index
        %swap3A_286 = arith.constant 0 : index
        %swap3A_287 = tpu.vector_load %arg20[%swap3A, %swap3A_286] {strides = array<i32>} : memref<128x128xf32, #tpu.memory_space<vmem>>, vector<16xf32>,
        tpu.vector_store %arg20[%swap3A, %swap3A_286], %mul3A_285 {strides = array<i32>} : memref<128x128xf32, #tpu.memory_space<vmem>>, vector<16xf32>,
        %mul3A_288 = arith.mulf %bitcast3A_284, %gather3A : vector<16xf32>
        %swap3A_289 = arith.index_cast %scan3A_278 : i32 to index
        %swap3A_290 = arith.constant 64 : index
        %swap3A_291 = tpu.vector_load %arg20[%swap3A_289, %swap3A_290] {strides = array<i32>} : memref<128x128xf32, #tpu.memory_space<vmem>>, vector<16xf32>,
        tpu.vector_store %arg20[%swap3A_289, %swap3A_290], %mul3A_288 {strides = array<i32>} : memref<128x128xf32, #tpu.memory_space<vmem>>, vector<16xf32>,
        %get3A_292 = arith.index_cast %scan3A_278 : i32 to index
        %get3A_293 = arith.constant 16 : index
        %get3A_294 = tpu.vector_load %arg18[%get3A_292, %get3A_293] {strides = array<i32>} : memref<128x64xi32, #tpu.memory_space<vmem>>, vector<16xi32>,
        %shift_left3A_295 = arith.constant 16 : i32
        %shift_left3A_296 = vector.broadcast %shift_left3A_295 : i32 to vector<16xi32>
        %shift_left3A_297 = arith.shli %get3A_294, %shift_left3A_296 : vector<16xi32>
        %bitcast3A_298 = vector.bitcast %shift_left3A_297 : vector<16xi32> to vector<16xf32>
        %and3A_299 = arith.andi %get3A_294, %broadcast_in_dim3A_235 : vector<16xi32>
        %bitcast3A_300 = vector.bitcast %and3A_299 : vector<16xi32> to vector<16xf32>
        %mul3A_301 = arith.mulf %bitcast3A_298, %gather3A : vector<16xf32>
        %swap3A_302 = arith.index_cast %scan3A_278 : i32 to index
        %swap3A_303 = arith.constant 16 : index
        %swap3A_304 = tpu.vector_load %arg20[%swap3A_302, %swap3A_303] {strides = array<i32>} : memref<128x128xf32, #tpu.memory_space<vmem>>, vector<16xf32>,
        tpu.vector_store %arg20[%swap3A_302, %swap3A_303], %mul3A_301 {strides = array<i32>} : memref<128x128xf32, #tpu.memory_space<vmem>>, vector<16xf32>,
        %mul3A_305 = arith.mulf %bitcast3A_300, %gather3A : vector<16xf32>
        %swap3A_306 = arith.index_cast %scan3A_278 : i32 to index
        %swap3A_307 = arith.constant 80 : index
        %swap3A_308 = tpu.vector_load %arg20[%swap3A_306, %swap3A_307] {strides = array<i32>} : memref<128x128xf32, #tpu.memory_space<vmem>>, vector<16xf32>,
        tpu.vector_store %arg20[%swap3A_306, %swap3A_307], %mul3A_305 {strides = array<i32>} : memref<128x128xf32, #tpu.memory_space<vmem>>, vector<16xf32>,
        %get3A_309 = arith.index_cast %scan3A_278 : i32 to index
        %get3A_310 = arith.constant 32 : index
        %get3A_311 = tpu.vector_load %arg18[%get3A_309, %get3A_310] {strides = array<i32>} : memref<128x64xi32, #tpu.memory_space<vmem>>, vector<16xi32>,
        %shift_left3A_312 = arith.constant 16 : i32
        %shift_left3A_313 = vector.broadcast %shift_left3A_312 : i32 to vector<16xi32>
        %shift_left3A_314 = arith.shli %get3A_311, %shift_left3A_313 : vector<16xi32>
        %bitcast3A_315 = vector.bitcast %shift_left3A_314 : vector<16xi32> to vector<16xf32>
        %and3A_316 = arith.andi %get3A_311, %broadcast_in_dim3A_235 : vector<16xi32>
        %bitcast3A_317 = vector.bitcast %and3A_316 : vector<16xi32> to vector<16xf32>
        %mul3A_318 = arith.mulf %bitcast3A_315, %gather3A : vector<16xf32>
        %swap3A_319 = arith.index_cast %scan3A_278 : i32 to index
        %swap3A_320 = arith.constant 32 : index
        %swap3A_321 = tpu.vector_load %arg20[%swap3A_319, %swap3A_320] {strides = array<i32>} : memref<128x128xf32, #tpu.memory_space<vmem>>, vector<16xf32>,
        tpu.vector_store %arg20[%swap3A_319, %swap3A_320], %mul3A_318 {strides = array<i32>} : memref<128x128xf32, #tpu.memory_space<vmem>>, vector<16xf32>,
        %mul3A_322 = arith.mulf %bitcast3A_317, %gather3A : vector<16xf32>
        %swap3A_323 = arith.index_cast %scan3A_278 : i32 to index
        %swap3A_324 = arith.constant 96 : index
        %swap3A_325 = tpu.vector_load %arg20[%swap3A_323, %swap3A_324] {strides = array<i32>} : memref<128x128xf32, #tpu.memory_space<vmem>>, vector<16xf32>,
        tpu.vector_store %arg20[%swap3A_323, %swap3A_324], %mul3A_322 {strides = array<i32>} : memref<128x128xf32, #tpu.memory_space<vmem>>, vector<16xf32>,
        %get3A_326 = arith.index_cast %scan3A_278 : i32 to index
        %get3A_327 = arith.constant 48 : index
        %get3A_328 = tpu.vector_load %arg18[%get3A_326, %get3A_327] {strides = array<i32>} : memref<128x64xi32, #tpu.memory_space<vmem>>, vector<16xi32>,
        %shift_left3A_329 = arith.constant 16 : i32
        %shift_left3A_330 = vector.broadcast %shift_left3A_329 : i32 to vector<16xi32>
        %shift_left3A_331 = arith.shli %get3A_328, %shift_left3A_330 : vector<16xi32>
        %bitcast3A_332 = vector.bitcast %shift_left3A_331 : vector<16xi32> to vector<16xf32>
        %and3A_333 = arith.andi %get3A_328, %broadcast_in_dim3A_235 : vector<16xi32>
        %bitcast3A_334 = vector.bitcast %and3A_333 : vector<16xi32> to vector<16xf32>
        %mul3A_335 = arith.mulf %bitcast3A_332, %gather3A : vector<16xf32>
        %swap3A_336 = arith.index_cast %scan3A_278 : i32 to index
        %swap3A_337 = arith.constant 48 : index
        %swap3A_338 = tpu.vector_load %arg20[%swap3A_336, %swap3A_337] {strides = array<i32>} : memref<128x128xf32, #tpu.memory_space<vmem>>, vector<16xf32>,
        tpu.vector_store %arg20[%swap3A_336, %swap3A_337], %mul3A_335 {strides = array<i32>} : memref<128x128xf32, #tpu.memory_space<vmem>>, vector<16xf32>,
        %mul3A_339 = arith.mulf %bitcast3A_334, %gather3A : vector<16xf32>
        %swap3A_340 = arith.index_cast %scan3A_278 : i32 to index
        %swap3A_341 = arith.constant 112 : index
        %swap3A_342 = tpu.vector_load %arg20[%swap3A_340, %swap3A_341] {strides = array<i32>} : memref<128x128xf32, #tpu.memory_space<vmem>>, vector<16xf32>,
        tpu.vector_store %arg20[%swap3A_340, %swap3A_341], %mul3A_339 {strides = array<i32>} : memref<128x128xf32, #tpu.memory_space<vmem>>, vector<16xf32>,
      }
      %scan3A_241 = arith.constant 128 : i32
      "tpu.region"() ({
        %run_scoped3A_278 = tpu.sem_alloc : memref<!tpu.dma_semaphore, #tpu.memory_space<semaphore_mem>>
        %dma_start3A_279 = arith.constant 0 : i32
        %dma_start3A_280 = arith.constant 0 : i32
        %dma_start3A_281 = tpu.memref_slice %arg25[%dma_start3A_279, %dma_start3A_280] : memref<10240x128xf32, #tpu.memory_space<vmem_shared>> -> memref<10240x128xf32, #tpu.memory_space<vmem_shared>>
        tpu.enqueue_indirect_dma source(%arg20 : memref<128x128xf32, #tpu.memory_space<vmem>>) target(%dma_start3A_281 : memref<10240x128xf32, #tpu.memory_space<vmem_shared>>) offsets(%arg14 : memref<128xi32, #tpu.memory_space<vmem>>) semaphore(%run_scoped3A_278 : memref<!tpu.dma_semaphore, #tpu.memory_space<semaphore_mem>>) {add = true}
        %dma_wait3A_282 = arith.constant 0 : i32
        %dma_wait3A_283 = arith.constant 0 : i32
        %dma_wait3A_284 = tpu.memref_slice %arg25[%dma_wait3A_282, %dma_wait3A_283] : memref<10240x128xf32, #tpu.memory_space<vmem_shared>> -> memref<10240x128xf32, #tpu.memory_space<vmem_shared>>
        tpu.wait_indirect_dma semaphore(%run_scoped3A_278 : memref<!tpu.dma_semaphore, #tpu.memory_space<semaphore_mem>>) src(%arg20 : memref<128x128xf32, #tpu.memory_space<vmem>>) dst(%dma_wait3A_284 : memref<10240x128xf32, #tpu.memory_space<vmem_shared>>)
        tpu.yield
      }) : () -> ()
      %add3A_242 = arith.constant 2 : i32
      %add3A_243 = arith.addi %mul3A_227, %add3A_242 : i32
      %lt3A_244 = arith.constant 40 : i32
      %lt3A_245 = arith.cmpi slt, %add3A_243, %lt3A_244 : i32
      %convert_element_type3A_246 = arith.extui %lt3A_245 : i1 to i32
      %cond3A_247 = arith.constant 0 : i32
      %cond3A_248 = arith.cmpi ne, %convert_element_type3A_246, %cond3A_247 : i32
      scf.if %cond3A_248 {
        %add3A_278 = arith.constant 2 : i32
        %add3A_279 = arith.addi %mul3A_227, %add3A_278 : i32
        %add3A_280 = arith.addi %mul3A_2, %add3A_279 : i32
        %dma_start3A_281 = arith.constant 3 : i32
        %dma_start3A_282 = arith.constant 0 : i32
        %dma_start3A_283 = tpu.memref_slice %arg7[%dma_start3A_281, %add3A_280, %dma_start3A_282] : memref<5x1280x128xi32, #tpu.memory_space<hbm>> -> memref<1x1x128xi32, #tpu.memory_space<hbm>>
        %dma_start3A_284 = tpu.memref_squeeze %dma_start3A_283 : memref<1x1x128xi32, #tpu.memory_space<hbm>> -> memref<128xi32, #tpu.memory_space<hbm>>
        %dma_start3A_285 = arith.constant 0 : i32
        %dma_start3A_286 = tpu.memref_slice %arg7[%dma_start3A_281, %add3A_280, %dma_start3A_285] : memref<5x1280x128xi32, #tpu.memory_space<hbm>> -> memref<1x1x128xi32, #tpu.memory_space<hbm>>
        %dma_start3A_287 = tpu.memref_squeeze %dma_start3A_286 : memref<1x1x128xi32, #tpu.memory_space<hbm>> -> memref<128xi32, #tpu.memory_space<hbm>>
        tpu.enqueue_dma source(%dma_start3A_287 : memref<128xi32, #tpu.memory_space<hbm>>) target(%arg12 : memref<128xi32, #tpu.memory_space<vmem>>) target_semaphore(%arg23 : memref<!tpu.dma_semaphore, #tpu.memory_space<semaphore_mem>>)
        %dma_start3A_288 = arith.constant 3 : i32
        %dma_start3A_289 = arith.constant 0 : i32
        %dma_start3A_290 = tpu.memref_slice %arg8[%dma_start3A_288, %add3A_280, %dma_start3A_289] : memref<5x1280x128xi32, #tpu.memory_space<hbm>> -> memref<1x1x128xi32, #tpu.memory_space<hbm>>
        %dma_start3A_291 = tpu.memref_squeeze %dma_start3A_290 : memref<1x1x128xi32, #tpu.memory_space<hbm>> -> memref<128xi32, #tpu.memory_space<hbm>>
        %dma_start3A_292 = arith.constant 0 : i32
        %dma_start3A_293 = tpu.memref_slice %arg8[%dma_start3A_288, %add3A_280, %dma_start3A_292] : memref<5x1280x128xi32, #tpu.memory_space<hbm>> -> memref<1x1x128xi32, #tpu.memory_space<hbm>>
        %dma_start3A_294 = tpu.memref_squeeze %dma_start3A_293 : memref<1x1x128xi32, #tpu.memory_space<hbm>> -> memref<128xi32, #tpu.memory_space<hbm>>
        tpu.enqueue_dma source(%dma_start3A_294 : memref<128xi32, #tpu.memory_space<hbm>>) target(%arg14 : memref<128xi32, #tpu.memory_space<vmem>>) target_semaphore(%arg23 : memref<!tpu.dma_semaphore, #tpu.memory_space<semaphore_mem>>)
        %dma_start3A_295 = arith.constant 3 : i32
        %dma_start3A_296 = arith.constant 0 : i32
        %dma_start3A_297 = tpu.memref_slice %arg9[%dma_start3A_295, %add3A_280, %dma_start3A_296] : memref<5x1280x128xf32, #tpu.memory_space<hbm>> -> memref<1x1x128xf32, #tpu.memory_space<hbm>>
        %dma_start3A_298 = tpu.memref_squeeze %dma_start3A_297 : memref<1x1x128xf32, #tpu.memory_space<hbm>> -> memref<128xf32, #tpu.memory_space<hbm>>
        %dma_start3A_299 = arith.constant 0 : i32
        %dma_start3A_300 = tpu.memref_slice %arg9[%dma_start3A_295, %add3A_280, %dma_start3A_299] : memref<5x1280x128xf32, #tpu.memory_space<hbm>> -> memref<1x1x128xf32, #tpu.memory_space<hbm>>
        %dma_start3A_301 = tpu.memref_squeeze %dma_start3A_300 : memref<1x1x128xf32, #tpu.memory_space<hbm>> -> memref<128xf32, #tpu.memory_space<hbm>>
        tpu.enqueue_dma source(%dma_start3A_301 : memref<128xf32, #tpu.memory_space<hbm>>) target(%arg16 : memref<128xf32, #tpu.memory_space<vmem>>) target_semaphore(%arg23 : memref<!tpu.dma_semaphore, #tpu.memory_space<semaphore_mem>>)
      } else {
      }
      %mul3A_249 = arith.constant 2 : i32
      %mul3A_250 = arith.muli %scan3A_225, %mul3A_249 : i32
      %add3A_251 = arith.constant 1 : i32
      %add3A_252 = arith.addi %mul3A_250, %add3A_251 : i32
      %dma_wait3A_253 = arith.constant 0 : i32
      %dma_wait3A_254 = arith.constant 0 : i32
      %dma_wait3A_255 = tpu.memref_slice %arg5[%dma_wait3A_253, %dma_wait3A_254] : memref<10000x64xi32, #tpu.memory_space<hbm>> -> memref<10000x64xi32, #tpu.memory_space<hbm>>
      tpu.wait_indirect_dma semaphore(%arg22 : memref<!tpu.dma_semaphore, #tpu.memory_space<semaphore_mem>>) src(%dma_wait3A_255 : memref<10000x64xi32, #tpu.memory_space<hbm>>) dst(%arg19 : memref<128x64xi32, #tpu.memory_space<vmem>>)
      %add3A_256 = arith.constant 1 : i32
      %add3A_257 = arith.addi %add3A_252, %add3A_256 : i32
      %lt3A_258 = arith.constant 40 : i32
      %lt3A_259 = arith.cmpi slt, %add3A_257, %lt3A_258 : i32
      %convert_element_type3A_260 = arith.extui %lt3A_259 : i1 to i32
      %cond3A_261 = arith.constant 0 : i32
      %cond3A_262 = arith.cmpi ne, %convert_element_type3A_260, %cond3A_261 : i32
      scf.if %cond3A_262 {
        %add3A_278 = arith.constant 1 : i32
        %add3A_279 = arith.addi %add3A_252, %add3A_278 : i32
        %add3A_280 = arith.addi %mul3A_2, %add3A_279 : i32
        %dma_wait3A_281 = arith.constant 3 : i32
        %dma_wait3A_282 = arith.constant 0 : i32
        %dma_wait3A_283 = tpu.memref_slice %arg7[%dma_wait3A_281, %add3A_280, %dma_wait3A_282] : memref<5x1280x128xi32, #tpu.memory_space<hbm>> -> memref<1x1x128xi32, #tpu.memory_space<hbm>>
        %dma_wait3A_284 = tpu.memref_squeeze %dma_wait3A_283 : memref<1x1x128xi32, #tpu.memory_space<hbm>> -> memref<128xi32, #tpu.memory_space<hbm>>
        %dma_wait3A_285 = arith.constant 0 : i32
        %dma_wait3A_286 = tpu.memref_slice %arg7[%dma_wait3A_281, %add3A_280, %dma_wait3A_285] : memref<5x1280x128xi32, #tpu.memory_space<hbm>> -> memref<1x1x128xi32, #tpu.memory_space<hbm>>
        %dma_wait3A_287 = tpu.memref_squeeze %dma_wait3A_286 : memref<1x1x128xi32, #tpu.memory_space<hbm>> -> memref<128xi32, #tpu.memory_space<hbm>>
        tpu.wait_dma2 semaphore(%arg23 : memref<!tpu.dma_semaphore, #tpu.memory_space<semaphore_mem>>) src(%dma_wait3A_287 : memref<128xi32, #tpu.memory_space<hbm>>) dst(%arg12 : memref<128xi32, #tpu.memory_space<vmem>>)
        %dma_wait3A_288 = arith.constant 3 : i32
        %dma_wait3A_289 = arith.constant 0 : i32
        %dma_wait3A_290 = tpu.memref_slice %arg8[%dma_wait3A_288, %add3A_280, %dma_wait3A_289] : memref<5x1280x128xi32, #tpu.memory_space<hbm>> -> memref<1x1x128xi32, #tpu.memory_space<hbm>>
        %dma_wait3A_291 = tpu.memref_squeeze %dma_wait3A_290 : memref<1x1x128xi32, #tpu.memory_space<hbm>> -> memref<128xi32, #tpu.memory_space<hbm>>
        %dma_wait3A_292 = arith.constant 0 : i32
        %dma_wait3A_293 = tpu.memref_slice %arg8[%dma_wait3A_288, %add3A_280, %dma_wait3A_292] : memref<5x1280x128xi32, #tpu.memory_space<hbm>> -> memref<1x1x128xi32, #tpu.memory_space<hbm>>
        %dma_wait3A_294 = tpu.memref_squeeze %dma_wait3A_293 : memref<1x1x128xi32, #tpu.memory_space<hbm>> -> memref<128xi32, #tpu.memory_space<hbm>>
        tpu.wait_dma2 semaphore(%arg23 : memref<!tpu.dma_semaphore, #tpu.memory_space<semaphore_mem>>) src(%dma_wait3A_294 : memref<128xi32, #tpu.memory_space<hbm>>) dst(%arg14 : memref<128xi32, #tpu.memory_space<vmem>>)
        %dma_wait3A_295 = arith.constant 3 : i32
        %dma_wait3A_296 = arith.constant 0 : i32
        %dma_wait3A_297 = tpu.memref_slice %arg9[%dma_wait3A_295, %add3A_280, %dma_wait3A_296] : memref<5x1280x128xf32, #tpu.memory_space<hbm>> -> memref<1x1x128xf32, #tpu.memory_space<hbm>>
        %dma_wait3A_298 = tpu.memref_squeeze %dma_wait3A_297 : memref<1x1x128xf32, #tpu.memory_space<hbm>> -> memref<128xf32, #tpu.memory_space<hbm>>
        %dma_wait3A_299 = arith.constant 0 : i32
        %dma_wait3A_300 = tpu.memref_slice %arg9[%dma_wait3A_295, %add3A_280, %dma_wait3A_299] : memref<5x1280x128xf32, #tpu.memory_space<hbm>> -> memref<1x1x128xf32, #tpu.memory_space<hbm>>
        %dma_wait3A_301 = tpu.memref_squeeze %dma_wait3A_300 : memref<1x1x128xf32, #tpu.memory_space<hbm>> -> memref<128xf32, #tpu.memory_space<hbm>>
        tpu.wait_dma2 semaphore(%arg23 : memref<!tpu.dma_semaphore, #tpu.memory_space<semaphore_mem>>) src(%dma_wait3A_301 : memref<128xf32, #tpu.memory_space<hbm>>) dst(%arg16 : memref<128xf32, #tpu.memory_space<vmem>>)
        %dma_start3A_302 = arith.constant 0 : i32
        %dma_start3A_303 = arith.constant 0 : i32
        %dma_start3A_304 = tpu.memref_slice %arg5[%dma_start3A_302, %dma_start3A_303] : memref<10000x64xi32, #tpu.memory_space<hbm>> -> memref<10000x64xi32, #tpu.memory_space<hbm>>
        tpu.enqueue_indirect_dma source(%dma_start3A_304 : memref<10000x64xi32, #tpu.memory_space<hbm>>) target(%arg18 : memref<128x64xi32, #tpu.memory_space<vmem>>) offsets(%arg12 : memref<128xi32, #tpu.memory_space<vmem>>) semaphore(%arg21 : memref<!tpu.dma_semaphore, #tpu.memory_space<semaphore_mem>>)
      } else {
      }
      %broadcast_in_dim3A_263 = arith.constant -65536 : i32
      %broadcast_in_dim3A_264 = vector.broadcast %broadcast_in_dim3A_263 : i32 to vector<16xi32>
      %scan3A_265 = arith.constant 0 : i32
      %scan3A_266 = arith.constant 0 : i32
      %scan3A_267 = arith.constant 128 : i32
      %scan3A_268 = arith.addi %scan3A_266, %scan3A_267 : i32
      %scan3A_269 = arith.constant 1 : i32
      scf.for %scan3A_278 = %scan3A_266 to %scan3A_268 step %scan3A_269  : i32 {
        %broadcast_in_dim3A_279 = vector.broadcast %scan3A_278 : i32 to vector<16xi32>
        %gather3A = tpu.vector_load_idx %arg17[%broadcast_in_dim3A_279] : memref<128xf32, #tpu.memory_space<vmem>>[vector<16xi32>], vector<16xf32>,
        %get3A = arith.index_cast %scan3A_278 : i32 to index
        %get3A_280 = arith.constant 0 : index
        %get3A_281 = tpu.vector_load %arg19[%get3A, %get3A_280] {strides = array<i32>} : memref<128x64xi32, #tpu.memory_space<vmem>>, vector<16xi32>,
        %shift_left3A = arith.constant 16 : i32
        %shift_left3A_282 = vector.broadcast %shift_left3A : i32 to vector<16xi32>
        %shift_left3A_283 = arith.shli %get3A_281, %shift_left3A_282 : vector<16xi32>
        %bitcast3A = vector.bitcast %shift_left3A_283 : vector<16xi32> to vector<16xf32>
        %and3A = arith.andi %get3A_281, %broadcast_in_dim3A_264 : vector<16xi32>
        %bitcast3A_284 = vector.bitcast %and3A : vector<16xi32> to vector<16xf32>
        %mul3A_285 = arith.mulf %bitcast3A, %gather3A : vector<16xf32>
        %swap3A = arith.index_cast %scan3A_278 : i32 to index
        %swap3A_286 = arith.constant 0 : index
        %swap3A_287 = tpu.vector_load %arg20[%swap3A, %swap3A_286] {strides = array<i32>} : memref<128x128xf32, #tpu.memory_space<vmem>>, vector<16xf32>,
        tpu.vector_store %arg20[%swap3A, %swap3A_286], %mul3A_285 {strides = array<i32>} : memref<128x128xf32, #tpu.memory_space<vmem>>, vector<16xf32>,
        %mul3A_288 = arith.mulf %bitcast3A_284, %gather3A : vector<16xf32>
        %swap3A_289 = arith.index_cast %scan3A_278 : i32 to index
        %swap3A_290 = arith.constant 64 : index
        %swap3A_291 = tpu.vector_load %arg20[%swap3A_289, %swap3A_290] {strides = array<i32>} : memref<128x128xf32, #tpu.memory_space<vmem>>, vector<16xf32>,
        tpu.vector_store %arg20[%swap3A_289, %swap3A_290], %mul3A_288 {strides = array<i32>} : memref<128x128xf32, #tpu.memory_space<vmem>>, vector<16xf32>,
        %get3A_292 = arith.index_cast %scan3A_278 : i32 to index
        %get3A_293 = arith.constant 16 : index
        %get3A_294 = tpu.vector_load %arg19[%get3A_292, %get3A_293] {strides = array<i32>} : memref<128x64xi32, #tpu.memory_space<vmem>>, vector<16xi32>,
        %shift_left3A_295 = arith.constant 16 : i32
        %shift_left3A_296 = vector.broadcast %shift_left3A_295 : i32 to vector<16xi32>
        %shift_left3A_297 = arith.shli %get3A_294, %shift_left3A_296 : vector<16xi32>
        %bitcast3A_298 = vector.bitcast %shift_left3A_297 : vector<16xi32> to vector<16xf32>
        %and3A_299 = arith.andi %get3A_294, %broadcast_in_dim3A_264 : vector<16xi32>
        %bitcast3A_300 = vector.bitcast %and3A_299 : vector<16xi32> to vector<16xf32>
        %mul3A_301 = arith.mulf %bitcast3A_298, %gather3A : vector<16xf32>
        %swap3A_302 = arith.index_cast %scan3A_278 : i32 to index
        %swap3A_303 = arith.constant 16 : index
        %swap3A_304 = tpu.vector_load %arg20[%swap3A_302, %swap3A_303] {strides = array<i32>} : memref<128x128xf32, #tpu.memory_space<vmem>>, vector<16xf32>,
        tpu.vector_store %arg20[%swap3A_302, %swap3A_303], %mul3A_301 {strides = array<i32>} : memref<128x128xf32, #tpu.memory_space<vmem>>, vector<16xf32>,
        %mul3A_305 = arith.mulf %bitcast3A_300, %gather3A : vector<16xf32>
        %swap3A_306 = arith.index_cast %scan3A_278 : i32 to index
        %swap3A_307 = arith.constant 80 : index
        %swap3A_308 = tpu.vector_load %arg20[%swap3A_306, %swap3A_307] {strides = array<i32>} : memref<128x128xf32, #tpu.memory_space<vmem>>, vector<16xf32>,
        tpu.vector_store %arg20[%swap3A_306, %swap3A_307], %mul3A_305 {strides = array<i32>} : memref<128x128xf32, #tpu.memory_space<vmem>>, vector<16xf32>,
        %get3A_309 = arith.index_cast %scan3A_278 : i32 to index
        %get3A_310 = arith.constant 32 : index
        %get3A_311 = tpu.vector_load %arg19[%get3A_309, %get3A_310] {strides = array<i32>} : memref<128x64xi32, #tpu.memory_space<vmem>>, vector<16xi32>,
        %shift_left3A_312 = arith.constant 16 : i32
        %shift_left3A_313 = vector.broadcast %shift_left3A_312 : i32 to vector<16xi32>
        %shift_left3A_314 = arith.shli %get3A_311, %shift_left3A_313 : vector<16xi32>
        %bitcast3A_315 = vector.bitcast %shift_left3A_314 : vector<16xi32> to vector<16xf32>
        %and3A_316 = arith.andi %get3A_311, %broadcast_in_dim3A_264 : vector<16xi32>
        %bitcast3A_317 = vector.bitcast %and3A_316 : vector<16xi32> to vector<16xf32>
        %mul3A_318 = arith.mulf %bitcast3A_315, %gather3A : vector<16xf32>
        %swap3A_319 = arith.index_cast %scan3A_278 : i32 to index
        %swap3A_320 = arith.constant 32 : index
        %swap3A_321 = tpu.vector_load %arg20[%swap3A_319, %swap3A_320] {strides = array<i32>} : memref<128x128xf32, #tpu.memory_space<vmem>>, vector<16xf32>,
        tpu.vector_store %arg20[%swap3A_319, %swap3A_320], %mul3A_318 {strides = array<i32>} : memref<128x128xf32, #tpu.memory_space<vmem>>, vector<16xf32>,
        %mul3A_322 = arith.mulf %bitcast3A_317, %gather3A : vector<16xf32>
        %swap3A_323 = arith.index_cast %scan3A_278 : i32 to index
        %swap3A_324 = arith.constant 96 : index
        %swap3A_325 = tpu.vector_load %arg20[%swap3A_323, %swap3A_324] {strides = array<i32>} : memref<128x128xf32, #tpu.memory_space<vmem>>, vector<16xf32>,
        tpu.vector_store %arg20[%swap3A_323, %swap3A_324], %mul3A_322 {strides = array<i32>} : memref<128x128xf32, #tpu.memory_space<vmem>>, vector<16xf32>,
        %get3A_326 = arith.index_cast %scan3A_278 : i32 to index
        %get3A_327 = arith.constant 48 : index
        %get3A_328 = tpu.vector_load %arg19[%get3A_326, %get3A_327] {strides = array<i32>} : memref<128x64xi32, #tpu.memory_space<vmem>>, vector<16xi32>,
        %shift_left3A_329 = arith.constant 16 : i32
        %shift_left3A_330 = vector.broadcast %shift_left3A_329 : i32 to vector<16xi32>
        %shift_left3A_331 = arith.shli %get3A_328, %shift_left3A_330 : vector<16xi32>
        %bitcast3A_332 = vector.bitcast %shift_left3A_331 : vector<16xi32> to vector<16xf32>
        %and3A_333 = arith.andi %get3A_328, %broadcast_in_dim3A_264 : vector<16xi32>
        %bitcast3A_334 = vector.bitcast %and3A_333 : vector<16xi32> to vector<16xf32>
        %mul3A_335 = arith.mulf %bitcast3A_332, %gather3A : vector<16xf32>
        %swap3A_336 = arith.index_cast %scan3A_278 : i32 to index
        %swap3A_337 = arith.constant 48 : index
        %swap3A_338 = tpu.vector_load %arg20[%swap3A_336, %swap3A_337] {strides = array<i32>} : memref<128x128xf32, #tpu.memory_space<vmem>>, vector<16xf32>,
        tpu.vector_store %arg20[%swap3A_336, %swap3A_337], %mul3A_335 {strides = array<i32>} : memref<128x128xf32, #tpu.memory_space<vmem>>, vector<16xf32>,
        %mul3A_339 = arith.mulf %bitcast3A_334, %gather3A : vector<16xf32>
        %swap3A_340 = arith.index_cast %scan3A_278 : i32 to index
        %swap3A_341 = arith.constant 112 : index
        %swap3A_342 = tpu.vector_load %arg20[%swap3A_340, %swap3A_341] {strides = array<i32>} : memref<128x128xf32, #tpu.memory_space<vmem>>, vector<16xf32>,
        tpu.vector_store %arg20[%swap3A_340, %swap3A_341], %mul3A_339 {strides = array<i32>} : memref<128x128xf32, #tpu.memory_space<vmem>>, vector<16xf32>,
      }
      %scan3A_270 = arith.constant 128 : i32
      "tpu.region"() ({
        %run_scoped3A_278 = tpu.sem_alloc : memref<!tpu.dma_semaphore, #tpu.memory_space<semaphore_mem>>
        %dma_start3A_279 = arith.constant 0 : i32
        %dma_start3A_280 = arith.constant 0 : i32
        %dma_start3A_281 = tpu.memref_slice %arg25[%dma_start3A_279, %dma_start3A_280] : memref<10240x128xf32, #tpu.memory_space<vmem_shared>> -> memref<10240x128xf32, #tpu.memory_space<vmem_shared>>
        tpu.enqueue_indirect_dma source(%arg20 : memref<128x128xf32, #tpu.memory_space<vmem>>) target(%dma_start3A_281 : memref<10240x128xf32, #tpu.memory_space<vmem_shared>>) offsets(%arg15 : memref<128xi32, #tpu.memory_space<vmem>>) semaphore(%run_scoped3A_278 : memref<!tpu.dma_semaphore, #tpu.memory_space<semaphore_mem>>) {add = true}
        %dma_wait3A_282 = arith.constant 0 : i32
        %dma_wait3A_283 = arith.constant 0 : i32
        %dma_wait3A_284 = tpu.memref_slice %arg25[%dma_wait3A_282, %dma_wait3A_283] : memref<10240x128xf32, #tpu.memory_space<vmem_shared>> -> memref<10240x128xf32, #tpu.memory_space<vmem_shared>>
        tpu.wait_indirect_dma semaphore(%run_scoped3A_278 : memref<!tpu.dma_semaphore, #tpu.memory_space<semaphore_mem>>) src(%arg20 : memref<128x128xf32, #tpu.memory_space<vmem>>) dst(%dma_wait3A_284 : memref<10240x128xf32, #tpu.memory_space<vmem_shared>>)
        tpu.yield
      }) : () -> ()
      %add3A_271 = arith.constant 2 : i32
      %add3A_272 = arith.addi %add3A_252, %add3A_271 : i32
      %lt3A_273 = arith.constant 40 : i32
      %lt3A_274 = arith.cmpi slt, %add3A_272, %lt3A_273 : i32
      %convert_element_type3A_275 = arith.extui %lt3A_274 : i1 to i32
      %cond3A_276 = arith.constant 0 : i32
      %cond3A_277 = arith.cmpi ne, %convert_element_type3A_275, %cond3A_276 : i32
      scf.if %cond3A_277 {
        %add3A_278 = arith.constant 2 : i32
        %add3A_279 = arith.addi %add3A_252, %add3A_278 : i32
        %add3A_280 = arith.addi %mul3A_2, %add3A_279 : i32
        %dma_start3A_281 = arith.constant 3 : i32
        %dma_start3A_282 = arith.constant 0 : i32
        %dma_start3A_283 = tpu.memref_slice %arg7[%dma_start3A_281, %add3A_280, %dma_start3A_282] : memref<5x1280x128xi32, #tpu.memory_space<hbm>> -> memref<1x1x128xi32, #tpu.memory_space<hbm>>
        %dma_start3A_284 = tpu.memref_squeeze %dma_start3A_283 : memref<1x1x128xi32, #tpu.memory_space<hbm>> -> memref<128xi32, #tpu.memory_space<hbm>>
        %dma_start3A_285 = arith.constant 0 : i32
        %dma_start3A_286 = tpu.memref_slice %arg7[%dma_start3A_281, %add3A_280, %dma_start3A_285] : memref<5x1280x128xi32, #tpu.memory_space<hbm>> -> memref<1x1x128xi32, #tpu.memory_space<hbm>>
        %dma_start3A_287 = tpu.memref_squeeze %dma_start3A_286 : memref<1x1x128xi32, #tpu.memory_space<hbm>> -> memref<128xi32, #tpu.memory_space<hbm>>
        tpu.enqueue_dma source(%dma_start3A_287 : memref<128xi32, #tpu.memory_space<hbm>>) target(%arg13 : memref<128xi32, #tpu.memory_space<vmem>>) target_semaphore(%arg24 : memref<!tpu.dma_semaphore, #tpu.memory_space<semaphore_mem>>)
        %dma_start3A_288 = arith.constant 3 : i32
        %dma_start3A_289 = arith.constant 0 : i32
        %dma_start3A_290 = tpu.memref_slice %arg8[%dma_start3A_288, %add3A_280, %dma_start3A_289] : memref<5x1280x128xi32, #tpu.memory_space<hbm>> -> memref<1x1x128xi32, #tpu.memory_space<hbm>>
        %dma_start3A_291 = tpu.memref_squeeze %dma_start3A_290 : memref<1x1x128xi32, #tpu.memory_space<hbm>> -> memref<128xi32, #tpu.memory_space<hbm>>
        %dma_start3A_292 = arith.constant 0 : i32
        %dma_start3A_293 = tpu.memref_slice %arg8[%dma_start3A_288, %add3A_280, %dma_start3A_292] : memref<5x1280x128xi32, #tpu.memory_space<hbm>> -> memref<1x1x128xi32, #tpu.memory_space<hbm>>
        %dma_start3A_294 = tpu.memref_squeeze %dma_start3A_293 : memref<1x1x128xi32, #tpu.memory_space<hbm>> -> memref<128xi32, #tpu.memory_space<hbm>>
        tpu.enqueue_dma source(%dma_start3A_294 : memref<128xi32, #tpu.memory_space<hbm>>) target(%arg15 : memref<128xi32, #tpu.memory_space<vmem>>) target_semaphore(%arg24 : memref<!tpu.dma_semaphore, #tpu.memory_space<semaphore_mem>>)
        %dma_start3A_295 = arith.constant 3 : i32
        %dma_start3A_296 = arith.constant 0 : i32
        %dma_start3A_297 = tpu.memref_slice %arg9[%dma_start3A_295, %add3A_280, %dma_start3A_296] : memref<5x1280x128xf32, #tpu.memory_space<hbm>> -> memref<1x1x128xf32, #tpu.memory_space<hbm>>
        %dma_start3A_298 = tpu.memref_squeeze %dma_start3A_297 : memref<1x1x128xf32, #tpu.memory_space<hbm>> -> memref<128xf32, #tpu.memory_space<hbm>>
        %dma_start3A_299 = arith.constant 0 : i32
        %dma_start3A_300 = tpu.memref_slice %arg9[%dma_start3A_295, %add3A_280, %dma_start3A_299] : memref<5x1280x128xf32, #tpu.memory_space<hbm>> -> memref<1x1x128xf32, #tpu.memory_space<hbm>>
        %dma_start3A_301 = tpu.memref_squeeze %dma_start3A_300 : memref<1x1x128xf32, #tpu.memory_space<hbm>> -> memref<128xf32, #tpu.memory_space<hbm>>
        tpu.enqueue_dma source(%dma_start3A_301 : memref<128xf32, #tpu.memory_space<hbm>>) target(%arg17 : memref<128xf32, #tpu.memory_space<vmem>>) target_semaphore(%arg24 : memref<!tpu.dma_semaphore, #tpu.memory_space<semaphore_mem>>)
      } else {
      }
    }
    %scan3A_180 = arith.constant 20 : i32
    %add3A_181 = arith.constant 0 : i32
    %add3A_182 = arith.addi %mul3A_2, %add3A_181 : i32
    %run_scoped3A_183 = arith.constant 4 : i32
    "tpu.region"() ({
      %run_scoped3A_225 = tpu.sem_alloc : memref<!tpu.dma_semaphore, #tpu.memory_space<semaphore_mem>>
      %dma_start3A_226 = arith.constant 0 : i32
      %dma_start3A_227 = tpu.memref_slice %arg7[%run_scoped3A_183, %add3A_182, %dma_start3A_226] : memref<5x1280x128xi32, #tpu.memory_space<hbm>> -> memref<1x1x128xi32, #tpu.memory_space<hbm>>
      %dma_start3A_228 = tpu.memref_squeeze %dma_start3A_227 : memref<1x1x128xi32, #tpu.memory_space<hbm>> -> memref<128xi32, #tpu.memory_space<hbm>>
      %dma_start3A_229 = arith.constant 0 : i32
      %dma_start3A_230 = tpu.memref_slice %arg7[%run_scoped3A_183, %add3A_182, %dma_start3A_229] : memref<5x1280x128xi32, #tpu.memory_space<hbm>> -> memref<1x1x128xi32, #tpu.memory_space<hbm>>
      %dma_start3A_231 = tpu.memref_squeeze %dma_start3A_230 : memref<1x1x128xi32, #tpu.memory_space<hbm>> -> memref<128xi32, #tpu.memory_space<hbm>>
      tpu.enqueue_dma source(%dma_start3A_231 : memref<128xi32, #tpu.memory_space<hbm>>) target(%arg12 : memref<128xi32, #tpu.memory_space<vmem>>) target_semaphore(%run_scoped3A_225 : memref<!tpu.dma_semaphore, #tpu.memory_space<semaphore_mem>>)
      %dma_wait3A = arith.constant 0 : i32
      %dma_wait3A_232 = tpu.memref_slice %arg7[%run_scoped3A_183, %add3A_182, %dma_wait3A] : memref<5x1280x128xi32, #tpu.memory_space<hbm>> -> memref<1x1x128xi32, #tpu.memory_space<hbm>>
      %dma_wait3A_233 = tpu.memref_squeeze %dma_wait3A_232 : memref<1x1x128xi32, #tpu.memory_space<hbm>> -> memref<128xi32, #tpu.memory_space<hbm>>
      %dma_wait3A_234 = arith.constant 0 : i32
      %dma_wait3A_235 = tpu.memref_slice %arg7[%run_scoped3A_183, %add3A_182, %dma_wait3A_234] : memref<5x1280x128xi32, #tpu.memory_space<hbm>> -> memref<1x1x128xi32, #tpu.memory_space<hbm>>
      %dma_wait3A_236 = tpu.memref_squeeze %dma_wait3A_235 : memref<1x1x128xi32, #tpu.memory_space<hbm>> -> memref<128xi32, #tpu.memory_space<hbm>>
      tpu.wait_dma2 semaphore(%run_scoped3A_225 : memref<!tpu.dma_semaphore, #tpu.memory_space<semaphore_mem>>) src(%dma_wait3A_236 : memref<128xi32, #tpu.memory_space<hbm>>) dst(%arg12 : memref<128xi32, #tpu.memory_space<vmem>>)
      tpu.yield
    }) : () -> ()
    %run_scoped3A_184 = arith.constant 4 : i32
    "tpu.region"() ({
      %run_scoped3A_225 = tpu.sem_alloc : memref<!tpu.dma_semaphore, #tpu.memory_space<semaphore_mem>>
      %dma_start3A_226 = arith.constant 0 : i32
      %dma_start3A_227 = tpu.memref_slice %arg8[%run_scoped3A_184, %add3A_182, %dma_start3A_226] : memref<5x1280x128xi32, #tpu.memory_space<hbm>> -> memref<1x1x128xi32, #tpu.memory_space<hbm>>
      %dma_start3A_228 = tpu.memref_squeeze %dma_start3A_227 : memref<1x1x128xi32, #tpu.memory_space<hbm>> -> memref<128xi32, #tpu.memory_space<hbm>>
      %dma_start3A_229 = arith.constant 0 : i32
      %dma_start3A_230 = tpu.memref_slice %arg8[%run_scoped3A_184, %add3A_182, %dma_start3A_229] : memref<5x1280x128xi32, #tpu.memory_space<hbm>> -> memref<1x1x128xi32, #tpu.memory_space<hbm>>
      %dma_start3A_231 = tpu.memref_squeeze %dma_start3A_230 : memref<1x1x128xi32, #tpu.memory_space<hbm>> -> memref<128xi32, #tpu.memory_space<hbm>>
      tpu.enqueue_dma source(%dma_start3A_231 : memref<128xi32, #tpu.memory_space<hbm>>) target(%arg14 : memref<128xi32, #tpu.memory_space<vmem>>) target_semaphore(%run_scoped3A_225 : memref<!tpu.dma_semaphore, #tpu.memory_space<semaphore_mem>>)
      %dma_wait3A = arith.constant 0 : i32
      %dma_wait3A_232 = tpu.memref_slice %arg8[%run_scoped3A_184, %add3A_182, %dma_wait3A] : memref<5x1280x128xi32, #tpu.memory_space<hbm>> -> memref<1x1x128xi32, #tpu.memory_space<hbm>>
      %dma_wait3A_233 = tpu.memref_squeeze %dma_wait3A_232 : memref<1x1x128xi32, #tpu.memory_space<hbm>> -> memref<128xi32, #tpu.memory_space<hbm>>
      %dma_wait3A_234 = arith.constant 0 : i32
      %dma_wait3A_235 = tpu.memref_slice %arg8[%run_scoped3A_184, %add3A_182, %dma_wait3A_234] : memref<5x1280x128xi32, #tpu.memory_space<hbm>> -> memref<1x1x128xi32, #tpu.memory_space<hbm>>
      %dma_wait3A_236 = tpu.memref_squeeze %dma_wait3A_235 : memref<1x1x128xi32, #tpu.memory_space<hbm>> -> memref<128xi32, #tpu.memory_space<hbm>>
      tpu.wait_dma2 semaphore(%run_scoped3A_225 : memref<!tpu.dma_semaphore, #tpu.memory_space<semaphore_mem>>) src(%dma_wait3A_236 : memref<128xi32, #tpu.memory_space<hbm>>) dst(%arg14 : memref<128xi32, #tpu.memory_space<vmem>>)
      tpu.yield
    }) : () -> ()
    %run_scoped3A_185 = arith.constant 4 : i32
    "tpu.region"() ({
      %run_scoped3A_225 = tpu.sem_alloc : memref<!tpu.dma_semaphore, #tpu.memory_space<semaphore_mem>>
      %dma_start3A_226 = arith.constant 0 : i32
      %dma_start3A_227 = tpu.memref_slice %arg9[%run_scoped3A_185, %add3A_182, %dma_start3A_226] : memref<5x1280x128xf32, #tpu.memory_space<hbm>> -> memref<1x1x128xf32, #tpu.memory_space<hbm>>
      %dma_start3A_228 = tpu.memref_squeeze %dma_start3A_227 : memref<1x1x128xf32, #tpu.memory_space<hbm>> -> memref<128xf32, #tpu.memory_space<hbm>>
      %dma_start3A_229 = arith.constant 0 : i32
      %dma_start3A_230 = tpu.memref_slice %arg9[%run_scoped3A_185, %add3A_182, %dma_start3A_229] : memref<5x1280x128xf32, #tpu.memory_space<hbm>> -> memref<1x1x128xf32, #tpu.memory_space<hbm>>
      %dma_start3A_231 = tpu.memref_squeeze %dma_start3A_230 : memref<1x1x128xf32, #tpu.memory_space<hbm>> -> memref<128xf32, #tpu.memory_space<hbm>>
      tpu.enqueue_dma source(%dma_start3A_231 : memref<128xf32, #tpu.memory_space<hbm>>) target(%arg16 : memref<128xf32, #tpu.memory_space<vmem>>) target_semaphore(%run_scoped3A_225 : memref<!tpu.dma_semaphore, #tpu.memory_space<semaphore_mem>>)
      %dma_wait3A = arith.constant 0 : i32
      %dma_wait3A_232 = tpu.memref_slice %arg9[%run_scoped3A_185, %add3A_182, %dma_wait3A] : memref<5x1280x128xf32, #tpu.memory_space<hbm>> -> memref<1x1x128xf32, #tpu.memory_space<hbm>>
      %dma_wait3A_233 = tpu.memref_squeeze %dma_wait3A_232 : memref<1x1x128xf32, #tpu.memory_space<hbm>> -> memref<128xf32, #tpu.memory_space<hbm>>
      %dma_wait3A_234 = arith.constant 0 : i32
      %dma_wait3A_235 = tpu.memref_slice %arg9[%run_scoped3A_185, %add3A_182, %dma_wait3A_234] : memref<5x1280x128xf32, #tpu.memory_space<hbm>> -> memref<1x1x128xf32, #tpu.memory_space<hbm>>
      %dma_wait3A_236 = tpu.memref_squeeze %dma_wait3A_235 : memref<1x1x128xf32, #tpu.memory_space<hbm>> -> memref<128xf32, #tpu.memory_space<hbm>>
      tpu.wait_dma2 semaphore(%run_scoped3A_225 : memref<!tpu.dma_semaphore, #tpu.memory_space<semaphore_mem>>) src(%dma_wait3A_236 : memref<128xf32, #tpu.memory_space<hbm>>) dst(%arg16 : memref<128xf32, #tpu.memory_space<vmem>>)
      tpu.yield
    }) : () -> ()
    %dma_start3A_186 = arith.constant 0 : i32
    %dma_start3A_187 = arith.constant 0 : i32
    %dma_start3A_188 = tpu.memref_slice %arg6[%dma_start3A_186, %dma_start3A_187] : memref<10000x64xi32, #tpu.memory_space<hbm>> -> memref<10000x64xi32, #tpu.memory_space<hbm>>
    tpu.enqueue_indirect_dma source(%dma_start3A_188 : memref<10000x64xi32, #tpu.memory_space<hbm>>) target(%arg18 : memref<128x64xi32, #tpu.memory_space<vmem>>) offsets(%arg12 : memref<128xi32, #tpu.memory_space<vmem>>) semaphore(%arg21 : memref<!tpu.dma_semaphore, #tpu.memory_space<semaphore_mem>>)
    %add3A_189 = arith.constant 1 : i32
    %add3A_190 = arith.addi %mul3A_2, %add3A_189 : i32
    %dma_start3A_191 = arith.constant 4 : i32
    %dma_start3A_192 = arith.constant 0 : i32
    %dma_start3A_193 = tpu.memref_slice %arg7[%dma_start3A_191, %add3A_190, %dma_start3A_192] : memref<5x1280x128xi32, #tpu.memory_space<hbm>> -> memref<1x1x128xi32, #tpu.memory_space<hbm>>
    %dma_start3A_194 = tpu.memref_squeeze %dma_start3A_193 : memref<1x1x128xi32, #tpu.memory_space<hbm>> -> memref<128xi32, #tpu.memory_space<hbm>>
    %dma_start3A_195 = arith.constant 0 : i32
    %dma_start3A_196 = tpu.memref_slice %arg7[%dma_start3A_191, %add3A_190, %dma_start3A_195] : memref<5x1280x128xi32, #tpu.memory_space<hbm>> -> memref<1x1x128xi32, #tpu.memory_space<hbm>>
    %dma_start3A_197 = tpu.memref_squeeze %dma_start3A_196 : memref<1x1x128xi32, #tpu.memory_space<hbm>> -> memref<128xi32, #tpu.memory_space<hbm>>
    tpu.enqueue_dma source(%dma_start3A_197 : memref<128xi32, #tpu.memory_space<hbm>>) target(%arg13 : memref<128xi32, #tpu.memory_space<vmem>>) target_semaphore(%arg24 : memref<!tpu.dma_semaphore, #tpu.memory_space<semaphore_mem>>)
    %dma_start3A_198 = arith.constant 4 : i32
    %dma_start3A_199 = arith.constant 0 : i32
    %dma_start3A_200 = tpu.memref_slice %arg8[%dma_start3A_198, %add3A_190, %dma_start3A_199] : memref<5x1280x128xi32, #tpu.memory_space<hbm>> -> memref<1x1x128xi32, #tpu.memory_space<hbm>>
    %dma_start3A_201 = tpu.memref_squeeze %dma_start3A_200 : memref<1x1x128xi32, #tpu.memory_space<hbm>> -> memref<128xi32, #tpu.memory_space<hbm>>
    %dma_start3A_202 = arith.constant 0 : i32
    %dma_start3A_203 = tpu.memref_slice %arg8[%dma_start3A_198, %add3A_190, %dma_start3A_202] : memref<5x1280x128xi32, #tpu.memory_space<hbm>> -> memref<1x1x128xi32, #tpu.memory_space<hbm>>
    %dma_start3A_204 = tpu.memref_squeeze %dma_start3A_203 : memref<1x1x128xi32, #tpu.memory_space<hbm>> -> memref<128xi32, #tpu.memory_space<hbm>>
    tpu.enqueue_dma source(%dma_start3A_204 : memref<128xi32, #tpu.memory_space<hbm>>) target(%arg15 : memref<128xi32, #tpu.memory_space<vmem>>) target_semaphore(%arg24 : memref<!tpu.dma_semaphore, #tpu.memory_space<semaphore_mem>>)
    %dma_start3A_205 = arith.constant 4 : i32
    %dma_start3A_206 = arith.constant 0 : i32
    %dma_start3A_207 = tpu.memref_slice %arg9[%dma_start3A_205, %add3A_190, %dma_start3A_206] : memref<5x1280x128xf32, #tpu.memory_space<hbm>> -> memref<1x1x128xf32, #tpu.memory_space<hbm>>
    %dma_start3A_208 = tpu.memref_squeeze %dma_start3A_207 : memref<1x1x128xf32, #tpu.memory_space<hbm>> -> memref<128xf32, #tpu.memory_space<hbm>>
    %dma_start3A_209 = arith.constant 0 : i32
    %dma_start3A_210 = tpu.memref_slice %arg9[%dma_start3A_205, %add3A_190, %dma_start3A_209] : memref<5x1280x128xf32, #tpu.memory_space<hbm>> -> memref<1x1x128xf32, #tpu.memory_space<hbm>>
    %dma_start3A_211 = tpu.memref_squeeze %dma_start3A_210 : memref<1x1x128xf32, #tpu.memory_space<hbm>> -> memref<128xf32, #tpu.memory_space<hbm>>
    tpu.enqueue_dma source(%dma_start3A_211 : memref<128xf32, #tpu.memory_space<hbm>>) target(%arg17 : memref<128xf32, #tpu.memory_space<vmem>>) target_semaphore(%arg24 : memref<!tpu.dma_semaphore, #tpu.memory_space<semaphore_mem>>)
    %scan3A_212 = arith.constant 0 : i32
    %scan3A_213 = arith.constant 0 : i32
    %scan3A_214 = arith.constant 20 : i32
    %scan3A_215 = arith.addi %scan3A_213, %scan3A_214 : i32
    %scan3A_216 = arith.constant 1 : i32
    scf.for %scan3A_225 = %scan3A_213 to %scan3A_215 step %scan3A_216  : i32 {
      %mul3A_226 = arith.constant 2 : i32
      %mul3A_227 = arith.muli %scan3A_225, %mul3A_226 : i32
      %dma_wait3A = arith.constant 0 : i32
      %dma_wait3A_228 = arith.constant 0 : i32
      %dma_wait3A_229 = tpu.memref_slice %arg6[%dma_wait3A, %dma_wait3A_228] : memref<10000x64xi32, #tpu.memory_space<hbm>> -> memref<10000x64xi32, #tpu.memory_space<hbm>>
      tpu.wait_indirect_dma semaphore(%arg21 : memref<!tpu.dma_semaphore, #tpu.memory_space<semaphore_mem>>) src(%dma_wait3A_229 : memref<10000x64xi32, #tpu.memory_space<hbm>>) dst(%arg18 : memref<128x64xi32, #tpu.memory_space<vmem>>)
      %add3A_230 = arith.constant 1 : i32
      %add3A_231 = arith.addi %mul3A_227, %add3A_230 : i32
      %lt3A = arith.constant 40 : i32
      %lt3A_232 = arith.cmpi slt, %add3A_231, %lt3A : i32
      %convert_element_type3A = arith.extui %lt3A_232 : i1 to i32
      %cond3A = arith.constant 0 : i32
      %cond3A_233 = arith.cmpi ne, %convert_element_type3A, %cond3A : i32
      scf.if %cond3A_233 {
        %add3A_278 = arith.constant 1 : i32
        %add3A_279 = arith.addi %mul3A_227, %add3A_278 : i32
        %add3A_280 = arith.addi %mul3A_2, %add3A_279 : i32
        %dma_wait3A_281 = arith.constant 4 : i32
        %dma_wait3A_282 = arith.constant 0 : i32
        %dma_wait3A_283 = tpu.memref_slice %arg7[%dma_wait3A_281, %add3A_280, %dma_wait3A_282] : memref<5x1280x128xi32, #tpu.memory_space<hbm>> -> memref<1x1x128xi32, #tpu.memory_space<hbm>>
        %dma_wait3A_284 = tpu.memref_squeeze %dma_wait3A_283 : memref<1x1x128xi32, #tpu.memory_space<hbm>> -> memref<128xi32, #tpu.memory_space<hbm>>
        %dma_wait3A_285 = arith.constant 0 : i32
        %dma_wait3A_286 = tpu.memref_slice %arg7[%dma_wait3A_281, %add3A_280, %dma_wait3A_285] : memref<5x1280x128xi32, #tpu.memory_space<hbm>> -> memref<1x1x128xi32, #tpu.memory_space<hbm>>
        %dma_wait3A_287 = tpu.memref_squeeze %dma_wait3A_286 : memref<1x1x128xi32, #tpu.memory_space<hbm>> -> memref<128xi32, #tpu.memory_space<hbm>>
        tpu.wait_dma2 semaphore(%arg24 : memref<!tpu.dma_semaphore, #tpu.memory_space<semaphore_mem>>) src(%dma_wait3A_287 : memref<128xi32, #tpu.memory_space<hbm>>) dst(%arg13 : memref<128xi32, #tpu.memory_space<vmem>>)
        %dma_wait3A_288 = arith.constant 4 : i32
        %dma_wait3A_289 = arith.constant 0 : i32
        %dma_wait3A_290 = tpu.memref_slice %arg8[%dma_wait3A_288, %add3A_280, %dma_wait3A_289] : memref<5x1280x128xi32, #tpu.memory_space<hbm>> -> memref<1x1x128xi32, #tpu.memory_space<hbm>>
        %dma_wait3A_291 = tpu.memref_squeeze %dma_wait3A_290 : memref<1x1x128xi32, #tpu.memory_space<hbm>> -> memref<128xi32, #tpu.memory_space<hbm>>
        %dma_wait3A_292 = arith.constant 0 : i32
        %dma_wait3A_293 = tpu.memref_slice %arg8[%dma_wait3A_288, %add3A_280, %dma_wait3A_292] : memref<5x1280x128xi32, #tpu.memory_space<hbm>> -> memref<1x1x128xi32, #tpu.memory_space<hbm>>
        %dma_wait3A_294 = tpu.memref_squeeze %dma_wait3A_293 : memref<1x1x128xi32, #tpu.memory_space<hbm>> -> memref<128xi32, #tpu.memory_space<hbm>>
        tpu.wait_dma2 semaphore(%arg24 : memref<!tpu.dma_semaphore, #tpu.memory_space<semaphore_mem>>) src(%dma_wait3A_294 : memref<128xi32, #tpu.memory_space<hbm>>) dst(%arg15 : memref<128xi32, #tpu.memory_space<vmem>>)
        %dma_wait3A_295 = arith.constant 4 : i32
        %dma_wait3A_296 = arith.constant 0 : i32
        %dma_wait3A_297 = tpu.memref_slice %arg9[%dma_wait3A_295, %add3A_280, %dma_wait3A_296] : memref<5x1280x128xf32, #tpu.memory_space<hbm>> -> memref<1x1x128xf32, #tpu.memory_space<hbm>>
        %dma_wait3A_298 = tpu.memref_squeeze %dma_wait3A_297 : memref<1x1x128xf32, #tpu.memory_space<hbm>> -> memref<128xf32, #tpu.memory_space<hbm>>
        %dma_wait3A_299 = arith.constant 0 : i32
        %dma_wait3A_300 = tpu.memref_slice %arg9[%dma_wait3A_295, %add3A_280, %dma_wait3A_299] : memref<5x1280x128xf32, #tpu.memory_space<hbm>> -> memref<1x1x128xf32, #tpu.memory_space<hbm>>
        %dma_wait3A_301 = tpu.memref_squeeze %dma_wait3A_300 : memref<1x1x128xf32, #tpu.memory_space<hbm>> -> memref<128xf32, #tpu.memory_space<hbm>>
        tpu.wait_dma2 semaphore(%arg24 : memref<!tpu.dma_semaphore, #tpu.memory_space<semaphore_mem>>) src(%dma_wait3A_301 : memref<128xf32, #tpu.memory_space<hbm>>) dst(%arg17 : memref<128xf32, #tpu.memory_space<vmem>>)
        %dma_start3A_302 = arith.constant 0 : i32
        %dma_start3A_303 = arith.constant 0 : i32
        %dma_start3A_304 = tpu.memref_slice %arg6[%dma_start3A_302, %dma_start3A_303] : memref<10000x64xi32, #tpu.memory_space<hbm>> -> memref<10000x64xi32, #tpu.memory_space<hbm>>
        tpu.enqueue_indirect_dma source(%dma_start3A_304 : memref<10000x64xi32, #tpu.memory_space<hbm>>) target(%arg19 : memref<128x64xi32, #tpu.memory_space<vmem>>) offsets(%arg13 : memref<128xi32, #tpu.memory_space<vmem>>) semaphore(%arg22 : memref<!tpu.dma_semaphore, #tpu.memory_space<semaphore_mem>>)
      } else {
      }
      %broadcast_in_dim3A_234 = arith.constant -65536 : i32
      %broadcast_in_dim3A_235 = vector.broadcast %broadcast_in_dim3A_234 : i32 to vector<16xi32>
      %scan3A_236 = arith.constant 0 : i32
      %scan3A_237 = arith.constant 0 : i32
      %scan3A_238 = arith.constant 128 : i32
      %scan3A_239 = arith.addi %scan3A_237, %scan3A_238 : i32
      %scan3A_240 = arith.constant 1 : i32
      scf.for %scan3A_278 = %scan3A_237 to %scan3A_239 step %scan3A_240  : i32 {
        %broadcast_in_dim3A_279 = vector.broadcast %scan3A_278 : i32 to vector<16xi32>
        %gather3A = tpu.vector_load_idx %arg16[%broadcast_in_dim3A_279] : memref<128xf32, #tpu.memory_space<vmem>>[vector<16xi32>], vector<16xf32>,
        %get3A = arith.index_cast %scan3A_278 : i32 to index
        %get3A_280 = arith.constant 0 : index
        %get3A_281 = tpu.vector_load %arg18[%get3A, %get3A_280] {strides = array<i32>} : memref<128x64xi32, #tpu.memory_space<vmem>>, vector<16xi32>,
        %shift_left3A = arith.constant 16 : i32
        %shift_left3A_282 = vector.broadcast %shift_left3A : i32 to vector<16xi32>
        %shift_left3A_283 = arith.shli %get3A_281, %shift_left3A_282 : vector<16xi32>
        %bitcast3A = vector.bitcast %shift_left3A_283 : vector<16xi32> to vector<16xf32>
        %and3A = arith.andi %get3A_281, %broadcast_in_dim3A_235 : vector<16xi32>
        %bitcast3A_284 = vector.bitcast %and3A : vector<16xi32> to vector<16xf32>
        %mul3A_285 = arith.mulf %bitcast3A, %gather3A : vector<16xf32>
        %swap3A = arith.index_cast %scan3A_278 : i32 to index
        %swap3A_286 = arith.constant 0 : index
        %swap3A_287 = tpu.vector_load %arg20[%swap3A, %swap3A_286] {strides = array<i32>} : memref<128x128xf32, #tpu.memory_space<vmem>>, vector<16xf32>,
        tpu.vector_store %arg20[%swap3A, %swap3A_286], %mul3A_285 {strides = array<i32>} : memref<128x128xf32, #tpu.memory_space<vmem>>, vector<16xf32>,
        %mul3A_288 = arith.mulf %bitcast3A_284, %gather3A : vector<16xf32>
        %swap3A_289 = arith.index_cast %scan3A_278 : i32 to index
        %swap3A_290 = arith.constant 64 : index
        %swap3A_291 = tpu.vector_load %arg20[%swap3A_289, %swap3A_290] {strides = array<i32>} : memref<128x128xf32, #tpu.memory_space<vmem>>, vector<16xf32>,
        tpu.vector_store %arg20[%swap3A_289, %swap3A_290], %mul3A_288 {strides = array<i32>} : memref<128x128xf32, #tpu.memory_space<vmem>>, vector<16xf32>,
        %get3A_292 = arith.index_cast %scan3A_278 : i32 to index
        %get3A_293 = arith.constant 16 : index
        %get3A_294 = tpu.vector_load %arg18[%get3A_292, %get3A_293] {strides = array<i32>} : memref<128x64xi32, #tpu.memory_space<vmem>>, vector<16xi32>,
        %shift_left3A_295 = arith.constant 16 : i32
        %shift_left3A_296 = vector.broadcast %shift_left3A_295 : i32 to vector<16xi32>
        %shift_left3A_297 = arith.shli %get3A_294, %shift_left3A_296 : vector<16xi32>
        %bitcast3A_298 = vector.bitcast %shift_left3A_297 : vector<16xi32> to vector<16xf32>
        %and3A_299 = arith.andi %get3A_294, %broadcast_in_dim3A_235 : vector<16xi32>
        %bitcast3A_300 = vector.bitcast %and3A_299 : vector<16xi32> to vector<16xf32>
        %mul3A_301 = arith.mulf %bitcast3A_298, %gather3A : vector<16xf32>
        %swap3A_302 = arith.index_cast %scan3A_278 : i32 to index
        %swap3A_303 = arith.constant 16 : index
        %swap3A_304 = tpu.vector_load %arg20[%swap3A_302, %swap3A_303] {strides = array<i32>} : memref<128x128xf32, #tpu.memory_space<vmem>>, vector<16xf32>,
        tpu.vector_store %arg20[%swap3A_302, %swap3A_303], %mul3A_301 {strides = array<i32>} : memref<128x128xf32, #tpu.memory_space<vmem>>, vector<16xf32>,
        %mul3A_305 = arith.mulf %bitcast3A_300, %gather3A : vector<16xf32>
        %swap3A_306 = arith.index_cast %scan3A_278 : i32 to index
        %swap3A_307 = arith.constant 80 : index
        %swap3A_308 = tpu.vector_load %arg20[%swap3A_306, %swap3A_307] {strides = array<i32>} : memref<128x128xf32, #tpu.memory_space<vmem>>, vector<16xf32>,
        tpu.vector_store %arg20[%swap3A_306, %swap3A_307], %mul3A_305 {strides = array<i32>} : memref<128x128xf32, #tpu.memory_space<vmem>>, vector<16xf32>,
        %get3A_309 = arith.index_cast %scan3A_278 : i32 to index
        %get3A_310 = arith.constant 32 : index
        %get3A_311 = tpu.vector_load %arg18[%get3A_309, %get3A_310] {strides = array<i32>} : memref<128x64xi32, #tpu.memory_space<vmem>>, vector<16xi32>,
        %shift_left3A_312 = arith.constant 16 : i32
        %shift_left3A_313 = vector.broadcast %shift_left3A_312 : i32 to vector<16xi32>
        %shift_left3A_314 = arith.shli %get3A_311, %shift_left3A_313 : vector<16xi32>
        %bitcast3A_315 = vector.bitcast %shift_left3A_314 : vector<16xi32> to vector<16xf32>
        %and3A_316 = arith.andi %get3A_311, %broadcast_in_dim3A_235 : vector<16xi32>
        %bitcast3A_317 = vector.bitcast %and3A_316 : vector<16xi32> to vector<16xf32>
        %mul3A_318 = arith.mulf %bitcast3A_315, %gather3A : vector<16xf32>
        %swap3A_319 = arith.index_cast %scan3A_278 : i32 to index
        %swap3A_320 = arith.constant 32 : index
        %swap3A_321 = tpu.vector_load %arg20[%swap3A_319, %swap3A_320] {strides = array<i32>} : memref<128x128xf32, #tpu.memory_space<vmem>>, vector<16xf32>,
        tpu.vector_store %arg20[%swap3A_319, %swap3A_320], %mul3A_318 {strides = array<i32>} : memref<128x128xf32, #tpu.memory_space<vmem>>, vector<16xf32>,
        %mul3A_322 = arith.mulf %bitcast3A_317, %gather3A : vector<16xf32>
        %swap3A_323 = arith.index_cast %scan3A_278 : i32 to index
        %swap3A_324 = arith.constant 96 : index
        %swap3A_325 = tpu.vector_load %arg20[%swap3A_323, %swap3A_324] {strides = array<i32>} : memref<128x128xf32, #tpu.memory_space<vmem>>, vector<16xf32>,
        tpu.vector_store %arg20[%swap3A_323, %swap3A_324], %mul3A_322 {strides = array<i32>} : memref<128x128xf32, #tpu.memory_space<vmem>>, vector<16xf32>,
        %get3A_326 = arith.index_cast %scan3A_278 : i32 to index
        %get3A_327 = arith.constant 48 : index
        %get3A_328 = tpu.vector_load %arg18[%get3A_326, %get3A_327] {strides = array<i32>} : memref<128x64xi32, #tpu.memory_space<vmem>>, vector<16xi32>,
        %shift_left3A_329 = arith.constant 16 : i32
        %shift_left3A_330 = vector.broadcast %shift_left3A_329 : i32 to vector<16xi32>
        %shift_left3A_331 = arith.shli %get3A_328, %shift_left3A_330 : vector<16xi32>
        %bitcast3A_332 = vector.bitcast %shift_left3A_331 : vector<16xi32> to vector<16xf32>
        %and3A_333 = arith.andi %get3A_328, %broadcast_in_dim3A_235 : vector<16xi32>
        %bitcast3A_334 = vector.bitcast %and3A_333 : vector<16xi32> to vector<16xf32>
        %mul3A_335 = arith.mulf %bitcast3A_332, %gather3A : vector<16xf32>
        %swap3A_336 = arith.index_cast %scan3A_278 : i32 to index
        %swap3A_337 = arith.constant 48 : index
        %swap3A_338 = tpu.vector_load %arg20[%swap3A_336, %swap3A_337] {strides = array<i32>} : memref<128x128xf32, #tpu.memory_space<vmem>>, vector<16xf32>,
        tpu.vector_store %arg20[%swap3A_336, %swap3A_337], %mul3A_335 {strides = array<i32>} : memref<128x128xf32, #tpu.memory_space<vmem>>, vector<16xf32>,
        %mul3A_339 = arith.mulf %bitcast3A_334, %gather3A : vector<16xf32>
        %swap3A_340 = arith.index_cast %scan3A_278 : i32 to index
        %swap3A_341 = arith.constant 112 : index
        %swap3A_342 = tpu.vector_load %arg20[%swap3A_340, %swap3A_341] {strides = array<i32>} : memref<128x128xf32, #tpu.memory_space<vmem>>, vector<16xf32>,
        tpu.vector_store %arg20[%swap3A_340, %swap3A_341], %mul3A_339 {strides = array<i32>} : memref<128x128xf32, #tpu.memory_space<vmem>>, vector<16xf32>,
      }
      %scan3A_241 = arith.constant 128 : i32
      "tpu.region"() ({
        %run_scoped3A_278 = tpu.sem_alloc : memref<!tpu.dma_semaphore, #tpu.memory_space<semaphore_mem>>
        %dma_start3A_279 = arith.constant 0 : i32
        %dma_start3A_280 = arith.constant 0 : i32
        %dma_start3A_281 = tpu.memref_slice %arg25[%dma_start3A_279, %dma_start3A_280] : memref<10240x128xf32, #tpu.memory_space<vmem_shared>> -> memref<10240x128xf32, #tpu.memory_space<vmem_shared>>
        tpu.enqueue_indirect_dma source(%arg20 : memref<128x128xf32, #tpu.memory_space<vmem>>) target(%dma_start3A_281 : memref<10240x128xf32, #tpu.memory_space<vmem_shared>>) offsets(%arg14 : memref<128xi32, #tpu.memory_space<vmem>>) semaphore(%run_scoped3A_278 : memref<!tpu.dma_semaphore, #tpu.memory_space<semaphore_mem>>) {add = true}
        %dma_wait3A_282 = arith.constant 0 : i32
        %dma_wait3A_283 = arith.constant 0 : i32
        %dma_wait3A_284 = tpu.memref_slice %arg25[%dma_wait3A_282, %dma_wait3A_283] : memref<10240x128xf32, #tpu.memory_space<vmem_shared>> -> memref<10240x128xf32, #tpu.memory_space<vmem_shared>>
        tpu.wait_indirect_dma semaphore(%run_scoped3A_278 : memref<!tpu.dma_semaphore, #tpu.memory_space<semaphore_mem>>) src(%arg20 : memref<128x128xf32, #tpu.memory_space<vmem>>) dst(%dma_wait3A_284 : memref<10240x128xf32, #tpu.memory_space<vmem_shared>>)
        tpu.yield
      }) : () -> ()
      %add3A_242 = arith.constant 2 : i32
      %add3A_243 = arith.addi %mul3A_227, %add3A_242 : i32
      %lt3A_244 = arith.constant 40 : i32
      %lt3A_245 = arith.cmpi slt, %add3A_243, %lt3A_244 : i32
      %convert_element_type3A_246 = arith.extui %lt3A_245 : i1 to i32
      %cond3A_247 = arith.constant 0 : i32
      %cond3A_248 = arith.cmpi ne, %convert_element_type3A_246, %cond3A_247 : i32
      scf.if %cond3A_248 {
        %add3A_278 = arith.constant 2 : i32
        %add3A_279 = arith.addi %mul3A_227, %add3A_278 : i32
        %add3A_280 = arith.addi %mul3A_2, %add3A_279 : i32
        %dma_start3A_281 = arith.constant 4 : i32
        %dma_start3A_282 = arith.constant 0 : i32
        %dma_start3A_283 = tpu.memref_slice %arg7[%dma_start3A_281, %add3A_280, %dma_start3A_282] : memref<5x1280x128xi32, #tpu.memory_space<hbm>> -> memref<1x1x128xi32, #tpu.memory_space<hbm>>
        %dma_start3A_284 = tpu.memref_squeeze %dma_start3A_283 : memref<1x1x128xi32, #tpu.memory_space<hbm>> -> memref<128xi32, #tpu.memory_space<hbm>>
        %dma_start3A_285 = arith.constant 0 : i32
        %dma_start3A_286 = tpu.memref_slice %arg7[%dma_start3A_281, %add3A_280, %dma_start3A_285] : memref<5x1280x128xi32, #tpu.memory_space<hbm>> -> memref<1x1x128xi32, #tpu.memory_space<hbm>>
        %dma_start3A_287 = tpu.memref_squeeze %dma_start3A_286 : memref<1x1x128xi32, #tpu.memory_space<hbm>> -> memref<128xi32, #tpu.memory_space<hbm>>
        tpu.enqueue_dma source(%dma_start3A_287 : memref<128xi32, #tpu.memory_space<hbm>>) target(%arg12 : memref<128xi32, #tpu.memory_space<vmem>>) target_semaphore(%arg23 : memref<!tpu.dma_semaphore, #tpu.memory_space<semaphore_mem>>)
        %dma_start3A_288 = arith.constant 4 : i32
        %dma_start3A_289 = arith.constant 0 : i32
        %dma_start3A_290 = tpu.memref_slice %arg8[%dma_start3A_288, %add3A_280, %dma_start3A_289] : memref<5x1280x128xi32, #tpu.memory_space<hbm>> -> memref<1x1x128xi32, #tpu.memory_space<hbm>>
        %dma_start3A_291 = tpu.memref_squeeze %dma_start3A_290 : memref<1x1x128xi32, #tpu.memory_space<hbm>> -> memref<128xi32, #tpu.memory_space<hbm>>
        %dma_start3A_292 = arith.constant 0 : i32
        %dma_start3A_293 = tpu.memref_slice %arg8[%dma_start3A_288, %add3A_280, %dma_start3A_292] : memref<5x1280x128xi32, #tpu.memory_space<hbm>> -> memref<1x1x128xi32, #tpu.memory_space<hbm>>
        %dma_start3A_294 = tpu.memref_squeeze %dma_start3A_293 : memref<1x1x128xi32, #tpu.memory_space<hbm>> -> memref<128xi32, #tpu.memory_space<hbm>>
        tpu.enqueue_dma source(%dma_start3A_294 : memref<128xi32, #tpu.memory_space<hbm>>) target(%arg14 : memref<128xi32, #tpu.memory_space<vmem>>) target_semaphore(%arg23 : memref<!tpu.dma_semaphore, #tpu.memory_space<semaphore_mem>>)
        %dma_start3A_295 = arith.constant 4 : i32
        %dma_start3A_296 = arith.constant 0 : i32
        %dma_start3A_297 = tpu.memref_slice %arg9[%dma_start3A_295, %add3A_280, %dma_start3A_296] : memref<5x1280x128xf32, #tpu.memory_space<hbm>> -> memref<1x1x128xf32, #tpu.memory_space<hbm>>
        %dma_start3A_298 = tpu.memref_squeeze %dma_start3A_297 : memref<1x1x128xf32, #tpu.memory_space<hbm>> -> memref<128xf32, #tpu.memory_space<hbm>>
        %dma_start3A_299 = arith.constant 0 : i32
        %dma_start3A_300 = tpu.memref_slice %arg9[%dma_start3A_295, %add3A_280, %dma_start3A_299] : memref<5x1280x128xf32, #tpu.memory_space<hbm>> -> memref<1x1x128xf32, #tpu.memory_space<hbm>>
        %dma_start3A_301 = tpu.memref_squeeze %dma_start3A_300 : memref<1x1x128xf32, #tpu.memory_space<hbm>> -> memref<128xf32, #tpu.memory_space<hbm>>
        tpu.enqueue_dma source(%dma_start3A_301 : memref<128xf32, #tpu.memory_space<hbm>>) target(%arg16 : memref<128xf32, #tpu.memory_space<vmem>>) target_semaphore(%arg23 : memref<!tpu.dma_semaphore, #tpu.memory_space<semaphore_mem>>)
      } else {
      }
      %mul3A_249 = arith.constant 2 : i32
      %mul3A_250 = arith.muli %scan3A_225, %mul3A_249 : i32
      %add3A_251 = arith.constant 1 : i32
      %add3A_252 = arith.addi %mul3A_250, %add3A_251 : i32
      %dma_wait3A_253 = arith.constant 0 : i32
      %dma_wait3A_254 = arith.constant 0 : i32
      %dma_wait3A_255 = tpu.memref_slice %arg6[%dma_wait3A_253, %dma_wait3A_254] : memref<10000x64xi32, #tpu.memory_space<hbm>> -> memref<10000x64xi32, #tpu.memory_space<hbm>>
      tpu.wait_indirect_dma semaphore(%arg22 : memref<!tpu.dma_semaphore, #tpu.memory_space<semaphore_mem>>) src(%dma_wait3A_255 : memref<10000x64xi32, #tpu.memory_space<hbm>>) dst(%arg19 : memref<128x64xi32, #tpu.memory_space<vmem>>)
      %add3A_256 = arith.constant 1 : i32
      %add3A_257 = arith.addi %add3A_252, %add3A_256 : i32
      %lt3A_258 = arith.constant 40 : i32
      %lt3A_259 = arith.cmpi slt, %add3A_257, %lt3A_258 : i32
      %convert_element_type3A_260 = arith.extui %lt3A_259 : i1 to i32
      %cond3A_261 = arith.constant 0 : i32
      %cond3A_262 = arith.cmpi ne, %convert_element_type3A_260, %cond3A_261 : i32
      scf.if %cond3A_262 {
        %add3A_278 = arith.constant 1 : i32
        %add3A_279 = arith.addi %add3A_252, %add3A_278 : i32
        %add3A_280 = arith.addi %mul3A_2, %add3A_279 : i32
        %dma_wait3A_281 = arith.constant 4 : i32
        %dma_wait3A_282 = arith.constant 0 : i32
        %dma_wait3A_283 = tpu.memref_slice %arg7[%dma_wait3A_281, %add3A_280, %dma_wait3A_282] : memref<5x1280x128xi32, #tpu.memory_space<hbm>> -> memref<1x1x128xi32, #tpu.memory_space<hbm>>
        %dma_wait3A_284 = tpu.memref_squeeze %dma_wait3A_283 : memref<1x1x128xi32, #tpu.memory_space<hbm>> -> memref<128xi32, #tpu.memory_space<hbm>>
        %dma_wait3A_285 = arith.constant 0 : i32
        %dma_wait3A_286 = tpu.memref_slice %arg7[%dma_wait3A_281, %add3A_280, %dma_wait3A_285] : memref<5x1280x128xi32, #tpu.memory_space<hbm>> -> memref<1x1x128xi32, #tpu.memory_space<hbm>>
        %dma_wait3A_287 = tpu.memref_squeeze %dma_wait3A_286 : memref<1x1x128xi32, #tpu.memory_space<hbm>> -> memref<128xi32, #tpu.memory_space<hbm>>
        tpu.wait_dma2 semaphore(%arg23 : memref<!tpu.dma_semaphore, #tpu.memory_space<semaphore_mem>>) src(%dma_wait3A_287 : memref<128xi32, #tpu.memory_space<hbm>>) dst(%arg12 : memref<128xi32, #tpu.memory_space<vmem>>)
        %dma_wait3A_288 = arith.constant 4 : i32
        %dma_wait3A_289 = arith.constant 0 : i32
        %dma_wait3A_290 = tpu.memref_slice %arg8[%dma_wait3A_288, %add3A_280, %dma_wait3A_289] : memref<5x1280x128xi32, #tpu.memory_space<hbm>> -> memref<1x1x128xi32, #tpu.memory_space<hbm>>
        %dma_wait3A_291 = tpu.memref_squeeze %dma_wait3A_290 : memref<1x1x128xi32, #tpu.memory_space<hbm>> -> memref<128xi32, #tpu.memory_space<hbm>>
        %dma_wait3A_292 = arith.constant 0 : i32
        %dma_wait3A_293 = tpu.memref_slice %arg8[%dma_wait3A_288, %add3A_280, %dma_wait3A_292] : memref<5x1280x128xi32, #tpu.memory_space<hbm>> -> memref<1x1x128xi32, #tpu.memory_space<hbm>>
        %dma_wait3A_294 = tpu.memref_squeeze %dma_wait3A_293 : memref<1x1x128xi32, #tpu.memory_space<hbm>> -> memref<128xi32, #tpu.memory_space<hbm>>
        tpu.wait_dma2 semaphore(%arg23 : memref<!tpu.dma_semaphore, #tpu.memory_space<semaphore_mem>>) src(%dma_wait3A_294 : memref<128xi32, #tpu.memory_space<hbm>>) dst(%arg14 : memref<128xi32, #tpu.memory_space<vmem>>)
        %dma_wait3A_295 = arith.constant 4 : i32
        %dma_wait3A_296 = arith.constant 0 : i32
        %dma_wait3A_297 = tpu.memref_slice %arg9[%dma_wait3A_295, %add3A_280, %dma_wait3A_296] : memref<5x1280x128xf32, #tpu.memory_space<hbm>> -> memref<1x1x128xf32, #tpu.memory_space<hbm>>
        %dma_wait3A_298 = tpu.memref_squeeze %dma_wait3A_297 : memref<1x1x128xf32, #tpu.memory_space<hbm>> -> memref<128xf32, #tpu.memory_space<hbm>>
        %dma_wait3A_299 = arith.constant 0 : i32
        %dma_wait3A_300 = tpu.memref_slice %arg9[%dma_wait3A_295, %add3A_280, %dma_wait3A_299] : memref<5x1280x128xf32, #tpu.memory_space<hbm>> -> memref<1x1x128xf32, #tpu.memory_space<hbm>>
        %dma_wait3A_301 = tpu.memref_squeeze %dma_wait3A_300 : memref<1x1x128xf32, #tpu.memory_space<hbm>> -> memref<128xf32, #tpu.memory_space<hbm>>
        tpu.wait_dma2 semaphore(%arg23 : memref<!tpu.dma_semaphore, #tpu.memory_space<semaphore_mem>>) src(%dma_wait3A_301 : memref<128xf32, #tpu.memory_space<hbm>>) dst(%arg16 : memref<128xf32, #tpu.memory_space<vmem>>)
        %dma_start3A_302 = arith.constant 0 : i32
        %dma_start3A_303 = arith.constant 0 : i32
        %dma_start3A_304 = tpu.memref_slice %arg6[%dma_start3A_302, %dma_start3A_303] : memref<10000x64xi32, #tpu.memory_space<hbm>> -> memref<10000x64xi32, #tpu.memory_space<hbm>>
        tpu.enqueue_indirect_dma source(%dma_start3A_304 : memref<10000x64xi32, #tpu.memory_space<hbm>>) target(%arg18 : memref<128x64xi32, #tpu.memory_space<vmem>>) offsets(%arg12 : memref<128xi32, #tpu.memory_space<vmem>>) semaphore(%arg21 : memref<!tpu.dma_semaphore, #tpu.memory_space<semaphore_mem>>)
      } else {
      }
      %broadcast_in_dim3A_263 = arith.constant -65536 : i32
      %broadcast_in_dim3A_264 = vector.broadcast %broadcast_in_dim3A_263 : i32 to vector<16xi32>
      %scan3A_265 = arith.constant 0 : i32
      %scan3A_266 = arith.constant 0 : i32
      %scan3A_267 = arith.constant 128 : i32
      %scan3A_268 = arith.addi %scan3A_266, %scan3A_267 : i32
      %scan3A_269 = arith.constant 1 : i32
      scf.for %scan3A_278 = %scan3A_266 to %scan3A_268 step %scan3A_269  : i32 {
        %broadcast_in_dim3A_279 = vector.broadcast %scan3A_278 : i32 to vector<16xi32>
        %gather3A = tpu.vector_load_idx %arg17[%broadcast_in_dim3A_279] : memref<128xf32, #tpu.memory_space<vmem>>[vector<16xi32>], vector<16xf32>,
        %get3A = arith.index_cast %scan3A_278 : i32 to index
        %get3A_280 = arith.constant 0 : index
        %get3A_281 = tpu.vector_load %arg19[%get3A, %get3A_280] {strides = array<i32>} : memref<128x64xi32, #tpu.memory_space<vmem>>, vector<16xi32>,
        %shift_left3A = arith.constant 16 : i32
        %shift_left3A_282 = vector.broadcast %shift_left3A : i32 to vector<16xi32>
        %shift_left3A_283 = arith.shli %get3A_281, %shift_left3A_282 : vector<16xi32>
        %bitcast3A = vector.bitcast %shift_left3A_283 : vector<16xi32> to vector<16xf32>
        %and3A = arith.andi %get3A_281, %broadcast_in_dim3A_264 : vector<16xi32>
        %bitcast3A_284 = vector.bitcast %and3A : vector<16xi32> to vector<16xf32>
        %mul3A_285 = arith.mulf %bitcast3A, %gather3A : vector<16xf32>
        %swap3A = arith.index_cast %scan3A_278 : i32 to index
        %swap3A_286 = arith.constant 0 : index
        %swap3A_287 = tpu.vector_load %arg20[%swap3A, %swap3A_286] {strides = array<i32>} : memref<128x128xf32, #tpu.memory_space<vmem>>, vector<16xf32>,
        tpu.vector_store %arg20[%swap3A, %swap3A_286], %mul3A_285 {strides = array<i32>} : memref<128x128xf32, #tpu.memory_space<vmem>>, vector<16xf32>,
        %mul3A_288 = arith.mulf %bitcast3A_284, %gather3A : vector<16xf32>
        %swap3A_289 = arith.index_cast %scan3A_278 : i32 to index
        %swap3A_290 = arith.constant 64 : index
        %swap3A_291 = tpu.vector_load %arg20[%swap3A_289, %swap3A_290] {strides = array<i32>} : memref<128x128xf32, #tpu.memory_space<vmem>>, vector<16xf32>,
        tpu.vector_store %arg20[%swap3A_289, %swap3A_290], %mul3A_288 {strides = array<i32>} : memref<128x128xf32, #tpu.memory_space<vmem>>, vector<16xf32>,
        %get3A_292 = arith.index_cast %scan3A_278 : i32 to index
        %get3A_293 = arith.constant 16 : index
        %get3A_294 = tpu.vector_load %arg19[%get3A_292, %get3A_293] {strides = array<i32>} : memref<128x64xi32, #tpu.memory_space<vmem>>, vector<16xi32>,
        %shift_left3A_295 = arith.constant 16 : i32
        %shift_left3A_296 = vector.broadcast %shift_left3A_295 : i32 to vector<16xi32>
        %shift_left3A_297 = arith.shli %get3A_294, %shift_left3A_296 : vector<16xi32>
        %bitcast3A_298 = vector.bitcast %shift_left3A_297 : vector<16xi32> to vector<16xf32>
        %and3A_299 = arith.andi %get3A_294, %broadcast_in_dim3A_264 : vector<16xi32>
        %bitcast3A_300 = vector.bitcast %and3A_299 : vector<16xi32> to vector<16xf32>
        %mul3A_301 = arith.mulf %bitcast3A_298, %gather3A : vector<16xf32>
        %swap3A_302 = arith.index_cast %scan3A_278 : i32 to index
        %swap3A_303 = arith.constant 16 : index
        %swap3A_304 = tpu.vector_load %arg20[%swap3A_302, %swap3A_303] {strides = array<i32>} : memref<128x128xf32, #tpu.memory_space<vmem>>, vector<16xf32>,
        tpu.vector_store %arg20[%swap3A_302, %swap3A_303], %mul3A_301 {strides = array<i32>} : memref<128x128xf32, #tpu.memory_space<vmem>>, vector<16xf32>,
        %mul3A_305 = arith.mulf %bitcast3A_300, %gather3A : vector<16xf32>
        %swap3A_306 = arith.index_cast %scan3A_278 : i32 to index
        %swap3A_307 = arith.constant 80 : index
        %swap3A_308 = tpu.vector_load %arg20[%swap3A_306, %swap3A_307] {strides = array<i32>} : memref<128x128xf32, #tpu.memory_space<vmem>>, vector<16xf32>,
        tpu.vector_store %arg20[%swap3A_306, %swap3A_307], %mul3A_305 {strides = array<i32>} : memref<128x128xf32, #tpu.memory_space<vmem>>, vector<16xf32>,
        %get3A_309 = arith.index_cast %scan3A_278 : i32 to index
        %get3A_310 = arith.constant 32 : index
        %get3A_311 = tpu.vector_load %arg19[%get3A_309, %get3A_310] {strides = array<i32>} : memref<128x64xi32, #tpu.memory_space<vmem>>, vector<16xi32>,
        %shift_left3A_312 = arith.constant 16 : i32
        %shift_left3A_313 = vector.broadcast %shift_left3A_312 : i32 to vector<16xi32>
        %shift_left3A_314 = arith.shli %get3A_311, %shift_left3A_313 : vector<16xi32>
        %bitcast3A_315 = vector.bitcast %shift_left3A_314 : vector<16xi32> to vector<16xf32>
        %and3A_316 = arith.andi %get3A_311, %broadcast_in_dim3A_264 : vector<16xi32>
        %bitcast3A_317 = vector.bitcast %and3A_316 : vector<16xi32> to vector<16xf32>
        %mul3A_318 = arith.mulf %bitcast3A_315, %gather3A : vector<16xf32>
        %swap3A_319 = arith.index_cast %scan3A_278 : i32 to index
        %swap3A_320 = arith.constant 32 : index
        %swap3A_321 = tpu.vector_load %arg20[%swap3A_319, %swap3A_320] {strides = array<i32>} : memref<128x128xf32, #tpu.memory_space<vmem>>, vector<16xf32>,
        tpu.vector_store %arg20[%swap3A_319, %swap3A_320], %mul3A_318 {strides = array<i32>} : memref<128x128xf32, #tpu.memory_space<vmem>>, vector<16xf32>,
        %mul3A_322 = arith.mulf %bitcast3A_317, %gather3A : vector<16xf32>
        %swap3A_323 = arith.index_cast %scan3A_278 : i32 to index
        %swap3A_324 = arith.constant 96 : index
        %swap3A_325 = tpu.vector_load %arg20[%swap3A_323, %swap3A_324] {strides = array<i32>} : memref<128x128xf32, #tpu.memory_space<vmem>>, vector<16xf32>,
        tpu.vector_store %arg20[%swap3A_323, %swap3A_324], %mul3A_322 {strides = array<i32>} : memref<128x128xf32, #tpu.memory_space<vmem>>, vector<16xf32>,
        %get3A_326 = arith.index_cast %scan3A_278 : i32 to index
        %get3A_327 = arith.constant 48 : index
        %get3A_328 = tpu.vector_load %arg19[%get3A_326, %get3A_327] {strides = array<i32>} : memref<128x64xi32, #tpu.memory_space<vmem>>, vector<16xi32>,
        %shift_left3A_329 = arith.constant 16 : i32
        %shift_left3A_330 = vector.broadcast %shift_left3A_329 : i32 to vector<16xi32>
        %shift_left3A_331 = arith.shli %get3A_328, %shift_left3A_330 : vector<16xi32>
        %bitcast3A_332 = vector.bitcast %shift_left3A_331 : vector<16xi32> to vector<16xf32>
        %and3A_333 = arith.andi %get3A_328, %broadcast_in_dim3A_264 : vector<16xi32>
        %bitcast3A_334 = vector.bitcast %and3A_333 : vector<16xi32> to vector<16xf32>
        %mul3A_335 = arith.mulf %bitcast3A_332, %gather3A : vector<16xf32>
        %swap3A_336 = arith.index_cast %scan3A_278 : i32 to index
        %swap3A_337 = arith.constant 48 : index
        %swap3A_338 = tpu.vector_load %arg20[%swap3A_336, %swap3A_337] {strides = array<i32>} : memref<128x128xf32, #tpu.memory_space<vmem>>, vector<16xf32>,
        tpu.vector_store %arg20[%swap3A_336, %swap3A_337], %mul3A_335 {strides = array<i32>} : memref<128x128xf32, #tpu.memory_space<vmem>>, vector<16xf32>,
        %mul3A_339 = arith.mulf %bitcast3A_334, %gather3A : vector<16xf32>
        %swap3A_340 = arith.index_cast %scan3A_278 : i32 to index
        %swap3A_341 = arith.constant 112 : index
        %swap3A_342 = tpu.vector_load %arg20[%swap3A_340, %swap3A_341] {strides = array<i32>} : memref<128x128xf32, #tpu.memory_space<vmem>>, vector<16xf32>,
        tpu.vector_store %arg20[%swap3A_340, %swap3A_341], %mul3A_339 {strides = array<i32>} : memref<128x128xf32, #tpu.memory_space<vmem>>, vector<16xf32>,
      }
      %scan3A_270 = arith.constant 128 : i32
      "tpu.region"() ({
        %run_scoped3A_278 = tpu.sem_alloc : memref<!tpu.dma_semaphore, #tpu.memory_space<semaphore_mem>>
        %dma_start3A_279 = arith.constant 0 : i32
        %dma_start3A_280 = arith.constant 0 : i32
        %dma_start3A_281 = tpu.memref_slice %arg25[%dma_start3A_279, %dma_start3A_280] : memref<10240x128xf32, #tpu.memory_space<vmem_shared>> -> memref<10240x128xf32, #tpu.memory_space<vmem_shared>>
        tpu.enqueue_indirect_dma source(%arg20 : memref<128x128xf32, #tpu.memory_space<vmem>>) target(%dma_start3A_281 : memref<10240x128xf32, #tpu.memory_space<vmem_shared>>) offsets(%arg15 : memref<128xi32, #tpu.memory_space<vmem>>) semaphore(%run_scoped3A_278 : memref<!tpu.dma_semaphore, #tpu.memory_space<semaphore_mem>>) {add = true}
        %dma_wait3A_282 = arith.constant 0 : i32
        %dma_wait3A_283 = arith.constant 0 : i32
        %dma_wait3A_284 = tpu.memref_slice %arg25[%dma_wait3A_282, %dma_wait3A_283] : memref<10240x128xf32, #tpu.memory_space<vmem_shared>> -> memref<10240x128xf32, #tpu.memory_space<vmem_shared>>
        tpu.wait_indirect_dma semaphore(%run_scoped3A_278 : memref<!tpu.dma_semaphore, #tpu.memory_space<semaphore_mem>>) src(%arg20 : memref<128x128xf32, #tpu.memory_space<vmem>>) dst(%dma_wait3A_284 : memref<10240x128xf32, #tpu.memory_space<vmem_shared>>)
        tpu.yield
      }) : () -> ()
      %add3A_271 = arith.constant 2 : i32
      %add3A_272 = arith.addi %add3A_252, %add3A_271 : i32
      %lt3A_273 = arith.constant 40 : i32
      %lt3A_274 = arith.cmpi slt, %add3A_272, %lt3A_273 : i32
      %convert_element_type3A_275 = arith.extui %lt3A_274 : i1 to i32
      %cond3A_276 = arith.constant 0 : i32
      %cond3A_277 = arith.cmpi ne, %convert_element_type3A_275, %cond3A_276 : i32
      scf.if %cond3A_277 {
        %add3A_278 = arith.constant 2 : i32
        %add3A_279 = arith.addi %add3A_252, %add3A_278 : i32
        %add3A_280 = arith.addi %mul3A_2, %add3A_279 : i32
        %dma_start3A_281 = arith.constant 4 : i32
        %dma_start3A_282 = arith.constant 0 : i32
        %dma_start3A_283 = tpu.memref_slice %arg7[%dma_start3A_281, %add3A_280, %dma_start3A_282] : memref<5x1280x128xi32, #tpu.memory_space<hbm>> -> memref<1x1x128xi32, #tpu.memory_space<hbm>>
        %dma_start3A_284 = tpu.memref_squeeze %dma_start3A_283 : memref<1x1x128xi32, #tpu.memory_space<hbm>> -> memref<128xi32, #tpu.memory_space<hbm>>
        %dma_start3A_285 = arith.constant 0 : i32
        %dma_start3A_286 = tpu.memref_slice %arg7[%dma_start3A_281, %add3A_280, %dma_start3A_285] : memref<5x1280x128xi32, #tpu.memory_space<hbm>> -> memref<1x1x128xi32, #tpu.memory_space<hbm>>
        %dma_start3A_287 = tpu.memref_squeeze %dma_start3A_286 : memref<1x1x128xi32, #tpu.memory_space<hbm>> -> memref<128xi32, #tpu.memory_space<hbm>>
        tpu.enqueue_dma source(%dma_start3A_287 : memref<128xi32, #tpu.memory_space<hbm>>) target(%arg13 : memref<128xi32, #tpu.memory_space<vmem>>) target_semaphore(%arg24 : memref<!tpu.dma_semaphore, #tpu.memory_space<semaphore_mem>>)
        %dma_start3A_288 = arith.constant 4 : i32
        %dma_start3A_289 = arith.constant 0 : i32
        %dma_start3A_290 = tpu.memref_slice %arg8[%dma_start3A_288, %add3A_280, %dma_start3A_289] : memref<5x1280x128xi32, #tpu.memory_space<hbm>> -> memref<1x1x128xi32, #tpu.memory_space<hbm>>
        %dma_start3A_291 = tpu.memref_squeeze %dma_start3A_290 : memref<1x1x128xi32, #tpu.memory_space<hbm>> -> memref<128xi32, #tpu.memory_space<hbm>>
        %dma_start3A_292 = arith.constant 0 : i32
        %dma_start3A_293 = tpu.memref_slice %arg8[%dma_start3A_288, %add3A_280, %dma_start3A_292] : memref<5x1280x128xi32, #tpu.memory_space<hbm>> -> memref<1x1x128xi32, #tpu.memory_space<hbm>>
        %dma_start3A_294 = tpu.memref_squeeze %dma_start3A_293 : memref<1x1x128xi32, #tpu.memory_space<hbm>> -> memref<128xi32, #tpu.memory_space<hbm>>
        tpu.enqueue_dma source(%dma_start3A_294 : memref<128xi32, #tpu.memory_space<hbm>>) target(%arg15 : memref<128xi32, #tpu.memory_space<vmem>>) target_semaphore(%arg24 : memref<!tpu.dma_semaphore, #tpu.memory_space<semaphore_mem>>)
        %dma_start3A_295 = arith.constant 4 : i32
        %dma_start3A_296 = arith.constant 0 : i32
        %dma_start3A_297 = tpu.memref_slice %arg9[%dma_start3A_295, %add3A_280, %dma_start3A_296] : memref<5x1280x128xf32, #tpu.memory_space<hbm>> -> memref<1x1x128xf32, #tpu.memory_space<hbm>>
        %dma_start3A_298 = tpu.memref_squeeze %dma_start3A_297 : memref<1x1x128xf32, #tpu.memory_space<hbm>> -> memref<128xf32, #tpu.memory_space<hbm>>
        %dma_start3A_299 = arith.constant 0 : i32
        %dma_start3A_300 = tpu.memref_slice %arg9[%dma_start3A_295, %add3A_280, %dma_start3A_299] : memref<5x1280x128xf32, #tpu.memory_space<hbm>> -> memref<1x1x128xf32, #tpu.memory_space<hbm>>
        %dma_start3A_301 = tpu.memref_squeeze %dma_start3A_300 : memref<1x1x128xf32, #tpu.memory_space<hbm>> -> memref<128xf32, #tpu.memory_space<hbm>>
        tpu.enqueue_dma source(%dma_start3A_301 : memref<128xf32, #tpu.memory_space<hbm>>) target(%arg17 : memref<128xf32, #tpu.memory_space<vmem>>) target_semaphore(%arg24 : memref<!tpu.dma_semaphore, #tpu.memory_space<semaphore_mem>>)
      } else {
      }
    }
    %scan3A_217 = arith.constant 20 : i32
    %barrier3A_218 = arith.constant 0 : index
    tpu.barrier barrier_id(%barrier3A_218)
    %scan3A_219 = arith.constant 0 : i32
    %scan3A_220 = arith.constant 0 : i32
    %scan3A_221 = arith.constant 5 : i32
    %scan3A_222 = arith.addi %scan3A_220, %scan3A_221 : i32
    %scan3A_223 = arith.constant 1 : i32
    scf.for %scan3A_225 = %scan3A_220 to %scan3A_222 step %scan3A_223  : i32 {
      %mul3A_226 = arith.constant 640 : i32
      %mul3A_227 = arith.muli %arg1, %mul3A_226 : i32
      %mul3A_228 = arith.constant 128 : i32
      %mul3A_229 = arith.muli %scan3A_225, %mul3A_228 : i32
      %add3A_230 = arith.addi %mul3A_227, %mul3A_229 : i32
      "tpu.region"() ({
        %run_scoped3A_231 = tpu.sem_alloc : memref<!tpu.dma_semaphore, #tpu.memory_space<semaphore_mem>>
        %dma_start3A_232 = arith.constant 0 : i32
        %dma_start3A_233 = tpu.memref_slice %arg11[%arg0, %add3A_230, %dma_start3A_232] : memref<2x10240x128xf32, #tpu.memory_space<hbm>> -> memref<1x128x128xf32, #tpu.memory_space<hbm>>
        %dma_start3A_234 = tpu.memref_squeeze %dma_start3A_233 : memref<1x128x128xf32, #tpu.memory_space<hbm>> -> memref<128x128xf32, #tpu.memory_space<hbm>>
        %dma_start3A_235 = arith.constant 0 : i32
        %dma_start3A_236 = tpu.memref_slice %arg25[%add3A_230, %dma_start3A_235] : memref<10240x128xf32, #tpu.memory_space<vmem_shared>> -> memref<128x128xf32, #tpu.memory_space<vmem_shared>>
        tpu.enqueue_dma source(%dma_start3A_236 : memref<128x128xf32, #tpu.memory_space<vmem_shared>>) target(%dma_start3A_234 : memref<128x128xf32, #tpu.memory_space<hbm>>) target_semaphore(%run_scoped3A_231 : memref<!tpu.dma_semaphore, #tpu.memory_space<semaphore_mem>>)
        %dma_wait3A = arith.constant 0 : i32
        %dma_wait3A_237 = tpu.memref_slice %arg11[%arg0, %add3A_230, %dma_wait3A] : memref<2x10240x128xf32, #tpu.memory_space<hbm>> -> memref<1x128x128xf32, #tpu.memory_space<hbm>>
        %dma_wait3A_238 = tpu.memref_squeeze %dma_wait3A_237 : memref<1x128x128xf32, #tpu.memory_space<hbm>> -> memref<128x128xf32, #tpu.memory_space<hbm>>
        %dma_wait3A_239 = arith.constant 0 : i32
        %dma_wait3A_240 = tpu.memref_slice %arg25[%add3A_230, %dma_wait3A_239] : memref<10240x128xf32, #tpu.memory_space<vmem_shared>> -> memref<128x128xf32, #tpu.memory_space<vmem_shared>>
        tpu.wait_dma2 semaphore(%run_scoped3A_231 : memref<!tpu.dma_semaphore, #tpu.memory_space<semaphore_mem>>) src(%dma_wait3A_240 : memref<128x128xf32, #tpu.memory_space<vmem_shared>>) dst(%dma_wait3A_238 : memref<128x128xf32, #tpu.memory_space<hbm>>)
        tpu.yield
      }) : () -> ()
    }
    %scan3A_224 = arith.constant 5 : i32
    return
  }
}

module attributes {stable_mosaic.version = 14 : i64} {
  func.func @mm(%arg0: i32, %arg1: memref<1000x128xf32, #tpu.memory_space<vmem>>, %arg2: memref<128x128xf32, #tpu.memory_space<vmem>>, %arg3: memref<128x128xf32, #tpu.memory_space<vmem>>, %arg4: memref<128x128xf32, #tpu.memory_space<vmem>>, %arg5: memref<128x128xf32, #tpu.memory_space<vmem>>, %arg6: memref<128x128xf32, #tpu.memory_space<vmem>>, %arg7: memref<1000x64xi32, #tpu.memory_space<vmem>>, %arg8: memref<1000x64xi32, #tpu.memory_space<vmem>>, %arg9: memref<1000x64xi32, #tpu.memory_space<vmem>>, %arg10: memref<1000x64xi32, #tpu.memory_space<vmem>>, %arg11: memref<1000x64xi32, #tpu.memory_space<vmem>>) attributes {dimension_semantics = [#tpu.dimension_semantics<arbitrary>], iteration_bounds = array<i64: 10>, scalar_prefetch = 0 : i64, scratch_operands = 0 : i64, tpu.core_type = #tpu.core_type<tc>, window_params = [{transform_indices = @transform_0, window_bounds = array<i64: 1000, 128>}, {pipeline_mode = #tpu.pipeline_mode<synchronous>, transform_indices = @transform_1, window_bounds = array<i64: 128, 128>}, {pipeline_mode = #tpu.pipeline_mode<synchronous>, transform_indices = @transform_2, window_bounds = array<i64: 128, 128>}, {pipeline_mode = #tpu.pipeline_mode<synchronous>, transform_indices = @transform_3, window_bounds = array<i64: 128, 128>}, {pipeline_mode = #tpu.pipeline_mode<synchronous>, transform_indices = @transform_4, window_bounds = array<i64: 128, 128>}, {pipeline_mode = #tpu.pipeline_mode<synchronous>, transform_indices = @transform_5, window_bounds = array<i64: 128, 128>}, {transform_indices = @transform_6, window_bounds = array<i64: 1000, 64>}, {transform_indices = @transform_7, window_bounds = array<i64: 1000, 64>}, {transform_indices = @transform_8, window_bounds = array<i64: 1000, 64>}, {transform_indices = @transform_9, window_bounds = array<i64: 1000, 64>}, {transform_indices = @transform_10, window_bounds = array<i64: 1000, 64>}]} {
    %get3A = arith.constant 0 : index
    %get3A_0 = arith.constant 0 : index
    %get3A_1 = vector.load %arg1[%get3A, %get3A_0] : memref<1000x128xf32, #tpu.memory_space<vmem>>, vector<1000x128xf32>
    %get3A_2 = arith.constant 0 : index
    %get3A_3 = arith.constant 0 : index
    %get3A_4 = vector.load %arg2[%get3A_2, %get3A_3] : memref<128x128xf32, #tpu.memory_space<vmem>>, vector<128x128xf32>
    %dot_general3A = arith.constant dense<0.000000e+00> : vector<1000x128xf32>
    %dot_general3A_5 = tpu.matmul %get3A_1, %get3A_4, %dot_general3A {dimension_numbers = #tpu.dot_dimension_numbers<[1], [0], [0], [1], [0, 0, 1, 1], [], []>, transpose_lhs_hint = false} : vector<1000x128xf32>, vector<128x128xf32>, vector<1000x128xf32> -> vector<1000x128xf32>
    %convert_element_type3A = arith.truncf %dot_general3A_5 : vector<1000x128xf32> to vector<1000x128xbf16>
    %slice3A = vector.extract_strided_slice %convert_element_type3A {offsets = [0, 0], sizes = [1000, 64], strides = [1, 1]} : vector<1000x128xbf16> to vector<1000x64xbf16>
    %bitcast_convert_type3A = tpu.bitcast %slice3A : vector<1000x64xbf16> -> vector<1000x64xi16>
    %slice3A_6 = vector.extract_strided_slice %convert_element_type3A {offsets = [0, 64], sizes = [1000, 64], strides = [1, 1]} : vector<1000x128xbf16> to vector<1000x64xbf16>
    %bitcast_convert_type3A_7 = tpu.bitcast %slice3A_6 : vector<1000x64xbf16> -> vector<1000x64xi16>
    %convert_element_type3A_8 = arith.extui %bitcast_convert_type3A : vector<1000x64xi16> to vector<1000x64xi32>
    %convert_element_type3A_9 = arith.extui %bitcast_convert_type3A_7 : vector<1000x64xi16> to vector<1000x64xi32>
    %shift_left3A = arith.constant 16 : i32
    %shift_left3A_10 = vector.broadcast %shift_left3A : i32 to vector<1000x64xi32>
    %shift_left3A_11 = arith.shli %convert_element_type3A_9, %shift_left3A_10 : vector<1000x64xi32>
    %or3A = arith.ori %convert_element_type3A_8, %shift_left3A_11 : vector<1000x64xi32>
    %bitcast_convert_type3A_12 = tpu.bitcast %or3A : vector<1000x64xi32> -> vector<1000x64xi32>
    %swap3A = arith.constant 0 : index
    %swap3A_13 = arith.constant 0 : index
    %swap3A_14 = vector.load %arg7[%swap3A, %swap3A_13] : memref<1000x64xi32, #tpu.memory_space<vmem>>, vector<1000x64xi32>
    tpu.vector_store %arg7[%swap3A, %swap3A_13], %bitcast_convert_type3A_12 {strides = array<i32>} : memref<1000x64xi32, #tpu.memory_space<vmem>>, vector<1000x64xi32>,
    %get3A_15 = arith.constant 0 : index
    %get3A_16 = arith.constant 0 : index
    %get3A_17 = vector.load %arg3[%get3A_15, %get3A_16] : memref<128x128xf32, #tpu.memory_space<vmem>>, vector<128x128xf32>
    %dot_general3A_18 = arith.constant dense<0.000000e+00> : vector<1000x128xf32>
    %dot_general3A_19 = tpu.matmul %get3A_1, %get3A_17, %dot_general3A_18 {dimension_numbers = #tpu.dot_dimension_numbers<[1], [0], [0], [1], [0, 0, 1, 1], [], []>, transpose_lhs_hint = false} : vector<1000x128xf32>, vector<128x128xf32>, vector<1000x128xf32> -> vector<1000x128xf32>
    %convert_element_type3A_20 = arith.truncf %dot_general3A_19 : vector<1000x128xf32> to vector<1000x128xbf16>
    %slice3A_21 = vector.extract_strided_slice %convert_element_type3A_20 {offsets = [0, 0], sizes = [1000, 64], strides = [1, 1]} : vector<1000x128xbf16> to vector<1000x64xbf16>
    %bitcast_convert_type3A_22 = tpu.bitcast %slice3A_21 : vector<1000x64xbf16> -> vector<1000x64xi16>
    %slice3A_23 = vector.extract_strided_slice %convert_element_type3A_20 {offsets = [0, 64], sizes = [1000, 64], strides = [1, 1]} : vector<1000x128xbf16> to vector<1000x64xbf16>
    %bitcast_convert_type3A_24 = tpu.bitcast %slice3A_23 : vector<1000x64xbf16> -> vector<1000x64xi16>
    %convert_element_type3A_25 = arith.extui %bitcast_convert_type3A_22 : vector<1000x64xi16> to vector<1000x64xi32>
    %convert_element_type3A_26 = arith.extui %bitcast_convert_type3A_24 : vector<1000x64xi16> to vector<1000x64xi32>
    %shift_left3A_27 = arith.constant 16 : i32
    %shift_left3A_28 = vector.broadcast %shift_left3A_27 : i32 to vector<1000x64xi32>
    %shift_left3A_29 = arith.shli %convert_element_type3A_26, %shift_left3A_28 : vector<1000x64xi32>
    %or3A_30 = arith.ori %convert_element_type3A_25, %shift_left3A_29 : vector<1000x64xi32>
    %bitcast_convert_type3A_31 = tpu.bitcast %or3A_30 : vector<1000x64xi32> -> vector<1000x64xi32>
    %swap3A_32 = arith.constant 0 : index
    %swap3A_33 = arith.constant 0 : index
    %swap3A_34 = vector.load %arg8[%swap3A_32, %swap3A_33] : memref<1000x64xi32, #tpu.memory_space<vmem>>, vector<1000x64xi32>
    tpu.vector_store %arg8[%swap3A_32, %swap3A_33], %bitcast_convert_type3A_31 {strides = array<i32>} : memref<1000x64xi32, #tpu.memory_space<vmem>>, vector<1000x64xi32>,
    %get3A_35 = arith.constant 0 : index
    %get3A_36 = arith.constant 0 : index
    %get3A_37 = vector.load %arg4[%get3A_35, %get3A_36] : memref<128x128xf32, #tpu.memory_space<vmem>>, vector<128x128xf32>
    %dot_general3A_38 = arith.constant dense<0.000000e+00> : vector<1000x128xf32>
    %dot_general3A_39 = tpu.matmul %get3A_1, %get3A_37, %dot_general3A_38 {dimension_numbers = #tpu.dot_dimension_numbers<[1], [0], [0], [1], [0, 0, 1, 1], [], []>, transpose_lhs_hint = false} : vector<1000x128xf32>, vector<128x128xf32>, vector<1000x128xf32> -> vector<1000x128xf32>
    %convert_element_type3A_40 = arith.truncf %dot_general3A_39 : vector<1000x128xf32> to vector<1000x128xbf16>
    %slice3A_41 = vector.extract_strided_slice %convert_element_type3A_40 {offsets = [0, 0], sizes = [1000, 64], strides = [1, 1]} : vector<1000x128xbf16> to vector<1000x64xbf16>
    %bitcast_convert_type3A_42 = tpu.bitcast %slice3A_41 : vector<1000x64xbf16> -> vector<1000x64xi16>
    %slice3A_43 = vector.extract_strided_slice %convert_element_type3A_40 {offsets = [0, 64], sizes = [1000, 64], strides = [1, 1]} : vector<1000x128xbf16> to vector<1000x64xbf16>
    %bitcast_convert_type3A_44 = tpu.bitcast %slice3A_43 : vector<1000x64xbf16> -> vector<1000x64xi16>
    %convert_element_type3A_45 = arith.extui %bitcast_convert_type3A_42 : vector<1000x64xi16> to vector<1000x64xi32>
    %convert_element_type3A_46 = arith.extui %bitcast_convert_type3A_44 : vector<1000x64xi16> to vector<1000x64xi32>
    %shift_left3A_47 = arith.constant 16 : i32
    %shift_left3A_48 = vector.broadcast %shift_left3A_47 : i32 to vector<1000x64xi32>
    %shift_left3A_49 = arith.shli %convert_element_type3A_46, %shift_left3A_48 : vector<1000x64xi32>
    %or3A_50 = arith.ori %convert_element_type3A_45, %shift_left3A_49 : vector<1000x64xi32>
    %bitcast_convert_type3A_51 = tpu.bitcast %or3A_50 : vector<1000x64xi32> -> vector<1000x64xi32>
    %swap3A_52 = arith.constant 0 : index
    %swap3A_53 = arith.constant 0 : index
    %swap3A_54 = vector.load %arg9[%swap3A_52, %swap3A_53] : memref<1000x64xi32, #tpu.memory_space<vmem>>, vector<1000x64xi32>
    tpu.vector_store %arg9[%swap3A_52, %swap3A_53], %bitcast_convert_type3A_51 {strides = array<i32>} : memref<1000x64xi32, #tpu.memory_space<vmem>>, vector<1000x64xi32>,
    %get3A_55 = arith.constant 0 : index
    %get3A_56 = arith.constant 0 : index
    %get3A_57 = vector.load %arg5[%get3A_55, %get3A_56] : memref<128x128xf32, #tpu.memory_space<vmem>>, vector<128x128xf32>
    %dot_general3A_58 = arith.constant dense<0.000000e+00> : vector<1000x128xf32>
    %dot_general3A_59 = tpu.matmul %get3A_1, %get3A_57, %dot_general3A_58 {dimension_numbers = #tpu.dot_dimension_numbers<[1], [0], [0], [1], [0, 0, 1, 1], [], []>, transpose_lhs_hint = false} : vector<1000x128xf32>, vector<128x128xf32>, vector<1000x128xf32> -> vector<1000x128xf32>
    %convert_element_type3A_60 = arith.truncf %dot_general3A_59 : vector<1000x128xf32> to vector<1000x128xbf16>
    %slice3A_61 = vector.extract_strided_slice %convert_element_type3A_60 {offsets = [0, 0], sizes = [1000, 64], strides = [1, 1]} : vector<1000x128xbf16> to vector<1000x64xbf16>
    %bitcast_convert_type3A_62 = tpu.bitcast %slice3A_61 : vector<1000x64xbf16> -> vector<1000x64xi16>
    %slice3A_63 = vector.extract_strided_slice %convert_element_type3A_60 {offsets = [0, 64], sizes = [1000, 64], strides = [1, 1]} : vector<1000x128xbf16> to vector<1000x64xbf16>
    %bitcast_convert_type3A_64 = tpu.bitcast %slice3A_63 : vector<1000x64xbf16> -> vector<1000x64xi16>
    %convert_element_type3A_65 = arith.extui %bitcast_convert_type3A_62 : vector<1000x64xi16> to vector<1000x64xi32>
    %convert_element_type3A_66 = arith.extui %bitcast_convert_type3A_64 : vector<1000x64xi16> to vector<1000x64xi32>
    %shift_left3A_67 = arith.constant 16 : i32
    %shift_left3A_68 = vector.broadcast %shift_left3A_67 : i32 to vector<1000x64xi32>
    %shift_left3A_69 = arith.shli %convert_element_type3A_66, %shift_left3A_68 : vector<1000x64xi32>
    %or3A_70 = arith.ori %convert_element_type3A_65, %shift_left3A_69 : vector<1000x64xi32>
    %bitcast_convert_type3A_71 = tpu.bitcast %or3A_70 : vector<1000x64xi32> -> vector<1000x64xi32>
    %swap3A_72 = arith.constant 0 : index
    %swap3A_73 = arith.constant 0 : index
    %swap3A_74 = vector.load %arg10[%swap3A_72, %swap3A_73] : memref<1000x64xi32, #tpu.memory_space<vmem>>, vector<1000x64xi32>
    tpu.vector_store %arg10[%swap3A_72, %swap3A_73], %bitcast_convert_type3A_71 {strides = array<i32>} : memref<1000x64xi32, #tpu.memory_space<vmem>>, vector<1000x64xi32>,
    %get3A_75 = arith.constant 0 : index
    %get3A_76 = arith.constant 0 : index
    %get3A_77 = vector.load %arg6[%get3A_75, %get3A_76] : memref<128x128xf32, #tpu.memory_space<vmem>>, vector<128x128xf32>
    %dot_general3A_78 = arith.constant dense<0.000000e+00> : vector<1000x128xf32>
    %dot_general3A_79 = tpu.matmul %get3A_1, %get3A_77, %dot_general3A_78 {dimension_numbers = #tpu.dot_dimension_numbers<[1], [0], [0], [1], [0, 0, 1, 1], [], []>, transpose_lhs_hint = false} : vector<1000x128xf32>, vector<128x128xf32>, vector<1000x128xf32> -> vector<1000x128xf32>
    %convert_element_type3A_80 = arith.truncf %dot_general3A_79 : vector<1000x128xf32> to vector<1000x128xbf16>
    %slice3A_81 = vector.extract_strided_slice %convert_element_type3A_80 {offsets = [0, 0], sizes = [1000, 64], strides = [1, 1]} : vector<1000x128xbf16> to vector<1000x64xbf16>
    %bitcast_convert_type3A_82 = tpu.bitcast %slice3A_81 : vector<1000x64xbf16> -> vector<1000x64xi16>
    %slice3A_83 = vector.extract_strided_slice %convert_element_type3A_80 {offsets = [0, 64], sizes = [1000, 64], strides = [1, 1]} : vector<1000x128xbf16> to vector<1000x64xbf16>
    %bitcast_convert_type3A_84 = tpu.bitcast %slice3A_83 : vector<1000x64xbf16> -> vector<1000x64xi16>
    %convert_element_type3A_85 = arith.extui %bitcast_convert_type3A_82 : vector<1000x64xi16> to vector<1000x64xi32>
    %convert_element_type3A_86 = arith.extui %bitcast_convert_type3A_84 : vector<1000x64xi16> to vector<1000x64xi32>
    %shift_left3A_87 = arith.constant 16 : i32
    %shift_left3A_88 = vector.broadcast %shift_left3A_87 : i32 to vector<1000x64xi32>
    %shift_left3A_89 = arith.shli %convert_element_type3A_86, %shift_left3A_88 : vector<1000x64xi32>
    %or3A_90 = arith.ori %convert_element_type3A_85, %shift_left3A_89 : vector<1000x64xi32>
    %bitcast_convert_type3A_91 = tpu.bitcast %or3A_90 : vector<1000x64xi32> -> vector<1000x64xi32>
    %swap3A_92 = arith.constant 0 : index
    %swap3A_93 = arith.constant 0 : index
    %swap3A_94 = vector.load %arg11[%swap3A_92, %swap3A_93] : memref<1000x64xi32, #tpu.memory_space<vmem>>, vector<1000x64xi32>
    tpu.vector_store %arg11[%swap3A_92, %swap3A_93], %bitcast_convert_type3A_91 {strides = array<i32>} : memref<1000x64xi32, #tpu.memory_space<vmem>>, vector<1000x64xi32>,
    return
  }
  func.func @transform_0(%arg0: i32) -> (i32, i32) {
    %c0_i32 = arith.constant 0 : i32
    %c0_i32_0 = arith.constant 0 : i32
    return %arg0, %c0_i32 : i32, i32
  }
  func.func @transform_1(%arg0: i32) -> (i32, i32) {
    %c0_i32 = arith.constant 0 : i32
    %c0_i32_0 = arith.constant 0 : i32
    %c0_i32_1 = arith.constant 0 : i32
    return %c0_i32, %c0_i32_0 : i32, i32
  }
  func.func @transform_2(%arg0: i32) -> (i32, i32) {
    %c0_i32 = arith.constant 0 : i32
    %c0_i32_0 = arith.constant 0 : i32
    %c0_i32_1 = arith.constant 0 : i32
    return %c0_i32, %c0_i32_0 : i32, i32
  }
  func.func @transform_3(%arg0: i32) -> (i32, i32) {
    %c0_i32 = arith.constant 0 : i32
    %c0_i32_0 = arith.constant 0 : i32
    %c0_i32_1 = arith.constant 0 : i32
    return %c0_i32, %c0_i32_0 : i32, i32
  }
  func.func @transform_4(%arg0: i32) -> (i32, i32) {
    %c0_i32 = arith.constant 0 : i32
    %c0_i32_0 = arith.constant 0 : i32
    %c0_i32_1 = arith.constant 0 : i32
    return %c0_i32, %c0_i32_0 : i32, i32
  }
  func.func @transform_5(%arg0: i32) -> (i32, i32) {
    %c0_i32 = arith.constant 0 : i32
    %c0_i32_0 = arith.constant 0 : i32
    %c0_i32_1 = arith.constant 0 : i32
    return %c0_i32, %c0_i32_0 : i32, i32
  }
  func.func @transform_6(%arg0: i32) -> (i32, i32) {
    %c0_i32 = arith.constant 0 : i32
    %c0_i32_0 = arith.constant 0 : i32
    return %arg0, %c0_i32 : i32, i32
  }
  func.func @transform_7(%arg0: i32) -> (i32, i32) {
    %c0_i32 = arith.constant 0 : i32
    %c0_i32_0 = arith.constant 0 : i32
    return %arg0, %c0_i32 : i32, i32
  }
  func.func @transform_8(%arg0: i32) -> (i32, i32) {
    %c0_i32 = arith.constant 0 : i32
    %c0_i32_0 = arith.constant 0 : i32
    return %arg0, %c0_i32 : i32, i32
  }
  func.func @transform_9(%arg0: i32) -> (i32, i32) {
    %c0_i32 = arith.constant 0 : i32
    %c0_i32_0 = arith.constant 0 : i32
    return %arg0, %c0_i32 : i32, i32
  }
  func.func @transform_10(%arg0: i32) -> (i32, i32) {
    %c0_i32 = arith.constant 0 : i32
    %c0_i32_0 = arith.constant 0 : i32
    return %arg0, %c0_i32 : i32, i32
  }
}

module attributes {stable_mosaic.version = 14 : i64} {
  func.func @cb(%arg0: i32, %arg1: memref<2x1000x128xf32, #tpu.memory_space<vmem>>, %arg2: memref<2x1000x128xf32, #tpu.memory_space<vmem>>, %arg3: memref<1000x128xf32, #tpu.memory_space<vmem>>, %arg4: memref<1000x128xf32, #tpu.memory_space<vmem>>) attributes {dimension_semantics = [#tpu.dimension_semantics<arbitrary>], iteration_bounds = array<i64: 10>, scalar_prefetch = 0 : i64, scratch_operands = 0 : i64, tpu.core_type = #tpu.core_type<tc>, window_params = [{transform_indices = @transform_0, window_bounds = array<i64: 2, 1000, 128>}, {transform_indices = @transform_1, window_bounds = array<i64: 2, 1000, 128>}, {transform_indices = @transform_2, window_bounds = array<i64: 1000, 128>}, {transform_indices = @transform_3, window_bounds = array<i64: 1000, 128>}]} {
    %get3A = arith.constant 0 : index
    %get3A_0 = arith.constant 0 : index
    %get3A_1 = arith.constant 0 : index
    %get3A_2 = vector.load %arg1[%get3A, %get3A_0, %get3A_1] : memref<2x1000x128xf32, #tpu.memory_space<vmem>>, vector<1x1000x128xf32>
    %get3A_3 = vector.shape_cast %get3A_2 : vector<1x1000x128xf32> to vector<1000x128xf32>
    %get3A_4 = arith.constant 1 : index
    %get3A_5 = arith.constant 0 : index
    %get3A_6 = arith.constant 0 : index
    %get3A_7 = vector.load %arg1[%get3A_4, %get3A_5, %get3A_6] : memref<2x1000x128xf32, #tpu.memory_space<vmem>>, vector<1x1000x128xf32>
    %get3A_8 = vector.shape_cast %get3A_7 : vector<1x1000x128xf32> to vector<1000x128xf32>
    %add3A = arith.addf %get3A_3, %get3A_8 : vector<1000x128xf32>
    %gt3A = arith.constant 0.000000e+00 : f32
    %gt3A_9 = vector.broadcast %gt3A : f32 to vector<1000x128xf32>
    %gt3A_10 = arith.cmpf ogt, %add3A, %gt3A_9 : vector<1000x128xf32>
    %exp3A = math.exp %add3A : vector<1000x128xf32>
    %sub3A = arith.constant 1.000000e+00 : f32
    %sub3A_11 = vector.broadcast %sub3A : f32 to vector<1000x128xf32>
    %sub3A_12 = arith.subf %exp3A, %sub3A_11 : vector<1000x128xf32>
    %select_n3A = arith.select %gt3A_10, %add3A, %sub3A_12 : vector<1000x128xi1>, vector<1000x128xf32>
    %swap3A = arith.constant 0 : index
    %swap3A_13 = arith.constant 0 : index
    %swap3A_14 = vector.load %arg3[%swap3A, %swap3A_13] : memref<1000x128xf32, #tpu.memory_space<vmem>>, vector<1000x128xf32>
    tpu.vector_store %arg3[%swap3A, %swap3A_13], %select_n3A {strides = array<i32>} : memref<1000x128xf32, #tpu.memory_space<vmem>>, vector<1000x128xf32>,
    %get3A_15 = arith.constant 0 : index
    %get3A_16 = arith.constant 0 : index
    %get3A_17 = arith.constant 0 : index
    %get3A_18 = vector.load %arg2[%get3A_15, %get3A_16, %get3A_17] : memref<2x1000x128xf32, #tpu.memory_space<vmem>>, vector<1x1000x128xf32>
    %get3A_19 = vector.shape_cast %get3A_18 : vector<1x1000x128xf32> to vector<1000x128xf32>
    %get3A_20 = arith.constant 1 : index
    %get3A_21 = arith.constant 0 : index
    %get3A_22 = arith.constant 0 : index
    %get3A_23 = vector.load %arg2[%get3A_20, %get3A_21, %get3A_22] : memref<2x1000x128xf32, #tpu.memory_space<vmem>>, vector<1x1000x128xf32>
    %get3A_24 = vector.shape_cast %get3A_23 : vector<1x1000x128xf32> to vector<1000x128xf32>
    %add3A_25 = arith.addf %get3A_19, %get3A_24 : vector<1000x128xf32>
    %gt3A_26 = arith.constant 0.000000e+00 : f32
    %gt3A_27 = vector.broadcast %gt3A_26 : f32 to vector<1000x128xf32>
    %gt3A_28 = arith.cmpf ogt, %add3A_25, %gt3A_27 : vector<1000x128xf32>
    %exp3A_29 = math.exp %add3A_25 : vector<1000x128xf32>
    %sub3A_30 = arith.constant 1.000000e+00 : f32
    %sub3A_31 = vector.broadcast %sub3A_30 : f32 to vector<1000x128xf32>
    %sub3A_32 = arith.subf %exp3A_29, %sub3A_31 : vector<1000x128xf32>
    %select_n3A_33 = arith.select %gt3A_28, %add3A_25, %sub3A_32 : vector<1000x128xi1>, vector<1000x128xf32>
    %swap3A_34 = arith.constant 0 : index
    %swap3A_35 = arith.constant 0 : index
    %swap3A_36 = vector.load %arg4[%swap3A_34, %swap3A_35] : memref<1000x128xf32, #tpu.memory_space<vmem>>, vector<1000x128xf32>
    tpu.vector_store %arg4[%swap3A_34, %swap3A_35], %select_n3A_33 {strides = array<i32>} : memref<1000x128xf32, #tpu.memory_space<vmem>>, vector<1000x128xf32>,
    return
  }
  func.func @transform_0(%arg0: i32) -> (i32, i32, i32) {
    %c0_i32 = arith.constant 0 : i32
    %c0_i32_0 = arith.constant 0 : i32
    %c0_i32_1 = arith.constant 0 : i32
    return %c0_i32, %arg0, %c0_i32_0 : i32, i32, i32
  }
  func.func @transform_1(%arg0: i32) -> (i32, i32, i32) {
    %c0_i32 = arith.constant 0 : i32
    %c0_i32_0 = arith.constant 0 : i32
    %c0_i32_1 = arith.constant 0 : i32
    return %c0_i32, %arg0, %c0_i32_0 : i32, i32, i32
  }
  func.func @transform_2(%arg0: i32) -> (i32, i32) {
    %c0_i32 = arith.constant 0 : i32
    %c0_i32_0 = arith.constant 0 : i32
    return %arg0, %c0_i32 : i32, i32
  }
  func.func @transform_3(%arg0: i32) -> (i32, i32) {
    %c0_i32 = arith.constant 0 : i32
    %c0_i32_0 = arith.constant 0 : i32
    return %arg0, %c0_i32 : i32, i32
  }
}

</mosaic_0001>

<sc_bundles>
// kernel: kernel.5.cloned.1.call-start
scs
__scs_entry_jumppad:
0x0: {  	(pc) =	sbr.rel $0x88, $3  }
0x1: {  	(tag) =	ssettag $0x0;
	lr =	simm.s32 $0x1  }
0x2: {  	[smem:$0x3F91] =	sst lr;
	_ =	strace $0xD0000000  }
0x3: {  	_ = 	snop  }
0x4: {  	_ = 	snop  }
0x5: {  	_ = 	snop  }
0x6: {  	_ = 	snop  }
0x7: {  	_ = 	snop  }
__scs_overlays_trampoline_lowered:
0x8: {  	[smem:$0x3FA0] =	sst s0  }
0x9: {  	[smem:$0x3FA1] =	sst s1  }
0xa: {  	[smem:$0x3FA2] =	sst s2  }
0xb: {  	[smem:$0x3FA3] =	sst s3  }
0xc: {  	[smem:$0x3FA4] =	sst s4  }
0xd: {  	[smem:$0x3FA5] =	sst s5  }
0xe: {  	[smem:$0x3FA6] =	sst s6  }
0xf: {  	[smem:$0x3FA7] =	sst s7  }
0x10: {  	[smem:$0x3FA8] =	sst s8  }
0x11: {  	[smem:$0x3FA9] =	sst s9;
	s0 =	simm.s32 @!p0 $0x0  }
0x12: {  	s1 =	sld [smem:$0x3F8F];
	s0 =	simm.s32 @p0 $0x1  }
0x13: {  	[smem:$0x3FAA] =	sst s0;
	s0 =	simm.s32 @!p1 $0x0  }
0x14: {  	s2 =	sld [smem:$0x3F8E];
	s0 =	simm.s32 @p1 $0x1  }
0x15: {  	[smem:$0x3FAB] =	sst s0;
	s0 =	simm.s32 @!p2 $0x0  }
0x16: {  	s3 =	sld [smem:$0x3FDB];
	s0 =	simm.s32 @p2 $0x1  }
0x17: {  	s4 =	simm.s32 $0x1BF5;
	[smem:$0x3FAD] =	sst s0  }
0x18: {  	s0 =	sld [smem:$0x3F90];
	_ =	swait.ge [sflag:s4], $0x0  }
0x19: {  	s7 =	sld [smem:$0x3F91]  }
0x1a: {  	s8 =	sadd.s32 $0xFFFFE003, lr  }
0x1b: {  	s9 =	sadd.s32 $0xFFFFFEF7, lr;
	s5 =	simm.s32 $0xFFFFFFFF;
	p2 =	slt.u32 s8, $0xFFFFF086  }
0x1c: {  	p1 =	slt.u32 s9, $0xF7A;
	s5 =	simm.s32 @!p2 $0x0  }
0x1d: {  	s5 =	simm.s32 @p1 $0x1;
	p0 =	seq.s32 s7, s2  }
0x1e: {  	s7 =	smul.u32 @!p0 $0xF7A, s2;
	p2 =	seq.s32 @!p0 s5, $0x0  }
0x1f: {  	s9 =	smul.u32 $0xF7A, s1;
	s8 =	simm.s32 @!p0 $0x1BF5;
	p2 =	por !p2, p0  }
0x20: {  	[sflag:s8] =	ssyncset.s32 @!p0 $0xFFFFF086;
	s6 =	sadd.s32 @!p0 s3, s7;
	s7 =	simm.s32 @!p0 $0x108  }
0x21: {  	s3 =	sadd.s32 s3, s9;
	s6 =	sadd.s32 @!p0 $0x88, s6;
	s7 =	simm.s32 @p2 $0x1082  }
0x22: {  	[simem:s7], [sflag:s8] =	dma.local @!p0 [hbm:s6], $0xF7A  }
0x23: {  	s9 =	sor.u32 $0xD0000000, s2;
	s6 =	simm.s32 $0x108;
	_ =	swait.ge @!p0 [sflag:s8], $0x0  }
0x24: {  	s3 =	sadd.s32 $0x88, s3;
	s6 =	simm.s32 @!p1 $0x1082;
	[sflag:s4] =	ssyncset.s32 $0xFFFFF086  }
0x25: {  	[simem:s6], [sflag:s4] =	dma.local [hbm:s3], $0xF7A  }
0x26: {  	[smem:$0x3F91] =	sst s1;
	(tag) =	ssettag s2;
	_ =	strace s9  }
0x27: {  	s1 =	sld [smem:$0x3FA1]  }
0x28: {  	s2 =	sld [smem:$0x3FA2]  }
0x29: {  	s4 =	sld [smem:$0x3FA4]  }
0x2a: {  	p0 =	seq.s32 s5, $0x0;
	s5 =	sld [smem:$0x3FA5]  }
0x2b: {  	s6 =	sld [smem:$0x3FA6]  }
0x2c: {  	s7 =	sld [smem:$0x3FA7]  }
0x2d: {  	s3 =	simm.s32 $0x108;
	s8 =	sld [smem:$0x3FA8]  }
0x2e: {  	s3 =	simm.s32 @!p0 $0x1082;
	s9 =	sld [smem:$0x3FA9]  }
0x2f: {  	lr =	sadd.s32 s0, s3;
	s0 =	sld [smem:$0x3FA0]  }
0x30: {  	s3 =	sld [smem:$0x3FA3]  }
0x31: {  	[smem:$0x3FAC] =	sst s10  }
0x32: {  	s10 =	sld [smem:$0x3FAA];
	_ =	sdelay $0x3  }
0x33: {  	p0 =	seq.s32 s10, $0x1;
	s10 =	sld [smem:$0x3FAC];
	_ =	sdelay $0x3  }
0x34: {  	[smem:$0x3FAC] =	sst s10  }
0x35: {  	s10 =	sld [smem:$0x3FAB];
	_ =	sdelay $0x3  }
0x36: {  	p1 =	seq.s32 s10, $0x1;
	s10 =	sld [smem:$0x3FAC];
	_ =	sdelay $0x3  }
0x37: {  	[smem:$0x3FAC] =	sst s10  }
0x38: {  	s10 =	sld [smem:$0x3FAD]  }
0x39: {  	_ = 	snop;
	(pc) =	sbr.ind lr, $3  }
0x3a: {  	_ = 	snop  }
0x3b: {  	_ = 	snop  }
0x3c: {  	p2 =	seq.s32 s10, $0x1;
	s10 =	sld [smem:$0x3FAC]  }
0x3d: {  	_ =	shalt  }
0x3e: {  	_ =	shalt  }
0x3f: {  	_ =	shalt  }
0x40: {  	_ =	shalt  }
0x41: {  	_ =	shalt  }
0x42: {  	_ =	shalt  }
0x43: {  	_ =	shalt  }
0x44: {  	_ =	shalt  }
0x45: {  	_ =	shalt  }
0x46: {  	_ =	shalt  }
0x47: {  	_ =	shalt  }
0x48: {  	_ =	shalt  }
0x49: {  	_ =	shalt  }
0x4a: {  	_ =	shalt  }
0x4b: {  	_ =	shalt  }
0x4c: {  	_ =	shalt  }
0x4d: {  	_ =	shalt  }
0x4e: {  	_ =	shalt  }
0x4f: {  	_ =	shalt  }
0x50: {  	_ =	shalt  }
0x51: {  	_ =	shalt  }
0x52: {  	_ =	shalt  }
0x53: {  	_ =	shalt  }
0x54: {  	_ =	shalt  }
0x55: {  	_ =	shalt  }
0x56: {  	_ =	shalt  }
0x57: {  	_ =	shalt  }
0x58: {  	_ =	shalt  }
0x59: {  	_ =	shalt  }
0x5a: {  	_ =	shalt  }
0x5b: {  	_ =	shalt  }
0x5c: {  	_ =	shalt  }
0x5d: {  	_ =	shalt  }
0x5e: {  	_ =	shalt  }
0x5f: {  	_ =	shalt  }
0x60: {  	_ =	shalt  }
0x61: {  	_ =	shalt  }
0x62: {  	_ =	shalt  }
0x63: {  	_ =	shalt  }
0x64: {  	_ =	shalt  }
0x65: {  	_ =	shalt  }
0x66: {  	_ =	shalt  }
0x67: {  	_ =	shalt  }
0x68: {  	_ =	shalt  }
0x69: {  	_ =	shalt  }
0x6a: {  	_ =	shalt  }
0x6b: {  	_ =	shalt  }
0x6c: {  	_ =	shalt  }
0x6d: {  	_ =	shalt  }
0x6e: {  	_ =	shalt  }
0x6f: {  	_ =	shalt  }
0x70: {  	_ =	shalt  }
0x71: {  	_ =	shalt  }
0x72: {  	_ =	shalt  }
0x73: {  	_ =	shalt  }
0x74: {  	_ =	shalt  }
0x75: {  	_ =	shalt  }
0x76: {  	_ =	shalt  }
0x77: {  	_ =	shalt  }
0x78: {  	_ =	shalt  }
0x79: {  	_ =	shalt  }
0x7a: {  	_ =	shalt  }
0x7b: {  	_ =	shalt  }
0x7c: {  	_ =	shalt  }
0x7d: {  	_ =	shalt  }
0x7e: {  	_ =	shalt  }
0x7f: {  	_ =	shalt  }
0x80: {  	_ =	shalt  }
0x81: {  	_ =	shalt  }
0x82: {  	_ =	shalt  }
0x83: {  	_ =	shalt  }
0x84: {  	_ =	shalt  }
0x85: {  	_ =	shalt  }
0x86: {  	_ =	shalt  }
0x87: {  	_ =	shalt  }
.Lfunc_end0:
.L_simem_size_0:
called_computation_lowered:
.L_overlay_start_0:
0x88: {  	s2 =	sld [smem:$0x3FD9]  }
0x89: {  	s3 =	sld [smem:$0x3FFE];
	_ =	sdelay $0x1  }
0x8a: {  	s1 =	srdreg.scid  }
0x8b: {  	s0 =	sand.u32 $0x1, s1  }
0x8c: {  	s14 =	sshll.u32 s0, $0xA;
	s2 =	sadd.s32 s3, s2  }
0x8d: {  	s2 =	sadd.s32 s2, s14  }
0x8e: {  	[smem:$0x3FB8] =	sst s2  }
0x8f: {  	_ = 	snop  }
0x90: {  	s2 =	sld [smem:$0x3FD0];
	_ =	sdelay $0x2  }
0x91: {  	s15 =	simm.s32 $0xA;
	s4 =	simm.s32 $0x10  }
0x92: {  	[smem:s4], [sflag:s15] =	dma.local [hbm:s2], $0x1  }
0x93: {  	_ =	swait.eq [sflag:s15], $0x1  }
0x94: {  	[sflag:s15] =	ssyncset.done $0x0  }
0x95: {  	s16 =	sld [smem:$0x10];
	[sflag:s15] =	ssyncadd.s32 $0xFFFFFFFF  }
0x96: {  	s17 =	sld [smem:$0x11];
	(tm) =	ssettm $0x1  }
0x97: {  	s18 =	sld [smem:$0x3FFB];
	_ =	sdelay $0x3  }
0x98: {  	_ =	strace s18  }
0x99: {  	s4 =	sld [smem:$0x3FFC];
	_ =	sdelay $0x3  }
0x9a: {  	_ =	strace s4  }
0x9b: {  	s4 =	sld [smem:$0x3FFD];
	_ =	sdelay $0x3  }
0x9c: {  	_ =	strace s4  }
0x9d: {  	_ =	strace $0x8FFFFFFF  }
0x9e: {  	s19 =	sld [smem:$0x3FDB];
	_ =	sdelay $0x1  }
0x9f: {  	s5 =	simm.s32 $_scs_section_size  }
0xa0: {  	s6 =	simm.s32 $_size__tile_overlayer_lowered;
	s7 =	simm.s32 $_tile_overlayer_lowered  }
0xa1: {  	s22 =	simm.s32 $0x1BFF;
	s21 =	sshll.u32 s7, $0x1;
	s4 =	sadd.s32 s5, s19  }
0xa2: {  	s8 =	simm.s32 $0x0;
	s20 =	sshll.u32 s6, $0x1;
	s6 =	sadd.s32 s21, s4  }
0xa3: {  	[timem:s8], [sflag:s22] =	dma.local [hbm:s6], s20  }
0xa4: {  	_ =	swait.ge [sflag:s22], s20  }
0xa5: {  	s5 =	ssub.s32 $0x0, s20;
	[sflag:s22] =	ssyncset.done $0x0  }
0xa6: {  	[sflag:s22] =	ssyncadd.s32 s5;
	_ =	sdelay $0x1  }
0xa7: {  	s23 =	simm.s32 $0x1B8B  }
0xa8: {  	_ =	swait.ge [sflag:s23], $0x1  }
0xa9: {  	[sflag:s23] =	ssyncset.done $0x0  }
0xaa: {  	s25 =	simm.s32 $0x1B8E;
	s24 =	sld [smem:$0x3FFE];
	[sflag:s23] =	ssyncadd.s32 $0xFFFFFFFF  }
0xab: {  	s26 =	simm.s32 $execute0_lowered;
	[smem:$0x3FD2] =	sst s25  }
0xac: {  	s6 =	sshll.u32 s26, $0x1;
	_ =	strace $0x80000046;
	[dreg:$0x1] =	wrdreg $0xFFFFFFFF  }
0xad: {  	s28 =	simm.s32 $_size_execute0_lowered;
	s4 =	sadd.s32 s4, s6;
	[dreg:$0x0] =	wrdreg $0x0  }
0xae: {  	s6 =	sshll.u32 s28, $0x1;
	[dreg:$0x2] =	wrdreg s4  }
0xaf: {  	[dreg:$0x3] =	wrdreg s6  }
0xb0: {  	[dreg:$0x4] =	wrdreg $0xC0  }
0xb1: {  	_ =	task [dreg:s8], $0x5FFFF  }
0xb2: {  	[dreg:$0x1] =	wrdreg $0xFFFFFFFF  }
0xb3: {  	[dreg:$0x0] =	wrdreg $0x60  }
0xb4: {  	[dreg:$0x2] =	wrdreg s24  }
0xb5: {  	[dreg:$0x3] =	wrdreg s17  }
0xb6: {  	[dreg:$0x4] =	wrdreg s16  }
0xb7: {  	[dreg:$0x5] =	wrdreg $0x83000  }
0xb8: {  	[dreg:$0x6] =	wrdreg $0x9  }
0xb9: {  	_ =	task.clear_ibuf [dreg:s8], $0x7FFFF;
	_ =	strace $0x90000046  }
0xba: {  	s29 =	simm.s32 $0x9;
	_ =	strace $0x80000048  }
0xbb: {  	_ =	swait.ge [sflag:s29], $0x1  }
0xbc: {  	[sflag:s29] =	ssyncadd.s32 $0xFFFFFFFF  }
0xbd: {  	_ =	strace $0x90000048  }
0xbe: {  	_ =	sfence  }
0xbf: {  	s30 =	sld [smem:$0x0];
	_ =	sdelay $0x2  }
0xc0: {  	s31 =	sshll.u32 s1, $0xD;
	s1 =	sshrl.u32 s1, $0x2  }
0xc1: {  	s3 =	sand.u32 $0x4000, s31;
	s1 =	sadd.s32 s1, s30  }
0xc2: {  	s0 =	sor.u32 s3, s0;
	s1 =	sshll.u32 s1, $0x11  }
0xc3: {  	s0 =	sor.u32 s1, s0  }
0xc4: {  	s0 =	sadd.s32 $0x8F2B, s0  }
0xc5: {  	[sflag:s0] =	ssyncadd.remote.s32 $0x1  }
0xc6: {  	_ =	sfence.sel $0xFFFF  }
0xc7: {  	[dreg:$0x0] =	wrdreg $0xFFFFFFFF;
	(pc) =	sbr.abs _section_cstart, $3  }
0xc8: {  	[dreg:$0x1] =	wrdreg $0xFFFFFFFF  }
0xc9: {  	_ =	task.clear_ibuf [dreg:s8], $0x2FFFF;
	_ =	strace $0x9FFFFFFF  }
0xca: {  	(tm) =	ssettm $0x7FFFFFFF  }
0xcb: {  	_ =	shalt  }
tec
execute0_lowered:
.L_overlay_start_1:
0x0: {  	(tag) =	ssettag $0x1  }
0x1: {  	s11 =	rddreg [dreg:$0x0]  }
0x2: {  	s1 =	rddreg [dreg:$0x1]  }
0x3: {  	s2 =	rddreg [dreg:$0x2]  }
0x4: {  	s3 =	rddreg [dreg:$0x3];
	s5 =	simm.s32 $0x0;
	s0 =	srdreg.scid  }
0x5: {  	s20 =	stileid.u32;
	[smem:$0x7FF] =	sst s5;
	s8 =	sand.u32 $0x1, s0  }
0x6: {  	s6 =	sadd.s32 $0xA00, s11;
	s0 =	smul.u32 $0x14000, s20;
	s12 =	sadd.s32 $0x7BC00, s11  }
0x7: {  	s14 =	sadd.s32 $0xCBC00, s11;
	s9 =	sshll.u32 s20, $0x1;
	s23 =	smul.u32 $0x50000, s20  }
0x8: {  	s20 =	sadd.s32 $0x4F200, s11;
	_ =	strace $0x80000047;
	s4 =	ssub.s32 $0x2, s8  }
0x9: {  	s13 =	smul.u32 $0x140000, s8;
	s16 =	sor.u32 s8, s9;
	s7 =	sshrl.u32 s4, $0x1  }
0xa: {  	s9 =	sadd.s32 $0xC000, s0;
	s22 =	smul.u32 $0x1400, s16;
	s7 =	ssub.s32 s4, s7  }
0xb: {  	s4 =	sadd.s32 $0x4000, s0;
	s10 =	sadd.s32 s13, s0;
	s18 =	sadd.s32 s13, s9  }
0xc: {  	s15 =	sadd.s32 s13, s4;
	s24 =	sshrl.u32 s10, $0x3;
	s7 =	smax.u32 s7, $0x1  }
0xd: {  	s10 =	sadd.s32 $0x10000, s0;
	s25 =	sadd.s32 s14, s24;
	[smem:$0x7F4] =	sst s7  }
0xe: {  	s18 =	sshrl.u32 s18, $0x3;
	s8 =	sadd.s32 s12, s24;
	[dreg:$0x5] =	wrdreg s25  }
0xf: {  	s15 =	sshrl.u32 s15, $0x3;
	s29 =	sadd.s32 s12, s18;
	[dreg:$0x6] =	wrdreg s8  }
0x10: {  	s26 =	sadd.s32 s12, s15;
	s8 =	sadd.s32 $0x8000, s0;
	[dreg:$0x9] =	wrdreg s29  }
0x11: {  	s15 =	sadd.s32 s14, s15;
	[dreg:$0x7] =	wrdreg s26;
	s17 =	sadd.s32 s13, s8  }
0x12: {  	s0 =	sadd.s32 s0, s3;
	[dreg:$0xb] =	wrdreg s15;
	s17 =	sshrl.u32 s17, $0x3  }
0x13: {  	s13 =	sadd.s32 s13, s10;
	[smem:$0x7F5] =	sst s0;
	s19 =	sadd.s32 s12, s17  }
0x14: {  	s13 =	sshrl.u32 s13, $0x3;
	s17 =	sadd.s32 s14, s17;
	[dreg:$0x8] =	wrdreg s19  }
0x15: {  	s12 =	sadd.s32 s12, s13;
	s21 =	sadd.s32 s14, s13;
	[dreg:$0xc] =	wrdreg s17  }
0x16: {  	s13 =	sshrl.u32 s23, $0x2;
	s19 =	sadd.s32 s14, s18;
	[dreg:$0xe] =	wrdreg s21  }
0x17: {  	s17 =	sadd.s32 $0x14400, s11;
	s18 =	sadd.s32 $0x27E00, s11;
	s21 =	sadd.s32 $0x62C00, s11  }
0x18: {  	[dreg:$0xd] =	wrdreg s19;
	s19 =	sadd.s32 $0x3B800, s11;
	s11 =	sshrl.u32 s22, $0x3  }
0x19: {  	[dreg:$0xa] =	wrdreg s12;
	s15 =	sadd.s32 s13, s3;
	s25 =	sor.u32 $0x10, s11  }
0x1a: {  	[dreg:$0xf] =	wrdreg s15;
	s26 =	sadd.s32 s1, s25  }
0x1b: {  	s24 =	smul.u32 $0x28, s16;
	s29 =	sadd.s32 s2, s25;
	[dreg:$0x10] =	wrdreg s26  }
0x1c: {  	s22 =	sadd.s32 $0x5000, s11;
	s16 =	sadd.s32 s21, s25;
	[dreg:$0x11] =	wrdreg s29  }
0x1d: {  	s28 =	sor.u32 $0x3, s24;
	s23 =	sadd.s32 s1, s22;
	[dreg:$0x12] =	wrdreg s16  }
0x1e: {  	s25 =	sadd.s32 s2, s22;
	s13 =	sadd.s32 s21, s22;
	[dreg:$0x13] =	wrdreg s23  }
0x1f: {  	s26 =	sor.u32 $0x2, s24;
	s24 =	sadd.s32 $0x5010, s11;
	[dreg:$0x14] =	wrdreg s25  }
0x20: {  	[dreg:$0x15] =	wrdreg s13;
	s29 =	sadd.s32 s1, s24  }
0x21: {  	s14 =	sadd.s32 s2, s24;
	[dreg:$0x16] =	wrdreg s29  }
0x22: {  	s16 =	sadd.s32 $0xA000, s11;
	s12 =	sadd.s32 s21, s24;
	[dreg:$0x17] =	wrdreg s14  }
0x23: {  	s22 =	sadd.s32 s1, s16;
	[dreg:$0x18] =	wrdreg s12  }
0x24: {  	s23 =	sadd.s32 s2, s16;
	[dreg:$0x19] =	wrdreg s22  }
0x25: {  	s24 =	sadd.s32 $0xA010, s11;
	[dreg:$0x1a] =	wrdreg s23;
	s12 =	sadd.s32 s21, s16  }
0x26: {  	s25 =	sadd.s32 s1, s24;
	[dreg:$0x1b] =	wrdreg s12  }
0x27: {  	s16 =	sadd.s32 s2, s24;
	[dreg:$0x1c] =	wrdreg s25  }
0x28: {  	s13 =	sadd.s32 s21, s24;
	[dreg:$0x1d] =	wrdreg s16  }
0x29: {  	s29 =	sadd.s32 $0xF000, s11;
	s14 =	sadd.s32 s2, s11;
	[dreg:$0x1e] =	wrdreg s13  }
0x2a: {  	s22 =	sadd.s32 s1, s29;
	[smem:$0x7EC] =	sst s14  }
0x2b: {  	s23 =	sadd.s32 s2, s29;
	[dreg:$0x1f] =	wrdreg s22  }
0x2c: {  	s24 =	sadd.s32 $0xF010, s11;
	s12 =	sadd.s32 s21, s29;
	[smem:$0x7E6] =	sst s23  }
0x2d: {  	s25 =	sadd.s32 s1, s24;
	[smem:$0x7E7] =	sst s12  }
0x2e: {  	s29 =	sadd.s32 s2, s24;
	[smem:$0x7E8] =	sst s25  }
0x2f: {  	s13 =	sadd.s32 s1, s11;
	[smem:$0x7E9] =	sst s29  }
0x30: {  	s14 =	sadd.s32 s8, s3;
	[smem:$0x7EB] =	sst s13  }
0x31: {  	s12 =	sadd.s32 s21, s24;
	[smem:$0x7F7] =	sst s14  }
0x32: {  	s16 =	sadd.s32 $0x14000, s11;
	s22 =	sadd.s32 s21, s11;
	[smem:$0x7EA] =	sst s12  }
0x33: {  	s23 =	sadd.s32 s1, s16;
	[smem:$0x7ED] =	sst s22  }
0x34: {  	s24 =	sadd.s32 s2, s16;
	[smem:$0x7EE] =	sst s23  }
0x35: {  	s30 =	simm.s32 $0x4300;
	s13 =	sadd.s32 s4, s3;
	[smem:$0x7EF] =	sst s24  }
0x36: {  	s11 =	sadd.s32 $0x14010, s11;
	s12 =	sadd.s32 s21, s16;
	[smem:$0x7F6] =	sst s13  }
0x37: {  	s31 =	simm.s32 $0x5;
	s25 =	sadd.s32 s1, s11;
	[smem:$0x7F0] =	sst s12  }
0x38: {  	s7 =	simm.s32 $0x80;
	s29 =	sadd.s32 s2, s11;
	[smem:$0x7F1] =	sst s25  }
0x39: {  	s0 =	simm.s32 $0x100;
	s11 =	sadd.s32 s21, s11;
	[smem:$0x7F2] =	sst s29  }
0x3a: {  	s4 =	simm.s32 $0x200;
	s16 =	sadd.s32 s9, s3;
	[smem:$0x7F3] =	sst s11  }
0x3b: {  	s14 =	simm.s32 $0x0;
	s22 =	sadd.s32 s10, s3;
	[smem:$0x7F8] =	sst s16  }
.Ltmp0:
0x3c: {  	s23 =	sadd.s32 $0x4000, s15;
	[smem:$0x7F9] =	sst s22;
	(pc) =	sbr.rel .LBB2_1-.Ltmp0, $4  }
0x3d: {  	s24 =	sadd.s32 $0x8000, s15;
	s9 =	simm.s32 $0x180;
	[smem:$0x7FA] =	sst s23  }
0x3e: {  	s10 =	simm.s32 $0x280;
	[smem:$0x7FB] =	sst s24;
	s25 =	sadd.s32 $0xC000, s15  }
0x3f: {  	s13 =	simm.s32 $0x2300;
	s29 =	sadd.s32 $0x10000, s15;
	[smem:$0x7FC] =	sst s25  }
0x40: {  	v0 =	vimm.f32 $0.0e+00;
	s11 =	simm.s32 $0x1;
	s12 =	simm.s32 $0x4;
	[smem:$0x7FD] =	sst s29  }
.LBB2_40:
0x41: {  	[bflag:$0x0] =	sbarrier.arrive $0xFFFF  }
0x42: {  	s16 =	sld [smem:$0x7E1];
	_ =	sdelay $0x1  }
0x43: {  	s8 =	rddreg [dreg:$0x5]  }
0x44: {  	[hbm:s8], [sflag:s15] =	dma.local [spmem:s16], $0x800  }
0x45: {  	_ =	swait.ge [sflag:s31], $0x800  }
0x46: {  	s24 =	sld [smem:$0x7E2]  }
0x47: {  	[sflag:s31] =	ssyncset.done $0x0  }
0x48: {  	s23 =	rddreg [dreg:$0xb];
	[sflag:s31] =	ssyncadd.s32 $0xFFFFF800  }
0x49: {  	[hbm:s23], [sflag:s15] =	dma.local [spmem:s24], $0x800  }
0x4a: {  	_ =	swait.ge [sflag:s31], $0x800  }
0x4b: {  	s29 =	sld [smem:$0x7E3]  }
0x4c: {  	[sflag:s31] =	ssyncset.done $0x0  }
0x4d: {  	s25 =	rddreg [dreg:$0xc];
	[sflag:s31] =	ssyncadd.s32 $0xFFFFF800  }
0x4e: {  	[hbm:s25], [sflag:s15] =	dma.local [spmem:s29], $0x800  }
0x4f: {  	_ =	swait.ge [sflag:s31], $0x800  }
0x50: {  	s23 =	sld [smem:$0x7E4]  }
0x51: {  	[sflag:s31] =	ssyncset.done $0x0  }
0x52: {  	s22 =	rddreg [dreg:$0xd];
	[sflag:s31] =	ssyncadd.s32 $0xFFFFF800  }
0x53: {  	[hbm:s22], [sflag:s15] =	dma.local [spmem:s23], $0x800  }
0x54: {  	_ =	swait.ge [sflag:s31], $0x800  }
0x55: {  	s25 =	sld [smem:$0x7E5]  }
0x56: {  	[sflag:s31] =	ssyncset.done $0x0  }
0x57: {  	s24 =	rddreg [dreg:$0xe];
	[sflag:s31] =	ssyncadd.s32 $0xFFFFF800  }
0x58: {  	[hbm:s24], [sflag:s15] =	dma.local [spmem:s25], $0x800  }
0x59: {  	_ =	swait.ge [sflag:s31], $0x800  }
0x5a: {  	s29 =	sld [smem:$0x7F4];
	_ =	sdelay $0x1  }
0x5b: {  	s14 =	sadd.s32 $0x1, s14  }
0x5c: {  	p0 =	sne.s32 s14, s29  }
.Ltmp1:
0x5d: {  	_ = 	snop;
	(pc) =	sbr.rel @!p0 .LBB2_41-.Ltmp1, $3  }
0x5e: {  	_ =	sdelay $0x1  }
0x5f: {  	[sflag:s31] =	ssyncset.done $0x0  }
0x60: {  	[sflag:s31] =	ssyncadd.s32 $0xFFFFF800  }
.LBB2_1:
0x61: {  	s8 =	simm.s32 $0x0;
	s15 =	simm.s32 $0x200  }
.LBB2_2:
0x62: {  	p0 =	sne.s32 s15, $0xFE00;
	[tilespmem:s8+$0x4370] =	vst v0  }
0x63: {  	[tilespmem:s8+$0x4300] =	vst v0  }
0x64: {  	[tilespmem:s8+$0x4310] =	vst v0  }
.Ltmp2:
0x65: {  	[tilespmem:s8+$0x4320] =	vst v0;
	(pc) =	sbr.rel @p0 .LBB2_2-.Ltmp2, $4  }
0x66: {  	[tilespmem:s8+$0x4330] =	vst v0  }
0x67: {  	[tilespmem:s8+$0x4340] =	vst v0  }
0x68: {  	[tilespmem:s8+$0x4350] =	vst v0  }
0x69: {  	[tilespmem:s8+$0x4360] =	vst v0;
	s8 =	sshra.s32 s15, $0x2;
	s15 =	sadd.s32 $0x200, s15  }
0x6a: {  	[tilespmem:s8+$0x4370] =	vst v0  }
0x6b: {  	[tilespmem:s8+$0x4300] =	vst v0  }
0x6c: {  	[tilespmem:s8+$0x4310] =	vst v0  }
0x6d: {  	[tilespmem:s8+$0x4320] =	vst v0  }
0x6e: {  	[tilespmem:s8+$0x4330] =	vst v0  }
0x6f: {  	[tilespmem:s8+$0x4340] =	vst v0  }
0x70: {  	[tilespmem:s8+$0x4350] =	vst v0  }
0x71: {  	[tilespmem:s8+$0x4360] =	vst v0;
	s16 =	rddreg [dreg:$0xf]  }
0x72: {  	[spmem:s16] =	stream.linear.scatter [tilespmem:s30], [sflag:$0x5], $0x4000, $0x38;
	[tilespmem:$0x1C300] =	vst v63  }
0x73: {  	_ =	swait.ge [sflag:s31], $0x4000  }
0x74: {  	s22 =	sld [smem:$0x7FA]  }
0x75: {  	[sflag:s31] =	ssyncset.done $0x0  }
0x76: {  	[sflag:s31] =	ssyncadd.s32 $0xFFFFC000  }
0x77: {  	[spmem:s22] =	stream.linear.scatter [tilespmem:s30], [sflag:$0x5], $0x4000, $0x38;
	[tilespmem:$0x1C300] =	vst v63  }
0x78: {  	_ =	swait.ge [sflag:s31], $0x4000  }
0x79: {  	s23 =	sld [smem:$0x7FB]  }
0x7a: {  	[sflag:s31] =	ssyncset.done $0x0  }
0x7b: {  	[sflag:s31] =	ssyncadd.s32 $0xFFFFC000  }
0x7c: {  	[spmem:s23] =	stream.linear.scatter [tilespmem:s30], [sflag:$0x5], $0x4000, $0x38;
	[tilespmem:$0x1C300] =	vst v63  }
0x7d: {  	_ =	swait.ge [sflag:s31], $0x4000  }
0x7e: {  	s24 =	sld [smem:$0x7FC]  }
0x7f: {  	[sflag:s31] =	ssyncset.done $0x0  }
0x80: {  	[sflag:s31] =	ssyncadd.s32 $0xFFFFC000  }
0x81: {  	[spmem:s24] =	stream.linear.scatter [tilespmem:s30], [sflag:$0x5], $0x4000, $0x38;
	[tilespmem:$0x1C300] =	vst v63  }
0x82: {  	_ =	swait.ge [sflag:s31], $0x4000  }
0x83: {  	s25 =	sld [smem:$0x7FD]  }
0x84: {  	[sflag:s31] =	ssyncset.done $0x0  }
0x85: {  	[sflag:s31] =	ssyncadd.s32 $0xFFFFC000  }
0x86: {  	[spmem:s25] =	stream.linear.scatter [tilespmem:s30], [sflag:$0x5], $0x4000, $0x38;
	[tilespmem:$0x1C300] =	vst v63  }
0x87: {  	_ =	swait.ge [sflag:s31], $0x4000  }
0x88: {  	[sflag:s31] =	ssyncset.done $0x0  }
0x89: {  	[sflag:s31] =	ssyncadd.s32 $0xFFFFC000  }
0x8a: {  	[bflag:$0x0] =	sbarrier.arrive $0xFFFF  }
0x8b: {  	s29 =	sld [smem:$0x7EB];
	_ =	sdelay $0x1  }
0x8c: {  	s15 =	simm.s32 $0x0  }
0x8d: {  	[tilespmem:s15], [sflag:$0x5] =	stream.linear.gather [hbm4b:s29+s15], $0x80, $0x38;
	[tilespmem:$0x1C300] =	vst v63  }
0x8e: {  	_ =	swait.ge [sflag:s31], $0x80  }
0x8f: {  	s16 =	sld [smem:$0x7EC]  }
0x90: {  	[sflag:s31] =	ssyncset.done $0x0  }
0x91: {  	[sflag:s31] =	ssyncadd.s32 $0xFFFFFF80  }
0x92: {  	[tilespmem:s0], [sflag:$0x5] =	stream.linear.gather [hbm4b:s16+s15], $0x80, $0x38;
	[tilespmem:$0x1C300] =	vst v63  }
0x93: {  	_ =	swait.ge [sflag:s31], $0x80  }
0x94: {  	s22 =	sld [smem:$0x7ED]  }
0x95: {  	[sflag:s31] =	ssyncset.done $0x0  }
0x96: {  	[sflag:s31] =	ssyncadd.s32 $0xFFFFFF80  }
0x97: {  	[tilespmem:s4], [sflag:$0x5] =	stream.linear.gather [hbm4b:s22+s15], $0x80, $0x38;
	[tilespmem:$0x1C300] =	vst v63  }
0x98: {  	_ =	swait.ge [sflag:s31], $0x80  }
0x99: {  	[sflag:s31] =	ssyncset.done $0x0  }
0x9a: {  	s23 =	simm.s32 $0x300;
	[sflag:s31] =	ssyncadd.s32 $0xFFFFFF80  }
0x9b: {  	[tilespmem:s23], [sflag:$0x1] =	stream.indirect.gather [hbm4b:s6+s7], $0x40, s15, s7, $0xb8;
	[tilespmem:$0x1C300] =	vst v63  }
0x9c: {  	s24 =	rddreg [dreg:$0x10]  }
0x9d: {  	[tilespmem:s7], [sflag:$0x4] =	stream.linear.gather [hbm4b:s24+s15], $0x80, $0x38;
	[tilespmem:$0x1C300] =	vst v63  }
0x9e: {  	s25 =	rddreg [dreg:$0x11]  }
0x9f: {  	[tilespmem:s9], [sflag:$0x4] =	stream.linear.gather [hbm4b:s25+s15], $0x80, $0x38;
	[tilespmem:$0x1C300] =	vst v63  }
0xa0: {  	s16 =	simm.s32 $0x0;
	s29 =	rddreg [dreg:$0x12]  }
0xa1: {  	[tilespmem:s10], [sflag:$0x4] =	stream.linear.gather [hbm4b:s29+s15], $0x80, $0x38;
	[tilespmem:$0x1C300] =	vst v63  }
.LBB2_4:
0xa2: {  	_ =	swait.ge [sflag:s11], $0x2000  }
0xa3: {  	[sflag:s11] =	ssyncset.done $0x0  }
0xa4: {  	[sflag:s11] =	ssyncadd.s32 $0xFFFFE000  }
0xa5: {  	_ =	swait.ge [sflag:s12], $0x80  }
0xa6: {  	[sflag:s12] =	ssyncset.done $0x0  }
0xa7: {  	[sflag:s12] =	ssyncadd.s32 $0xFFFFFF80  }
0xa8: {  	_ =	swait.ge [sflag:s12], $0x80  }
0xa9: {  	[sflag:s12] =	ssyncset.done $0x0  }
0xaa: {  	[sflag:s12] =	ssyncadd.s32 $0xFFFFFF80  }
0xab: {  	v1 =	vmov s15;
	_ =	swait.ge [sflag:s12], $0x80  }
0xac: {  	[sflag:s12] =	ssyncset.done $0x0  }
0xad: {  	s8 =	simm.s32 $0x320;
	[sflag:s12] =	ssyncadd.s32 $0xFFFFFF80  }
0xae: {  	[tilespmem:s13], [sflag:$0x2] =	stream.indirect.gather [hbm4b:s6+s7], $0x40, s7, s7, $0xb8;
	[tilespmem:$0x1C300] =	vst v63  }
0xaf: {  	v2 =	vld [tilespmem:s8+$0xFFFFFFE0]  }
0xb0: {  	v1 =	vld.idx.msk [tilespmem:v1+s4+$0x0], $0xffff;
	_ =	sdelay $0x3  }
0xb1: {  	v3 =	vshll.u32 v2, $0x10  }
0xb2: {  	v2 =	vand.u32 $0xFFFF0000, v2;
	v3 =	vmul.f32 v3, v1  }
0xb3: {  	s22 =	simm.s32 $0x4340;
	v2 =	vmul.f32 v2, v1  }
0xb4: {  	[tilespmem:s22+$0xFFFFFFC0] =	vst v3  }
0xb5: {  	[tilespmem:s22+$0x0] =	vst v2  }
0xb6: {  	v2 =	vld [tilespmem:s8+$0xFFFFFFF0];
	_ =	sdelay $0x4  }
0xb7: {  	v3 =	vshll.u32 v2, $0x10  }
0xb8: {  	v2 =	vand.u32 $0xFFFF0000, v2;
	v3 =	vmul.f32 v3, v1  }
0xb9: {  	v2 =	vmul.f32 v2, v1  }
0xba: {  	[tilespmem:s22+$0xFFFFFFD0] =	vst v3  }
0xbb: {  	[tilespmem:s22+$0x10] =	vst v2  }
0xbc: {  	v2 =	vld [tilespmem:s8+$0x0];
	_ =	sdelay $0x4  }
0xbd: {  	v3 =	vshll.u32 v2, $0x10  }
0xbe: {  	v2 =	vand.u32 $0xFFFF0000, v2;
	v3 =	vmul.f32 v3, v1  }
0xbf: {  	v2 =	vmul.f32 v2, v1  }
0xc0: {  	[tilespmem:s22+$0xFFFFFFE0] =	vst v3  }
0xc1: {  	[tilespmem:s22+$0x20] =	vst v2  }
0xc2: {  	s24 =	simm.s32 $0x1;
	s23 =	simm.s32 $0x4340;
	v2 =	vld [tilespmem:s8+$0x10]  }
.LBB2_5:
0xc3: {  	_ =	sdelay $0x3  }
0xc4: {  	p0 =	sne.s32 s24, $0x7F;
	s22 =	sadd.s32 $0x80, s22;
	s8 =	sadd.s32 $0x40, s8;
	v3 =	vshll.u32 v2, $0x10;
	v2 =	vand.u32 $0xFFFF0000, v2  }
0xc5: {  	v4 =	vmov s24;
	s24 =	sadd.s32 $0x1, s24;
	v3 =	vmul.f32 v3, v1;
	v1 =	vmul.f32 v2, v1;
	_ =	sdelay $0x1  }
0xc6: {  	[tilespmem:s23+$0xFFFFFFF0] =	vst v3  }
0xc7: {  	[tilespmem:s23+$0x30] =	vst v1;
	s23 =	smov.u32 s22  }
0xc8: {  	v2 =	vld [tilespmem:s8+$0xFFFFFFE0]  }
0xc9: {  	v1 =	vld.idx.msk [tilespmem:v4+s4+$0x0], $0xffff;
	_ =	sdelay $0x4  }
0xca: {  	v3 =	vshll.u32 v2, $0x10;
	v2 =	vand.u32 $0xFFFF0000, v2  }
0xcb: {  	v3 =	vmul.f32 v3, v1;
	v2 =	vmul.f32 v2, v1;
	_ =	sdelay $0x1  }
0xcc: {  	[tilespmem:s22+$0xFFFFFFC0] =	vst v3  }
0xcd: {  	[tilespmem:s22+$0x0] =	vst v2  }
0xce: {  	v2 =	vld [tilespmem:s8+$0xFFFFFFF0];
	_ =	sdelay $0x4  }
0xcf: {  	v3 =	vshll.u32 v2, $0x10;
	v2 =	vand.u32 $0xFFFF0000, v2  }
0xd0: {  	v3 =	vmul.f32 v3, v1;
	v2 =	vmul.f32 v2, v1;
	_ =	sdelay $0x1  }
0xd1: {  	[tilespmem:s22+$0xFFFFFFD0] =	vst v3  }
0xd2: {  	[tilespmem:s22+$0x10] =	vst v2  }
0xd3: {  	v2 =	vld [tilespmem:s8+$0x0];
	_ =	sdelay $0x4  }
0xd4: {  	v3 =	vshll.u32 v2, $0x10;
	v2 =	vand.u32 $0xFFFF0000, v2  }
.Ltmp3:
0xd5: {  	v3 =	vmul.f32 v3, v1;
	v2 =	vmul.f32 v2, v1;
	(pc) =	sbr.rel @p0 .LBB2_5-.Ltmp3, $4  }
0xd6: {  	_ = 	snop  }
0xd7: {  	[tilespmem:s22+$0xFFFFFFE0] =	vst v3  }
0xd8: {  	[tilespmem:s22+$0x20] =	vst v2  }
0xd9: {  	v2 =	vld [tilespmem:s8+$0x10]  }
0xda: {  	_ =	sdelay $0x3  }
0xdb: {  	v3 =	vshll.u32 v2, $0x10  }
0xdc: {  	v2 =	vand.u32 $0xFFFF0000, v2;
	v3 =	vmul.f32 v3, v1  }
0xdd: {  	v1 =	vmul.f32 v2, v1  }
0xde: {  	[tilespmem:s23+$0xFFFFFFF0] =	vst v3  }
0xdf: {  	[tilespmem:s23+$0x30] =	vst v1  }
0xe0: {  	[spmem:s3] =	stream.indirect.scatter.add.f32 [tilespmem:s30], [sflag:$0x5], $0x80, s0, s7, $0xb8;
	[tilespmem:$0x1C300] =	vst v63  }
0xe1: {  	_ =	swait.ge [sflag:s31], $0x4000  }
0xe2: {  	s8 =	sshll.u32 s16, $0x1;
	p0 =	seq.s32 s16, $0x13;
	[sflag:s31] =	ssyncset.done $0x0  }
0xe3: {  	s22 =	simm.s32 @p0 $0x2;
	s23 =	sadd.s32 @!p0 s8, s26;
	[sflag:s31] =	ssyncadd.s32 $0xFFFFC000  }
0xe4: {  	s23 =	sshll.u32 @!p0 s23, $0x4;
	_ =	swait.ge @p0 [sflag:s22], $0x2000  }
0xe5: {  	s23 =	sand.u32 @!p0 $0x1FFFFFE0, s23;
	[sflag:s22] =	ssyncset.done @p0 $0x0  }
0xe6: {  	s24 =	simm.s32 @!p0 $0x0;
	[sflag:s22] =	ssyncadd.s32 @p0 $0xFFFFE000;
	s22 =	sadd.s32 @!p0 s1, s23  }
0xe7: {  	[tilespmem:s24], [sflag:$0x3] =	stream.linear.gather @!p0 [hbm4b:s22+s24], $0x80, $0x38;
	[tilespmem:$0x1C300] =	vst v63  }
0xe8: {  	s25 =	simm.s32 @!p0 $0x100;
	s22 =	sadd.s32 @!p0 s2, s23  }
0xe9: {  	[tilespmem:s25], [sflag:$0x3] =	stream.linear.gather @!p0 [hbm4b:s22+s24], $0x80, $0x38;
	[tilespmem:$0x1C300] =	vst v63  }
0xea: {  	s22 =	sadd.s32 @!p0 s21, s23;
	s23 =	simm.s32 @!p0 $0x200  }
0xeb: {  	[tilespmem:s23], [sflag:$0x3] =	stream.linear.gather @!p0 [hbm4b:s22+s24], $0x80, $0x38;
	[tilespmem:$0x1C300] =	vst v63  }
0xec: {  	s22 =	simm.s32 @!p0 $0x2  }
0xed: {  	_ =	swait.ge @!p0 [sflag:s22], $0x2000  }
0xee: {  	[sflag:s22] =	ssyncset.done @!p0 $0x0  }
0xef: {  	[sflag:s22] =	ssyncadd.s32 @!p0 $0xFFFFE000;
	s22 =	simm.s32 @!p0 $0x3  }
0xf0: {  	_ =	swait.ge @!p0 [sflag:s22], $0x80  }
0xf1: {  	[sflag:s22] =	ssyncset.done @!p0 $0x0  }
0xf2: {  	[sflag:s22] =	ssyncadd.s32 @!p0 $0xFFFFFF80  }
0xf3: {  	_ =	swait.ge @!p0 [sflag:s22], $0x80  }
0xf4: {  	[sflag:s22] =	ssyncset.done @!p0 $0x0  }
0xf5: {  	[sflag:s22] =	ssyncadd.s32 @!p0 $0xFFFFFF80  }
0xf6: {  	s29 =	simm.s32 $0x0;
	_ =	swait.ge @!p0 [sflag:s22], $0x80  }
0xf7: {  	v1 =	vmov s29;
	[sflag:s22] =	ssyncset.done @!p0 $0x0  }
0xf8: {  	s23 =	simm.s32 @!p0 $0x300;
	[sflag:s22] =	ssyncadd.s32 @!p0 $0xFFFFFF80;
	s22 =	simm.s32 @!p0 $0x80  }
0xf9: {  	[tilespmem:s23], [sflag:$0x1] =	stream.indirect.gather @!p0 [hbm4b:s6+s22], $0x40, s24, s22, $0xb8;
	[tilespmem:$0x1C300] =	vst v63  }
0xfa: {  	s22 =	simm.s32 $0x2320  }
0xfb: {  	v2 =	vld [tilespmem:s22+$0xFFFFFFE0]  }
0xfc: {  	v1 =	vld.idx.msk [tilespmem:v1+s10+$0x0], $0xffff;
	_ =	sdelay $0x3  }
0xfd: {  	v3 =	vshll.u32 v2, $0x10  }
0xfe: {  	v2 =	vand.u32 $0xFFFF0000, v2;
	v3 =	vmul.f32 v3, v1  }
0xff: {  	s23 =	simm.s32 $0x4340;
	v2 =	vmul.f32 v2, v1  }
0x100: {  	[tilespmem:s23+$0xFFFFFFC0] =	vst v3  }
0x101: {  	[tilespmem:s23+$0x0] =	vst v2  }
0x102: {  	v2 =	vld [tilespmem:s22+$0xFFFFFFF0];
	_ =	sdelay $0x4  }
0x103: {  	v3 =	vshll.u32 v2, $0x10  }
0x104: {  	v2 =	vand.u32 $0xFFFF0000, v2;
	v3 =	vmul.f32 v3, v1  }
0x105: {  	v2 =	vmul.f32 v2, v1  }
0x106: {  	[tilespmem:s23+$0xFFFFFFD0] =	vst v3  }
0x107: {  	[tilespmem:s23+$0x10] =	vst v2  }
0x108: {  	v2 =	vld [tilespmem:s22+$0x0];
	_ =	sdelay $0x4  }
0x109: {  	v3 =	vshll.u32 v2, $0x10  }
0x10a: {  	v2 =	vand.u32 $0xFFFF0000, v2;
	v3 =	vmul.f32 v3, v1  }
0x10b: {  	v2 =	vmul.f32 v2, v1  }
0x10c: {  	[tilespmem:s23+$0xFFFFFFE0] =	vst v3  }
0x10d: {  	[tilespmem:s23+$0x20] =	vst v2  }
0x10e: {  	s25 =	simm.s32 $0x1;
	s24 =	simm.s32 $0x4340;
	v2 =	vld [tilespmem:s22+$0x10]  }
.LBB2_7:
0x10f: {  	_ =	sdelay $0x3  }
0x110: {  	p1 =	sne.s32 s25, $0x7F;
	s23 =	sadd.s32 $0x80, s23;
	s22 =	sadd.s32 $0x40, s22;
	v3 =	vshll.u32 v2, $0x10;
	v2 =	vand.u32 $0xFFFF0000, v2  }
0x111: {  	v4 =	vmov s25;
	s25 =	sadd.s32 $0x1, s25;
	v3 =	vmul.f32 v3, v1;
	v1 =	vmul.f32 v2, v1;
	_ =	sdelay $0x1  }
0x112: {  	[tilespmem:s24+$0xFFFFFFF0] =	vst v3  }
0x113: {  	[tilespmem:s24+$0x30] =	vst v1;
	s24 =	smov.u32 s23  }
0x114: {  	v2 =	vld [tilespmem:s22+$0xFFFFFFE0]  }
0x115: {  	v1 =	vld.idx.msk [tilespmem:v4+s10+$0x0], $0xffff;
	_ =	sdelay $0x4  }
0x116: {  	v3 =	vshll.u32 v2, $0x10;
	v2 =	vand.u32 $0xFFFF0000, v2  }
0x117: {  	v3 =	vmul.f32 v3, v1;
	v2 =	vmul.f32 v2, v1;
	_ =	sdelay $0x1  }
0x118: {  	[tilespmem:s23+$0xFFFFFFC0] =	vst v3  }
0x119: {  	[tilespmem:s23+$0x0] =	vst v2  }
0x11a: {  	v2 =	vld [tilespmem:s22+$0xFFFFFFF0];
	_ =	sdelay $0x4  }
0x11b: {  	v3 =	vshll.u32 v2, $0x10;
	v2 =	vand.u32 $0xFFFF0000, v2  }
0x11c: {  	v3 =	vmul.f32 v3, v1;
	v2 =	vmul.f32 v2, v1;
	_ =	sdelay $0x1  }
0x11d: {  	[tilespmem:s23+$0xFFFFFFD0] =	vst v3  }
0x11e: {  	[tilespmem:s23+$0x10] =	vst v2  }
0x11f: {  	v2 =	vld [tilespmem:s22+$0x0];
	_ =	sdelay $0x4  }
0x120: {  	v3 =	vshll.u32 v2, $0x10;
	v2 =	vand.u32 $0xFFFF0000, v2  }
.Ltmp4:
0x121: {  	v3 =	vmul.f32 v3, v1;
	v2 =	vmul.f32 v2, v1;
	(pc) =	sbr.rel @p1 .LBB2_7-.Ltmp4, $4  }
0x122: {  	_ = 	snop  }
0x123: {  	[tilespmem:s23+$0xFFFFFFE0] =	vst v3  }
0x124: {  	[tilespmem:s23+$0x20] =	vst v2  }
0x125: {  	v2 =	vld [tilespmem:s22+$0x10]  }
0x126: {  	_ =	sdelay $0x3  }
0x127: {  	v3 =	vshll.u32 v2, $0x10  }
0x128: {  	v2 =	vand.u32 $0xFFFF0000, v2;
	v3 =	vmul.f32 v3, v1  }
0x129: {  	v1 =	vmul.f32 v2, v1  }
0x12a: {  	[tilespmem:s24+$0xFFFFFFF0] =	vst v3  }
.Ltmp5:
0x12b: {  	[tilespmem:s24+$0x30] =	vst v1;
	(pc) =	sbr.rel @p0 .LBB2_10-.Ltmp5, $4  }
0x12c: {  	[spmem:s3] =	stream.indirect.scatter.add.f32 [tilespmem:s30], [sflag:$0x5], $0x80, s9, s7, $0xb8;
	[tilespmem:$0x1C300] =	vst v63  }
0x12d: {  	_ =	swait.ge [sflag:s31], $0x4000  }
0x12e: {  	[sflag:s31] =	ssyncset.done $0x0  }
0x12f: {  	[sflag:s31] =	ssyncadd.s32 $0xFFFFC000  }
0x130: {  	s8 =	sadd.s32 s8, s28  }
0x131: {  	s8 =	sshll.u32 s8, $0x4  }
0x132: {  	s8 =	sand.u32 $0x1FFFFFF0, s8  }
0x133: {  	s22 =	sadd.s32 s1, s8  }
0x134: {  	[tilespmem:s7], [sflag:$0x4] =	stream.linear.gather [hbm4b:s22+s5], $0x80, $0x38;
	[tilespmem:$0x1C300] =	vst v63  }
.Ltmp6:
0x135: {  	_ = 	snop;
	(pc) =	sbr.rel .LBB2_4-.Ltmp6, $4  }
0x136: {  	s29 =	sadd.s32 s2, s8  }
0x137: {  	[tilespmem:s9], [sflag:$0x4] =	stream.linear.gather [hbm4b:s29+s5], $0x80, $0x38;
	[tilespmem:$0x1C300] =	vst v63  }
0x138: {  	s16 =	sadd.s32 $0x1, s16;
	s8 =	sadd.s32 s21, s8  }
0x139: {  	[tilespmem:s10], [sflag:$0x4] =	stream.linear.gather [hbm4b:s8+s5], $0x80, $0x38;
	[tilespmem:$0x1C300] =	vst v63  }
.LBB2_10:
0x13a: {  	s15 =	simm.s32 $0x0;
	s8 =	rddreg [dreg:$0x13]  }
0x13b: {  	[tilespmem:s15], [sflag:$0x5] =	stream.linear.gather [hbm4b:s8+s15], $0x80, $0x38;
	[tilespmem:$0x1C300] =	vst v63  }
0x13c: {  	_ =	swait.ge [sflag:s31], $0x80  }
0x13d: {  	[sflag:s31] =	ssyncset.done $0x0  }
0x13e: {  	s16 =	rddreg [dreg:$0x14];
	[sflag:s31] =	ssyncadd.s32 $0xFFFFFF80  }
0x13f: {  	[tilespmem:s0], [sflag:$0x5] =	stream.linear.gather [hbm4b:s16+s15], $0x80, $0x38;
	[tilespmem:$0x1C300] =	vst v63  }
0x140: {  	_ =	swait.ge [sflag:s31], $0x80  }
0x141: {  	[sflag:s31] =	ssyncset.done $0x0  }
0x142: {  	s22 =	rddreg [dreg:$0x15];
	[sflag:s31] =	ssyncadd.s32 $0xFFFFFF80  }
0x143: {  	[tilespmem:s4], [sflag:$0x5] =	stream.linear.gather [hbm4b:s22+s15], $0x80, $0x38;
	[tilespmem:$0x1C300] =	vst v63  }
0x144: {  	_ =	swait.ge [sflag:s31], $0x80  }
0x145: {  	[sflag:s31] =	ssyncset.done $0x0  }
0x146: {  	s23 =	simm.s32 $0x300;
	[sflag:s31] =	ssyncadd.s32 $0xFFFFFF80  }
0x147: {  	[tilespmem:s23], [sflag:$0x1] =	stream.indirect.gather [hbm4b:s17+s7], $0x40, s15, s7, $0xb8;
	[tilespmem:$0x1C300] =	vst v63  }
0x148: {  	s24 =	rddreg [dreg:$0x16]  }
0x149: {  	[tilespmem:s7], [sflag:$0x4] =	stream.linear.gather [hbm4b:s24+s15], $0x80, $0x38;
	[tilespmem:$0x1C300] =	vst v63  }
0x14a: {  	s25 =	rddreg [dreg:$0x17]  }
0x14b: {  	[tilespmem:s9], [sflag:$0x4] =	stream.linear.gather [hbm4b:s25+s15], $0x80, $0x38;
	[tilespmem:$0x1C300] =	vst v63  }
0x14c: {  	s16 =	simm.s32 $0x0;
	s29 =	rddreg [dreg:$0x18]  }
0x14d: {  	[tilespmem:s10], [sflag:$0x4] =	stream.linear.gather [hbm4b:s29+s15], $0x80, $0x38;
	[tilespmem:$0x1C300] =	vst v63  }
.LBB2_11:
0x14e: {  	_ =	swait.ge [sflag:s11], $0x2000  }
0x14f: {  	[sflag:s11] =	ssyncset.done $0x0  }
0x150: {  	[sflag:s11] =	ssyncadd.s32 $0xFFFFE000  }
0x151: {  	_ =	swait.ge [sflag:s12], $0x80  }
0x152: {  	[sflag:s12] =	ssyncset.done $0x0  }
0x153: {  	[sflag:s12] =	ssyncadd.s32 $0xFFFFFF80  }
0x154: {  	_ =	swait.ge [sflag:s12], $0x80  }
0x155: {  	[sflag:s12] =	ssyncset.done $0x0  }
0x156: {  	[sflag:s12] =	ssyncadd.s32 $0xFFFFFF80  }
0x157: {  	v1 =	vmov s15;
	_ =	swait.ge [sflag:s12], $0x80  }
0x158: {  	[sflag:s12] =	ssyncset.done $0x0  }
0x159: {  	s8 =	simm.s32 $0x320;
	[sflag:s12] =	ssyncadd.s32 $0xFFFFFF80  }
0x15a: {  	[tilespmem:s13], [sflag:$0x2] =	stream.indirect.gather [hbm4b:s17+s7], $0x40, s7, s7, $0xb8;
	[tilespmem:$0x1C300] =	vst v63  }
0x15b: {  	v2 =	vld [tilespmem:s8+$0xFFFFFFE0]  }
0x15c: {  	v1 =	vld.idx.msk [tilespmem:v1+s4+$0x0], $0xffff;
	_ =	sdelay $0x3  }
0x15d: {  	v3 =	vshll.u32 v2, $0x10  }
0x15e: {  	v2 =	vand.u32 $0xFFFF0000, v2;
	v3 =	vmul.f32 v3, v1  }
0x15f: {  	s22 =	simm.s32 $0x4340;
	v2 =	vmul.f32 v2, v1  }
0x160: {  	[tilespmem:s22+$0xFFFFFFC0] =	vst v3  }
0x161: {  	[tilespmem:s22+$0x0] =	vst v2  }
0x162: {  	v2 =	vld [tilespmem:s8+$0xFFFFFFF0];
	_ =	sdelay $0x4  }
0x163: {  	v3 =	vshll.u32 v2, $0x10  }
0x164: {  	v2 =	vand.u32 $0xFFFF0000, v2;
	v3 =	vmul.f32 v3, v1  }
0x165: {  	v2 =	vmul.f32 v2, v1  }
0x166: {  	[tilespmem:s22+$0xFFFFFFD0] =	vst v3  }
0x167: {  	[tilespmem:s22+$0x10] =	vst v2  }
0x168: {  	v2 =	vld [tilespmem:s8+$0x0];
	_ =	sdelay $0x4  }
0x169: {  	v3 =	vshll.u32 v2, $0x10  }
0x16a: {  	v2 =	vand.u32 $0xFFFF0000, v2;
	v3 =	vmul.f32 v3, v1  }
0x16b: {  	v2 =	vmul.f32 v2, v1  }
0x16c: {  	[tilespmem:s22+$0xFFFFFFE0] =	vst v3  }
0x16d: {  	[tilespmem:s22+$0x20] =	vst v2  }
0x16e: {  	s24 =	simm.s32 $0x1;
	s23 =	simm.s32 $0x4340;
	v2 =	vld [tilespmem:s8+$0x10]  }
.LBB2_12:
0x16f: {  	_ =	sdelay $0x3  }
0x170: {  	p0 =	sne.s32 s24, $0x7F;
	s22 =	sadd.s32 $0x80, s22;
	s8 =	sadd.s32 $0x40, s8;
	v3 =	vshll.u32 v2, $0x10;
	v2 =	vand.u32 $0xFFFF0000, v2  }
0x171: {  	v4 =	vmov s24;
	s24 =	sadd.s32 $0x1, s24;
	v3 =	vmul.f32 v3, v1;
	v1 =	vmul.f32 v2, v1;
	_ =	sdelay $0x1  }
0x172: {  	[tilespmem:s23+$0xFFFFFFF0] =	vst v3  }
0x173: {  	[tilespmem:s23+$0x30] =	vst v1;
	s23 =	smov.u32 s22  }
0x174: {  	v2 =	vld [tilespmem:s8+$0xFFFFFFE0]  }
0x175: {  	v1 =	vld.idx.msk [tilespmem:v4+s4+$0x0], $0xffff;
	_ =	sdelay $0x4  }
0x176: {  	v3 =	vshll.u32 v2, $0x10;
	v2 =	vand.u32 $0xFFFF0000, v2  }
0x177: {  	v3 =	vmul.f32 v3, v1;
	v2 =	vmul.f32 v2, v1;
	_ =	sdelay $0x1  }
0x178: {  	[tilespmem:s22+$0xFFFFFFC0] =	vst v3  }
0x179: {  	[tilespmem:s22+$0x0] =	vst v2  }
0x17a: {  	v2 =	vld [tilespmem:s8+$0xFFFFFFF0];
	_ =	sdelay $0x4  }
0x17b: {  	v3 =	vshll.u32 v2, $0x10;
	v2 =	vand.u32 $0xFFFF0000, v2  }
0x17c: {  	v3 =	vmul.f32 v3, v1;
	v2 =	vmul.f32 v2, v1;
	_ =	sdelay $0x1  }
0x17d: {  	[tilespmem:s22+$0xFFFFFFD0] =	vst v3  }
0x17e: {  	[tilespmem:s22+$0x10] =	vst v2  }
0x17f: {  	v2 =	vld [tilespmem:s8+$0x0];
	_ =	sdelay $0x4  }
0x180: {  	v3 =	vshll.u32 v2, $0x10;
	v2 =	vand.u32 $0xFFFF0000, v2  }
.Ltmp7:
0x181: {  	v3 =	vmul.f32 v3, v1;
	v2 =	vmul.f32 v2, v1;
	(pc) =	sbr.rel @p0 .LBB2_12-.Ltmp7, $4  }
0x182: {  	_ = 	snop  }
0x183: {  	[tilespmem:s22+$0xFFFFFFE0] =	vst v3  }
0x184: {  	[tilespmem:s22+$0x20] =	vst v2  }
0x185: {  	v2 =	vld [tilespmem:s8+$0x10]  }
0x186: {  	_ =	sdelay $0x3  }
0x187: {  	v3 =	vshll.u32 v2, $0x10  }
0x188: {  	v2 =	vand.u32 $0xFFFF0000, v2;
	v3 =	vmul.f32 v3, v1  }
0x189: {  	v1 =	vmul.f32 v2, v1  }
0x18a: {  	[tilespmem:s23+$0xFFFFFFF0] =	vst v3  }
0x18b: {  	[tilespmem:s23+$0x30] =	vst v1  }
0x18c: {  	[spmem:s3] =	stream.indirect.scatter.add.f32 [tilespmem:s30], [sflag:$0x5], $0x80, s0, s7, $0xb8;
	[tilespmem:$0x1C300] =	vst v63  }
0x18d: {  	_ =	swait.ge [sflag:s31], $0x4000  }
0x18e: {  	s8 =	sshll.u32 s16, $0x1;
	p0 =	seq.s32 s16, $0x13;
	[sflag:s31] =	ssyncset.done $0x0  }
0x18f: {  	s22 =	simm.s32 @p0 $0x2;
	s23 =	sadd.s32 @!p0 s8, s26;
	[sflag:s31] =	ssyncadd.s32 $0xFFFFC000  }
0x190: {  	s23 =	sshll.u32 @!p0 s23, $0x4;
	_ =	swait.ge @p0 [sflag:s22], $0x2000  }
0x191: {  	s23 =	sadd.s32 @!p0 $0x5000, s23;
	[sflag:s22] =	ssyncset.done @p0 $0x0  }
0x192: {  	s24 =	simm.s32 @!p0 $0x0;
	[sflag:s22] =	ssyncadd.s32 @p0 $0xFFFFE000;
	s22 =	sadd.s32 @!p0 s1, s23  }
0x193: {  	[tilespmem:s24], [sflag:$0x3] =	stream.linear.gather @!p0 [hbm4b:s22+s24], $0x80, $0x38;
	[tilespmem:$0x1C300] =	vst v63  }
0x194: {  	s25 =	simm.s32 @!p0 $0x100;
	s22 =	sadd.s32 @!p0 s2, s23  }
0x195: {  	[tilespmem:s25], [sflag:$0x3] =	stream.linear.gather @!p0 [hbm4b:s22+s24], $0x80, $0x38;
	[tilespmem:$0x1C300] =	vst v63  }
0x196: {  	s22 =	sadd.s32 @!p0 s21, s23;
	s23 =	simm.s32 @!p0 $0x200  }
0x197: {  	[tilespmem:s23], [sflag:$0x3] =	stream.linear.gather @!p0 [hbm4b:s22+s24], $0x80, $0x38;
	[tilespmem:$0x1C300] =	vst v63  }
0x198: {  	s22 =	simm.s32 @!p0 $0x2  }
0x199: {  	_ =	swait.ge @!p0 [sflag:s22], $0x2000  }
0x19a: {  	[sflag:s22] =	ssyncset.done @!p0 $0x0  }
0x19b: {  	[sflag:s22] =	ssyncadd.s32 @!p0 $0xFFFFE000;
	s22 =	simm.s32 @!p0 $0x3  }
0x19c: {  	_ =	swait.ge @!p0 [sflag:s22], $0x80  }
0x19d: {  	[sflag:s22] =	ssyncset.done @!p0 $0x0  }
0x19e: {  	[sflag:s22] =	ssyncadd.s32 @!p0 $0xFFFFFF80  }
0x19f: {  	_ =	swait.ge @!p0 [sflag:s22], $0x80  }
0x1a0: {  	[sflag:s22] =	ssyncset.done @!p0 $0x0  }
0x1a1: {  	[sflag:s22] =	ssyncadd.s32 @!p0 $0xFFFFFF80  }
0x1a2: {  	s29 =	simm.s32 $0x0;
	_ =	swait.ge @!p0 [sflag:s22], $0x80  }
0x1a3: {  	v1 =	vmov s29;
	[sflag:s22] =	ssyncset.done @!p0 $0x0  }
0x1a4: {  	s23 =	simm.s32 @!p0 $0x300;
	[sflag:s22] =	ssyncadd.s32 @!p0 $0xFFFFFF80;
	s22 =	simm.s32 @!p0 $0x80  }
0x1a5: {  	[tilespmem:s23], [sflag:$0x1] =	stream.indirect.gather @!p0 [hbm4b:s17+s22], $0x40, s24, s22, $0xb8;
	[tilespmem:$0x1C300] =	vst v63  }
0x1a6: {  	s22 =	simm.s32 $0x2320  }
0x1a7: {  	v2 =	vld [tilespmem:s22+$0xFFFFFFE0]  }
0x1a8: {  	v1 =	vld.idx.msk [tilespmem:v1+s10+$0x0], $0xffff;
	_ =	sdelay $0x3  }
0x1a9: {  	v3 =	vshll.u32 v2, $0x10  }
0x1aa: {  	v2 =	vand.u32 $0xFFFF0000, v2;
	v3 =	vmul.f32 v3, v1  }
0x1ab: {  	s23 =	simm.s32 $0x4340;
	v2 =	vmul.f32 v2, v1  }
0x1ac: {  	[tilespmem:s23+$0xFFFFFFC0] =	vst v3  }
0x1ad: {  	[tilespmem:s23+$0x0] =	vst v2  }
0x1ae: {  	v2 =	vld [tilespmem:s22+$0xFFFFFFF0];
	_ =	sdelay $0x4  }
0x1af: {  	v3 =	vshll.u32 v2, $0x10  }
0x1b0: {  	v2 =	vand.u32 $0xFFFF0000, v2;
	v3 =	vmul.f32 v3, v1  }
0x1b1: {  	v2 =	vmul.f32 v2, v1  }
0x1b2: {  	[tilespmem:s23+$0xFFFFFFD0] =	vst v3  }
0x1b3: {  	[tilespmem:s23+$0x10] =	vst v2  }
0x1b4: {  	v2 =	vld [tilespmem:s22+$0x0];
	_ =	sdelay $0x4  }
0x1b5: {  	v3 =	vshll.u32 v2, $0x10  }
0x1b6: {  	v2 =	vand.u32 $0xFFFF0000, v2;
	v3 =	vmul.f32 v3, v1  }
0x1b7: {  	v2 =	vmul.f32 v2, v1  }
0x1b8: {  	[tilespmem:s23+$0xFFFFFFE0] =	vst v3  }
0x1b9: {  	[tilespmem:s23+$0x20] =	vst v2  }
0x1ba: {  	s25 =	simm.s32 $0x1;
	s24 =	simm.s32 $0x4340;
	v2 =	vld [tilespmem:s22+$0x10]  }
.LBB2_14:
0x1bb: {  	_ =	sdelay $0x3  }
0x1bc: {  	p1 =	sne.s32 s25, $0x7F;
	s23 =	sadd.s32 $0x80, s23;
	s22 =	sadd.s32 $0x40, s22;
	v3 =	vshll.u32 v2, $0x10;
	v2 =	vand.u32 $0xFFFF0000, v2  }
0x1bd: {  	v4 =	vmov s25;
	s25 =	sadd.s32 $0x1, s25;
	v3 =	vmul.f32 v3, v1;
	v1 =	vmul.f32 v2, v1;
	_ =	sdelay $0x1  }
0x1be: {  	[tilespmem:s24+$0xFFFFFFF0] =	vst v3  }
0x1bf: {  	[tilespmem:s24+$0x30] =	vst v1;
	s24 =	smov.u32 s23  }
0x1c0: {  	v2 =	vld [tilespmem:s22+$0xFFFFFFE0]  }
0x1c1: {  	v1 =	vld.idx.msk [tilespmem:v4+s10+$0x0], $0xffff;
	_ =	sdelay $0x4  }
0x1c2: {  	v3 =	vshll.u32 v2, $0x10;
	v2 =	vand.u32 $0xFFFF0000, v2  }
0x1c3: {  	v3 =	vmul.f32 v3, v1;
	v2 =	vmul.f32 v2, v1;
	_ =	sdelay $0x1  }
0x1c4: {  	[tilespmem:s23+$0xFFFFFFC0] =	vst v3  }
0x1c5: {  	[tilespmem:s23+$0x0] =	vst v2  }
0x1c6: {  	v2 =	vld [tilespmem:s22+$0xFFFFFFF0];
	_ =	sdelay $0x4  }
0x1c7: {  	v3 =	vshll.u32 v2, $0x10;
	v2 =	vand.u32 $0xFFFF0000, v2  }
0x1c8: {  	v3 =	vmul.f32 v3, v1;
	v2 =	vmul.f32 v2, v1;
	_ =	sdelay $0x1  }
0x1c9: {  	[tilespmem:s23+$0xFFFFFFD0] =	vst v3  }
0x1ca: {  	[tilespmem:s23+$0x10] =	vst v2  }
0x1cb: {  	v2 =	vld [tilespmem:s22+$0x0];
	_ =	sdelay $0x4  }
0x1cc: {  	v3 =	vshll.u32 v2, $0x10;
	v2 =	vand.u32 $0xFFFF0000, v2  }
.Ltmp8:
0x1cd: {  	v3 =	vmul.f32 v3, v1;
	v2 =	vmul.f32 v2, v1;
	(pc) =	sbr.rel @p1 .LBB2_14-.Ltmp8, $4  }
0x1ce: {  	_ = 	snop  }
0x1cf: {  	[tilespmem:s23+$0xFFFFFFE0] =	vst v3  }
0x1d0: {  	[tilespmem:s23+$0x20] =	vst v2  }
0x1d1: {  	v2 =	vld [tilespmem:s22+$0x10]  }
0x1d2: {  	_ =	sdelay $0x3  }
0x1d3: {  	v3 =	vshll.u32 v2, $0x10  }
0x1d4: {  	v2 =	vand.u32 $0xFFFF0000, v2;
	v3 =	vmul.f32 v3, v1  }
0x1d5: {  	v1 =	vmul.f32 v2, v1  }
0x1d6: {  	[tilespmem:s24+$0xFFFFFFF0] =	vst v3  }
.Ltmp9:
0x1d7: {  	[tilespmem:s24+$0x30] =	vst v1;
	(pc) =	sbr.rel @p0 .LBB2_17-.Ltmp9, $4  }
0x1d8: {  	[spmem:s3] =	stream.indirect.scatter.add.f32 [tilespmem:s30], [sflag:$0x5], $0x80, s9, s7, $0xb8;
	[tilespmem:$0x1C300] =	vst v63  }
0x1d9: {  	_ =	swait.ge [sflag:s31], $0x4000  }
0x1da: {  	[sflag:s31] =	ssyncset.done $0x0  }
0x1db: {  	[sflag:s31] =	ssyncadd.s32 $0xFFFFC000  }
0x1dc: {  	s8 =	sadd.s32 s8, s28  }
0x1dd: {  	s8 =	sshll.u32 s8, $0x4  }
0x1de: {  	s8 =	sadd.s32 $0x5000, s8  }
0x1df: {  	s22 =	sadd.s32 s1, s8  }
0x1e0: {  	[tilespmem:s7], [sflag:$0x4] =	stream.linear.gather [hbm4b:s22+s5], $0x80, $0x38;
	[tilespmem:$0x1C300] =	vst v63  }
.Ltmp10:
0x1e1: {  	_ = 	snop;
	(pc) =	sbr.rel .LBB2_11-.Ltmp10, $4  }
0x1e2: {  	s29 =	sadd.s32 s2, s8  }
0x1e3: {  	[tilespmem:s9], [sflag:$0x4] =	stream.linear.gather [hbm4b:s29+s5], $0x80, $0x38;
	[tilespmem:$0x1C300] =	vst v63  }
0x1e4: {  	s16 =	sadd.s32 $0x1, s16;
	s8 =	sadd.s32 s21, s8  }
0x1e5: {  	[tilespmem:s10], [sflag:$0x4] =	stream.linear.gather [hbm4b:s8+s5], $0x80, $0x38;
	[tilespmem:$0x1C300] =	vst v63  }
.LBB2_17:
0x1e6: {  	[bflag:$0x0] =	sbarrier.arrive $0xFFFF  }
0x1e7: {  	s25 =	sld [smem:$0x7F5];
	_ =	sdelay $0x1  }
0x1e8: {  	s8 =	stileid.u32  }
0x1e9: {  	s8 =	sshll.u32 s8, $0x6;
	s29 =	rddreg [dreg:$0x6];
	s16 =	sshrl.u32 s25, $0x3  }
0x1ea: {  	s15 =	sor.u32 $0x1C05, s8;
	[smem:$0x7E1] =	sst s16  }
0x1eb: {  	[hbm:s29], [sflag:s15] =	dma.local [spmem:s16], $0x800  }
0x1ec: {  	_ =	swait.ge [sflag:s31], $0x800  }
0x1ed: {  	s16 =	sld [smem:$0x7F6];
	_ =	sdelay $0x2  }
0x1ee: {  	[sflag:s31] =	ssyncset.done $0x0;
	s23 =	rddreg [dreg:$0x7];
	s22 =	sshrl.u32 s16, $0x3  }
0x1ef: {  	[sflag:s31] =	ssyncadd.s32 $0xFFFFF800;
	[smem:$0x7E2] =	sst s22  }
0x1f0: {  	[hbm:s23], [sflag:s15] =	dma.local [spmem:s22], $0x800  }
0x1f1: {  	_ =	swait.ge [sflag:s31], $0x800  }
0x1f2: {  	s24 =	sld [smem:$0x7F7];
	_ =	sdelay $0x2  }
0x1f3: {  	[sflag:s31] =	ssyncset.done $0x0;
	s29 =	rddreg [dreg:$0x8];
	s25 =	sshrl.u32 s24, $0x3  }
0x1f4: {  	[sflag:s31] =	ssyncadd.s32 $0xFFFFF800;
	[smem:$0x7E3] =	sst s25  }
0x1f5: {  	[hbm:s29], [sflag:s15] =	dma.local [spmem:s25], $0x800  }
0x1f6: {  	_ =	swait.ge [sflag:s31], $0x800  }
0x1f7: {  	s16 =	sld [smem:$0x7F8];
	_ =	sdelay $0x2  }
0x1f8: {  	[sflag:s31] =	ssyncset.done $0x0;
	s23 =	rddreg [dreg:$0x9];
	s22 =	sshrl.u32 s16, $0x3  }
0x1f9: {  	[sflag:s31] =	ssyncadd.s32 $0xFFFFF800;
	[smem:$0x7E4] =	sst s22  }
0x1fa: {  	[hbm:s23], [sflag:s15] =	dma.local [spmem:s22], $0x800  }
0x1fb: {  	_ =	swait.ge [sflag:s31], $0x800  }
0x1fc: {  	s24 =	sld [smem:$0x7F9];
	_ =	sdelay $0x2  }
0x1fd: {  	[sflag:s31] =	ssyncset.done $0x0;
	s29 =	rddreg [dreg:$0xa];
	s25 =	sshrl.u32 s24, $0x3  }
0x1fe: {  	[sflag:s31] =	ssyncadd.s32 $0xFFFFF800;
	[smem:$0x7E5] =	sst s25  }
0x1ff: {  	[hbm:s29], [sflag:s15] =	dma.local [spmem:s25], $0x800  }
0x200: {  	_ =	swait.ge [sflag:s31], $0x800  }
0x201: {  	[sflag:s31] =	ssyncset.done $0x0  }
0x202: {  	s8 =	simm.s32 $0x0;
	s16 =	simm.s32 $0x200;
	[sflag:s31] =	ssyncadd.s32 $0xFFFFF800  }
.LBB2_18:
0x203: {  	p0 =	sne.s32 s16, $0xFE00;
	[tilespmem:s8+$0x4370] =	vst v0  }
0x204: {  	[tilespmem:s8+$0x4300] =	vst v0  }
0x205: {  	[tilespmem:s8+$0x4310] =	vst v0  }
.Ltmp11:
0x206: {  	[tilespmem:s8+$0x4320] =	vst v0;
	(pc) =	sbr.rel @p0 .LBB2_18-.Ltmp11, $4  }
0x207: {  	[tilespmem:s8+$0x4330] =	vst v0  }
0x208: {  	[tilespmem:s8+$0x4340] =	vst v0  }
0x209: {  	[tilespmem:s8+$0x4350] =	vst v0  }
0x20a: {  	[tilespmem:s8+$0x4360] =	vst v0;
	s8 =	sshra.s32 s16, $0x2;
	s16 =	sadd.s32 $0x200, s16  }
0x20b: {  	[tilespmem:s8+$0x4370] =	vst v0  }
0x20c: {  	[tilespmem:s8+$0x4300] =	vst v0  }
0x20d: {  	[tilespmem:s8+$0x4310] =	vst v0  }
0x20e: {  	[tilespmem:s8+$0x4320] =	vst v0  }
0x20f: {  	[tilespmem:s8+$0x4330] =	vst v0  }
0x210: {  	[tilespmem:s8+$0x4340] =	vst v0  }
0x211: {  	[tilespmem:s8+$0x4350] =	vst v0  }
0x212: {  	[tilespmem:s8+$0x4360] =	vst v0;
	s29 =	rddreg [dreg:$0xf]  }
0x213: {  	[spmem:s29] =	stream.linear.scatter [tilespmem:s30], [sflag:$0x5], $0x4000, $0x38;
	[tilespmem:$0x1C300] =	vst v63  }
0x214: {  	_ =	swait.ge [sflag:s31], $0x4000  }
0x215: {  	s16 =	sld [smem:$0x7FA]  }
0x216: {  	[sflag:s31] =	ssyncset.done $0x0  }
0x217: {  	[sflag:s31] =	ssyncadd.s32 $0xFFFFC000  }
0x218: {  	[spmem:s16] =	stream.linear.scatter [tilespmem:s30], [sflag:$0x5], $0x4000, $0x38;
	[tilespmem:$0x1C300] =	vst v63  }
0x219: {  	_ =	swait.ge [sflag:s31], $0x4000  }
0x21a: {  	s22 =	sld [smem:$0x7FB]  }
0x21b: {  	[sflag:s31] =	ssyncset.done $0x0  }
0x21c: {  	[sflag:s31] =	ssyncadd.s32 $0xFFFFC000  }
0x21d: {  	[spmem:s22] =	stream.linear.scatter [tilespmem:s30], [sflag:$0x5], $0x4000, $0x38;
	[tilespmem:$0x1C300] =	vst v63  }
0x21e: {  	_ =	swait.ge [sflag:s31], $0x4000  }
0x21f: {  	s23 =	sld [smem:$0x7FC]  }
0x220: {  	[sflag:s31] =	ssyncset.done $0x0  }
0x221: {  	[sflag:s31] =	ssyncadd.s32 $0xFFFFC000  }
0x222: {  	[spmem:s23] =	stream.linear.scatter [tilespmem:s30], [sflag:$0x5], $0x4000, $0x38;
	[tilespmem:$0x1C300] =	vst v63  }
0x223: {  	_ =	swait.ge [sflag:s31], $0x4000  }
0x224: {  	s24 =	sld [smem:$0x7FD]  }
0x225: {  	[sflag:s31] =	ssyncset.done $0x0  }
0x226: {  	[sflag:s31] =	ssyncadd.s32 $0xFFFFC000  }
0x227: {  	[spmem:s24] =	stream.linear.scatter [tilespmem:s30], [sflag:$0x5], $0x4000, $0x38;
	[tilespmem:$0x1C300] =	vst v63  }
0x228: {  	_ =	swait.ge [sflag:s31], $0x4000  }
0x229: {  	[sflag:s31] =	ssyncset.done $0x0  }
0x22a: {  	[sflag:s31] =	ssyncadd.s32 $0xFFFFC000  }
0x22b: {  	[bflag:$0x0] =	sbarrier.arrive $0xFFFF  }
0x22c: {  	s22 =	simm.s32 $0x0;
	s25 =	rddreg [dreg:$0x19]  }
0x22d: {  	[tilespmem:s22], [sflag:$0x5] =	stream.linear.gather [hbm4b:s25+s22], $0x80, $0x38;
	[tilespmem:$0x1C300] =	vst v63  }
0x22e: {  	_ =	swait.ge [sflag:s31], $0x80  }
0x22f: {  	[sflag:s31] =	ssyncset.done $0x0  }
0x230: {  	s29 =	rddreg [dreg:$0x1a];
	[sflag:s31] =	ssyncadd.s32 $0xFFFFFF80  }
0x231: {  	[tilespmem:s0], [sflag:$0x5] =	stream.linear.gather [hbm4b:s29+s22], $0x80, $0x38;
	[tilespmem:$0x1C300] =	vst v63  }
0x232: {  	_ =	swait.ge [sflag:s31], $0x80  }
0x233: {  	[sflag:s31] =	ssyncset.done $0x0  }
0x234: {  	s16 =	rddreg [dreg:$0x1b];
	[sflag:s31] =	ssyncadd.s32 $0xFFFFFF80  }
0x235: {  	[tilespmem:s4], [sflag:$0x5] =	stream.linear.gather [hbm4b:s16+s22], $0x80, $0x38;
	[tilespmem:$0x1C300] =	vst v63  }
0x236: {  	_ =	swait.ge [sflag:s31], $0x80  }
0x237: {  	[sflag:s31] =	ssyncset.done $0x0  }
0x238: {  	s23 =	simm.s32 $0x300;
	[sflag:s31] =	ssyncadd.s32 $0xFFFFFF80  }
0x239: {  	[tilespmem:s23], [sflag:$0x1] =	stream.indirect.gather [hbm4b:s18+s7], $0x40, s22, s7, $0xb8;
	[tilespmem:$0x1C300] =	vst v63  }
0x23a: {  	s24 =	rddreg [dreg:$0x1c]  }
0x23b: {  	[tilespmem:s7], [sflag:$0x4] =	stream.linear.gather [hbm4b:s24+s22], $0x80, $0x38;
	[tilespmem:$0x1C300] =	vst v63  }
0x23c: {  	s25 =	rddreg [dreg:$0x1d]  }
0x23d: {  	[tilespmem:s9], [sflag:$0x4] =	stream.linear.gather [hbm4b:s25+s22], $0x80, $0x38;
	[tilespmem:$0x1C300] =	vst v63  }
0x23e: {  	s8 =	simm.s32 $0x0;
	s29 =	rddreg [dreg:$0x1e]  }
0x23f: {  	[tilespmem:s10], [sflag:$0x4] =	stream.linear.gather [hbm4b:s29+s22], $0x80, $0x38;
	[tilespmem:$0x1C300] =	vst v63  }
.LBB2_20:
0x240: {  	_ =	swait.ge [sflag:s11], $0x2000  }
0x241: {  	[sflag:s11] =	ssyncset.done $0x0  }
0x242: {  	[sflag:s11] =	ssyncadd.s32 $0xFFFFE000  }
0x243: {  	_ =	swait.ge [sflag:s12], $0x80  }
0x244: {  	[sflag:s12] =	ssyncset.done $0x0  }
0x245: {  	[sflag:s12] =	ssyncadd.s32 $0xFFFFFF80  }
0x246: {  	_ =	swait.ge [sflag:s12], $0x80  }
0x247: {  	[sflag:s12] =	ssyncset.done $0x0  }
0x248: {  	[sflag:s12] =	ssyncadd.s32 $0xFFFFFF80  }
0x249: {  	v1 =	vmov s22;
	_ =	swait.ge [sflag:s12], $0x80  }
0x24a: {  	[sflag:s12] =	ssyncset.done $0x0  }
0x24b: {  	s16 =	simm.s32 $0x320;
	[sflag:s12] =	ssyncadd.s32 $0xFFFFFF80  }
0x24c: {  	[tilespmem:s13], [sflag:$0x2] =	stream.indirect.gather [hbm4b:s18+s7], $0x40, s7, s7, $0xb8;
	[tilespmem:$0x1C300] =	vst v63  }
0x24d: {  	v2 =	vld [tilespmem:s16+$0xFFFFFFE0]  }
0x24e: {  	v1 =	vld.idx.msk [tilespmem:v1+s4+$0x0], $0xffff;
	_ =	sdelay $0x3  }
0x24f: {  	v3 =	vshll.u32 v2, $0x10  }
0x250: {  	v2 =	vand.u32 $0xFFFF0000, v2;
	v3 =	vmul.f32 v3, v1  }
0x251: {  	s23 =	simm.s32 $0x4340;
	v2 =	vmul.f32 v2, v1  }
0x252: {  	[tilespmem:s23+$0xFFFFFFC0] =	vst v3  }
0x253: {  	[tilespmem:s23+$0x0] =	vst v2  }
0x254: {  	v2 =	vld [tilespmem:s16+$0xFFFFFFF0];
	_ =	sdelay $0x4  }
0x255: {  	v3 =	vshll.u32 v2, $0x10  }
0x256: {  	v2 =	vand.u32 $0xFFFF0000, v2;
	v3 =	vmul.f32 v3, v1  }
0x257: {  	v2 =	vmul.f32 v2, v1  }
0x258: {  	[tilespmem:s23+$0xFFFFFFD0] =	vst v3  }
0x259: {  	[tilespmem:s23+$0x10] =	vst v2  }
0x25a: {  	v2 =	vld [tilespmem:s16+$0x0];
	_ =	sdelay $0x4  }
0x25b: {  	v3 =	vshll.u32 v2, $0x10  }
0x25c: {  	v2 =	vand.u32 $0xFFFF0000, v2;
	v3 =	vmul.f32 v3, v1  }
0x25d: {  	v2 =	vmul.f32 v2, v1  }
0x25e: {  	[tilespmem:s23+$0xFFFFFFE0] =	vst v3  }
0x25f: {  	[tilespmem:s23+$0x20] =	vst v2  }
0x260: {  	s25 =	simm.s32 $0x1;
	s24 =	simm.s32 $0x4340;
	v2 =	vld [tilespmem:s16+$0x10]  }
.LBB2_21:
0x261: {  	_ =	sdelay $0x3  }
0x262: {  	p0 =	sne.s32 s25, $0x7F;
	s23 =	sadd.s32 $0x80, s23;
	s16 =	sadd.s32 $0x40, s16;
	v3 =	vshll.u32 v2, $0x10;
	v2 =	vand.u32 $0xFFFF0000, v2  }
0x263: {  	v4 =	vmov s25;
	s25 =	sadd.s32 $0x1, s25;
	v3 =	vmul.f32 v3, v1;
	v1 =	vmul.f32 v2, v1;
	_ =	sdelay $0x1  }
0x264: {  	[tilespmem:s24+$0xFFFFFFF0] =	vst v3  }
0x265: {  	[tilespmem:s24+$0x30] =	vst v1;
	s24 =	smov.u32 s23  }
0x266: {  	v2 =	vld [tilespmem:s16+$0xFFFFFFE0]  }
0x267: {  	v1 =	vld.idx.msk [tilespmem:v4+s4+$0x0], $0xffff;
	_ =	sdelay $0x4  }
0x268: {  	v3 =	vshll.u32 v2, $0x10;
	v2 =	vand.u32 $0xFFFF0000, v2  }
0x269: {  	v3 =	vmul.f32 v3, v1;
	v2 =	vmul.f32 v2, v1;
	_ =	sdelay $0x1  }
0x26a: {  	[tilespmem:s23+$0xFFFFFFC0] =	vst v3  }
0x26b: {  	[tilespmem:s23+$0x0] =	vst v2  }
0x26c: {  	v2 =	vld [tilespmem:s16+$0xFFFFFFF0];
	_ =	sdelay $0x4  }
0x26d: {  	v3 =	vshll.u32 v2, $0x10;
	v2 =	vand.u32 $0xFFFF0000, v2  }
0x26e: {  	v3 =	vmul.f32 v3, v1;
	v2 =	vmul.f32 v2, v1;
	_ =	sdelay $0x1  }
0x26f: {  	[tilespmem:s23+$0xFFFFFFD0] =	vst v3  }
0x270: {  	[tilespmem:s23+$0x10] =	vst v2  }
0x271: {  	v2 =	vld [tilespmem:s16+$0x0];
	_ =	sdelay $0x4  }
0x272: {  	v3 =	vshll.u32 v2, $0x10;
	v2 =	vand.u32 $0xFFFF0000, v2  }
.Ltmp12:
0x273: {  	v3 =	vmul.f32 v3, v1;
	v2 =	vmul.f32 v2, v1;
	(pc) =	sbr.rel @p0 .LBB2_21-.Ltmp12, $4  }
0x274: {  	_ = 	snop  }
0x275: {  	[tilespmem:s23+$0xFFFFFFE0] =	vst v3  }
0x276: {  	[tilespmem:s23+$0x20] =	vst v2  }
0x277: {  	v2 =	vld [tilespmem:s16+$0x10]  }
0x278: {  	_ =	sdelay $0x3  }
0x279: {  	v3 =	vshll.u32 v2, $0x10  }
0x27a: {  	v2 =	vand.u32 $0xFFFF0000, v2;
	v3 =	vmul.f32 v3, v1  }
0x27b: {  	v1 =	vmul.f32 v2, v1  }
0x27c: {  	[tilespmem:s24+$0xFFFFFFF0] =	vst v3  }
0x27d: {  	[tilespmem:s24+$0x30] =	vst v1  }
0x27e: {  	[spmem:s3] =	stream.indirect.scatter.add.f32 [tilespmem:s30], [sflag:$0x5], $0x80, s0, s7, $0xb8;
	[tilespmem:$0x1C300] =	vst v63  }
0x27f: {  	_ =	swait.ge [sflag:s31], $0x4000  }
0x280: {  	s16 =	sshll.u32 s8, $0x1;
	p0 =	seq.s32 s8, $0x13;
	[sflag:s31] =	ssyncset.done $0x0  }
0x281: {  	s23 =	simm.s32 @p0 $0x2;
	s24 =	sadd.s32 @!p0 s16, s26;
	[sflag:s31] =	ssyncadd.s32 $0xFFFFC000  }
0x282: {  	s24 =	sshll.u32 @!p0 s24, $0x4;
	_ =	swait.ge @p0 [sflag:s23], $0x2000  }
0x283: {  	s24 =	sadd.s32 @!p0 $0xA000, s24;
	[sflag:s23] =	ssyncset.done @p0 $0x0  }
0x284: {  	s25 =	simm.s32 @!p0 $0x0;
	[sflag:s23] =	ssyncadd.s32 @p0 $0xFFFFE000;
	s23 =	sadd.s32 @!p0 s1, s24  }
0x285: {  	[tilespmem:s25], [sflag:$0x3] =	stream.linear.gather @!p0 [hbm4b:s23+s25], $0x80, $0x38;
	[tilespmem:$0x1C300] =	vst v63  }
0x286: {  	s29 =	simm.s32 @!p0 $0x100;
	s23 =	sadd.s32 @!p0 s2, s24  }
0x287: {  	[tilespmem:s29], [sflag:$0x3] =	stream.linear.gather @!p0 [hbm4b:s23+s25], $0x80, $0x38;
	[tilespmem:$0x1C300] =	vst v63  }
0x288: {  	s23 =	sadd.s32 @!p0 s21, s24;
	s24 =	simm.s32 @!p0 $0x200  }
0x289: {  	[tilespmem:s24], [sflag:$0x3] =	stream.linear.gather @!p0 [hbm4b:s23+s25], $0x80, $0x38;
	[tilespmem:$0x1C300] =	vst v63  }
0x28a: {  	s23 =	simm.s32 @!p0 $0x2  }
0x28b: {  	_ =	swait.ge @!p0 [sflag:s23], $0x2000  }
0x28c: {  	[sflag:s23] =	ssyncset.done @!p0 $0x0  }
0x28d: {  	[sflag:s23] =	ssyncadd.s32 @!p0 $0xFFFFE000;
	s23 =	simm.s32 @!p0 $0x3  }
0x28e: {  	_ =	swait.ge @!p0 [sflag:s23], $0x80  }
0x28f: {  	[sflag:s23] =	ssyncset.done @!p0 $0x0  }
0x290: {  	[sflag:s23] =	ssyncadd.s32 @!p0 $0xFFFFFF80  }
0x291: {  	_ =	swait.ge @!p0 [sflag:s23], $0x80  }
0x292: {  	[sflag:s23] =	ssyncset.done @!p0 $0x0  }
0x293: {  	[sflag:s23] =	ssyncadd.s32 @!p0 $0xFFFFFF80  }
0x294: {  	s24 =	simm.s32 $0x0;
	_ =	swait.ge @!p0 [sflag:s23], $0x80  }
0x295: {  	v1 =	vmov s24;
	[sflag:s23] =	ssyncset.done @!p0 $0x0  }
0x296: {  	s24 =	simm.s32 @!p0 $0x300;
	[sflag:s23] =	ssyncadd.s32 @!p0 $0xFFFFFF80;
	s23 =	simm.s32 @!p0 $0x80  }
0x297: {  	[tilespmem:s24], [sflag:$0x1] =	stream.indirect.gather @!p0 [hbm4b:s18+s23], $0x40, s25, s23, $0xb8;
	[tilespmem:$0x1C300] =	vst v63  }
0x298: {  	s23 =	simm.s32 $0x2320  }
0x299: {  	v2 =	vld [tilespmem:s23+$0xFFFFFFE0]  }
0x29a: {  	v1 =	vld.idx.msk [tilespmem:v1+s10+$0x0], $0xffff;
	_ =	sdelay $0x3  }
0x29b: {  	v3 =	vshll.u32 v2, $0x10  }
0x29c: {  	v2 =	vand.u32 $0xFFFF0000, v2;
	v3 =	vmul.f32 v3, v1  }
0x29d: {  	s24 =	simm.s32 $0x4340;
	v2 =	vmul.f32 v2, v1  }
0x29e: {  	[tilespmem:s24+$0xFFFFFFC0] =	vst v3  }
0x29f: {  	[tilespmem:s24+$0x0] =	vst v2  }
0x2a0: {  	v2 =	vld [tilespmem:s23+$0xFFFFFFF0];
	_ =	sdelay $0x4  }
0x2a1: {  	v3 =	vshll.u32 v2, $0x10  }
0x2a2: {  	v2 =	vand.u32 $0xFFFF0000, v2;
	v3 =	vmul.f32 v3, v1  }
0x2a3: {  	v2 =	vmul.f32 v2, v1  }
0x2a4: {  	[tilespmem:s24+$0xFFFFFFD0] =	vst v3  }
0x2a5: {  	[tilespmem:s24+$0x10] =	vst v2  }
0x2a6: {  	v2 =	vld [tilespmem:s23+$0x0];
	_ =	sdelay $0x4  }
0x2a7: {  	v3 =	vshll.u32 v2, $0x10  }
0x2a8: {  	v2 =	vand.u32 $0xFFFF0000, v2;
	v3 =	vmul.f32 v3, v1  }
0x2a9: {  	v2 =	vmul.f32 v2, v1  }
0x2aa: {  	[tilespmem:s24+$0xFFFFFFE0] =	vst v3  }
0x2ab: {  	[tilespmem:s24+$0x20] =	vst v2  }
0x2ac: {  	s29 =	simm.s32 $0x1;
	s25 =	simm.s32 $0x4340;
	v2 =	vld [tilespmem:s23+$0x10]  }
.LBB2_23:
0x2ad: {  	_ =	sdelay $0x3  }
0x2ae: {  	p1 =	sne.s32 s29, $0x7F;
	s24 =	sadd.s32 $0x80, s24;
	s23 =	sadd.s32 $0x40, s23;
	v3 =	vshll.u32 v2, $0x10;
	v2 =	vand.u32 $0xFFFF0000, v2  }
0x2af: {  	v4 =	vmov s29;
	s29 =	sadd.s32 $0x1, s29;
	v3 =	vmul.f32 v3, v1;
	v1 =	vmul.f32 v2, v1;
	_ =	sdelay $0x1  }
0x2b0: {  	[tilespmem:s25+$0xFFFFFFF0] =	vst v3  }
0x2b1: {  	[tilespmem:s25+$0x30] =	vst v1;
	s25 =	smov.u32 s24  }
0x2b2: {  	v2 =	vld [tilespmem:s23+$0xFFFFFFE0]  }
0x2b3: {  	v1 =	vld.idx.msk [tilespmem:v4+s10+$0x0], $0xffff;
	_ =	sdelay $0x4  }
0x2b4: {  	v3 =	vshll.u32 v2, $0x10;
	v2 =	vand.u32 $0xFFFF0000, v2  }
0x2b5: {  	v3 =	vmul.f32 v3, v1;
	v2 =	vmul.f32 v2, v1;
	_ =	sdelay $0x1  }
0x2b6: {  	[tilespmem:s24+$0xFFFFFFC0] =	vst v3  }
0x2b7: {  	[tilespmem:s24+$0x0] =	vst v2  }
0x2b8: {  	v2 =	vld [tilespmem:s23+$0xFFFFFFF0];
	_ =	sdelay $0x4  }
0x2b9: {  	v3 =	vshll.u32 v2, $0x10;
	v2 =	vand.u32 $0xFFFF0000, v2  }
0x2ba: {  	v3 =	vmul.f32 v3, v1;
	v2 =	vmul.f32 v2, v1;
	_ =	sdelay $0x1  }
0x2bb: {  	[tilespmem:s24+$0xFFFFFFD0] =	vst v3  }
0x2bc: {  	[tilespmem:s24+$0x10] =	vst v2  }
0x2bd: {  	v2 =	vld [tilespmem:s23+$0x0];
	_ =	sdelay $0x4  }
0x2be: {  	v3 =	vshll.u32 v2, $0x10;
	v2 =	vand.u32 $0xFFFF0000, v2  }
.Ltmp13:
0x2bf: {  	v3 =	vmul.f32 v3, v1;
	v2 =	vmul.f32 v2, v1;
	(pc) =	sbr.rel @p1 .LBB2_23-.Ltmp13, $4  }
0x2c0: {  	_ = 	snop  }
0x2c1: {  	[tilespmem:s24+$0xFFFFFFE0] =	vst v3  }
0x2c2: {  	[tilespmem:s24+$0x20] =	vst v2  }
0x2c3: {  	v2 =	vld [tilespmem:s23+$0x10]  }
0x2c4: {  	_ =	sdelay $0x3  }
0x2c5: {  	v3 =	vshll.u32 v2, $0x10  }
0x2c6: {  	v2 =	vand.u32 $0xFFFF0000, v2;
	v3 =	vmul.f32 v3, v1  }
0x2c7: {  	v1 =	vmul.f32 v2, v1  }
0x2c8: {  	[tilespmem:s25+$0xFFFFFFF0] =	vst v3  }
.Ltmp14:
0x2c9: {  	[tilespmem:s25+$0x30] =	vst v1;
	(pc) =	sbr.rel @p0 .LBB2_26-.Ltmp14, $4  }
0x2ca: {  	[spmem:s3] =	stream.indirect.scatter.add.f32 [tilespmem:s30], [sflag:$0x5], $0x80, s9, s7, $0xb8;
	[tilespmem:$0x1C300] =	vst v63  }
0x2cb: {  	_ =	swait.ge [sflag:s31], $0x4000  }
0x2cc: {  	[sflag:s31] =	ssyncset.done $0x0  }
0x2cd: {  	[sflag:s31] =	ssyncadd.s32 $0xFFFFC000  }
0x2ce: {  	s16 =	sadd.s32 s16, s28  }
0x2cf: {  	s16 =	sshll.u32 s16, $0x4  }
0x2d0: {  	s16 =	sadd.s32 $0xA000, s16  }
0x2d1: {  	s23 =	sadd.s32 s1, s16  }
0x2d2: {  	[tilespmem:s7], [sflag:$0x4] =	stream.linear.gather [hbm4b:s23+s5], $0x80, $0x38;
	[tilespmem:$0x1C300] =	vst v63  }
.Ltmp15:
0x2d3: {  	_ = 	snop;
	(pc) =	sbr.rel .LBB2_20-.Ltmp15, $4  }
0x2d4: {  	s29 =	sadd.s32 s2, s16  }
0x2d5: {  	[tilespmem:s9], [sflag:$0x4] =	stream.linear.gather [hbm4b:s29+s5], $0x80, $0x38;
	[tilespmem:$0x1C300] =	vst v63  }
0x2d6: {  	s8 =	sadd.s32 $0x1, s8;
	s16 =	sadd.s32 s21, s16  }
0x2d7: {  	[tilespmem:s10], [sflag:$0x4] =	stream.linear.gather [hbm4b:s16+s5], $0x80, $0x38;
	[tilespmem:$0x1C300] =	vst v63  }
.LBB2_26:
0x2d8: {  	s22 =	simm.s32 $0x0;
	s8 =	rddreg [dreg:$0x1f]  }
0x2d9: {  	[tilespmem:s22], [sflag:$0x5] =	stream.linear.gather [hbm4b:s8+s22], $0x80, $0x38;
	[tilespmem:$0x1C300] =	vst v63  }
0x2da: {  	_ =	swait.ge [sflag:s31], $0x80  }
0x2db: {  	s29 =	sld [smem:$0x7E6]  }
0x2dc: {  	[sflag:s31] =	ssyncset.done $0x0  }
0x2dd: {  	[sflag:s31] =	ssyncadd.s32 $0xFFFFFF80  }
0x2de: {  	[tilespmem:s0], [sflag:$0x5] =	stream.linear.gather [hbm4b:s29+s22], $0x80, $0x38;
	[tilespmem:$0x1C300] =	vst v63  }
0x2df: {  	_ =	swait.ge [sflag:s31], $0x80  }
0x2e0: {  	s16 =	sld [smem:$0x7E7]  }
0x2e1: {  	[sflag:s31] =	ssyncset.done $0x0  }
0x2e2: {  	[sflag:s31] =	ssyncadd.s32 $0xFFFFFF80  }
0x2e3: {  	[tilespmem:s4], [sflag:$0x5] =	stream.linear.gather [hbm4b:s16+s22], $0x80, $0x38;
	[tilespmem:$0x1C300] =	vst v63  }
0x2e4: {  	_ =	swait.ge [sflag:s31], $0x80  }
0x2e5: {  	[sflag:s31] =	ssyncset.done $0x0  }
0x2e6: {  	s23 =	simm.s32 $0x300;
	s24 =	sld [smem:$0x7E8];
	[sflag:s31] =	ssyncadd.s32 $0xFFFFFF80  }
0x2e7: {  	[tilespmem:s23], [sflag:$0x1] =	stream.indirect.gather [hbm4b:s19+s7], $0x40, s22, s7, $0xb8;
	[tilespmem:$0x1C300] =	vst v63  }
0x2e8: {  	s25 =	sld [smem:$0x7E9]  }
0x2e9: {  	[tilespmem:s7], [sflag:$0x4] =	stream.linear.gather [hbm4b:s24+s22], $0x80, $0x38;
	[tilespmem:$0x1C300] =	vst v63  }
0x2ea: {  	s29 =	sld [smem:$0x7EA]  }
0x2eb: {  	[tilespmem:s9], [sflag:$0x4] =	stream.linear.gather [hbm4b:s25+s22], $0x80, $0x38;
	[tilespmem:$0x1C300] =	vst v63  }
0x2ec: {  	s8 =	simm.s32 $0x0  }
0x2ed: {  	[tilespmem:s10], [sflag:$0x4] =	stream.linear.gather [hbm4b:s29+s22], $0x80, $0x38;
	[tilespmem:$0x1C300] =	vst v63  }
.LBB2_27:
0x2ee: {  	_ =	swait.ge [sflag:s11], $0x2000  }
0x2ef: {  	[sflag:s11] =	ssyncset.done $0x0  }
0x2f0: {  	[sflag:s11] =	ssyncadd.s32 $0xFFFFE000  }
0x2f1: {  	_ =	swait.ge [sflag:s12], $0x80  }
0x2f2: {  	[sflag:s12] =	ssyncset.done $0x0  }
0x2f3: {  	[sflag:s12] =	ssyncadd.s32 $0xFFFFFF80  }
0x2f4: {  	_ =	swait.ge [sflag:s12], $0x80  }
0x2f5: {  	[sflag:s12] =	ssyncset.done $0x0  }
0x2f6: {  	[sflag:s12] =	ssyncadd.s32 $0xFFFFFF80  }
0x2f7: {  	v1 =	vmov s22;
	_ =	swait.ge [sflag:s12], $0x80  }
0x2f8: {  	[sflag:s12] =	ssyncset.done $0x0  }
0x2f9: {  	s16 =	simm.s32 $0x320;
	[sflag:s12] =	ssyncadd.s32 $0xFFFFFF80  }
0x2fa: {  	[tilespmem:s13], [sflag:$0x2] =	stream.indirect.gather [hbm4b:s19+s7], $0x40, s7, s7, $0xb8;
	[tilespmem:$0x1C300] =	vst v63  }
0x2fb: {  	v2 =	vld [tilespmem:s16+$0xFFFFFFE0]  }
0x2fc: {  	v1 =	vld.idx.msk [tilespmem:v1+s4+$0x0], $0xffff;
	_ =	sdelay $0x3  }
0x2fd: {  	v3 =	vshll.u32 v2, $0x10  }
0x2fe: {  	v2 =	vand.u32 $0xFFFF0000, v2;
	v3 =	vmul.f32 v3, v1  }
0x2ff: {  	s23 =	simm.s32 $0x4340;
	v2 =	vmul.f32 v2, v1  }
0x300: {  	[tilespmem:s23+$0xFFFFFFC0] =	vst v3  }
0x301: {  	[tilespmem:s23+$0x0] =	vst v2  }
0x302: {  	v2 =	vld [tilespmem:s16+$0xFFFFFFF0];
	_ =	sdelay $0x4  }
0x303: {  	v3 =	vshll.u32 v2, $0x10  }
0x304: {  	v2 =	vand.u32 $0xFFFF0000, v2;
	v3 =	vmul.f32 v3, v1  }
0x305: {  	v2 =	vmul.f32 v2, v1  }
0x306: {  	[tilespmem:s23+$0xFFFFFFD0] =	vst v3  }
0x307: {  	[tilespmem:s23+$0x10] =	vst v2  }
0x308: {  	v2 =	vld [tilespmem:s16+$0x0];
	_ =	sdelay $0x4  }
0x309: {  	v3 =	vshll.u32 v2, $0x10  }
0x30a: {  	v2 =	vand.u32 $0xFFFF0000, v2;
	v3 =	vmul.f32 v3, v1  }
0x30b: {  	v2 =	vmul.f32 v2, v1  }
0x30c: {  	[tilespmem:s23+$0xFFFFFFE0] =	vst v3  }
0x30d: {  	[tilespmem:s23+$0x20] =	vst v2  }
0x30e: {  	s25 =	simm.s32 $0x1;
	s24 =	simm.s32 $0x4340;
	v2 =	vld [tilespmem:s16+$0x10]  }
.LBB2_28:
0x30f: {  	_ =	sdelay $0x3  }
0x310: {  	p0 =	sne.s32 s25, $0x7F;
	s23 =	sadd.s32 $0x80, s23;
	s16 =	sadd.s32 $0x40, s16;
	v3 =	vshll.u32 v2, $0x10;
	v2 =	vand.u32 $0xFFFF0000, v2  }
0x311: {  	v4 =	vmov s25;
	s25 =	sadd.s32 $0x1, s25;
	v3 =	vmul.f32 v3, v1;
	v1 =	vmul.f32 v2, v1;
	_ =	sdelay $0x1  }
0x312: {  	[tilespmem:s24+$0xFFFFFFF0] =	vst v3  }
0x313: {  	[tilespmem:s24+$0x30] =	vst v1;
	s24 =	smov.u32 s23  }
0x314: {  	v2 =	vld [tilespmem:s16+$0xFFFFFFE0]  }
0x315: {  	v1 =	vld.idx.msk [tilespmem:v4+s4+$0x0], $0xffff;
	_ =	sdelay $0x4  }
0x316: {  	v3 =	vshll.u32 v2, $0x10;
	v2 =	vand.u32 $0xFFFF0000, v2  }
0x317: {  	v3 =	vmul.f32 v3, v1;
	v2 =	vmul.f32 v2, v1;
	_ =	sdelay $0x1  }
0x318: {  	[tilespmem:s23+$0xFFFFFFC0] =	vst v3  }
0x319: {  	[tilespmem:s23+$0x0] =	vst v2  }
0x31a: {  	v2 =	vld [tilespmem:s16+$0xFFFFFFF0];
	_ =	sdelay $0x4  }
0x31b: {  	v3 =	vshll.u32 v2, $0x10;
	v2 =	vand.u32 $0xFFFF0000, v2  }
0x31c: {  	v3 =	vmul.f32 v3, v1;
	v2 =	vmul.f32 v2, v1;
	_ =	sdelay $0x1  }
0x31d: {  	[tilespmem:s23+$0xFFFFFFD0] =	vst v3  }
0x31e: {  	[tilespmem:s23+$0x10] =	vst v2  }
0x31f: {  	v2 =	vld [tilespmem:s16+$0x0];
	_ =	sdelay $0x4  }
0x320: {  	v3 =	vshll.u32 v2, $0x10;
	v2 =	vand.u32 $0xFFFF0000, v2  }
.Ltmp16:
0x321: {  	v3 =	vmul.f32 v3, v1;
	v2 =	vmul.f32 v2, v1;
	(pc) =	sbr.rel @p0 .LBB2_28-.Ltmp16, $4  }
0x322: {  	_ = 	snop  }
0x323: {  	[tilespmem:s23+$0xFFFFFFE0] =	vst v3  }
0x324: {  	[tilespmem:s23+$0x20] =	vst v2  }
0x325: {  	v2 =	vld [tilespmem:s16+$0x10]  }
0x326: {  	_ =	sdelay $0x3  }
0x327: {  	v3 =	vshll.u32 v2, $0x10  }
0x328: {  	v2 =	vand.u32 $0xFFFF0000, v2;
	v3 =	vmul.f32 v3, v1  }
0x329: {  	v1 =	vmul.f32 v2, v1  }
0x32a: {  	[tilespmem:s24+$0xFFFFFFF0] =	vst v3  }
0x32b: {  	[tilespmem:s24+$0x30] =	vst v1  }
0x32c: {  	[spmem:s3] =	stream.indirect.scatter.add.f32 [tilespmem:s30], [sflag:$0x5], $0x80, s0, s7, $0xb8;
	[tilespmem:$0x1C300] =	vst v63  }
0x32d: {  	_ =	swait.ge [sflag:s31], $0x4000  }
0x32e: {  	s16 =	sshll.u32 s8, $0x1;
	p0 =	seq.s32 s8, $0x13;
	[sflag:s31] =	ssyncset.done $0x0  }
0x32f: {  	s23 =	simm.s32 @p0 $0x2;
	s24 =	sadd.s32 @!p0 s16, s26;
	[sflag:s31] =	ssyncadd.s32 $0xFFFFC000  }
0x330: {  	s24 =	sshll.u32 @!p0 s24, $0x4;
	_ =	swait.ge @p0 [sflag:s23], $0x2000  }
0x331: {  	s24 =	sadd.s32 @!p0 $0xF000, s24;
	[sflag:s23] =	ssyncset.done @p0 $0x0  }
0x332: {  	s25 =	simm.s32 @!p0 $0x0;
	[sflag:s23] =	ssyncadd.s32 @p0 $0xFFFFE000;
	s23 =	sadd.s32 @!p0 s1, s24  }
0x333: {  	[tilespmem:s25], [sflag:$0x3] =	stream.linear.gather @!p0 [hbm4b:s23+s25], $0x80, $0x38;
	[tilespmem:$0x1C300] =	vst v63  }
0x334: {  	s29 =	simm.s32 @!p0 $0x100;
	s23 =	sadd.s32 @!p0 s2, s24  }
0x335: {  	[tilespmem:s29], [sflag:$0x3] =	stream.linear.gather @!p0 [hbm4b:s23+s25], $0x80, $0x38;
	[tilespmem:$0x1C300] =	vst v63  }
0x336: {  	s23 =	sadd.s32 @!p0 s21, s24;
	s24 =	simm.s32 @!p0 $0x200  }
0x337: {  	[tilespmem:s24], [sflag:$0x3] =	stream.linear.gather @!p0 [hbm4b:s23+s25], $0x80, $0x38;
	[tilespmem:$0x1C300] =	vst v63  }
0x338: {  	s23 =	simm.s32 @!p0 $0x2  }
0x339: {  	_ =	swait.ge @!p0 [sflag:s23], $0x2000  }
0x33a: {  	[sflag:s23] =	ssyncset.done @!p0 $0x0  }
0x33b: {  	[sflag:s23] =	ssyncadd.s32 @!p0 $0xFFFFE000;
	s23 =	simm.s32 @!p0 $0x3  }
0x33c: {  	_ =	swait.ge @!p0 [sflag:s23], $0x80  }
0x33d: {  	[sflag:s23] =	ssyncset.done @!p0 $0x0  }
0x33e: {  	[sflag:s23] =	ssyncadd.s32 @!p0 $0xFFFFFF80  }
0x33f: {  	_ =	swait.ge @!p0 [sflag:s23], $0x80  }
0x340: {  	[sflag:s23] =	ssyncset.done @!p0 $0x0  }
0x341: {  	[sflag:s23] =	ssyncadd.s32 @!p0 $0xFFFFFF80  }
0x342: {  	s24 =	simm.s32 $0x0;
	_ =	swait.ge @!p0 [sflag:s23], $0x80  }
0x343: {  	v1 =	vmov s24;
	[sflag:s23] =	ssyncset.done @!p0 $0x0  }
0x344: {  	s24 =	simm.s32 @!p0 $0x300;
	[sflag:s23] =	ssyncadd.s32 @!p0 $0xFFFFFF80;
	s23 =	simm.s32 @!p0 $0x80  }
0x345: {  	[tilespmem:s24], [sflag:$0x1] =	stream.indirect.gather @!p0 [hbm4b:s19+s23], $0x40, s25, s23, $0xb8;
	[tilespmem:$0x1C300] =	vst v63  }
0x346: {  	s23 =	simm.s32 $0x2320  }
0x347: {  	v2 =	vld [tilespmem:s23+$0xFFFFFFE0]  }
0x348: {  	v1 =	vld.idx.msk [tilespmem:v1+s10+$0x0], $0xffff;
	_ =	sdelay $0x3  }
0x349: {  	v3 =	vshll.u32 v2, $0x10  }
0x34a: {  	v2 =	vand.u32 $0xFFFF0000, v2;
	v3 =	vmul.f32 v3, v1  }
0x34b: {  	s24 =	simm.s32 $0x4340;
	v2 =	vmul.f32 v2, v1  }
0x34c: {  	[tilespmem:s24+$0xFFFFFFC0] =	vst v3  }
0x34d: {  	[tilespmem:s24+$0x0] =	vst v2  }
0x34e: {  	v2 =	vld [tilespmem:s23+$0xFFFFFFF0];
	_ =	sdelay $0x4  }
0x34f: {  	v3 =	vshll.u32 v2, $0x10  }
0x350: {  	v2 =	vand.u32 $0xFFFF0000, v2;
	v3 =	vmul.f32 v3, v1  }
0x351: {  	v2 =	vmul.f32 v2, v1  }
0x352: {  	[tilespmem:s24+$0xFFFFFFD0] =	vst v3  }
0x353: {  	[tilespmem:s24+$0x10] =	vst v2  }
0x354: {  	v2 =	vld [tilespmem:s23+$0x0];
	_ =	sdelay $0x4  }
0x355: {  	v3 =	vshll.u32 v2, $0x10  }
0x356: {  	v2 =	vand.u32 $0xFFFF0000, v2;
	v3 =	vmul.f32 v3, v1  }
0x357: {  	v2 =	vmul.f32 v2, v1  }
0x358: {  	[tilespmem:s24+$0xFFFFFFE0] =	vst v3  }
0x359: {  	[tilespmem:s24+$0x20] =	vst v2  }
0x35a: {  	s29 =	simm.s32 $0x1;
	s25 =	simm.s32 $0x4340;
	v2 =	vld [tilespmem:s23+$0x10]  }
.LBB2_30:
0x35b: {  	_ =	sdelay $0x3  }
0x35c: {  	p1 =	sne.s32 s29, $0x7F;
	s24 =	sadd.s32 $0x80, s24;
	s23 =	sadd.s32 $0x40, s23;
	v3 =	vshll.u32 v2, $0x10;
	v2 =	vand.u32 $0xFFFF0000, v2  }
0x35d: {  	v4 =	vmov s29;
	s29 =	sadd.s32 $0x1, s29;
	v3 =	vmul.f32 v3, v1;
	v1 =	vmul.f32 v2, v1;
	_ =	sdelay $0x1  }
0x35e: {  	[tilespmem:s25+$0xFFFFFFF0] =	vst v3  }
0x35f: {  	[tilespmem:s25+$0x30] =	vst v1;
	s25 =	smov.u32 s24  }
0x360: {  	v2 =	vld [tilespmem:s23+$0xFFFFFFE0]  }
0x361: {  	v1 =	vld.idx.msk [tilespmem:v4+s10+$0x0], $0xffff;
	_ =	sdelay $0x4  }
0x362: {  	v3 =	vshll.u32 v2, $0x10;
	v2 =	vand.u32 $0xFFFF0000, v2  }
0x363: {  	v3 =	vmul.f32 v3, v1;
	v2 =	vmul.f32 v2, v1;
	_ =	sdelay $0x1  }
0x364: {  	[tilespmem:s24+$0xFFFFFFC0] =	vst v3  }
0x365: {  	[tilespmem:s24+$0x0] =	vst v2  }
0x366: {  	v2 =	vld [tilespmem:s23+$0xFFFFFFF0];
	_ =	sdelay $0x4  }
0x367: {  	v3 =	vshll.u32 v2, $0x10;
	v2 =	vand.u32 $0xFFFF0000, v2  }
0x368: {  	v3 =	vmul.f32 v3, v1;
	v2 =	vmul.f32 v2, v1;
	_ =	sdelay $0x1  }
0x369: {  	[tilespmem:s24+$0xFFFFFFD0] =	vst v3  }
0x36a: {  	[tilespmem:s24+$0x10] =	vst v2  }
0x36b: {  	v2 =	vld [tilespmem:s23+$0x0];
	_ =	sdelay $0x4  }
0x36c: {  	v3 =	vshll.u32 v2, $0x10;
	v2 =	vand.u32 $0xFFFF0000, v2  }
.Ltmp17:
0x36d: {  	v3 =	vmul.f32 v3, v1;
	v2 =	vmul.f32 v2, v1;
	(pc) =	sbr.rel @p1 .LBB2_30-.Ltmp17, $4  }
0x36e: {  	_ = 	snop  }
0x36f: {  	[tilespmem:s24+$0xFFFFFFE0] =	vst v3  }
0x370: {  	[tilespmem:s24+$0x20] =	vst v2  }
0x371: {  	v2 =	vld [tilespmem:s23+$0x10]  }
0x372: {  	_ =	sdelay $0x3  }
0x373: {  	v3 =	vshll.u32 v2, $0x10  }
0x374: {  	v2 =	vand.u32 $0xFFFF0000, v2;
	v3 =	vmul.f32 v3, v1  }
0x375: {  	v1 =	vmul.f32 v2, v1  }
0x376: {  	[tilespmem:s25+$0xFFFFFFF0] =	vst v3  }
.Ltmp18:
0x377: {  	[tilespmem:s25+$0x30] =	vst v1;
	(pc) =	sbr.rel @p0 .LBB2_33-.Ltmp18, $4  }
0x378: {  	[spmem:s3] =	stream.indirect.scatter.add.f32 [tilespmem:s30], [sflag:$0x5], $0x80, s9, s7, $0xb8;
	[tilespmem:$0x1C300] =	vst v63  }
0x379: {  	_ =	swait.ge [sflag:s31], $0x4000  }
0x37a: {  	[sflag:s31] =	ssyncset.done $0x0  }
0x37b: {  	[sflag:s31] =	ssyncadd.s32 $0xFFFFC000  }
0x37c: {  	s16 =	sadd.s32 s16, s28  }
0x37d: {  	s16 =	sshll.u32 s16, $0x4  }
0x37e: {  	s16 =	sadd.s32 $0xF000, s16  }
0x37f: {  	s23 =	sadd.s32 s1, s16  }
0x380: {  	[tilespmem:s7], [sflag:$0x4] =	stream.linear.gather [hbm4b:s23+s5], $0x80, $0x38;
	[tilespmem:$0x1C300] =	vst v63  }
.Ltmp19:
0x381: {  	_ = 	snop;
	(pc) =	sbr.rel .LBB2_27-.Ltmp19, $4  }
0x382: {  	s29 =	sadd.s32 s2, s16  }
0x383: {  	[tilespmem:s9], [sflag:$0x4] =	stream.linear.gather [hbm4b:s29+s5], $0x80, $0x38;
	[tilespmem:$0x1C300] =	vst v63  }
0x384: {  	s8 =	sadd.s32 $0x1, s8;
	s16 =	sadd.s32 s21, s16  }
0x385: {  	[tilespmem:s10], [sflag:$0x4] =	stream.linear.gather [hbm4b:s16+s5], $0x80, $0x38;
	[tilespmem:$0x1C300] =	vst v63  }
.LBB2_33:
0x386: {  	s8 =	sld [smem:$0x7EE];
	_ =	sdelay $0x1  }
0x387: {  	s22 =	simm.s32 $0x0  }
0x388: {  	[tilespmem:s22], [sflag:$0x5] =	stream.linear.gather [hbm4b:s8+s22], $0x80, $0x38;
	[tilespmem:$0x1C300] =	vst v63  }
0x389: {  	_ =	swait.ge [sflag:s31], $0x80  }
0x38a: {  	s29 =	sld [smem:$0x7EF]  }
0x38b: {  	[sflag:s31] =	ssyncset.done $0x0  }
0x38c: {  	[sflag:s31] =	ssyncadd.s32 $0xFFFFFF80  }
0x38d: {  	[tilespmem:s0], [sflag:$0x5] =	stream.linear.gather [hbm4b:s29+s22], $0x80, $0x38;
	[tilespmem:$0x1C300] =	vst v63  }
0x38e: {  	_ =	swait.ge [sflag:s31], $0x80  }
0x38f: {  	s16 =	sld [smem:$0x7F0]  }
0x390: {  	[sflag:s31] =	ssyncset.done $0x0  }
0x391: {  	[sflag:s31] =	ssyncadd.s32 $0xFFFFFF80  }
0x392: {  	[tilespmem:s4], [sflag:$0x5] =	stream.linear.gather [hbm4b:s16+s22], $0x80, $0x38;
	[tilespmem:$0x1C300] =	vst v63  }
0x393: {  	_ =	swait.ge [sflag:s31], $0x80  }
0x394: {  	[sflag:s31] =	ssyncset.done $0x0  }
0x395: {  	s23 =	simm.s32 $0x300;
	s24 =	sld [smem:$0x7F1];
	[sflag:s31] =	ssyncadd.s32 $0xFFFFFF80  }
0x396: {  	[tilespmem:s23], [sflag:$0x1] =	stream.indirect.gather [hbm4b:s20+s7], $0x40, s22, s7, $0xb8;
	[tilespmem:$0x1C300] =	vst v63  }
0x397: {  	s25 =	sld [smem:$0x7F2]  }
0x398: {  	[tilespmem:s7], [sflag:$0x4] =	stream.linear.gather [hbm4b:s24+s22], $0x80, $0x38;
	[tilespmem:$0x1C300] =	vst v63  }
0x399: {  	s29 =	sld [smem:$0x7F3]  }
0x39a: {  	[tilespmem:s9], [sflag:$0x4] =	stream.linear.gather [hbm4b:s25+s22], $0x80, $0x38;
	[tilespmem:$0x1C300] =	vst v63  }
0x39b: {  	s8 =	simm.s32 $0x0  }
0x39c: {  	[tilespmem:s10], [sflag:$0x4] =	stream.linear.gather [hbm4b:s29+s22], $0x80, $0x38;
	[tilespmem:$0x1C300] =	vst v63  }
.LBB2_34:
0x39d: {  	_ =	swait.ge [sflag:s11], $0x2000  }
0x39e: {  	[sflag:s11] =	ssyncset.done $0x0  }
0x39f: {  	[sflag:s11] =	ssyncadd.s32 $0xFFFFE000  }
0x3a0: {  	_ =	swait.ge [sflag:s12], $0x80  }
0x3a1: {  	[sflag:s12] =	ssyncset.done $0x0  }
0x3a2: {  	[sflag:s12] =	ssyncadd.s32 $0xFFFFFF80  }
0x3a3: {  	_ =	swait.ge [sflag:s12], $0x80  }
0x3a4: {  	[sflag:s12] =	ssyncset.done $0x0  }
0x3a5: {  	[sflag:s12] =	ssyncadd.s32 $0xFFFFFF80  }
0x3a6: {  	v1 =	vmov s22;
	_ =	swait.ge [sflag:s12], $0x80  }
0x3a7: {  	[sflag:s12] =	ssyncset.done $0x0  }
0x3a8: {  	s16 =	simm.s32 $0x320;
	[sflag:s12] =	ssyncadd.s32 $0xFFFFFF80  }
0x3a9: {  	[tilespmem:s13], [sflag:$0x2] =	stream.indirect.gather [hbm4b:s20+s7], $0x40, s7, s7, $0xb8;
	[tilespmem:$0x1C300] =	vst v63  }
0x3aa: {  	v2 =	vld [tilespmem:s16+$0xFFFFFFE0]  }
0x3ab: {  	v1 =	vld.idx.msk [tilespmem:v1+s4+$0x0], $0xffff;
	_ =	sdelay $0x3  }
0x3ac: {  	v3 =	vshll.u32 v2, $0x10  }
0x3ad: {  	v2 =	vand.u32 $0xFFFF0000, v2;
	v3 =	vmul.f32 v3, v1  }
0x3ae: {  	s23 =	simm.s32 $0x4340;
	v2 =	vmul.f32 v2, v1  }
0x3af: {  	[tilespmem:s23+$0xFFFFFFC0] =	vst v3  }
0x3b0: {  	[tilespmem:s23+$0x0] =	vst v2  }
0x3b1: {  	v2 =	vld [tilespmem:s16+$0xFFFFFFF0];
	_ =	sdelay $0x4  }
0x3b2: {  	v3 =	vshll.u32 v2, $0x10  }
0x3b3: {  	v2 =	vand.u32 $0xFFFF0000, v2;
	v3 =	vmul.f32 v3, v1  }
0x3b4: {  	v2 =	vmul.f32 v2, v1  }
0x3b5: {  	[tilespmem:s23+$0xFFFFFFD0] =	vst v3  }
0x3b6: {  	[tilespmem:s23+$0x10] =	vst v2  }
0x3b7: {  	v2 =	vld [tilespmem:s16+$0x0];
	_ =	sdelay $0x4  }
0x3b8: {  	v3 =	vshll.u32 v2, $0x10  }
0x3b9: {  	v2 =	vand.u32 $0xFFFF0000, v2;
	v3 =	vmul.f32 v3, v1  }
0x3ba: {  	v2 =	vmul.f32 v2, v1  }
0x3bb: {  	[tilespmem:s23+$0xFFFFFFE0] =	vst v3  }
0x3bc: {  	[tilespmem:s23+$0x20] =	vst v2  }
0x3bd: {  	s25 =	simm.s32 $0x1;
	s24 =	simm.s32 $0x4340;
	v2 =	vld [tilespmem:s16+$0x10]  }
.LBB2_35:
0x3be: {  	_ =	sdelay $0x3  }
0x3bf: {  	p0 =	sne.s32 s25, $0x7F;
	s23 =	sadd.s32 $0x80, s23;
	s16 =	sadd.s32 $0x40, s16;
	v3 =	vshll.u32 v2, $0x10;
	v2 =	vand.u32 $0xFFFF0000, v2  }
0x3c0: {  	v4 =	vmov s25;
	s25 =	sadd.s32 $0x1, s25;
	v3 =	vmul.f32 v3, v1;
	v1 =	vmul.f32 v2, v1;
	_ =	sdelay $0x1  }
0x3c1: {  	[tilespmem:s24+$0xFFFFFFF0] =	vst v3  }
0x3c2: {  	[tilespmem:s24+$0x30] =	vst v1;
	s24 =	smov.u32 s23  }
0x3c3: {  	v2 =	vld [tilespmem:s16+$0xFFFFFFE0]  }
0x3c4: {  	v1 =	vld.idx.msk [tilespmem:v4+s4+$0x0], $0xffff;
	_ =	sdelay $0x4  }
0x3c5: {  	v3 =	vshll.u32 v2, $0x10;
	v2 =	vand.u32 $0xFFFF0000, v2  }
0x3c6: {  	v3 =	vmul.f32 v3, v1;
	v2 =	vmul.f32 v2, v1;
	_ =	sdelay $0x1  }
0x3c7: {  	[tilespmem:s23+$0xFFFFFFC0] =	vst v3  }
0x3c8: {  	[tilespmem:s23+$0x0] =	vst v2  }
0x3c9: {  	v2 =	vld [tilespmem:s16+$0xFFFFFFF0];
	_ =	sdelay $0x4  }
0x3ca: {  	v3 =	vshll.u32 v2, $0x10;
	v2 =	vand.u32 $0xFFFF0000, v2  }
0x3cb: {  	v3 =	vmul.f32 v3, v1;
	v2 =	vmul.f32 v2, v1;
	_ =	sdelay $0x1  }
0x3cc: {  	[tilespmem:s23+$0xFFFFFFD0] =	vst v3  }
0x3cd: {  	[tilespmem:s23+$0x10] =	vst v2  }
0x3ce: {  	v2 =	vld [tilespmem:s16+$0x0];
	_ =	sdelay $0x4  }
0x3cf: {  	v3 =	vshll.u32 v2, $0x10;
	v2 =	vand.u32 $0xFFFF0000, v2  }
.Ltmp20:
0x3d0: {  	v3 =	vmul.f32 v3, v1;
	v2 =	vmul.f32 v2, v1;
	(pc) =	sbr.rel @p0 .LBB2_35-.Ltmp20, $4  }
0x3d1: {  	_ = 	snop  }
0x3d2: {  	[tilespmem:s23+$0xFFFFFFE0] =	vst v3  }
0x3d3: {  	[tilespmem:s23+$0x20] =	vst v2  }
0x3d4: {  	v2 =	vld [tilespmem:s16+$0x10]  }
0x3d5: {  	_ =	sdelay $0x3  }
0x3d6: {  	v3 =	vshll.u32 v2, $0x10  }
0x3d7: {  	v2 =	vand.u32 $0xFFFF0000, v2;
	v3 =	vmul.f32 v3, v1  }
0x3d8: {  	v1 =	vmul.f32 v2, v1  }
0x3d9: {  	[tilespmem:s24+$0xFFFFFFF0] =	vst v3  }
0x3da: {  	[tilespmem:s24+$0x30] =	vst v1  }
0x3db: {  	[spmem:s3] =	stream.indirect.scatter.add.f32 [tilespmem:s30], [sflag:$0x5], $0x80, s0, s7, $0xb8;
	[tilespmem:$0x1C300] =	vst v63  }
0x3dc: {  	_ =	swait.ge [sflag:s31], $0x4000  }
0x3dd: {  	s16 =	sshll.u32 s8, $0x1;
	p0 =	seq.s32 s8, $0x13;
	[sflag:s31] =	ssyncset.done $0x0  }
0x3de: {  	s23 =	simm.s32 @p0 $0x2;
	s24 =	sadd.s32 @!p0 s16, s26;
	[sflag:s31] =	ssyncadd.s32 $0xFFFFC000  }
0x3df: {  	s24 =	sshll.u32 @!p0 s24, $0x4;
	_ =	swait.ge @p0 [sflag:s23], $0x2000  }
0x3e0: {  	s24 =	sadd.s32 @!p0 $0x14000, s24;
	[sflag:s23] =	ssyncset.done @p0 $0x0  }
0x3e1: {  	s25 =	simm.s32 @!p0 $0x0;
	[sflag:s23] =	ssyncadd.s32 @p0 $0xFFFFE000;
	s23 =	sadd.s32 @!p0 s1, s24  }
0x3e2: {  	[tilespmem:s25], [sflag:$0x3] =	stream.linear.gather @!p0 [hbm4b:s23+s25], $0x80, $0x38;
	[tilespmem:$0x1C300] =	vst v63  }
0x3e3: {  	s29 =	simm.s32 @!p0 $0x100;
	s23 =	sadd.s32 @!p0 s2, s24  }
0x3e4: {  	[tilespmem:s29], [sflag:$0x3] =	stream.linear.gather @!p0 [hbm4b:s23+s25], $0x80, $0x38;
	[tilespmem:$0x1C300] =	vst v63  }
0x3e5: {  	s23 =	sadd.s32 @!p0 s21, s24;
	s24 =	simm.s32 @!p0 $0x200  }
0x3e6: {  	[tilespmem:s24], [sflag:$0x3] =	stream.linear.gather @!p0 [hbm4b:s23+s25], $0x80, $0x38;
	[tilespmem:$0x1C300] =	vst v63  }
0x3e7: {  	s23 =	simm.s32 @!p0 $0x2  }
0x3e8: {  	_ =	swait.ge @!p0 [sflag:s23], $0x2000  }
0x3e9: {  	[sflag:s23] =	ssyncset.done @!p0 $0x0  }
0x3ea: {  	[sflag:s23] =	ssyncadd.s32 @!p0 $0xFFFFE000;
	s23 =	simm.s32 @!p0 $0x3  }
0x3eb: {  	_ =	swait.ge @!p0 [sflag:s23], $0x80  }
0x3ec: {  	[sflag:s23] =	ssyncset.done @!p0 $0x0  }
0x3ed: {  	[sflag:s23] =	ssyncadd.s32 @!p0 $0xFFFFFF80  }
0x3ee: {  	_ =	swait.ge @!p0 [sflag:s23], $0x80  }
0x3ef: {  	[sflag:s23] =	ssyncset.done @!p0 $0x0  }
0x3f0: {  	[sflag:s23] =	ssyncadd.s32 @!p0 $0xFFFFFF80  }
0x3f1: {  	s24 =	simm.s32 $0x0;
	_ =	swait.ge @!p0 [sflag:s23], $0x80  }
0x3f2: {  	v1 =	vmov s24;
	[sflag:s23] =	ssyncset.done @!p0 $0x0  }
0x3f3: {  	s24 =	simm.s32 @!p0 $0x300;
	[sflag:s23] =	ssyncadd.s32 @!p0 $0xFFFFFF80;
	s23 =	simm.s32 @!p0 $0x80  }
0x3f4: {  	[tilespmem:s24], [sflag:$0x1] =	stream.indirect.gather @!p0 [hbm4b:s20+s23], $0x40, s25, s23, $0xb8;
	[tilespmem:$0x1C300] =	vst v63  }
0x3f5: {  	s23 =	simm.s32 $0x2320  }
0x3f6: {  	v2 =	vld [tilespmem:s23+$0xFFFFFFE0]  }
0x3f7: {  	v1 =	vld.idx.msk [tilespmem:v1+s10+$0x0], $0xffff;
	_ =	sdelay $0x3  }
0x3f8: {  	v3 =	vshll.u32 v2, $0x10  }
0x3f9: {  	v2 =	vand.u32 $0xFFFF0000, v2;
	v3 =	vmul.f32 v3, v1  }
0x3fa: {  	s24 =	simm.s32 $0x4340;
	v2 =	vmul.f32 v2, v1  }
0x3fb: {  	[tilespmem:s24+$0xFFFFFFC0] =	vst v3  }
0x3fc: {  	[tilespmem:s24+$0x0] =	vst v2  }
0x3fd: {  	v2 =	vld [tilespmem:s23+$0xFFFFFFF0];
	_ =	sdelay $0x4  }
0x3fe: {  	v3 =	vshll.u32 v2, $0x10  }
0x3ff: {  	v2 =	vand.u32 $0xFFFF0000, v2;
	v3 =	vmul.f32 v3, v1  }
0x400: {  	v2 =	vmul.f32 v2, v1  }
0x401: {  	[tilespmem:s24+$0xFFFFFFD0] =	vst v3  }
0x402: {  	[tilespmem:s24+$0x10] =	vst v2  }
0x403: {  	v2 =	vld [tilespmem:s23+$0x0];
	_ =	sdelay $0x4  }
0x404: {  	v3 =	vshll.u32 v2, $0x10  }
0x405: {  	v2 =	vand.u32 $0xFFFF0000, v2;
	v3 =	vmul.f32 v3, v1  }
0x406: {  	v2 =	vmul.f32 v2, v1  }
0x407: {  	[tilespmem:s24+$0xFFFFFFE0] =	vst v3  }
0x408: {  	[tilespmem:s24+$0x20] =	vst v2  }
0x409: {  	s29 =	simm.s32 $0x1;
	s25 =	simm.s32 $0x4340;
	v2 =	vld [tilespmem:s23+$0x10]  }
.LBB2_37:
0x40a: {  	_ =	sdelay $0x3  }
0x40b: {  	p1 =	sne.s32 s29, $0x7F;
	s24 =	sadd.s32 $0x80, s24;
	s23 =	sadd.s32 $0x40, s23;
	v3 =	vshll.u32 v2, $0x10;
	v2 =	vand.u32 $0xFFFF0000, v2  }
0x40c: {  	v4 =	vmov s29;
	s29 =	sadd.s32 $0x1, s29;
	v3 =	vmul.f32 v3, v1;
	v1 =	vmul.f32 v2, v1;
	_ =	sdelay $0x1  }
0x40d: {  	[tilespmem:s25+$0xFFFFFFF0] =	vst v3  }
0x40e: {  	[tilespmem:s25+$0x30] =	vst v1;
	s25 =	smov.u32 s24  }
0x40f: {  	v2 =	vld [tilespmem:s23+$0xFFFFFFE0]  }
0x410: {  	v1 =	vld.idx.msk [tilespmem:v4+s10+$0x0], $0xffff;
	_ =	sdelay $0x4  }
0x411: {  	v3 =	vshll.u32 v2, $0x10;
	v2 =	vand.u32 $0xFFFF0000, v2  }
0x412: {  	v3 =	vmul.f32 v3, v1;
	v2 =	vmul.f32 v2, v1;
	_ =	sdelay $0x1  }
0x413: {  	[tilespmem:s24+$0xFFFFFFC0] =	vst v3  }
0x414: {  	[tilespmem:s24+$0x0] =	vst v2  }
0x415: {  	v2 =	vld [tilespmem:s23+$0xFFFFFFF0];
	_ =	sdelay $0x4  }
0x416: {  	v3 =	vshll.u32 v2, $0x10;
	v2 =	vand.u32 $0xFFFF0000, v2  }
0x417: {  	v3 =	vmul.f32 v3, v1;
	v2 =	vmul.f32 v2, v1;
	_ =	sdelay $0x1  }
0x418: {  	[tilespmem:s24+$0xFFFFFFD0] =	vst v3  }
0x419: {  	[tilespmem:s24+$0x10] =	vst v2  }
0x41a: {  	v2 =	vld [tilespmem:s23+$0x0];
	_ =	sdelay $0x4  }
0x41b: {  	v3 =	vshll.u32 v2, $0x10;
	v2 =	vand.u32 $0xFFFF0000, v2  }
.Ltmp21:
0x41c: {  	v3 =	vmul.f32 v3, v1;
	v2 =	vmul.f32 v2, v1;
	(pc) =	sbr.rel @p1 .LBB2_37-.Ltmp21, $4  }
0x41d: {  	_ = 	snop  }
0x41e: {  	[tilespmem:s24+$0xFFFFFFE0] =	vst v3  }
0x41f: {  	[tilespmem:s24+$0x20] =	vst v2  }
0x420: {  	v2 =	vld [tilespmem:s23+$0x10]  }
0x421: {  	_ =	sdelay $0x3  }
0x422: {  	v3 =	vshll.u32 v2, $0x10  }
0x423: {  	v2 =	vand.u32 $0xFFFF0000, v2;
	v3 =	vmul.f32 v3, v1  }
0x424: {  	v1 =	vmul.f32 v2, v1  }
0x425: {  	[tilespmem:s25+$0xFFFFFFF0] =	vst v3  }
.Ltmp22:
0x426: {  	[tilespmem:s25+$0x30] =	vst v1;
	(pc) =	sbr.rel @p0 .LBB2_40-.Ltmp22, $4  }
0x427: {  	[spmem:s3] =	stream.indirect.scatter.add.f32 [tilespmem:s30], [sflag:$0x5], $0x80, s9, s7, $0xb8;
	[tilespmem:$0x1C300] =	vst v63  }
0x428: {  	_ =	swait.ge [sflag:s31], $0x4000  }
0x429: {  	[sflag:s31] =	ssyncset.done $0x0  }
0x42a: {  	[sflag:s31] =	ssyncadd.s32 $0xFFFFC000  }
0x42b: {  	s16 =	sadd.s32 s16, s28  }
0x42c: {  	s16 =	sshll.u32 s16, $0x4  }
0x42d: {  	s16 =	sadd.s32 $0x14000, s16  }
0x42e: {  	s23 =	sadd.s32 s1, s16  }
0x42f: {  	[tilespmem:s7], [sflag:$0x4] =	stream.linear.gather [hbm4b:s23+s5], $0x80, $0x38;
	[tilespmem:$0x1C300] =	vst v63  }
.Ltmp23:
0x430: {  	_ = 	snop;
	(pc) =	sbr.rel .LBB2_34-.Ltmp23, $4  }
0x431: {  	s29 =	sadd.s32 s2, s16  }
0x432: {  	[tilespmem:s9], [sflag:$0x4] =	stream.linear.gather [hbm4b:s29+s5], $0x80, $0x38;
	[tilespmem:$0x1C300] =	vst v63  }
0x433: {  	s8 =	sadd.s32 $0x1, s8;
	s16 =	sadd.s32 s21, s16  }
0x434: {  	[tilespmem:s10], [sflag:$0x4] =	stream.linear.gather [hbm4b:s16+s5], $0x80, $0x38;
	[tilespmem:$0x1C300] =	vst v63  }
.LBB2_41:
0x435: {  	_ =	sfence.sel $0x180000  }
0x436: {  	[bflag:$0x0] =	sbarrier.arrive $0xFFFF  }
0x437: {  	_ =	strace $0x90000047  }
0x438: {  	s0 =	stileid.u32;
	[bflag:$0x2] =	sbarrier.arrive $0xFFFF  }
0x439: {  	p0 =	sne.s32 s0, $0x0;
	s0 =	rddreg [dreg:$0x4]  }
0x43a: {  	s0 =	sadd.s32 @!p0 $0x100000, s0  }
0x43b: {  	[sflag:s0] =	ssyncadd.tile.s32 @!p0 $0x1;
	_ =	shalt  }
.Lfunc_end2:
_tile_overlayer_lowered:
.L_overlay_start_2:
0x43c: {  	(tag) =	ssettag $0x2  }
0x43d: {  	s0 =	rddreg [dreg:$0x0];
	s2 =	stileid.u32  }
0x43e: {  	s1 =	rddreg [dreg:$0x1];
	p0 =	sne.s32 s2, $0x0  }
0x43f: {  	s3 =	rddreg [dreg:$0x2];
	[bflag:$0x3] =	sbarrier.arrive $0xFFFF;
	s2 =	simm.s32 @!p0 $0x1C05  }
0x440: {  	[timem:s3], [sflag:s2] =	dma.local @!p0 [hbm:s0], s1  }
0x441: {  	s0 =	simm.s32 @!p0 $0x5  }
0x442: {  	_ =	swait.ge @!p0 [sflag:s0], s1  }
0x443: {  	s1 =	ssub.s32 @!p0 $0x0, s1;
	[sflag:s0] =	ssyncset.done @!p0 $0x0  }
0x444: {  	[sflag:s0] =	ssyncadd.s32 @!p0 s1  }
0x445: {  	[bflag:$0x3] =	sbarrier.arrive $0xFFFF  }
0x446: {  	_ =	shalt  }

</sc_bundles>
